<compile_context>
chip_gen: v7x
topology: tpu7x:2x2x1
jax: 0.10.2.dev20260603
libtpu: 0.0.44.dev20260713+nightly
codegen_flags: <defaults>
</compile_context>

<pallas_src>
import functools

import jax
import jax.numpy as jnp
from jax import lax
from jax.experimental import pallas as pl
from jax.experimental.pallas import tpu as pltpu
from jax.experimental.pallas import tpu_sc as plsc

DIM = 1024
HEADS = 4
NUM_MEM = 65536
NUM_KEYS = 256
DQK = 512
DV = 512
TOPK = 8
DH_QK = DQK // HEADS
DH_V = DV // HEADS
RMS_EPS = 1.1920929e-07
IDW_EPS = 0.001

N_TOK = 2 * 2048
TB = 512
GRID = N_TOK // TB
KH = HEADS * TOPK
N_ROWS = N_TOK * KH

BIG = 3.0e38


def _stage1_body(x_ref, wq_ref, gq_ref, k1_ref, k2_ref, idx_ref, w_ref):
    x = x_ref[:]
    inv = lax.rsqrt(jnp.mean(x * x, axis=-1, keepdims=True) + RMS_EPS)
    xn = x * inv * gq_ref[:]
    q = jnp.dot(xn, wq_ref[:], preferred_element_type=jnp.float32)

    dists = []
    for which, k_ref in ((0, k1_ref), (1, k2_ref)):
        for h in range(HEADS):
            qh = q[:, which * DQK + h * DH_QK: which * DQK + (h + 1) * DH_QK]
            kh = k_ref[h]
            cross = lax.dot_general(
                qh, kh, (((1,), (1,)), ((), ())),
                preferred_element_type=jnp.float32)
            qs = jnp.sum(qh * qh, axis=-1, keepdims=True)
            ks = jnp.sum(kh * kh, axis=-1)[None, :]
            dists.append(lax.transpose(qs + ks - 2.0 * cross, (1, 0)))
    cur = jnp.concatenate(dists, axis=1)

    iota_k = lax.broadcasted_iota(jnp.int32, (NUM_KEYS, 8 * TB), 0)
    vals, sels = [], []
    for t in range(TOPK):
        m = jnp.min(cur, axis=0, keepdims=True)
        eq = cur == m
        sel = jnp.min(jnp.where(eq, iota_k, NUM_KEYS + 1), axis=0,
                      keepdims=True)
        vals.append(m)
        sels.append(sel)
        if t + 1 < TOPK:
            cur = jnp.where(iota_k == sel, BIG, cur)
    s_all = jnp.concatenate(vals, axis=0) + IDW_EPS
    i_all = jnp.concatenate(sels, axis=0)
    ls_all = -jnp.log(s_all)

    HB = HEADS * TB
    s1, s2 = s_all[:, :HB], s_all[:, HB:]
    l1, l2 = ls_all[:, :HB], ls_all[:, HB:]
    i1, i2 = i_all[:, :HB], i_all[:, HB:]
    rep = lambda a: jnp.concatenate(
        [jnp.broadcast_to(a[i:i + 1], (TOPK, HB)) for i in range(TOPK)],
        axis=0)
    til = lambda a: jnp.concatenate([a] * TOPK, axis=0)
    curp = rep(s1) * til(s2)
    sc64 = rep(l1) + til(l2)
    ix64 = rep(i1) * NUM_KEYS + til(i2)

    iota_c = lax.broadcasted_iota(jnp.int32, (TOPK * TOPK, HB), 0)
    fis, fss = [], []
    for t in range(TOPK):
        m = jnp.min(curp, axis=0, keepdims=True)
        eq = curp == m
        sel = jnp.min(jnp.where(eq, iota_c, TOPK * TOPK + 1), axis=0,
                      keepdims=True)
        oh = iota_c == sel
        fis.append(jnp.sum(jnp.where(oh, ix64, 0), axis=0, keepdims=True))
        fss.append(jnp.sum(jnp.where(oh, sc64, 0.0), axis=0, keepdims=True))
        if t + 1 < TOPK:
            curp = jnp.where(oh, BIG, curp)
    fi = jnp.concatenate(fis, axis=0)
    fs = jnp.concatenate(fss, axis=0)
    m = jnp.max(fs, axis=0, keepdims=True)
    e = jnp.exp(fs - m)
    w8 = e / jnp.sum(e, axis=0, keepdims=True)

    idx_ref[:] = jnp.concatenate(
        [fi[:, h * TB:(h + 1) * TB] * HEADS + h for h in range(HEADS)],
        axis=0)
    w_ref[:] = jnp.concatenate(
        [w8[:, h * TB:(h + 1) * TB] for h in range(HEADS)], axis=0)


def _stage1(x, Wq, gq, k1, k2):
    return pl.pallas_call(
        _stage1_body,
        grid=(GRID,),
        in_specs=[
            pl.BlockSpec((TB, DIM), lambda i: (i, 0)),
            pl.BlockSpec((DIM, 2 * DQK), lambda i: (0, 0)),
            pl.BlockSpec((1, DIM), lambda i: (0, 0)),
            pl.BlockSpec((HEADS, NUM_KEYS, DH_QK), lambda i: (0, 0, 0)),
            pl.BlockSpec((HEADS, NUM_KEYS, DH_QK), lambda i: (0, 0, 0)),
        ],
        out_specs=[
            pl.BlockSpec((KH, TB), lambda i: (0, i)),
            pl.BlockSpec((KH, TB), lambda i: (0, i)),
        ],
        out_shape=[
            jax.ShapeDtypeStruct((KH, N_TOK), jnp.int32),
            jax.ShapeDtypeStruct((KH, N_TOK), jnp.float32),
        ],
    )(x, Wq, gq.reshape(1, DIM), k1, k2)


def _stage3a_body(x_ref, wg_ref, wv_ref, gg_ref, gv_ref, tvs_ref, g_ref):
    x = x_ref[:]
    inv = lax.rsqrt(jnp.mean(x * x, axis=-1, keepdims=True) + RMS_EPS)
    xn = x * inv
    zg = jnp.dot(xn * gg_ref[:], wg_ref[:],
                 preferred_element_type=jnp.float32)
    g_ref[:] = 1.0 / (1.0 + jnp.exp(-zg))
    tv = jnp.dot(xn * gv_ref[:], wv_ref[:],
                 preferred_element_type=jnp.float32)
    parts = []
    for h in range(HEADS):
        tvh = tv[:, h * DH_V:(h + 1) * DH_V]
        mu = jnp.mean(tvh, axis=-1, keepdims=True)
        c = tvh - mu
        std = jnp.sqrt(jnp.sum(c * c, axis=-1, keepdims=True) / (DH_V - 1))
        parts.append(c / jnp.maximum(std, 1e-10))
    tvs_ref[:] = jnp.concatenate(parts, axis=1)


def _stage3a(x, Wg, Wv, gg, gv):
    return pl.pallas_call(
        _stage3a_body,
        grid=(GRID,),
        in_specs=[
            pl.BlockSpec((TB, DIM), lambda i: (i, 0)),
            pl.BlockSpec((DIM, 1), lambda i: (0, 0)),
            pl.BlockSpec((DIM, DV), lambda i: (0, 0)),
            pl.BlockSpec((1, DIM), lambda i: (0, 0)),
            pl.BlockSpec((1, DIM), lambda i: (0, 0)),
        ],
        out_specs=[
            pl.BlockSpec((TB, DV), lambda i: (i, 0)),
            pl.BlockSpec((TB, 1), lambda i: (i, 0)),
        ],
        out_shape=[
            jax.ShapeDtypeStruct((N_TOK, DV), jnp.float32),
            jax.ShapeDtypeStruct((N_TOK, 1), jnp.float32),
        ],
    )(x, Wg, Wv, gg.reshape(1, DIM), gv.reshape(1, DIM))



_NC, _NS = 2, 16
_NW = _NC * _NS
_RPW = N_ROWS // _NW
_CH = 128
_NCH = _RPW // _CH


_NBUF = 3


def _sc_gather_body(table_hbm, idx_hbm, out_hbm, idx_v, rows_v,
                    gs0, gs1, gs2, ss0, ss1, ss2):
    wid = lax.axis_index("s") * _NC + lax.axis_index("c")
    base = wid * _RPW
    pltpu.sync_copy(idx_hbm.at[wid], idx_v)
    gsems = (gs0, gs1, gs2)
    ssems = (ss0, ss1, ss2)
    gcp = [None] * _NCH
    scp = [None] * _NCH
    for j in range(_NBUF):
        gcp[j] = pltpu.async_copy(
            table_hbm.at[idx_v.at[j]], rows_v.at[j], gsems[j])
    for j in range(_NCH):
        b = j % _NBUF
        gcp[j].wait()
        scp[j] = pltpu.async_copy(
            rows_v.at[b], out_hbm.at[pl.ds(base + j * _CH, _CH)], ssems[b])
        if j + _NBUF < _NCH:
            scp[j].wait()
            gcp[j + _NBUF] = pltpu.async_copy(
                table_hbm.at[idx_v.at[j + _NBUF]], rows_v.at[b], gsems[b])
    for j in range(_NCH - _NBUF, _NCH):
        scp[j].wait()


@functools.lru_cache(maxsize=1)
def _sc_gather_kernel():
    return pl.kernel(
        _sc_gather_body,
        mesh=plsc.VectorSubcoreMesh(core_axis_name="c", subcore_axis_name="s"),
        out_type=jax.ShapeDtypeStruct((N_ROWS, DH_V), jnp.float32),
        scratch_types=[
            pltpu.VMEM((_NCH, _CH), jnp.int32),
            pltpu.VMEM((_NBUF, _CH, DH_V), jnp.float32),
            pltpu.SemaphoreType.DMA,
            pltpu.SemaphoreType.DMA,
            pltpu.SemaphoreType.DMA,
            pltpu.SemaphoreType.DMA,
            pltpu.SemaphoreType.DMA,
            pltpu.SemaphoreType.DMA,
        ],
    )



def _stage3b_body(r_ref, w_ref, tvs_ref, g_ref, wo_ref, go_ref, out_ref):
    wt = lax.transpose(w_ref[:], (1, 0))
    g = g_ref[:]
    tvs = tvs_ref[:]
    parts = []
    for h in range(HEADS):
        vh = jnp.zeros((TB, DH_V), jnp.float32)
        for k in range(TOPK):
            j = h * TOPK + k
            vh = vh + wt[:, j:j + 1] * r_ref[j]
        tvsh = tvs[:, h * DH_V:(h + 1) * DH_V]
        parts.append(tvsh + g * (vh - tvsh))
    o = jnp.concatenate(parts, axis=1)
    inv2 = lax.rsqrt(jnp.mean(o * o, axis=-1, keepdims=True) + RMS_EPS)
    y = o * inv2 * go_ref[:]
    out_ref[:] = jnp.dot(y, wo_ref[:], preferred_element_type=jnp.float32)


def _stage3b(rows3, w, tvs, g, Wo, go):
    return pl.pallas_call(
        _stage3b_body,
        grid=(GRID,),
        in_specs=[
            pl.BlockSpec((KH, TB, DH_V), lambda i: (0, i, 0)),
            pl.BlockSpec((KH, TB), lambda i: (0, i)),
            pl.BlockSpec((TB, DV), lambda i: (i, 0)),
            pl.BlockSpec((TB, 1), lambda i: (i, 0)),
            pl.BlockSpec((DV, DIM), lambda i: (0, 0)),
            pl.BlockSpec((1, DV), lambda i: (0, 0)),
        ],
        out_specs=pl.BlockSpec((TB, DIM), lambda i: (i, 0)),
        out_shape=jax.ShapeDtypeStruct((N_TOK, DIM), jnp.float32),
    )(rows3, w, tvs, g, Wo, go.reshape(1, DV))


def kernel(tokens, memories, keys, Wq, Wg, Wv, Wo, gq, gg, gv, go):
    b, n, _ = tokens.shape
    x = tokens.reshape(b * n, DIM)
    idx, w = _stage1(x, Wq, gq, keys[0], keys[1])
    table = memories.reshape(NUM_MEM * HEADS, DH_V)
    tvs, g = _stage3a(x, Wg, Wv, gg, gv)
    rows = _sc_gather_kernel()(table, idx.reshape(_NW, _NCH, _CH))
    out = _stage3b(rows.reshape(KH, N_TOK, DH_V), w, tvs, g, Wo, go)
    return out.reshape(b, n, DIM)

# --- scband reference (transcript-rebuilt; emitter-appended) ---
"""Pipeline reference for scband-fw-pkm-17978733101788 (READ-ONLY COPY).

The authoritative reference and input builder live on the scoring server;
editing this copy changes nothing except your own understanding.
"""

import jax, jax.numpy as jnp
import numpy as np

DIM = 1024
HEADS = 4
NUM_MEM = 65536
NUM_KEYS = 256
DQK = 512
DV = 512
TOPK = 8
DH_QK = DQK // HEADS
DH_V = DV // HEADS
RMS_EPS = 1.1920929e-07
IDW_EPS = 0.001


def rmsnorm(x, w):
    return x / jnp.sqrt(jnp.mean(x * x, axis=-1, keepdims=True) + RMS_EPS) * w


def setup_inputs(seed: int = 0) -> dict:
    key = jax.random.key(seed)
    ks = jax.random.split(key, 8)
    tokens = jax.random.normal(ks[0], (2, 2048, DIM), dtype=jnp.float32)
    memories = jax.random.normal(ks[1], (NUM_MEM, HEADS, DH_V), dtype=jnp.float32)
    keys = jax.random.normal(ks[2], (2, HEADS, NUM_KEYS, DH_QK), dtype=jnp.float32) * 0.01
    Wq = jax.random.normal(ks[3], (DIM, DQK * 2), dtype=jnp.float32) * (1.0 / np.sqrt(DIM))
    Wg = jax.random.normal(ks[4], (DIM, 1), dtype=jnp.float32) * (1.0 / np.sqrt(DIM))
    Wv = jax.random.normal(ks[5], (DIM, DV), dtype=jnp.float32) * (1.0 / np.sqrt(DIM))
    Wo = jax.random.normal(ks[6], (DV, DIM), dtype=jnp.float32) * (1.0 / np.sqrt(DV))
    gq = jnp.ones((DIM,), jnp.float32)
    gg = jnp.ones((DIM,), jnp.float32)
    gv = jnp.ones((DIM,), jnp.float32)
    go = jnp.ones((DV,), jnp.float32)
    return dict(tokens=tokens, memories=memories, keys=keys, Wq=Wq, Wg=Wg, Wv=Wv, Wo=Wo,
                gq=gq, gg=gg, gv=gv, go=go)


def _forward(tokens, memories, keys, Wq, Wg, Wv, Wo, gq, gg, gv, go):
    b, n, _ = tokens.shape
    # to_queries: RMSNorm -> Linear(dim, 2*dqk) -> split into (q1, q2) heads
    q = rmsnorm(tokens, gq) @ Wq
    q = q.reshape(b, n, 2, HEADS, DH_QK)
    q = jnp.moveaxis(q, 2, 0)
    q1, q2 = q[0], q[1]
    k1, k2 = keys[0], keys[1]

    def sqdist(q_, k_):
        # sum((q - k)^2) expanded: |q|^2 + |k|^2 - 2 q.k  (same math, no b n h K d tensor)
        qs = jnp.sum(q_ * q_, axis=-1)[..., None]            # (b, n, h, 1)
        ks_ = jnp.sum(k_ * k_, axis=-1)                      # (h, K)
        cross = jnp.einsum('bnhd,hkd->bnhk', q_, k_)         # (b, n, h, K)
        return qs + ks_ - 2.0 * cross

    dist1 = sqdist(q1, k1)
    dist2 = sqdist(q2, k2)
    score1 = -jnp.log(dist1 + IDW_EPS)
    score2 = -jnp.log(dist2 + IDW_EPS)
    _, idx1 = jax.lax.top_k(-dist1, TOPK)
    _, idx2 = jax.lax.top_k(-dist2, TOPK)
    top1 = jnp.take_along_axis(score1, idx1, axis=-1)
    top2 = jnp.take_along_axis(score2, idx2, axis=-1)
    scores = (top1[..., :, None] + top2[..., None, :]).reshape(b, n, HEADS, TOPK * TOPK)
    indices = (idx1[..., :, None] * NUM_KEYS + idx2[..., None, :]).reshape(b, n, HEADS, TOPK * TOPK)
    s1 = jnp.take_along_axis(dist1 + IDW_EPS, idx1, axis=-1)
    s2 = jnp.take_along_axis(dist2 + IDW_EPS, idx2, axis=-1)
    prod_dist = (s1[..., :, None] * s2[..., None, :]).reshape(b, n, HEADS, TOPK * TOPK)
    _, sub_indices = jax.lax.top_k(-prod_dist, TOPK)
    final_indices = jnp.take_along_axis(indices, sub_indices, axis=-1)
    top_scores = jnp.take_along_axis(scores, sub_indices, axis=-1)
    final_scores = jax.nn.softmax(top_scores, axis=-1)
    h_idx = jnp.arange(HEADS).reshape(1, 1, HEADS, 1)
    mem = memories[final_indices, h_idx]                     # (b, n, h, topk, dv)
    values = jnp.einsum('bnhkd,bnhk->bnhd', mem, final_scores)
    gates = jax.nn.sigmoid(rmsnorm(tokens, gg) @ Wg)[..., None]   # (b, n, 1, 1)
    tv = (rmsnorm(tokens, gv) @ Wv).reshape(b, n, HEADS, DH_V)
    mean = jnp.mean(tv, axis=-1, keepdims=True)
    std = jnp.std(tv, axis=-1, keepdims=True, ddof=1)
    tv = (tv - mean) / jnp.maximum(std, 1e-10)
    output = tv + gates * (values - tv)                      # lerp(target, values, gates)
    output = output.reshape(b, n, HEADS * DH_V)
    return rmsnorm(output, go) @ Wo


def reference(tokens, memories, keys, Wq, Wg, Wv, Wo, gq, gg, gv, go):
    return _forward(tokens, memories, keys, Wq, Wg, Wv, Wo, gq, gg, gv, go)

if __name__ == "__main__":
    import jax
    _d = setup_inputs()
    print(jax.jit(kernel)(*tuple(_d.values())))

</pallas_src>

<mosaic_0001>
#map = affine_map<(d0, d1) -> (0, 0)>
#map1 = affine_map<(d0, d1) -> (0, 0, 0)>
module attributes {stable_mosaic.version = 14 : i64} {
  func.func @_sc_gather_body(%arg0: i32, %arg1: i32, %arg2: memref<262144x128xf32, #tpu.memory_space<hbm>>, %arg3: memref<32x32x128xi32, #tpu.memory_space<hbm>>, %arg4: memref<131072x128xf32, #tpu.memory_space<hbm>>, %arg5: memref<32x128xi32, #tpu.memory_space<vmem>>, %arg6: memref<3x128x128xf32, #tpu.memory_space<vmem>>, %arg7: memref<!tpu.dma_semaphore, #tpu.memory_space<semaphore_mem>>, %arg8: memref<!tpu.dma_semaphore, #tpu.memory_space<semaphore_mem>>, %arg9: memref<!tpu.dma_semaphore, #tpu.memory_space<semaphore_mem>>, %arg10: memref<!tpu.dma_semaphore, #tpu.memory_space<semaphore_mem>>, %arg11: memref<!tpu.dma_semaphore, #tpu.memory_space<semaphore_mem>>, %arg12: memref<!tpu.dma_semaphore, #tpu.memory_space<semaphore_mem>>) attributes {dimension_semantics = [#tpu.dimension_semantics<core_parallel>, #tpu.dimension_semantics<subcore_parallel>], iteration_bounds = array<i64: 2, 16>, scalar_prefetch = 0 : i64, scratch_operands = 8 : i64, tpu.core_type = #tpu.core_type<sc_vector_subcore>, window_params = [{transform_indices = #map}, {transform_indices = #map1}, {transform_indices = #map}]} {
    %mul3A = arith.constant 2 : i32
    %mul3A_0 = arith.muli %arg1, %mul3A : i32
    %add3A = arith.addi %mul3A_0, %arg0 : i32
    %mul3A_1 = arith.constant 4096 : i32
    %mul3A_2 = arith.muli %add3A, %mul3A_1 : i32
    "tpu.region"() ({
      %run_scoped3A = tpu.sem_alloc : memref<!tpu.dma_semaphore, #tpu.memory_space<semaphore_mem>>
      %dma_start3A_1665 = arith.constant 0 : i32
      %dma_start3A_1666 = arith.constant 0 : i32
      %dma_start3A_1667 = tpu.memref_slice %arg3[%add3A, %dma_start3A_1665, %dma_start3A_1666] : memref<32x32x128xi32, #tpu.memory_space<hbm>> -> memref<1x32x128xi32, #tpu.memory_space<hbm>>
      %dma_start3A_1668 = tpu.memref_squeeze %dma_start3A_1667 : memref<1x32x128xi32, #tpu.memory_space<hbm>> -> memref<32x128xi32, #tpu.memory_space<hbm>>
      %dma_start3A_1669 = arith.constant 0 : i32
      %dma_start3A_1670 = arith.constant 0 : i32
      %dma_start3A_1671 = tpu.memref_slice %arg3[%add3A, %dma_start3A_1669, %dma_start3A_1670] : memref<32x32x128xi32, #tpu.memory_space<hbm>> -> memref<1x32x128xi32, #tpu.memory_space<hbm>>
      %dma_start3A_1672 = tpu.memref_squeeze %dma_start3A_1671 : memref<1x32x128xi32, #tpu.memory_space<hbm>> -> memref<32x128xi32, #tpu.memory_space<hbm>>
      tpu.enqueue_dma source(%dma_start3A_1672 : memref<32x128xi32, #tpu.memory_space<hbm>>) target(%arg5 : memref<32x128xi32, #tpu.memory_space<vmem>>) target_semaphore(%run_scoped3A : memref<!tpu.dma_semaphore, #tpu.memory_space<semaphore_mem>>)
      %dma_wait3A_1673 = arith.constant 0 : i32
      %dma_wait3A_1674 = arith.constant 0 : i32
      %dma_wait3A_1675 = tpu.memref_slice %arg3[%add3A, %dma_wait3A_1673, %dma_wait3A_1674] : memref<32x32x128xi32, #tpu.memory_space<hbm>> -> memref<1x32x128xi32, #tpu.memory_space<hbm>>
      %dma_wait3A_1676 = tpu.memref_squeeze %dma_wait3A_1675 : memref<1x32x128xi32, #tpu.memory_space<hbm>> -> memref<32x128xi32, #tpu.memory_space<hbm>>
      %dma_wait3A_1677 = arith.constant 0 : i32
      %dma_wait3A_1678 = arith.constant 0 : i32
      %dma_wait3A_1679 = tpu.memref_slice %arg3[%add3A, %dma_wait3A_1677, %dma_wait3A_1678] : memref<32x32x128xi32, #tpu.memory_space<hbm>> -> memref<1x32x128xi32, #tpu.memory_space<hbm>>
      %dma_wait3A_1680 = tpu.memref_squeeze %dma_wait3A_1679 : memref<1x32x128xi32, #tpu.memory_space<hbm>> -> memref<32x128xi32, #tpu.memory_space<hbm>>
      tpu.wait_dma2 semaphore(%run_scoped3A : memref<!tpu.dma_semaphore, #tpu.memory_space<semaphore_mem>>) src(%dma_wait3A_1680 : memref<32x128xi32, #tpu.memory_space<hbm>>) dst(%arg5 : memref<32x128xi32, #tpu.memory_space<vmem>>)
      tpu.yield
    }) : () -> ()
    %dma_start3A = arith.constant 0 : i32
    %dma_start3A_3 = arith.constant 0 : i32
    %dma_start3A_4 = arith.constant 0 : i32
    %dma_start3A_5 = arith.constant 0 : i32
    %dma_start3A_6 = tpu.memref_slice %arg6[%dma_start3A_3, %dma_start3A_4, %dma_start3A_5] : memref<3x128x128xf32, #tpu.memory_space<vmem>> -> memref<1x128x128xf32, #tpu.memory_space<vmem>>
    %dma_start3A_7 = tpu.memref_squeeze %dma_start3A_6 : memref<1x128x128xf32, #tpu.memory_space<vmem>> -> memref<128x128xf32, #tpu.memory_space<vmem>>
    %dma_start3A_8 = arith.constant 0 : i32
    %dma_start3A_9 = tpu.memref_slice %arg5[%dma_start3A, %dma_start3A_8] : memref<32x128xi32, #tpu.memory_space<vmem>> -> memref<1x128xi32, #tpu.memory_space<vmem>>
    %dma_start3A_10 = tpu.memref_squeeze %dma_start3A_9 : memref<1x128xi32, #tpu.memory_space<vmem>> -> memref<128xi32, #tpu.memory_space<vmem>>
    %dma_start3A_11 = arith.constant 0 : i32
    %dma_start3A_12 = arith.constant 0 : i32
    %dma_start3A_13 = tpu.memref_slice %arg2[%dma_start3A_11, %dma_start3A_12] : memref<262144x128xf32, #tpu.memory_space<hbm>> -> memref<262144x128xf32, #tpu.memory_space<hbm>>
    tpu.enqueue_indirect_dma source(%dma_start3A_13 : memref<262144x128xf32, #tpu.memory_space<hbm>>) target(%dma_start3A_7 : memref<128x128xf32, #tpu.memory_space<vmem>>) offsets(%dma_start3A_10 : memref<128xi32, #tpu.memory_space<vmem>>) semaphore(%arg7 : memref<!tpu.dma_semaphore, #tpu.memory_space<semaphore_mem>>)
    %dma_start3A_14 = arith.constant 1 : i32
    %dma_start3A_15 = arith.constant 1 : i32
    %dma_start3A_16 = arith.constant 0 : i32
    %dma_start3A_17 = arith.constant 0 : i32
    %dma_start3A_18 = tpu.memref_slice %arg6[%dma_start3A_15, %dma_start3A_16, %dma_start3A_17] : memref<3x128x128xf32, #tpu.memory_space<vmem>> -> memref<1x128x128xf32, #tpu.memory_space<vmem>>
    %dma_start3A_19 = tpu.memref_squeeze %dma_start3A_18 : memref<1x128x128xf32, #tpu.memory_space<vmem>> -> memref<128x128xf32, #tpu.memory_space<vmem>>
    %dma_start3A_20 = arith.constant 0 : i32
    %dma_start3A_21 = tpu.memref_slice %arg5[%dma_start3A_14, %dma_start3A_20] : memref<32x128xi32, #tpu.memory_space<vmem>> -> memref<1x128xi32, #tpu.memory_space<vmem>>
    %dma_start3A_22 = tpu.memref_squeeze %dma_start3A_21 : memref<1x128xi32, #tpu.memory_space<vmem>> -> memref<128xi32, #tpu.memory_space<vmem>>
    %dma_start3A_23 = arith.constant 0 : i32
    %dma_start3A_24 = arith.constant 0 : i32
    %dma_start3A_25 = tpu.memref_slice %arg2[%dma_start3A_23, %dma_start3A_24] : memref<262144x128xf32, #tpu.memory_space<hbm>> -> memref<262144x128xf32, #tpu.memory_space<hbm>>
    tpu.enqueue_indirect_dma source(%dma_start3A_25 : memref<262144x128xf32, #tpu.memory_space<hbm>>) target(%dma_start3A_19 : memref<128x128xf32, #tpu.memory_space<vmem>>) offsets(%dma_start3A_22 : memref<128xi32, #tpu.memory_space<vmem>>) semaphore(%arg8 : memref<!tpu.dma_semaphore, #tpu.memory_space<semaphore_mem>>)
    %dma_start3A_26 = arith.constant 2 : i32
    %dma_start3A_27 = arith.constant 2 : i32
    %dma_start3A_28 = arith.constant 0 : i32
    %dma_start3A_29 = arith.constant 0 : i32
    %dma_start3A_30 = tpu.memref_slice %arg6[%dma_start3A_27, %dma_start3A_28, %dma_start3A_29] : memref<3x128x128xf32, #tpu.memory_space<vmem>> -> memref<1x128x128xf32, #tpu.memory_space<vmem>>
    %dma_start3A_31 = tpu.memref_squeeze %dma_start3A_30 : memref<1x128x128xf32, #tpu.memory_space<vmem>> -> memref<128x128xf32, #tpu.memory_space<vmem>>
    %dma_start3A_32 = arith.constant 0 : i32
    %dma_start3A_33 = tpu.memref_slice %arg5[%dma_start3A_26, %dma_start3A_32] : memref<32x128xi32, #tpu.memory_space<vmem>> -> memref<1x128xi32, #tpu.memory_space<vmem>>
    %dma_start3A_34 = tpu.memref_squeeze %dma_start3A_33 : memref<1x128xi32, #tpu.memory_space<vmem>> -> memref<128xi32, #tpu.memory_space<vmem>>
    %dma_start3A_35 = arith.constant 0 : i32
    %dma_start3A_36 = arith.constant 0 : i32
    %dma_start3A_37 = tpu.memref_slice %arg2[%dma_start3A_35, %dma_start3A_36] : memref<262144x128xf32, #tpu.memory_space<hbm>> -> memref<262144x128xf32, #tpu.memory_space<hbm>>
    tpu.enqueue_indirect_dma source(%dma_start3A_37 : memref<262144x128xf32, #tpu.memory_space<hbm>>) target(%dma_start3A_31 : memref<128x128xf32, #tpu.memory_space<vmem>>) offsets(%dma_start3A_34 : memref<128xi32, #tpu.memory_space<vmem>>) semaphore(%arg9 : memref<!tpu.dma_semaphore, #tpu.memory_space<semaphore_mem>>)
    %dma_wait3A = arith.constant 0 : i32
    %dma_wait3A_38 = arith.constant 0 : i32
    %dma_wait3A_39 = arith.constant 0 : i32
    %dma_wait3A_40 = arith.constant 0 : i32
    %dma_wait3A_41 = tpu.memref_slice %arg6[%dma_wait3A_38, %dma_wait3A_39, %dma_wait3A_40] : memref<3x128x128xf32, #tpu.memory_space<vmem>> -> memref<1x128x128xf32, #tpu.memory_space<vmem>>
    %dma_wait3A_42 = tpu.memref_squeeze %dma_wait3A_41 : memref<1x128x128xf32, #tpu.memory_space<vmem>> -> memref<128x128xf32, #tpu.memory_space<vmem>>
    %dma_wait3A_43 = arith.constant 0 : i32
    %dma_wait3A_44 = tpu.memref_slice %arg5[%dma_wait3A, %dma_wait3A_43] : memref<32x128xi32, #tpu.memory_space<vmem>> -> memref<1x128xi32, #tpu.memory_space<vmem>>
    %dma_wait3A_45 = tpu.memref_squeeze %dma_wait3A_44 : memref<1x128xi32, #tpu.memory_space<vmem>> -> memref<128xi32, #tpu.memory_space<vmem>>
    %dma_wait3A_46 = arith.constant 0 : i32
    %dma_wait3A_47 = arith.constant 0 : i32
    %dma_wait3A_48 = tpu.memref_slice %arg2[%dma_wait3A_46, %dma_wait3A_47] : memref<262144x128xf32, #tpu.memory_space<hbm>> -> memref<262144x128xf32, #tpu.memory_space<hbm>>
    tpu.wait_indirect_dma semaphore(%arg7 : memref<!tpu.dma_semaphore, #tpu.memory_space<semaphore_mem>>) src(%dma_wait3A_48 : memref<262144x128xf32, #tpu.memory_space<hbm>>) dst(%dma_wait3A_42 : memref<128x128xf32, #tpu.memory_space<vmem>>)
    %add3A_49 = arith.constant 0 : i32
    %add3A_50 = arith.addi %mul3A_2, %add3A_49 : i32
    %dma_start3A_51 = arith.constant 0 : i32
    %dma_start3A_52 = arith.constant 0 : i32
    %dma_start3A_53 = arith.constant 0 : i32
    %dma_start3A_54 = tpu.memref_slice %arg6[%dma_start3A_51, %dma_start3A_52, %dma_start3A_53] : memref<3x128x128xf32, #tpu.memory_space<vmem>> -> memref<1x128x128xf32, #tpu.memory_space<vmem>>
    %dma_start3A_55 = tpu.memref_squeeze %dma_start3A_54 : memref<1x128x128xf32, #tpu.memory_space<vmem>> -> memref<128x128xf32, #tpu.memory_space<vmem>>
    %dma_start3A_56 = arith.constant 0 : i32
    %dma_start3A_57 = tpu.memref_slice %arg4[%add3A_50, %dma_start3A_56] : memref<131072x128xf32, #tpu.memory_space<hbm>> -> memref<128x128xf32, #tpu.memory_space<hbm>>
    %dma_start3A_58 = arith.constant 0 : i32
    %dma_start3A_59 = tpu.memref_slice %arg4[%add3A_50, %dma_start3A_58] : memref<131072x128xf32, #tpu.memory_space<hbm>> -> memref<128x128xf32, #tpu.memory_space<hbm>>
    %dma_start3A_60 = arith.constant 0 : i32
    %dma_start3A_61 = arith.constant 0 : i32
    %dma_start3A_62 = tpu.memref_slice %arg6[%dma_start3A_51, %dma_start3A_60, %dma_start3A_61] : memref<3x128x128xf32, #tpu.memory_space<vmem>> -> memref<1x128x128xf32, #tpu.memory_space<vmem>>
    %dma_start3A_63 = tpu.memref_squeeze %dma_start3A_62 : memref<1x128x128xf32, #tpu.memory_space<vmem>> -> memref<128x128xf32, #tpu.memory_space<vmem>>
    tpu.enqueue_dma source(%dma_start3A_63 : memref<128x128xf32, #tpu.memory_space<vmem>>) target(%dma_start3A_59 : memref<128x128xf32, #tpu.memory_space<hbm>>) target_semaphore(%arg10 : memref<!tpu.dma_semaphore, #tpu.memory_space<semaphore_mem>>)
    %dma_wait3A_64 = arith.constant 0 : i32
    %dma_wait3A_65 = arith.constant 0 : i32
    %dma_wait3A_66 = arith.constant 0 : i32
    %dma_wait3A_67 = tpu.memref_slice %arg6[%dma_wait3A_64, %dma_wait3A_65, %dma_wait3A_66] : memref<3x128x128xf32, #tpu.memory_space<vmem>> -> memref<1x128x128xf32, #tpu.memory_space<vmem>>
    %dma_wait3A_68 = tpu.memref_squeeze %dma_wait3A_67 : memref<1x128x128xf32, #tpu.memory_space<vmem>> -> memref<128x128xf32, #tpu.memory_space<vmem>>
    %dma_wait3A_69 = arith.constant 0 : i32
    %dma_wait3A_70 = tpu.memref_slice %arg4[%add3A_50, %dma_wait3A_69] : memref<131072x128xf32, #tpu.memory_space<hbm>> -> memref<128x128xf32, #tpu.memory_space<hbm>>
    %dma_wait3A_71 = arith.constant 0 : i32
    %dma_wait3A_72 = tpu.memref_slice %arg4[%add3A_50, %dma_wait3A_71] : memref<131072x128xf32, #tpu.memory_space<hbm>> -> memref<128x128xf32, #tpu.memory_space<hbm>>
    %dma_wait3A_73 = arith.constant 0 : i32
    %dma_wait3A_74 = arith.constant 0 : i32
    %dma_wait3A_75 = tpu.memref_slice %arg6[%dma_wait3A_64, %dma_wait3A_73, %dma_wait3A_74] : memref<3x128x128xf32, #tpu.memory_space<vmem>> -> memref<1x128x128xf32, #tpu.memory_space<vmem>>
    %dma_wait3A_76 = tpu.memref_squeeze %dma_wait3A_75 : memref<1x128x128xf32, #tpu.memory_space<vmem>> -> memref<128x128xf32, #tpu.memory_space<vmem>>
    tpu.wait_dma2 semaphore(%arg10 : memref<!tpu.dma_semaphore, #tpu.memory_space<semaphore_mem>>) src(%dma_wait3A_76 : memref<128x128xf32, #tpu.memory_space<vmem>>) dst(%dma_wait3A_72 : memref<128x128xf32, #tpu.memory_space<hbm>>)
    %dma_start3A_77 = arith.constant 3 : i32
    %dma_start3A_78 = arith.constant 0 : i32
    %dma_start3A_79 = arith.constant 0 : i32
    %dma_start3A_80 = arith.constant 0 : i32
    %dma_start3A_81 = tpu.memref_slice %arg6[%dma_start3A_78, %dma_start3A_79, %dma_start3A_80] : memref<3x128x128xf32, #tpu.memory_space<vmem>> -> memref<1x128x128xf32, #tpu.memory_space<vmem>>
    %dma_start3A_82 = tpu.memref_squeeze %dma_start3A_81 : memref<1x128x128xf32, #tpu.memory_space<vmem>> -> memref<128x128xf32, #tpu.memory_space<vmem>>
    %dma_start3A_83 = arith.constant 0 : i32
    %dma_start3A_84 = tpu.memref_slice %arg5[%dma_start3A_77, %dma_start3A_83] : memref<32x128xi32, #tpu.memory_space<vmem>> -> memref<1x128xi32, #tpu.memory_space<vmem>>
    %dma_start3A_85 = tpu.memref_squeeze %dma_start3A_84 : memref<1x128xi32, #tpu.memory_space<vmem>> -> memref<128xi32, #tpu.memory_space<vmem>>
    %dma_start3A_86 = arith.constant 0 : i32
    %dma_start3A_87 = arith.constant 0 : i32
    %dma_start3A_88 = tpu.memref_slice %arg2[%dma_start3A_86, %dma_start3A_87] : memref<262144x128xf32, #tpu.memory_space<hbm>> -> memref<262144x128xf32, #tpu.memory_space<hbm>>
    tpu.enqueue_indirect_dma source(%dma_start3A_88 : memref<262144x128xf32, #tpu.memory_space<hbm>>) target(%dma_start3A_82 : memref<128x128xf32, #tpu.memory_space<vmem>>) offsets(%dma_start3A_85 : memref<128xi32, #tpu.memory_space<vmem>>) semaphore(%arg7 : memref<!tpu.dma_semaphore, #tpu.memory_space<semaphore_mem>>)
    %dma_wait3A_89 = arith.constant 1 : i32
    %dma_wait3A_90 = arith.constant 1 : i32
    %dma_wait3A_91 = arith.constant 0 : i32
    %dma_wait3A_92 = arith.constant 0 : i32
    %dma_wait3A_93 = tpu.memref_slice %arg6[%dma_wait3A_90, %dma_wait3A_91, %dma_wait3A_92] : memref<3x128x128xf32, #tpu.memory_space<vmem>> -> memref<1x128x128xf32, #tpu.memory_space<vmem>>
    %dma_wait3A_94 = tpu.memref_squeeze %dma_wait3A_93 : memref<1x128x128xf32, #tpu.memory_space<vmem>> -> memref<128x128xf32, #tpu.memory_space<vmem>>
    %dma_wait3A_95 = arith.constant 0 : i32
    %dma_wait3A_96 = tpu.memref_slice %arg5[%dma_wait3A_89, %dma_wait3A_95] : memref<32x128xi32, #tpu.memory_space<vmem>> -> memref<1x128xi32, #tpu.memory_space<vmem>>
    %dma_wait3A_97 = tpu.memref_squeeze %dma_wait3A_96 : memref<1x128xi32, #tpu.memory_space<vmem>> -> memref<128xi32, #tpu.memory_space<vmem>>
    %dma_wait3A_98 = arith.constant 0 : i32
    %dma_wait3A_99 = arith.constant 0 : i32
    %dma_wait3A_100 = tpu.memref_slice %arg2[%dma_wait3A_98, %dma_wait3A_99] : memref<262144x128xf32, #tpu.memory_space<hbm>> -> memref<262144x128xf32, #tpu.memory_space<hbm>>
    tpu.wait_indirect_dma semaphore(%arg8 : memref<!tpu.dma_semaphore, #tpu.memory_space<semaphore_mem>>) src(%dma_wait3A_100 : memref<262144x128xf32, #tpu.memory_space<hbm>>) dst(%dma_wait3A_94 : memref<128x128xf32, #tpu.memory_space<vmem>>)
    %add3A_101 = arith.constant 128 : i32
    %add3A_102 = arith.addi %mul3A_2, %add3A_101 : i32
    %dma_start3A_103 = arith.constant 1 : i32
    %dma_start3A_104 = arith.constant 0 : i32
    %dma_start3A_105 = arith.constant 0 : i32
    %dma_start3A_106 = tpu.memref_slice %arg6[%dma_start3A_103, %dma_start3A_104, %dma_start3A_105] : memref<3x128x128xf32, #tpu.memory_space<vmem>> -> memref<1x128x128xf32, #tpu.memory_space<vmem>>
    %dma_start3A_107 = tpu.memref_squeeze %dma_start3A_106 : memref<1x128x128xf32, #tpu.memory_space<vmem>> -> memref<128x128xf32, #tpu.memory_space<vmem>>
    %dma_start3A_108 = arith.constant 0 : i32
    %dma_start3A_109 = tpu.memref_slice %arg4[%add3A_102, %dma_start3A_108] : memref<131072x128xf32, #tpu.memory_space<hbm>> -> memref<128x128xf32, #tpu.memory_space<hbm>>
    %dma_start3A_110 = arith.constant 0 : i32
    %dma_start3A_111 = tpu.memref_slice %arg4[%add3A_102, %dma_start3A_110] : memref<131072x128xf32, #tpu.memory_space<hbm>> -> memref<128x128xf32, #tpu.memory_space<hbm>>
    %dma_start3A_112 = arith.constant 0 : i32
    %dma_start3A_113 = arith.constant 0 : i32
    %dma_start3A_114 = tpu.memref_slice %arg6[%dma_start3A_103, %dma_start3A_112, %dma_start3A_113] : memref<3x128x128xf32, #tpu.memory_space<vmem>> -> memref<1x128x128xf32, #tpu.memory_space<vmem>>
    %dma_start3A_115 = tpu.memref_squeeze %dma_start3A_114 : memref<1x128x128xf32, #tpu.memory_space<vmem>> -> memref<128x128xf32, #tpu.memory_space<vmem>>
    tpu.enqueue_dma source(%dma_start3A_115 : memref<128x128xf32, #tpu.memory_space<vmem>>) target(%dma_start3A_111 : memref<128x128xf32, #tpu.memory_space<hbm>>) target_semaphore(%arg11 : memref<!tpu.dma_semaphore, #tpu.memory_space<semaphore_mem>>)
    %dma_wait3A_116 = arith.constant 1 : i32
    %dma_wait3A_117 = arith.constant 0 : i32
    %dma_wait3A_118 = arith.constant 0 : i32
    %dma_wait3A_119 = tpu.memref_slice %arg6[%dma_wait3A_116, %dma_wait3A_117, %dma_wait3A_118] : memref<3x128x128xf32, #tpu.memory_space<vmem>> -> memref<1x128x128xf32, #tpu.memory_space<vmem>>
    %dma_wait3A_120 = tpu.memref_squeeze %dma_wait3A_119 : memref<1x128x128xf32, #tpu.memory_space<vmem>> -> memref<128x128xf32, #tpu.memory_space<vmem>>
    %dma_wait3A_121 = arith.constant 0 : i32
    %dma_wait3A_122 = tpu.memref_slice %arg4[%add3A_102, %dma_wait3A_121] : memref<131072x128xf32, #tpu.memory_space<hbm>> -> memref<128x128xf32, #tpu.memory_space<hbm>>
    %dma_wait3A_123 = arith.constant 0 : i32
    %dma_wait3A_124 = tpu.memref_slice %arg4[%add3A_102, %dma_wait3A_123] : memref<131072x128xf32, #tpu.memory_space<hbm>> -> memref<128x128xf32, #tpu.memory_space<hbm>>
    %dma_wait3A_125 = arith.constant 0 : i32
    %dma_wait3A_126 = arith.constant 0 : i32
    %dma_wait3A_127 = tpu.memref_slice %arg6[%dma_wait3A_116, %dma_wait3A_125, %dma_wait3A_126] : memref<3x128x128xf32, #tpu.memory_space<vmem>> -> memref<1x128x128xf32, #tpu.memory_space<vmem>>
    %dma_wait3A_128 = tpu.memref_squeeze %dma_wait3A_127 : memref<1x128x128xf32, #tpu.memory_space<vmem>> -> memref<128x128xf32, #tpu.memory_space<vmem>>
    tpu.wait_dma2 semaphore(%arg11 : memref<!tpu.dma_semaphore, #tpu.memory_space<semaphore_mem>>) src(%dma_wait3A_128 : memref<128x128xf32, #tpu.memory_space<vmem>>) dst(%dma_wait3A_124 : memref<128x128xf32, #tpu.memory_space<hbm>>)
    %dma_start3A_129 = arith.constant 4 : i32
    %dma_start3A_130 = arith.constant 1 : i32
    %dma_start3A_131 = arith.constant 0 : i32
    %dma_start3A_132 = arith.constant 0 : i32
    %dma_start3A_133 = tpu.memref_slice %arg6[%dma_start3A_130, %dma_start3A_131, %dma_start3A_132] : memref<3x128x128xf32, #tpu.memory_space<vmem>> -> memref<1x128x128xf32, #tpu.memory_space<vmem>>
    %dma_start3A_134 = tpu.memref_squeeze %dma_start3A_133 : memref<1x128x128xf32, #tpu.memory_space<vmem>> -> memref<128x128xf32, #tpu.memory_space<vmem>>
    %dma_start3A_135 = arith.constant 0 : i32
    %dma_start3A_136 = tpu.memref_slice %arg5[%dma_start3A_129, %dma_start3A_135] : memref<32x128xi32, #tpu.memory_space<vmem>> -> memref<1x128xi32, #tpu.memory_space<vmem>>
    %dma_start3A_137 = tpu.memref_squeeze %dma_start3A_136 : memref<1x128xi32, #tpu.memory_space<vmem>> -> memref<128xi32, #tpu.memory_space<vmem>>
    %dma_start3A_138 = arith.constant 0 : i32
    %dma_start3A_139 = arith.constant 0 : i32
    %dma_start3A_140 = tpu.memref_slice %arg2[%dma_start3A_138, %dma_start3A_139] : memref<262144x128xf32, #tpu.memory_space<hbm>> -> memref<262144x128xf32, #tpu.memory_space<hbm>>
    tpu.enqueue_indirect_dma source(%dma_start3A_140 : memref<262144x128xf32, #tpu.memory_space<hbm>>) target(%dma_start3A_134 : memref<128x128xf32, #tpu.memory_space<vmem>>) offsets(%dma_start3A_137 : memref<128xi32, #tpu.memory_space<vmem>>) semaphore(%arg8 : memref<!tpu.dma_semaphore, #tpu.memory_space<semaphore_mem>>)
    %dma_wait3A_141 = arith.constant 2 : i32
    %dma_wait3A_142 = arith.constant 2 : i32
    %dma_wait3A_143 = arith.constant 0 : i32
    %dma_wait3A_144 = arith.constant 0 : i32
    %dma_wait3A_145 = tpu.memref_slice %arg6[%dma_wait3A_142, %dma_wait3A_143, %dma_wait3A_144] : memref<3x128x128xf32, #tpu.memory_space<vmem>> -> memref<1x128x128xf32, #tpu.memory_space<vmem>>
    %dma_wait3A_146 = tpu.memref_squeeze %dma_wait3A_145 : memref<1x128x128xf32, #tpu.memory_space<vmem>> -> memref<128x128xf32, #tpu.memory_space<vmem>>
    %dma_wait3A_147 = arith.constant 0 : i32
    %dma_wait3A_148 = tpu.memref_slice %arg5[%dma_wait3A_141, %dma_wait3A_147] : memref<32x128xi32, #tpu.memory_space<vmem>> -> memref<1x128xi32, #tpu.memory_space<vmem>>
    %dma_wait3A_149 = tpu.memref_squeeze %dma_wait3A_148 : memref<1x128xi32, #tpu.memory_space<vmem>> -> memref<128xi32, #tpu.memory_space<vmem>>
    %dma_wait3A_150 = arith.constant 0 : i32
    %dma_wait3A_151 = arith.constant 0 : i32
    %dma_wait3A_152 = tpu.memref_slice %arg2[%dma_wait3A_150, %dma_wait3A_151] : memref<262144x128xf32, #tpu.memory_space<hbm>> -> memref<262144x128xf32, #tpu.memory_space<hbm>>
    tpu.wait_indirect_dma semaphore(%arg9 : memref<!tpu.dma_semaphore, #tpu.memory_space<semaphore_mem>>) src(%dma_wait3A_152 : memref<262144x128xf32, #tpu.memory_space<hbm>>) dst(%dma_wait3A_146 : memref<128x128xf32, #tpu.memory_space<vmem>>)
    %add3A_153 = arith.constant 256 : i32
    %add3A_154 = arith.addi %mul3A_2, %add3A_153 : i32
    %dma_start3A_155 = arith.constant 2 : i32
    %dma_start3A_156 = arith.constant 0 : i32
    %dma_start3A_157 = arith.constant 0 : i32
    %dma_start3A_158 = tpu.memref_slice %arg6[%dma_start3A_155, %dma_start3A_156, %dma_start3A_157] : memref<3x128x128xf32, #tpu.memory_space<vmem>> -> memref<1x128x128xf32, #tpu.memory_space<vmem>>
    %dma_start3A_159 = tpu.memref_squeeze %dma_start3A_158 : memref<1x128x128xf32, #tpu.memory_space<vmem>> -> memref<128x128xf32, #tpu.memory_space<vmem>>
    %dma_start3A_160 = arith.constant 0 : i32
    %dma_start3A_161 = tpu.memref_slice %arg4[%add3A_154, %dma_start3A_160] : memref<131072x128xf32, #tpu.memory_space<hbm>> -> memref<128x128xf32, #tpu.memory_space<hbm>>
    %dma_start3A_162 = arith.constant 0 : i32
    %dma_start3A_163 = tpu.memref_slice %arg4[%add3A_154, %dma_start3A_162] : memref<131072x128xf32, #tpu.memory_space<hbm>> -> memref<128x128xf32, #tpu.memory_space<hbm>>
    %dma_start3A_164 = arith.constant 0 : i32
    %dma_start3A_165 = arith.constant 0 : i32
    %dma_start3A_166 = tpu.memref_slice %arg6[%dma_start3A_155, %dma_start3A_164, %dma_start3A_165] : memref<3x128x128xf32, #tpu.memory_space<vmem>> -> memref<1x128x128xf32, #tpu.memory_space<vmem>>
    %dma_start3A_167 = tpu.memref_squeeze %dma_start3A_166 : memref<1x128x128xf32, #tpu.memory_space<vmem>> -> memref<128x128xf32, #tpu.memory_space<vmem>>
    tpu.enqueue_dma source(%dma_start3A_167 : memref<128x128xf32, #tpu.memory_space<vmem>>) target(%dma_start3A_163 : memref<128x128xf32, #tpu.memory_space<hbm>>) target_semaphore(%arg12 : memref<!tpu.dma_semaphore, #tpu.memory_space<semaphore_mem>>)
    %dma_wait3A_168 = arith.constant 2 : i32
    %dma_wait3A_169 = arith.constant 0 : i32
    %dma_wait3A_170 = arith.constant 0 : i32
    %dma_wait3A_171 = tpu.memref_slice %arg6[%dma_wait3A_168, %dma_wait3A_169, %dma_wait3A_170] : memref<3x128x128xf32, #tpu.memory_space<vmem>> -> memref<1x128x128xf32, #tpu.memory_space<vmem>>
    %dma_wait3A_172 = tpu.memref_squeeze %dma_wait3A_171 : memref<1x128x128xf32, #tpu.memory_space<vmem>> -> memref<128x128xf32, #tpu.memory_space<vmem>>
    %dma_wait3A_173 = arith.constant 0 : i32
    %dma_wait3A_174 = tpu.memref_slice %arg4[%add3A_154, %dma_wait3A_173] : memref<131072x128xf32, #tpu.memory_space<hbm>> -> memref<128x128xf32, #tpu.memory_space<hbm>>
    %dma_wait3A_175 = arith.constant 0 : i32
    %dma_wait3A_176 = tpu.memref_slice %arg4[%add3A_154, %dma_wait3A_175] : memref<131072x128xf32, #tpu.memory_space<hbm>> -> memref<128x128xf32, #tpu.memory_space<hbm>>
    %dma_wait3A_177 = arith.constant 0 : i32
    %dma_wait3A_178 = arith.constant 0 : i32
    %dma_wait3A_179 = tpu.memref_slice %arg6[%dma_wait3A_168, %dma_wait3A_177, %dma_wait3A_178] : memref<3x128x128xf32, #tpu.memory_space<vmem>> -> memref<1x128x128xf32, #tpu.memory_space<vmem>>
    %dma_wait3A_180 = tpu.memref_squeeze %dma_wait3A_179 : memref<1x128x128xf32, #tpu.memory_space<vmem>> -> memref<128x128xf32, #tpu.memory_space<vmem>>
    tpu.wait_dma2 semaphore(%arg12 : memref<!tpu.dma_semaphore, #tpu.memory_space<semaphore_mem>>) src(%dma_wait3A_180 : memref<128x128xf32, #tpu.memory_space<vmem>>) dst(%dma_wait3A_176 : memref<128x128xf32, #tpu.memory_space<hbm>>)
    %dma_start3A_181 = arith.constant 5 : i32
    %dma_start3A_182 = arith.constant 2 : i32
    %dma_start3A_183 = arith.constant 0 : i32
    %dma_start3A_184 = arith.constant 0 : i32
    %dma_start3A_185 = tpu.memref_slice %arg6[%dma_start3A_182, %dma_start3A_183, %dma_start3A_184] : memref<3x128x128xf32, #tpu.memory_space<vmem>> -> memref<1x128x128xf32, #tpu.memory_space<vmem>>
    %dma_start3A_186 = tpu.memref_squeeze %dma_start3A_185 : memref<1x128x128xf32, #tpu.memory_space<vmem>> -> memref<128x128xf32, #tpu.memory_space<vmem>>
    %dma_start3A_187 = arith.constant 0 : i32
    %dma_start3A_188 = tpu.memref_slice %arg5[%dma_start3A_181, %dma_start3A_187] : memref<32x128xi32, #tpu.memory_space<vmem>> -> memref<1x128xi32, #tpu.memory_space<vmem>>
    %dma_start3A_189 = tpu.memref_squeeze %dma_start3A_188 : memref<1x128xi32, #tpu.memory_space<vmem>> -> memref<128xi32, #tpu.memory_space<vmem>>
    %dma_start3A_190 = arith.constant 0 : i32
    %dma_start3A_191 = arith.constant 0 : i32
    %dma_start3A_192 = tpu.memref_slice %arg2[%dma_start3A_190, %dma_start3A_191] : memref<262144x128xf32, #tpu.memory_space<hbm>> -> memref<262144x128xf32, #tpu.memory_space<hbm>>
    tpu.enqueue_indirect_dma source(%dma_start3A_192 : memref<262144x128xf32, #tpu.memory_space<hbm>>) target(%dma_start3A_186 : memref<128x128xf32, #tpu.memory_space<vmem>>) offsets(%dma_start3A_189 : memref<128xi32, #tpu.memory_space<vmem>>) semaphore(%arg9 : memref<!tpu.dma_semaphore, #tpu.memory_space<semaphore_mem>>)
    %dma_wait3A_193 = arith.constant 3 : i32
    %dma_wait3A_194 = arith.constant 0 : i32
    %dma_wait3A_195 = arith.constant 0 : i32
    %dma_wait3A_196 = arith.constant 0 : i32
    %dma_wait3A_197 = tpu.memref_slice %arg6[%dma_wait3A_194, %dma_wait3A_195, %dma_wait3A_196] : memref<3x128x128xf32, #tpu.memory_space<vmem>> -> memref<1x128x128xf32, #tpu.memory_space<vmem>>
    %dma_wait3A_198 = tpu.memref_squeeze %dma_wait3A_197 : memref<1x128x128xf32, #tpu.memory_space<vmem>> -> memref<128x128xf32, #tpu.memory_space<vmem>>
    %dma_wait3A_199 = arith.constant 0 : i32
    %dma_wait3A_200 = tpu.memref_slice %arg5[%dma_wait3A_193, %dma_wait3A_199] : memref<32x128xi32, #tpu.memory_space<vmem>> -> memref<1x128xi32, #tpu.memory_space<vmem>>
    %dma_wait3A_201 = tpu.memref_squeeze %dma_wait3A_200 : memref<1x128xi32, #tpu.memory_space<vmem>> -> memref<128xi32, #tpu.memory_space<vmem>>
    %dma_wait3A_202 = arith.constant 0 : i32
    %dma_wait3A_203 = arith.constant 0 : i32
    %dma_wait3A_204 = tpu.memref_slice %arg2[%dma_wait3A_202, %dma_wait3A_203] : memref<262144x128xf32, #tpu.memory_space<hbm>> -> memref<262144x128xf32, #tpu.memory_space<hbm>>
    tpu.wait_indirect_dma semaphore(%arg7 : memref<!tpu.dma_semaphore, #tpu.memory_space<semaphore_mem>>) src(%dma_wait3A_204 : memref<262144x128xf32, #tpu.memory_space<hbm>>) dst(%dma_wait3A_198 : memref<128x128xf32, #tpu.memory_space<vmem>>)
    %add3A_205 = arith.constant 384 : i32
    %add3A_206 = arith.addi %mul3A_2, %add3A_205 : i32
    %dma_start3A_207 = arith.constant 0 : i32
    %dma_start3A_208 = arith.constant 0 : i32
    %dma_start3A_209 = arith.constant 0 : i32
    %dma_start3A_210 = tpu.memref_slice %arg6[%dma_start3A_207, %dma_start3A_208, %dma_start3A_209] : memref<3x128x128xf32, #tpu.memory_space<vmem>> -> memref<1x128x128xf32, #tpu.memory_space<vmem>>
    %dma_start3A_211 = tpu.memref_squeeze %dma_start3A_210 : memref<1x128x128xf32, #tpu.memory_space<vmem>> -> memref<128x128xf32, #tpu.memory_space<vmem>>
    %dma_start3A_212 = arith.constant 0 : i32
    %dma_start3A_213 = tpu.memref_slice %arg4[%add3A_206, %dma_start3A_212] : memref<131072x128xf32, #tpu.memory_space<hbm>> -> memref<128x128xf32, #tpu.memory_space<hbm>>
    %dma_start3A_214 = arith.constant 0 : i32
    %dma_start3A_215 = tpu.memref_slice %arg4[%add3A_206, %dma_start3A_214] : memref<131072x128xf32, #tpu.memory_space<hbm>> -> memref<128x128xf32, #tpu.memory_space<hbm>>
    %dma_start3A_216 = arith.constant 0 : i32
    %dma_start3A_217 = arith.constant 0 : i32
    %dma_start3A_218 = tpu.memref_slice %arg6[%dma_start3A_207, %dma_start3A_216, %dma_start3A_217] : memref<3x128x128xf32, #tpu.memory_space<vmem>> -> memref<1x128x128xf32, #tpu.memory_space<vmem>>
    %dma_start3A_219 = tpu.memref_squeeze %dma_start3A_218 : memref<1x128x128xf32, #tpu.memory_space<vmem>> -> memref<128x128xf32, #tpu.memory_space<vmem>>
    tpu.enqueue_dma source(%dma_start3A_219 : memref<128x128xf32, #tpu.memory_space<vmem>>) target(%dma_start3A_215 : memref<128x128xf32, #tpu.memory_space<hbm>>) target_semaphore(%arg10 : memref<!tpu.dma_semaphore, #tpu.memory_space<semaphore_mem>>)
    %dma_wait3A_220 = arith.constant 0 : i32
    %dma_wait3A_221 = arith.constant 0 : i32
    %dma_wait3A_222 = arith.constant 0 : i32
    %dma_wait3A_223 = tpu.memref_slice %arg6[%dma_wait3A_220, %dma_wait3A_221, %dma_wait3A_222] : memref<3x128x128xf32, #tpu.memory_space<vmem>> -> memref<1x128x128xf32, #tpu.memory_space<vmem>>
    %dma_wait3A_224 = tpu.memref_squeeze %dma_wait3A_223 : memref<1x128x128xf32, #tpu.memory_space<vmem>> -> memref<128x128xf32, #tpu.memory_space<vmem>>
    %dma_wait3A_225 = arith.constant 0 : i32
    %dma_wait3A_226 = tpu.memref_slice %arg4[%add3A_206, %dma_wait3A_225] : memref<131072x128xf32, #tpu.memory_space<hbm>> -> memref<128x128xf32, #tpu.memory_space<hbm>>
    %dma_wait3A_227 = arith.constant 0 : i32
    %dma_wait3A_228 = tpu.memref_slice %arg4[%add3A_206, %dma_wait3A_227] : memref<131072x128xf32, #tpu.memory_space<hbm>> -> memref<128x128xf32, #tpu.memory_space<hbm>>
    %dma_wait3A_229 = arith.constant 0 : i32
    %dma_wait3A_230 = arith.constant 0 : i32
    %dma_wait3A_231 = tpu.memref_slice %arg6[%dma_wait3A_220, %dma_wait3A_229, %dma_wait3A_230] : memref<3x128x128xf32, #tpu.memory_space<vmem>> -> memref<1x128x128xf32, #tpu.memory_space<vmem>>
    %dma_wait3A_232 = tpu.memref_squeeze %dma_wait3A_231 : memref<1x128x128xf32, #tpu.memory_space<vmem>> -> memref<128x128xf32, #tpu.memory_space<vmem>>
    tpu.wait_dma2 semaphore(%arg10 : memref<!tpu.dma_semaphore, #tpu.memory_space<semaphore_mem>>) src(%dma_wait3A_232 : memref<128x128xf32, #tpu.memory_space<vmem>>) dst(%dma_wait3A_228 : memref<128x128xf32, #tpu.memory_space<hbm>>)
    %dma_start3A_233 = arith.constant 6 : i32
    %dma_start3A_234 = arith.constant 0 : i32
    %dma_start3A_235 = arith.constant 0 : i32
    %dma_start3A_236 = arith.constant 0 : i32
    %dma_start3A_237 = tpu.memref_slice %arg6[%dma_start3A_234, %dma_start3A_235, %dma_start3A_236] : memref<3x128x128xf32, #tpu.memory_space<vmem>> -> memref<1x128x128xf32, #tpu.memory_space<vmem>>
    %dma_start3A_238 = tpu.memref_squeeze %dma_start3A_237 : memref<1x128x128xf32, #tpu.memory_space<vmem>> -> memref<128x128xf32, #tpu.memory_space<vmem>>
    %dma_start3A_239 = arith.constant 0 : i32
    %dma_start3A_240 = tpu.memref_slice %arg5[%dma_start3A_233, %dma_start3A_239] : memref<32x128xi32, #tpu.memory_space<vmem>> -> memref<1x128xi32, #tpu.memory_space<vmem>>
    %dma_start3A_241 = tpu.memref_squeeze %dma_start3A_240 : memref<1x128xi32, #tpu.memory_space<vmem>> -> memref<128xi32, #tpu.memory_space<vmem>>
    %dma_start3A_242 = arith.constant 0 : i32
    %dma_start3A_243 = arith.constant 0 : i32
    %dma_start3A_244 = tpu.memref_slice %arg2[%dma_start3A_242, %dma_start3A_243] : memref<262144x128xf32, #tpu.memory_space<hbm>> -> memref<262144x128xf32, #tpu.memory_space<hbm>>
    tpu.enqueue_indirect_dma source(%dma_start3A_244 : memref<262144x128xf32, #tpu.memory_space<hbm>>) target(%dma_start3A_238 : memref<128x128xf32, #tpu.memory_space<vmem>>) offsets(%dma_start3A_241 : memref<128xi32, #tpu.memory_space<vmem>>) semaphore(%arg7 : memref<!tpu.dma_semaphore, #tpu.memory_space<semaphore_mem>>)
    %dma_wait3A_245 = arith.constant 4 : i32
    %dma_wait3A_246 = arith.constant 1 : i32
    %dma_wait3A_247 = arith.constant 0 : i32
    %dma_wait3A_248 = arith.constant 0 : i32
    %dma_wait3A_249 = tpu.memref_slice %arg6[%dma_wait3A_246, %dma_wait3A_247, %dma_wait3A_248] : memref<3x128x128xf32, #tpu.memory_space<vmem>> -> memref<1x128x128xf32, #tpu.memory_space<vmem>>
    %dma_wait3A_250 = tpu.memref_squeeze %dma_wait3A_249 : memref<1x128x128xf32, #tpu.memory_space<vmem>> -> memref<128x128xf32, #tpu.memory_space<vmem>>
    %dma_wait3A_251 = arith.constant 0 : i32
    %dma_wait3A_252 = tpu.memref_slice %arg5[%dma_wait3A_245, %dma_wait3A_251] : memref<32x128xi32, #tpu.memory_space<vmem>> -> memref<1x128xi32, #tpu.memory_space<vmem>>
    %dma_wait3A_253 = tpu.memref_squeeze %dma_wait3A_252 : memref<1x128xi32, #tpu.memory_space<vmem>> -> memref<128xi32, #tpu.memory_space<vmem>>
    %dma_wait3A_254 = arith.constant 0 : i32
    %dma_wait3A_255 = arith.constant 0 : i32
    %dma_wait3A_256 = tpu.memref_slice %arg2[%dma_wait3A_254, %dma_wait3A_255] : memref<262144x128xf32, #tpu.memory_space<hbm>> -> memref<262144x128xf32, #tpu.memory_space<hbm>>
    tpu.wait_indirect_dma semaphore(%arg8 : memref<!tpu.dma_semaphore, #tpu.memory_space<semaphore_mem>>) src(%dma_wait3A_256 : memref<262144x128xf32, #tpu.memory_space<hbm>>) dst(%dma_wait3A_250 : memref<128x128xf32, #tpu.memory_space<vmem>>)
    %add3A_257 = arith.constant 512 : i32
    %add3A_258 = arith.addi %mul3A_2, %add3A_257 : i32
    %dma_start3A_259 = arith.constant 1 : i32
    %dma_start3A_260 = arith.constant 0 : i32
    %dma_start3A_261 = arith.constant 0 : i32
    %dma_start3A_262 = tpu.memref_slice %arg6[%dma_start3A_259, %dma_start3A_260, %dma_start3A_261] : memref<3x128x128xf32, #tpu.memory_space<vmem>> -> memref<1x128x128xf32, #tpu.memory_space<vmem>>
    %dma_start3A_263 = tpu.memref_squeeze %dma_start3A_262 : memref<1x128x128xf32, #tpu.memory_space<vmem>> -> memref<128x128xf32, #tpu.memory_space<vmem>>
    %dma_start3A_264 = arith.constant 0 : i32
    %dma_start3A_265 = tpu.memref_slice %arg4[%add3A_258, %dma_start3A_264] : memref<131072x128xf32, #tpu.memory_space<hbm>> -> memref<128x128xf32, #tpu.memory_space<hbm>>
    %dma_start3A_266 = arith.constant 0 : i32
    %dma_start3A_267 = tpu.memref_slice %arg4[%add3A_258, %dma_start3A_266] : memref<131072x128xf32, #tpu.memory_space<hbm>> -> memref<128x128xf32, #tpu.memory_space<hbm>>
    %dma_start3A_268 = arith.constant 0 : i32
    %dma_start3A_269 = arith.constant 0 : i32
    %dma_start3A_270 = tpu.memref_slice %arg6[%dma_start3A_259, %dma_start3A_268, %dma_start3A_269] : memref<3x128x128xf32, #tpu.memory_space<vmem>> -> memref<1x128x128xf32, #tpu.memory_space<vmem>>
    %dma_start3A_271 = tpu.memref_squeeze %dma_start3A_270 : memref<1x128x128xf32, #tpu.memory_space<vmem>> -> memref<128x128xf32, #tpu.memory_space<vmem>>
    tpu.enqueue_dma source(%dma_start3A_271 : memref<128x128xf32, #tpu.memory_space<vmem>>) target(%dma_start3A_267 : memref<128x128xf32, #tpu.memory_space<hbm>>) target_semaphore(%arg11 : memref<!tpu.dma_semaphore, #tpu.memory_space<semaphore_mem>>)
    %dma_wait3A_272 = arith.constant 1 : i32
    %dma_wait3A_273 = arith.constant 0 : i32
    %dma_wait3A_274 = arith.constant 0 : i32
    %dma_wait3A_275 = tpu.memref_slice %arg6[%dma_wait3A_272, %dma_wait3A_273, %dma_wait3A_274] : memref<3x128x128xf32, #tpu.memory_space<vmem>> -> memref<1x128x128xf32, #tpu.memory_space<vmem>>
    %dma_wait3A_276 = tpu.memref_squeeze %dma_wait3A_275 : memref<1x128x128xf32, #tpu.memory_space<vmem>> -> memref<128x128xf32, #tpu.memory_space<vmem>>
    %dma_wait3A_277 = arith.constant 0 : i32
    %dma_wait3A_278 = tpu.memref_slice %arg4[%add3A_258, %dma_wait3A_277] : memref<131072x128xf32, #tpu.memory_space<hbm>> -> memref<128x128xf32, #tpu.memory_space<hbm>>
    %dma_wait3A_279 = arith.constant 0 : i32
    %dma_wait3A_280 = tpu.memref_slice %arg4[%add3A_258, %dma_wait3A_279] : memref<131072x128xf32, #tpu.memory_space<hbm>> -> memref<128x128xf32, #tpu.memory_space<hbm>>
    %dma_wait3A_281 = arith.constant 0 : i32
    %dma_wait3A_282 = arith.constant 0 : i32
    %dma_wait3A_283 = tpu.memref_slice %arg6[%dma_wait3A_272, %dma_wait3A_281, %dma_wait3A_282] : memref<3x128x128xf32, #tpu.memory_space<vmem>> -> memref<1x128x128xf32, #tpu.memory_space<vmem>>
    %dma_wait3A_284 = tpu.memref_squeeze %dma_wait3A_283 : memref<1x128x128xf32, #tpu.memory_space<vmem>> -> memref<128x128xf32, #tpu.memory_space<vmem>>
    tpu.wait_dma2 semaphore(%arg11 : memref<!tpu.dma_semaphore, #tpu.memory_space<semaphore_mem>>) src(%dma_wait3A_284 : memref<128x128xf32, #tpu.memory_space<vmem>>) dst(%dma_wait3A_280 : memref<128x128xf32, #tpu.memory_space<hbm>>)
    %dma_start3A_285 = arith.constant 7 : i32
    %dma_start3A_286 = arith.constant 1 : i32
    %dma_start3A_287 = arith.constant 0 : i32
    %dma_start3A_288 = arith.constant 0 : i32
    %dma_start3A_289 = tpu.memref_slice %arg6[%dma_start3A_286, %dma_start3A_287, %dma_start3A_288] : memref<3x128x128xf32, #tpu.memory_space<vmem>> -> memref<1x128x128xf32, #tpu.memory_space<vmem>>
    %dma_start3A_290 = tpu.memref_squeeze %dma_start3A_289 : memref<1x128x128xf32, #tpu.memory_space<vmem>> -> memref<128x128xf32, #tpu.memory_space<vmem>>
    %dma_start3A_291 = arith.constant 0 : i32
    %dma_start3A_292 = tpu.memref_slice %arg5[%dma_start3A_285, %dma_start3A_291] : memref<32x128xi32, #tpu.memory_space<vmem>> -> memref<1x128xi32, #tpu.memory_space<vmem>>
    %dma_start3A_293 = tpu.memref_squeeze %dma_start3A_292 : memref<1x128xi32, #tpu.memory_space<vmem>> -> memref<128xi32, #tpu.memory_space<vmem>>
    %dma_start3A_294 = arith.constant 0 : i32
    %dma_start3A_295 = arith.constant 0 : i32
    %dma_start3A_296 = tpu.memref_slice %arg2[%dma_start3A_294, %dma_start3A_295] : memref<262144x128xf32, #tpu.memory_space<hbm>> -> memref<262144x128xf32, #tpu.memory_space<hbm>>
    tpu.enqueue_indirect_dma source(%dma_start3A_296 : memref<262144x128xf32, #tpu.memory_space<hbm>>) target(%dma_start3A_290 : memref<128x128xf32, #tpu.memory_space<vmem>>) offsets(%dma_start3A_293 : memref<128xi32, #tpu.memory_space<vmem>>) semaphore(%arg8 : memref<!tpu.dma_semaphore, #tpu.memory_space<semaphore_mem>>)
    %dma_wait3A_297 = arith.constant 5 : i32
    %dma_wait3A_298 = arith.constant 2 : i32
    %dma_wait3A_299 = arith.constant 0 : i32
    %dma_wait3A_300 = arith.constant 0 : i32
    %dma_wait3A_301 = tpu.memref_slice %arg6[%dma_wait3A_298, %dma_wait3A_299, %dma_wait3A_300] : memref<3x128x128xf32, #tpu.memory_space<vmem>> -> memref<1x128x128xf32, #tpu.memory_space<vmem>>
    %dma_wait3A_302 = tpu.memref_squeeze %dma_wait3A_301 : memref<1x128x128xf32, #tpu.memory_space<vmem>> -> memref<128x128xf32, #tpu.memory_space<vmem>>
    %dma_wait3A_303 = arith.constant 0 : i32
    %dma_wait3A_304 = tpu.memref_slice %arg5[%dma_wait3A_297, %dma_wait3A_303] : memref<32x128xi32, #tpu.memory_space<vmem>> -> memref<1x128xi32, #tpu.memory_space<vmem>>
    %dma_wait3A_305 = tpu.memref_squeeze %dma_wait3A_304 : memref<1x128xi32, #tpu.memory_space<vmem>> -> memref<128xi32, #tpu.memory_space<vmem>>
    %dma_wait3A_306 = arith.constant 0 : i32
    %dma_wait3A_307 = arith.constant 0 : i32
    %dma_wait3A_308 = tpu.memref_slice %arg2[%dma_wait3A_306, %dma_wait3A_307] : memref<262144x128xf32, #tpu.memory_space<hbm>> -> memref<262144x128xf32, #tpu.memory_space<hbm>>
    tpu.wait_indirect_dma semaphore(%arg9 : memref<!tpu.dma_semaphore, #tpu.memory_space<semaphore_mem>>) src(%dma_wait3A_308 : memref<262144x128xf32, #tpu.memory_space<hbm>>) dst(%dma_wait3A_302 : memref<128x128xf32, #tpu.memory_space<vmem>>)
    %add3A_309 = arith.constant 640 : i32
    %add3A_310 = arith.addi %mul3A_2, %add3A_309 : i32
    %dma_start3A_311 = arith.constant 2 : i32
    %dma_start3A_312 = arith.constant 0 : i32
    %dma_start3A_313 = arith.constant 0 : i32
    %dma_start3A_314 = tpu.memref_slice %arg6[%dma_start3A_311, %dma_start3A_312, %dma_start3A_313] : memref<3x128x128xf32, #tpu.memory_space<vmem>> -> memref<1x128x128xf32, #tpu.memory_space<vmem>>
    %dma_start3A_315 = tpu.memref_squeeze %dma_start3A_314 : memref<1x128x128xf32, #tpu.memory_space<vmem>> -> memref<128x128xf32, #tpu.memory_space<vmem>>
    %dma_start3A_316 = arith.constant 0 : i32
    %dma_start3A_317 = tpu.memref_slice %arg4[%add3A_310, %dma_start3A_316] : memref<131072x128xf32, #tpu.memory_space<hbm>> -> memref<128x128xf32, #tpu.memory_space<hbm>>
    %dma_start3A_318 = arith.constant 0 : i32
    %dma_start3A_319 = tpu.memref_slice %arg4[%add3A_310, %dma_start3A_318] : memref<131072x128xf32, #tpu.memory_space<hbm>> -> memref<128x128xf32, #tpu.memory_space<hbm>>
    %dma_start3A_320 = arith.constant 0 : i32
    %dma_start3A_321 = arith.constant 0 : i32
    %dma_start3A_322 = tpu.memref_slice %arg6[%dma_start3A_311, %dma_start3A_320, %dma_start3A_321] : memref<3x128x128xf32, #tpu.memory_space<vmem>> -> memref<1x128x128xf32, #tpu.memory_space<vmem>>
    %dma_start3A_323 = tpu.memref_squeeze %dma_start3A_322 : memref<1x128x128xf32, #tpu.memory_space<vmem>> -> memref<128x128xf32, #tpu.memory_space<vmem>>
    tpu.enqueue_dma source(%dma_start3A_323 : memref<128x128xf32, #tpu.memory_space<vmem>>) target(%dma_start3A_319 : memref<128x128xf32, #tpu.memory_space<hbm>>) target_semaphore(%arg12 : memref<!tpu.dma_semaphore, #tpu.memory_space<semaphore_mem>>)
    %dma_wait3A_324 = arith.constant 2 : i32
    %dma_wait3A_325 = arith.constant 0 : i32
    %dma_wait3A_326 = arith.constant 0 : i32
    %dma_wait3A_327 = tpu.memref_slice %arg6[%dma_wait3A_324, %dma_wait3A_325, %dma_wait3A_326] : memref<3x128x128xf32, #tpu.memory_space<vmem>> -> memref<1x128x128xf32, #tpu.memory_space<vmem>>
    %dma_wait3A_328 = tpu.memref_squeeze %dma_wait3A_327 : memref<1x128x128xf32, #tpu.memory_space<vmem>> -> memref<128x128xf32, #tpu.memory_space<vmem>>
    %dma_wait3A_329 = arith.constant 0 : i32
    %dma_wait3A_330 = tpu.memref_slice %arg4[%add3A_310, %dma_wait3A_329] : memref<131072x128xf32, #tpu.memory_space<hbm>> -> memref<128x128xf32, #tpu.memory_space<hbm>>
    %dma_wait3A_331 = arith.constant 0 : i32
    %dma_wait3A_332 = tpu.memref_slice %arg4[%add3A_310, %dma_wait3A_331] : memref<131072x128xf32, #tpu.memory_space<hbm>> -> memref<128x128xf32, #tpu.memory_space<hbm>>
    %dma_wait3A_333 = arith.constant 0 : i32
    %dma_wait3A_334 = arith.constant 0 : i32
    %dma_wait3A_335 = tpu.memref_slice %arg6[%dma_wait3A_324, %dma_wait3A_333, %dma_wait3A_334] : memref<3x128x128xf32, #tpu.memory_space<vmem>> -> memref<1x128x128xf32, #tpu.memory_space<vmem>>
    %dma_wait3A_336 = tpu.memref_squeeze %dma_wait3A_335 : memref<1x128x128xf32, #tpu.memory_space<vmem>> -> memref<128x128xf32, #tpu.memory_space<vmem>>
    tpu.wait_dma2 semaphore(%arg12 : memref<!tpu.dma_semaphore, #tpu.memory_space<semaphore_mem>>) src(%dma_wait3A_336 : memref<128x128xf32, #tpu.memory_space<vmem>>) dst(%dma_wait3A_332 : memref<128x128xf32, #tpu.memory_space<hbm>>)
    %dma_start3A_337 = arith.constant 8 : i32
    %dma_start3A_338 = arith.constant 2 : i32
    %dma_start3A_339 = arith.constant 0 : i32
    %dma_start3A_340 = arith.constant 0 : i32
    %dma_start3A_341 = tpu.memref_slice %arg6[%dma_start3A_338, %dma_start3A_339, %dma_start3A_340] : memref<3x128x128xf32, #tpu.memory_space<vmem>> -> memref<1x128x128xf32, #tpu.memory_space<vmem>>
    %dma_start3A_342 = tpu.memref_squeeze %dma_start3A_341 : memref<1x128x128xf32, #tpu.memory_space<vmem>> -> memref<128x128xf32, #tpu.memory_space<vmem>>
    %dma_start3A_343 = arith.constant 0 : i32
    %dma_start3A_344 = tpu.memref_slice %arg5[%dma_start3A_337, %dma_start3A_343] : memref<32x128xi32, #tpu.memory_space<vmem>> -> memref<1x128xi32, #tpu.memory_space<vmem>>
    %dma_start3A_345 = tpu.memref_squeeze %dma_start3A_344 : memref<1x128xi32, #tpu.memory_space<vmem>> -> memref<128xi32, #tpu.memory_space<vmem>>
    %dma_start3A_346 = arith.constant 0 : i32
    %dma_start3A_347 = arith.constant 0 : i32
    %dma_start3A_348 = tpu.memref_slice %arg2[%dma_start3A_346, %dma_start3A_347] : memref<262144x128xf32, #tpu.memory_space<hbm>> -> memref<262144x128xf32, #tpu.memory_space<hbm>>
    tpu.enqueue_indirect_dma source(%dma_start3A_348 : memref<262144x128xf32, #tpu.memory_space<hbm>>) target(%dma_start3A_342 : memref<128x128xf32, #tpu.memory_space<vmem>>) offsets(%dma_start3A_345 : memref<128xi32, #tpu.memory_space<vmem>>) semaphore(%arg9 : memref<!tpu.dma_semaphore, #tpu.memory_space<semaphore_mem>>)
    %dma_wait3A_349 = arith.constant 6 : i32
    %dma_wait3A_350 = arith.constant 0 : i32
    %dma_wait3A_351 = arith.constant 0 : i32
    %dma_wait3A_352 = arith.constant 0 : i32
    %dma_wait3A_353 = tpu.memref_slice %arg6[%dma_wait3A_350, %dma_wait3A_351, %dma_wait3A_352] : memref<3x128x128xf32, #tpu.memory_space<vmem>> -> memref<1x128x128xf32, #tpu.memory_space<vmem>>
    %dma_wait3A_354 = tpu.memref_squeeze %dma_wait3A_353 : memref<1x128x128xf32, #tpu.memory_space<vmem>> -> memref<128x128xf32, #tpu.memory_space<vmem>>
    %dma_wait3A_355 = arith.constant 0 : i32
    %dma_wait3A_356 = tpu.memref_slice %arg5[%dma_wait3A_349, %dma_wait3A_355] : memref<32x128xi32, #tpu.memory_space<vmem>> -> memref<1x128xi32, #tpu.memory_space<vmem>>
    %dma_wait3A_357 = tpu.memref_squeeze %dma_wait3A_356 : memref<1x128xi32, #tpu.memory_space<vmem>> -> memref<128xi32, #tpu.memory_space<vmem>>
    %dma_wait3A_358 = arith.constant 0 : i32
    %dma_wait3A_359 = arith.constant 0 : i32
    %dma_wait3A_360 = tpu.memref_slice %arg2[%dma_wait3A_358, %dma_wait3A_359] : memref<262144x128xf32, #tpu.memory_space<hbm>> -> memref<262144x128xf32, #tpu.memory_space<hbm>>
    tpu.wait_indirect_dma semaphore(%arg7 : memref<!tpu.dma_semaphore, #tpu.memory_space<semaphore_mem>>) src(%dma_wait3A_360 : memref<262144x128xf32, #tpu.memory_space<hbm>>) dst(%dma_wait3A_354 : memref<128x128xf32, #tpu.memory_space<vmem>>)
    %add3A_361 = arith.constant 768 : i32
    %add3A_362 = arith.addi %mul3A_2, %add3A_361 : i32
    %dma_start3A_363 = arith.constant 0 : i32
    %dma_start3A_364 = arith.constant 0 : i32
    %dma_start3A_365 = arith.constant 0 : i32
    %dma_start3A_366 = tpu.memref_slice %arg6[%dma_start3A_363, %dma_start3A_364, %dma_start3A_365] : memref<3x128x128xf32, #tpu.memory_space<vmem>> -> memref<1x128x128xf32, #tpu.memory_space<vmem>>
    %dma_start3A_367 = tpu.memref_squeeze %dma_start3A_366 : memref<1x128x128xf32, #tpu.memory_space<vmem>> -> memref<128x128xf32, #tpu.memory_space<vmem>>
    %dma_start3A_368 = arith.constant 0 : i32
    %dma_start3A_369 = tpu.memref_slice %arg4[%add3A_362, %dma_start3A_368] : memref<131072x128xf32, #tpu.memory_space<hbm>> -> memref<128x128xf32, #tpu.memory_space<hbm>>
    %dma_start3A_370 = arith.constant 0 : i32
    %dma_start3A_371 = tpu.memref_slice %arg4[%add3A_362, %dma_start3A_370] : memref<131072x128xf32, #tpu.memory_space<hbm>> -> memref<128x128xf32, #tpu.memory_space<hbm>>
    %dma_start3A_372 = arith.constant 0 : i32
    %dma_start3A_373 = arith.constant 0 : i32
    %dma_start3A_374 = tpu.memref_slice %arg6[%dma_start3A_363, %dma_start3A_372, %dma_start3A_373] : memref<3x128x128xf32, #tpu.memory_space<vmem>> -> memref<1x128x128xf32, #tpu.memory_space<vmem>>
    %dma_start3A_375 = tpu.memref_squeeze %dma_start3A_374 : memref<1x128x128xf32, #tpu.memory_space<vmem>> -> memref<128x128xf32, #tpu.memory_space<vmem>>
    tpu.enqueue_dma source(%dma_start3A_375 : memref<128x128xf32, #tpu.memory_space<vmem>>) target(%dma_start3A_371 : memref<128x128xf32, #tpu.memory_space<hbm>>) target_semaphore(%arg10 : memref<!tpu.dma_semaphore, #tpu.memory_space<semaphore_mem>>)
    %dma_wait3A_376 = arith.constant 0 : i32
    %dma_wait3A_377 = arith.constant 0 : i32
    %dma_wait3A_378 = arith.constant 0 : i32
    %dma_wait3A_379 = tpu.memref_slice %arg6[%dma_wait3A_376, %dma_wait3A_377, %dma_wait3A_378] : memref<3x128x128xf32, #tpu.memory_space<vmem>> -> memref<1x128x128xf32, #tpu.memory_space<vmem>>
    %dma_wait3A_380 = tpu.memref_squeeze %dma_wait3A_379 : memref<1x128x128xf32, #tpu.memory_space<vmem>> -> memref<128x128xf32, #tpu.memory_space<vmem>>
    %dma_wait3A_381 = arith.constant 0 : i32
    %dma_wait3A_382 = tpu.memref_slice %arg4[%add3A_362, %dma_wait3A_381] : memref<131072x128xf32, #tpu.memory_space<hbm>> -> memref<128x128xf32, #tpu.memory_space<hbm>>
    %dma_wait3A_383 = arith.constant 0 : i32
    %dma_wait3A_384 = tpu.memref_slice %arg4[%add3A_362, %dma_wait3A_383] : memref<131072x128xf32, #tpu.memory_space<hbm>> -> memref<128x128xf32, #tpu.memory_space<hbm>>
    %dma_wait3A_385 = arith.constant 0 : i32
    %dma_wait3A_386 = arith.constant 0 : i32
    %dma_wait3A_387 = tpu.memref_slice %arg6[%dma_wait3A_376, %dma_wait3A_385, %dma_wait3A_386] : memref<3x128x128xf32, #tpu.memory_space<vmem>> -> memref<1x128x128xf32, #tpu.memory_space<vmem>>
    %dma_wait3A_388 = tpu.memref_squeeze %dma_wait3A_387 : memref<1x128x128xf32, #tpu.memory_space<vmem>> -> memref<128x128xf32, #tpu.memory_space<vmem>>
    tpu.wait_dma2 semaphore(%arg10 : memref<!tpu.dma_semaphore, #tpu.memory_space<semaphore_mem>>) src(%dma_wait3A_388 : memref<128x128xf32, #tpu.memory_space<vmem>>) dst(%dma_wait3A_384 : memref<128x128xf32, #tpu.memory_space<hbm>>)
    %dma_start3A_389 = arith.constant 9 : i32
    %dma_start3A_390 = arith.constant 0 : i32
    %dma_start3A_391 = arith.constant 0 : i32
    %dma_start3A_392 = arith.constant 0 : i32
    %dma_start3A_393 = tpu.memref_slice %arg6[%dma_start3A_390, %dma_start3A_391, %dma_start3A_392] : memref<3x128x128xf32, #tpu.memory_space<vmem>> -> memref<1x128x128xf32, #tpu.memory_space<vmem>>
    %dma_start3A_394 = tpu.memref_squeeze %dma_start3A_393 : memref<1x128x128xf32, #tpu.memory_space<vmem>> -> memref<128x128xf32, #tpu.memory_space<vmem>>
    %dma_start3A_395 = arith.constant 0 : i32
    %dma_start3A_396 = tpu.memref_slice %arg5[%dma_start3A_389, %dma_start3A_395] : memref<32x128xi32, #tpu.memory_space<vmem>> -> memref<1x128xi32, #tpu.memory_space<vmem>>
    %dma_start3A_397 = tpu.memref_squeeze %dma_start3A_396 : memref<1x128xi32, #tpu.memory_space<vmem>> -> memref<128xi32, #tpu.memory_space<vmem>>
    %dma_start3A_398 = arith.constant 0 : i32
    %dma_start3A_399 = arith.constant 0 : i32
    %dma_start3A_400 = tpu.memref_slice %arg2[%dma_start3A_398, %dma_start3A_399] : memref<262144x128xf32, #tpu.memory_space<hbm>> -> memref<262144x128xf32, #tpu.memory_space<hbm>>
    tpu.enqueue_indirect_dma source(%dma_start3A_400 : memref<262144x128xf32, #tpu.memory_space<hbm>>) target(%dma_start3A_394 : memref<128x128xf32, #tpu.memory_space<vmem>>) offsets(%dma_start3A_397 : memref<128xi32, #tpu.memory_space<vmem>>) semaphore(%arg7 : memref<!tpu.dma_semaphore, #tpu.memory_space<semaphore_mem>>)
    %dma_wait3A_401 = arith.constant 7 : i32
    %dma_wait3A_402 = arith.constant 1 : i32
    %dma_wait3A_403 = arith.constant 0 : i32
    %dma_wait3A_404 = arith.constant 0 : i32
    %dma_wait3A_405 = tpu.memref_slice %arg6[%dma_wait3A_402, %dma_wait3A_403, %dma_wait3A_404] : memref<3x128x128xf32, #tpu.memory_space<vmem>> -> memref<1x128x128xf32, #tpu.memory_space<vmem>>
    %dma_wait3A_406 = tpu.memref_squeeze %dma_wait3A_405 : memref<1x128x128xf32, #tpu.memory_space<vmem>> -> memref<128x128xf32, #tpu.memory_space<vmem>>
    %dma_wait3A_407 = arith.constant 0 : i32
    %dma_wait3A_408 = tpu.memref_slice %arg5[%dma_wait3A_401, %dma_wait3A_407] : memref<32x128xi32, #tpu.memory_space<vmem>> -> memref<1x128xi32, #tpu.memory_space<vmem>>
    %dma_wait3A_409 = tpu.memref_squeeze %dma_wait3A_408 : memref<1x128xi32, #tpu.memory_space<vmem>> -> memref<128xi32, #tpu.memory_space<vmem>>
    %dma_wait3A_410 = arith.constant 0 : i32
    %dma_wait3A_411 = arith.constant 0 : i32
    %dma_wait3A_412 = tpu.memref_slice %arg2[%dma_wait3A_410, %dma_wait3A_411] : memref<262144x128xf32, #tpu.memory_space<hbm>> -> memref<262144x128xf32, #tpu.memory_space<hbm>>
    tpu.wait_indirect_dma semaphore(%arg8 : memref<!tpu.dma_semaphore, #tpu.memory_space<semaphore_mem>>) src(%dma_wait3A_412 : memref<262144x128xf32, #tpu.memory_space<hbm>>) dst(%dma_wait3A_406 : memref<128x128xf32, #tpu.memory_space<vmem>>)
    %add3A_413 = arith.constant 896 : i32
    %add3A_414 = arith.addi %mul3A_2, %add3A_413 : i32
    %dma_start3A_415 = arith.constant 1 : i32
    %dma_start3A_416 = arith.constant 0 : i32
    %dma_start3A_417 = arith.constant 0 : i32
    %dma_start3A_418 = tpu.memref_slice %arg6[%dma_start3A_415, %dma_start3A_416, %dma_start3A_417] : memref<3x128x128xf32, #tpu.memory_space<vmem>> -> memref<1x128x128xf32, #tpu.memory_space<vmem>>
    %dma_start3A_419 = tpu.memref_squeeze %dma_start3A_418 : memref<1x128x128xf32, #tpu.memory_space<vmem>> -> memref<128x128xf32, #tpu.memory_space<vmem>>
    %dma_start3A_420 = arith.constant 0 : i32
    %dma_start3A_421 = tpu.memref_slice %arg4[%add3A_414, %dma_start3A_420] : memref<131072x128xf32, #tpu.memory_space<hbm>> -> memref<128x128xf32, #tpu.memory_space<hbm>>
    %dma_start3A_422 = arith.constant 0 : i32
    %dma_start3A_423 = tpu.memref_slice %arg4[%add3A_414, %dma_start3A_422] : memref<131072x128xf32, #tpu.memory_space<hbm>> -> memref<128x128xf32, #tpu.memory_space<hbm>>
    %dma_start3A_424 = arith.constant 0 : i32
    %dma_start3A_425 = arith.constant 0 : i32
    %dma_start3A_426 = tpu.memref_slice %arg6[%dma_start3A_415, %dma_start3A_424, %dma_start3A_425] : memref<3x128x128xf32, #tpu.memory_space<vmem>> -> memref<1x128x128xf32, #tpu.memory_space<vmem>>
    %dma_start3A_427 = tpu.memref_squeeze %dma_start3A_426 : memref<1x128x128xf32, #tpu.memory_space<vmem>> -> memref<128x128xf32, #tpu.memory_space<vmem>>
    tpu.enqueue_dma source(%dma_start3A_427 : memref<128x128xf32, #tpu.memory_space<vmem>>) target(%dma_start3A_423 : memref<128x128xf32, #tpu.memory_space<hbm>>) target_semaphore(%arg11 : memref<!tpu.dma_semaphore, #tpu.memory_space<semaphore_mem>>)
    %dma_wait3A_428 = arith.constant 1 : i32
    %dma_wait3A_429 = arith.constant 0 : i32
    %dma_wait3A_430 = arith.constant 0 : i32
    %dma_wait3A_431 = tpu.memref_slice %arg6[%dma_wait3A_428, %dma_wait3A_429, %dma_wait3A_430] : memref<3x128x128xf32, #tpu.memory_space<vmem>> -> memref<1x128x128xf32, #tpu.memory_space<vmem>>
    %dma_wait3A_432 = tpu.memref_squeeze %dma_wait3A_431 : memref<1x128x128xf32, #tpu.memory_space<vmem>> -> memref<128x128xf32, #tpu.memory_space<vmem>>
    %dma_wait3A_433 = arith.constant 0 : i32
    %dma_wait3A_434 = tpu.memref_slice %arg4[%add3A_414, %dma_wait3A_433] : memref<131072x128xf32, #tpu.memory_space<hbm>> -> memref<128x128xf32, #tpu.memory_space<hbm>>
    %dma_wait3A_435 = arith.constant 0 : i32
    %dma_wait3A_436 = tpu.memref_slice %arg4[%add3A_414, %dma_wait3A_435] : memref<131072x128xf32, #tpu.memory_space<hbm>> -> memref<128x128xf32, #tpu.memory_space<hbm>>
    %dma_wait3A_437 = arith.constant 0 : i32
    %dma_wait3A_438 = arith.constant 0 : i32
    %dma_wait3A_439 = tpu.memref_slice %arg6[%dma_wait3A_428, %dma_wait3A_437, %dma_wait3A_438] : memref<3x128x128xf32, #tpu.memory_space<vmem>> -> memref<1x128x128xf32, #tpu.memory_space<vmem>>
    %dma_wait3A_440 = tpu.memref_squeeze %dma_wait3A_439 : memref<1x128x128xf32, #tpu.memory_space<vmem>> -> memref<128x128xf32, #tpu.memory_space<vmem>>
    tpu.wait_dma2 semaphore(%arg11 : memref<!tpu.dma_semaphore, #tpu.memory_space<semaphore_mem>>) src(%dma_wait3A_440 : memref<128x128xf32, #tpu.memory_space<vmem>>) dst(%dma_wait3A_436 : memref<128x128xf32, #tpu.memory_space<hbm>>)
    %dma_start3A_441 = arith.constant 10 : i32
    %dma_start3A_442 = arith.constant 1 : i32
    %dma_start3A_443 = arith.constant 0 : i32
    %dma_start3A_444 = arith.constant 0 : i32
    %dma_start3A_445 = tpu.memref_slice %arg6[%dma_start3A_442, %dma_start3A_443, %dma_start3A_444] : memref<3x128x128xf32, #tpu.memory_space<vmem>> -> memref<1x128x128xf32, #tpu.memory_space<vmem>>
    %dma_start3A_446 = tpu.memref_squeeze %dma_start3A_445 : memref<1x128x128xf32, #tpu.memory_space<vmem>> -> memref<128x128xf32, #tpu.memory_space<vmem>>
    %dma_start3A_447 = arith.constant 0 : i32
    %dma_start3A_448 = tpu.memref_slice %arg5[%dma_start3A_441, %dma_start3A_447] : memref<32x128xi32, #tpu.memory_space<vmem>> -> memref<1x128xi32, #tpu.memory_space<vmem>>
    %dma_start3A_449 = tpu.memref_squeeze %dma_start3A_448 : memref<1x128xi32, #tpu.memory_space<vmem>> -> memref<128xi32, #tpu.memory_space<vmem>>
    %dma_start3A_450 = arith.constant 0 : i32
    %dma_start3A_451 = arith.constant 0 : i32
    %dma_start3A_452 = tpu.memref_slice %arg2[%dma_start3A_450, %dma_start3A_451] : memref<262144x128xf32, #tpu.memory_space<hbm>> -> memref<262144x128xf32, #tpu.memory_space<hbm>>
    tpu.enqueue_indirect_dma source(%dma_start3A_452 : memref<262144x128xf32, #tpu.memory_space<hbm>>) target(%dma_start3A_446 : memref<128x128xf32, #tpu.memory_space<vmem>>) offsets(%dma_start3A_449 : memref<128xi32, #tpu.memory_space<vmem>>) semaphore(%arg8 : memref<!tpu.dma_semaphore, #tpu.memory_space<semaphore_mem>>)
    %dma_wait3A_453 = arith.constant 8 : i32
    %dma_wait3A_454 = arith.constant 2 : i32
    %dma_wait3A_455 = arith.constant 0 : i32
    %dma_wait3A_456 = arith.constant 0 : i32
    %dma_wait3A_457 = tpu.memref_slice %arg6[%dma_wait3A_454, %dma_wait3A_455, %dma_wait3A_456] : memref<3x128x128xf32, #tpu.memory_space<vmem>> -> memref<1x128x128xf32, #tpu.memory_space<vmem>>
    %dma_wait3A_458 = tpu.memref_squeeze %dma_wait3A_457 : memref<1x128x128xf32, #tpu.memory_space<vmem>> -> memref<128x128xf32, #tpu.memory_space<vmem>>
    %dma_wait3A_459 = arith.constant 0 : i32
    %dma_wait3A_460 = tpu.memref_slice %arg5[%dma_wait3A_453, %dma_wait3A_459] : memref<32x128xi32, #tpu.memory_space<vmem>> -> memref<1x128xi32, #tpu.memory_space<vmem>>
    %dma_wait3A_461 = tpu.memref_squeeze %dma_wait3A_460 : memref<1x128xi32, #tpu.memory_space<vmem>> -> memref<128xi32, #tpu.memory_space<vmem>>
    %dma_wait3A_462 = arith.constant 0 : i32
    %dma_wait3A_463 = arith.constant 0 : i32
    %dma_wait3A_464 = tpu.memref_slice %arg2[%dma_wait3A_462, %dma_wait3A_463] : memref<262144x128xf32, #tpu.memory_space<hbm>> -> memref<262144x128xf32, #tpu.memory_space<hbm>>
    tpu.wait_indirect_dma semaphore(%arg9 : memref<!tpu.dma_semaphore, #tpu.memory_space<semaphore_mem>>) src(%dma_wait3A_464 : memref<262144x128xf32, #tpu.memory_space<hbm>>) dst(%dma_wait3A_458 : memref<128x128xf32, #tpu.memory_space<vmem>>)
    %add3A_465 = arith.constant 1024 : i32
    %add3A_466 = arith.addi %mul3A_2, %add3A_465 : i32
    %dma_start3A_467 = arith.constant 2 : i32
    %dma_start3A_468 = arith.constant 0 : i32
    %dma_start3A_469 = arith.constant 0 : i32
    %dma_start3A_470 = tpu.memref_slice %arg6[%dma_start3A_467, %dma_start3A_468, %dma_start3A_469] : memref<3x128x128xf32, #tpu.memory_space<vmem>> -> memref<1x128x128xf32, #tpu.memory_space<vmem>>
    %dma_start3A_471 = tpu.memref_squeeze %dma_start3A_470 : memref<1x128x128xf32, #tpu.memory_space<vmem>> -> memref<128x128xf32, #tpu.memory_space<vmem>>
    %dma_start3A_472 = arith.constant 0 : i32
    %dma_start3A_473 = tpu.memref_slice %arg4[%add3A_466, %dma_start3A_472] : memref<131072x128xf32, #tpu.memory_space<hbm>> -> memref<128x128xf32, #tpu.memory_space<hbm>>
    %dma_start3A_474 = arith.constant 0 : i32
    %dma_start3A_475 = tpu.memref_slice %arg4[%add3A_466, %dma_start3A_474] : memref<131072x128xf32, #tpu.memory_space<hbm>> -> memref<128x128xf32, #tpu.memory_space<hbm>>
    %dma_start3A_476 = arith.constant 0 : i32
    %dma_start3A_477 = arith.constant 0 : i32
    %dma_start3A_478 = tpu.memref_slice %arg6[%dma_start3A_467, %dma_start3A_476, %dma_start3A_477] : memref<3x128x128xf32, #tpu.memory_space<vmem>> -> memref<1x128x128xf32, #tpu.memory_space<vmem>>
    %dma_start3A_479 = tpu.memref_squeeze %dma_start3A_478 : memref<1x128x128xf32, #tpu.memory_space<vmem>> -> memref<128x128xf32, #tpu.memory_space<vmem>>
    tpu.enqueue_dma source(%dma_start3A_479 : memref<128x128xf32, #tpu.memory_space<vmem>>) target(%dma_start3A_475 : memref<128x128xf32, #tpu.memory_space<hbm>>) target_semaphore(%arg12 : memref<!tpu.dma_semaphore, #tpu.memory_space<semaphore_mem>>)
    %dma_wait3A_480 = arith.constant 2 : i32
    %dma_wait3A_481 = arith.constant 0 : i32
    %dma_wait3A_482 = arith.constant 0 : i32
    %dma_wait3A_483 = tpu.memref_slice %arg6[%dma_wait3A_480, %dma_wait3A_481, %dma_wait3A_482] : memref<3x128x128xf32, #tpu.memory_space<vmem>> -> memref<1x128x128xf32, #tpu.memory_space<vmem>>
    %dma_wait3A_484 = tpu.memref_squeeze %dma_wait3A_483 : memref<1x128x128xf32, #tpu.memory_space<vmem>> -> memref<128x128xf32, #tpu.memory_space<vmem>>
    %dma_wait3A_485 = arith.constant 0 : i32
    %dma_wait3A_486 = tpu.memref_slice %arg4[%add3A_466, %dma_wait3A_485] : memref<131072x128xf32, #tpu.memory_space<hbm>> -> memref<128x128xf32, #tpu.memory_space<hbm>>
    %dma_wait3A_487 = arith.constant 0 : i32
    %dma_wait3A_488 = tpu.memref_slice %arg4[%add3A_466, %dma_wait3A_487] : memref<131072x128xf32, #tpu.memory_space<hbm>> -> memref<128x128xf32, #tpu.memory_space<hbm>>
    %dma_wait3A_489 = arith.constant 0 : i32
    %dma_wait3A_490 = arith.constant 0 : i32
    %dma_wait3A_491 = tpu.memref_slice %arg6[%dma_wait3A_480, %dma_wait3A_489, %dma_wait3A_490] : memref<3x128x128xf32, #tpu.memory_space<vmem>> -> memref<1x128x128xf32, #tpu.memory_space<vmem>>
    %dma_wait3A_492 = tpu.memref_squeeze %dma_wait3A_491 : memref<1x128x128xf32, #tpu.memory_space<vmem>> -> memref<128x128xf32, #tpu.memory_space<vmem>>
    tpu.wait_dma2 semaphore(%arg12 : memref<!tpu.dma_semaphore, #tpu.memory_space<semaphore_mem>>) src(%dma_wait3A_492 : memref<128x128xf32, #tpu.memory_space<vmem>>) dst(%dma_wait3A_488 : memref<128x128xf32, #tpu.memory_space<hbm>>)
    %dma_start3A_493 = arith.constant 11 : i32
    %dma_start3A_494 = arith.constant 2 : i32
    %dma_start3A_495 = arith.constant 0 : i32
    %dma_start3A_496 = arith.constant 0 : i32
    %dma_start3A_497 = tpu.memref_slice %arg6[%dma_start3A_494, %dma_start3A_495, %dma_start3A_496] : memref<3x128x128xf32, #tpu.memory_space<vmem>> -> memref<1x128x128xf32, #tpu.memory_space<vmem>>
    %dma_start3A_498 = tpu.memref_squeeze %dma_start3A_497 : memref<1x128x128xf32, #tpu.memory_space<vmem>> -> memref<128x128xf32, #tpu.memory_space<vmem>>
    %dma_start3A_499 = arith.constant 0 : i32
    %dma_start3A_500 = tpu.memref_slice %arg5[%dma_start3A_493, %dma_start3A_499] : memref<32x128xi32, #tpu.memory_space<vmem>> -> memref<1x128xi32, #tpu.memory_space<vmem>>
    %dma_start3A_501 = tpu.memref_squeeze %dma_start3A_500 : memref<1x128xi32, #tpu.memory_space<vmem>> -> memref<128xi32, #tpu.memory_space<vmem>>
    %dma_start3A_502 = arith.constant 0 : i32
    %dma_start3A_503 = arith.constant 0 : i32
    %dma_start3A_504 = tpu.memref_slice %arg2[%dma_start3A_502, %dma_start3A_503] : memref<262144x128xf32, #tpu.memory_space<hbm>> -> memref<262144x128xf32, #tpu.memory_space<hbm>>
    tpu.enqueue_indirect_dma source(%dma_start3A_504 : memref<262144x128xf32, #tpu.memory_space<hbm>>) target(%dma_start3A_498 : memref<128x128xf32, #tpu.memory_space<vmem>>) offsets(%dma_start3A_501 : memref<128xi32, #tpu.memory_space<vmem>>) semaphore(%arg9 : memref<!tpu.dma_semaphore, #tpu.memory_space<semaphore_mem>>)
    %dma_wait3A_505 = arith.constant 9 : i32
    %dma_wait3A_506 = arith.constant 0 : i32
    %dma_wait3A_507 = arith.constant 0 : i32
    %dma_wait3A_508 = arith.constant 0 : i32
    %dma_wait3A_509 = tpu.memref_slice %arg6[%dma_wait3A_506, %dma_wait3A_507, %dma_wait3A_508] : memref<3x128x128xf32, #tpu.memory_space<vmem>> -> memref<1x128x128xf32, #tpu.memory_space<vmem>>
    %dma_wait3A_510 = tpu.memref_squeeze %dma_wait3A_509 : memref<1x128x128xf32, #tpu.memory_space<vmem>> -> memref<128x128xf32, #tpu.memory_space<vmem>>
    %dma_wait3A_511 = arith.constant 0 : i32
    %dma_wait3A_512 = tpu.memref_slice %arg5[%dma_wait3A_505, %dma_wait3A_511] : memref<32x128xi32, #tpu.memory_space<vmem>> -> memref<1x128xi32, #tpu.memory_space<vmem>>
    %dma_wait3A_513 = tpu.memref_squeeze %dma_wait3A_512 : memref<1x128xi32, #tpu.memory_space<vmem>> -> memref<128xi32, #tpu.memory_space<vmem>>
    %dma_wait3A_514 = arith.constant 0 : i32
    %dma_wait3A_515 = arith.constant 0 : i32
    %dma_wait3A_516 = tpu.memref_slice %arg2[%dma_wait3A_514, %dma_wait3A_515] : memref<262144x128xf32, #tpu.memory_space<hbm>> -> memref<262144x128xf32, #tpu.memory_space<hbm>>
    tpu.wait_indirect_dma semaphore(%arg7 : memref<!tpu.dma_semaphore, #tpu.memory_space<semaphore_mem>>) src(%dma_wait3A_516 : memref<262144x128xf32, #tpu.memory_space<hbm>>) dst(%dma_wait3A_510 : memref<128x128xf32, #tpu.memory_space<vmem>>)
    %add3A_517 = arith.constant 1152 : i32
    %add3A_518 = arith.addi %mul3A_2, %add3A_517 : i32
    %dma_start3A_519 = arith.constant 0 : i32
    %dma_start3A_520 = arith.constant 0 : i32
    %dma_start3A_521 = arith.constant 0 : i32
    %dma_start3A_522 = tpu.memref_slice %arg6[%dma_start3A_519, %dma_start3A_520, %dma_start3A_521] : memref<3x128x128xf32, #tpu.memory_space<vmem>> -> memref<1x128x128xf32, #tpu.memory_space<vmem>>
    %dma_start3A_523 = tpu.memref_squeeze %dma_start3A_522 : memref<1x128x128xf32, #tpu.memory_space<vmem>> -> memref<128x128xf32, #tpu.memory_space<vmem>>
    %dma_start3A_524 = arith.constant 0 : i32
    %dma_start3A_525 = tpu.memref_slice %arg4[%add3A_518, %dma_start3A_524] : memref<131072x128xf32, #tpu.memory_space<hbm>> -> memref<128x128xf32, #tpu.memory_space<hbm>>
    %dma_start3A_526 = arith.constant 0 : i32
    %dma_start3A_527 = tpu.memref_slice %arg4[%add3A_518, %dma_start3A_526] : memref<131072x128xf32, #tpu.memory_space<hbm>> -> memref<128x128xf32, #tpu.memory_space<hbm>>
    %dma_start3A_528 = arith.constant 0 : i32
    %dma_start3A_529 = arith.constant 0 : i32
    %dma_start3A_530 = tpu.memref_slice %arg6[%dma_start3A_519, %dma_start3A_528, %dma_start3A_529] : memref<3x128x128xf32, #tpu.memory_space<vmem>> -> memref<1x128x128xf32, #tpu.memory_space<vmem>>
    %dma_start3A_531 = tpu.memref_squeeze %dma_start3A_530 : memref<1x128x128xf32, #tpu.memory_space<vmem>> -> memref<128x128xf32, #tpu.memory_space<vmem>>
    tpu.enqueue_dma source(%dma_start3A_531 : memref<128x128xf32, #tpu.memory_space<vmem>>) target(%dma_start3A_527 : memref<128x128xf32, #tpu.memory_space<hbm>>) target_semaphore(%arg10 : memref<!tpu.dma_semaphore, #tpu.memory_space<semaphore_mem>>)
    %dma_wait3A_532 = arith.constant 0 : i32
    %dma_wait3A_533 = arith.constant 0 : i32
    %dma_wait3A_534 = arith.constant 0 : i32
    %dma_wait3A_535 = tpu.memref_slice %arg6[%dma_wait3A_532, %dma_wait3A_533, %dma_wait3A_534] : memref<3x128x128xf32, #tpu.memory_space<vmem>> -> memref<1x128x128xf32, #tpu.memory_space<vmem>>
    %dma_wait3A_536 = tpu.memref_squeeze %dma_wait3A_535 : memref<1x128x128xf32, #tpu.memory_space<vmem>> -> memref<128x128xf32, #tpu.memory_space<vmem>>
    %dma_wait3A_537 = arith.constant 0 : i32
    %dma_wait3A_538 = tpu.memref_slice %arg4[%add3A_518, %dma_wait3A_537] : memref<131072x128xf32, #tpu.memory_space<hbm>> -> memref<128x128xf32, #tpu.memory_space<hbm>>
    %dma_wait3A_539 = arith.constant 0 : i32
    %dma_wait3A_540 = tpu.memref_slice %arg4[%add3A_518, %dma_wait3A_539] : memref<131072x128xf32, #tpu.memory_space<hbm>> -> memref<128x128xf32, #tpu.memory_space<hbm>>
    %dma_wait3A_541 = arith.constant 0 : i32
    %dma_wait3A_542 = arith.constant 0 : i32
    %dma_wait3A_543 = tpu.memref_slice %arg6[%dma_wait3A_532, %dma_wait3A_541, %dma_wait3A_542] : memref<3x128x128xf32, #tpu.memory_space<vmem>> -> memref<1x128x128xf32, #tpu.memory_space<vmem>>
    %dma_wait3A_544 = tpu.memref_squeeze %dma_wait3A_543 : memref<1x128x128xf32, #tpu.memory_space<vmem>> -> memref<128x128xf32, #tpu.memory_space<vmem>>
    tpu.wait_dma2 semaphore(%arg10 : memref<!tpu.dma_semaphore, #tpu.memory_space<semaphore_mem>>) src(%dma_wait3A_544 : memref<128x128xf32, #tpu.memory_space<vmem>>) dst(%dma_wait3A_540 : memref<128x128xf32, #tpu.memory_space<hbm>>)
    %dma_start3A_545 = arith.constant 12 : i32
    %dma_start3A_546 = arith.constant 0 : i32
    %dma_start3A_547 = arith.constant 0 : i32
    %dma_start3A_548 = arith.constant 0 : i32
    %dma_start3A_549 = tpu.memref_slice %arg6[%dma_start3A_546, %dma_start3A_547, %dma_start3A_548] : memref<3x128x128xf32, #tpu.memory_space<vmem>> -> memref<1x128x128xf32, #tpu.memory_space<vmem>>
    %dma_start3A_550 = tpu.memref_squeeze %dma_start3A_549 : memref<1x128x128xf32, #tpu.memory_space<vmem>> -> memref<128x128xf32, #tpu.memory_space<vmem>>
    %dma_start3A_551 = arith.constant 0 : i32
    %dma_start3A_552 = tpu.memref_slice %arg5[%dma_start3A_545, %dma_start3A_551] : memref<32x128xi32, #tpu.memory_space<vmem>> -> memref<1x128xi32, #tpu.memory_space<vmem>>
    %dma_start3A_553 = tpu.memref_squeeze %dma_start3A_552 : memref<1x128xi32, #tpu.memory_space<vmem>> -> memref<128xi32, #tpu.memory_space<vmem>>
    %dma_start3A_554 = arith.constant 0 : i32
    %dma_start3A_555 = arith.constant 0 : i32
    %dma_start3A_556 = tpu.memref_slice %arg2[%dma_start3A_554, %dma_start3A_555] : memref<262144x128xf32, #tpu.memory_space<hbm>> -> memref<262144x128xf32, #tpu.memory_space<hbm>>
    tpu.enqueue_indirect_dma source(%dma_start3A_556 : memref<262144x128xf32, #tpu.memory_space<hbm>>) target(%dma_start3A_550 : memref<128x128xf32, #tpu.memory_space<vmem>>) offsets(%dma_start3A_553 : memref<128xi32, #tpu.memory_space<vmem>>) semaphore(%arg7 : memref<!tpu.dma_semaphore, #tpu.memory_space<semaphore_mem>>)
    %dma_wait3A_557 = arith.constant 10 : i32
    %dma_wait3A_558 = arith.constant 1 : i32
    %dma_wait3A_559 = arith.constant 0 : i32
    %dma_wait3A_560 = arith.constant 0 : i32
    %dma_wait3A_561 = tpu.memref_slice %arg6[%dma_wait3A_558, %dma_wait3A_559, %dma_wait3A_560] : memref<3x128x128xf32, #tpu.memory_space<vmem>> -> memref<1x128x128xf32, #tpu.memory_space<vmem>>
    %dma_wait3A_562 = tpu.memref_squeeze %dma_wait3A_561 : memref<1x128x128xf32, #tpu.memory_space<vmem>> -> memref<128x128xf32, #tpu.memory_space<vmem>>
    %dma_wait3A_563 = arith.constant 0 : i32
    %dma_wait3A_564 = tpu.memref_slice %arg5[%dma_wait3A_557, %dma_wait3A_563] : memref<32x128xi32, #tpu.memory_space<vmem>> -> memref<1x128xi32, #tpu.memory_space<vmem>>
    %dma_wait3A_565 = tpu.memref_squeeze %dma_wait3A_564 : memref<1x128xi32, #tpu.memory_space<vmem>> -> memref<128xi32, #tpu.memory_space<vmem>>
    %dma_wait3A_566 = arith.constant 0 : i32
    %dma_wait3A_567 = arith.constant 0 : i32
    %dma_wait3A_568 = tpu.memref_slice %arg2[%dma_wait3A_566, %dma_wait3A_567] : memref<262144x128xf32, #tpu.memory_space<hbm>> -> memref<262144x128xf32, #tpu.memory_space<hbm>>
    tpu.wait_indirect_dma semaphore(%arg8 : memref<!tpu.dma_semaphore, #tpu.memory_space<semaphore_mem>>) src(%dma_wait3A_568 : memref<262144x128xf32, #tpu.memory_space<hbm>>) dst(%dma_wait3A_562 : memref<128x128xf32, #tpu.memory_space<vmem>>)
    %add3A_569 = arith.constant 1280 : i32
    %add3A_570 = arith.addi %mul3A_2, %add3A_569 : i32
    %dma_start3A_571 = arith.constant 1 : i32
    %dma_start3A_572 = arith.constant 0 : i32
    %dma_start3A_573 = arith.constant 0 : i32
    %dma_start3A_574 = tpu.memref_slice %arg6[%dma_start3A_571, %dma_start3A_572, %dma_start3A_573] : memref<3x128x128xf32, #tpu.memory_space<vmem>> -> memref<1x128x128xf32, #tpu.memory_space<vmem>>
    %dma_start3A_575 = tpu.memref_squeeze %dma_start3A_574 : memref<1x128x128xf32, #tpu.memory_space<vmem>> -> memref<128x128xf32, #tpu.memory_space<vmem>>
    %dma_start3A_576 = arith.constant 0 : i32
    %dma_start3A_577 = tpu.memref_slice %arg4[%add3A_570, %dma_start3A_576] : memref<131072x128xf32, #tpu.memory_space<hbm>> -> memref<128x128xf32, #tpu.memory_space<hbm>>
    %dma_start3A_578 = arith.constant 0 : i32
    %dma_start3A_579 = tpu.memref_slice %arg4[%add3A_570, %dma_start3A_578] : memref<131072x128xf32, #tpu.memory_space<hbm>> -> memref<128x128xf32, #tpu.memory_space<hbm>>
    %dma_start3A_580 = arith.constant 0 : i32
    %dma_start3A_581 = arith.constant 0 : i32
    %dma_start3A_582 = tpu.memref_slice %arg6[%dma_start3A_571, %dma_start3A_580, %dma_start3A_581] : memref<3x128x128xf32, #tpu.memory_space<vmem>> -> memref<1x128x128xf32, #tpu.memory_space<vmem>>
    %dma_start3A_583 = tpu.memref_squeeze %dma_start3A_582 : memref<1x128x128xf32, #tpu.memory_space<vmem>> -> memref<128x128xf32, #tpu.memory_space<vmem>>
    tpu.enqueue_dma source(%dma_start3A_583 : memref<128x128xf32, #tpu.memory_space<vmem>>) target(%dma_start3A_579 : memref<128x128xf32, #tpu.memory_space<hbm>>) target_semaphore(%arg11 : memref<!tpu.dma_semaphore, #tpu.memory_space<semaphore_mem>>)
    %dma_wait3A_584 = arith.constant 1 : i32
    %dma_wait3A_585 = arith.constant 0 : i32
    %dma_wait3A_586 = arith.constant 0 : i32
    %dma_wait3A_587 = tpu.memref_slice %arg6[%dma_wait3A_584, %dma_wait3A_585, %dma_wait3A_586] : memref<3x128x128xf32, #tpu.memory_space<vmem>> -> memref<1x128x128xf32, #tpu.memory_space<vmem>>
    %dma_wait3A_588 = tpu.memref_squeeze %dma_wait3A_587 : memref<1x128x128xf32, #tpu.memory_space<vmem>> -> memref<128x128xf32, #tpu.memory_space<vmem>>
    %dma_wait3A_589 = arith.constant 0 : i32
    %dma_wait3A_590 = tpu.memref_slice %arg4[%add3A_570, %dma_wait3A_589] : memref<131072x128xf32, #tpu.memory_space<hbm>> -> memref<128x128xf32, #tpu.memory_space<hbm>>
    %dma_wait3A_591 = arith.constant 0 : i32
    %dma_wait3A_592 = tpu.memref_slice %arg4[%add3A_570, %dma_wait3A_591] : memref<131072x128xf32, #tpu.memory_space<hbm>> -> memref<128x128xf32, #tpu.memory_space<hbm>>
    %dma_wait3A_593 = arith.constant 0 : i32
    %dma_wait3A_594 = arith.constant 0 : i32
    %dma_wait3A_595 = tpu.memref_slice %arg6[%dma_wait3A_584, %dma_wait3A_593, %dma_wait3A_594] : memref<3x128x128xf32, #tpu.memory_space<vmem>> -> memref<1x128x128xf32, #tpu.memory_space<vmem>>
    %dma_wait3A_596 = tpu.memref_squeeze %dma_wait3A_595 : memref<1x128x128xf32, #tpu.memory_space<vmem>> -> memref<128x128xf32, #tpu.memory_space<vmem>>
    tpu.wait_dma2 semaphore(%arg11 : memref<!tpu.dma_semaphore, #tpu.memory_space<semaphore_mem>>) src(%dma_wait3A_596 : memref<128x128xf32, #tpu.memory_space<vmem>>) dst(%dma_wait3A_592 : memref<128x128xf32, #tpu.memory_space<hbm>>)
    %dma_start3A_597 = arith.constant 13 : i32
    %dma_start3A_598 = arith.constant 1 : i32
    %dma_start3A_599 = arith.constant 0 : i32
    %dma_start3A_600 = arith.constant 0 : i32
    %dma_start3A_601 = tpu.memref_slice %arg6[%dma_start3A_598, %dma_start3A_599, %dma_start3A_600] : memref<3x128x128xf32, #tpu.memory_space<vmem>> -> memref<1x128x128xf32, #tpu.memory_space<vmem>>
    %dma_start3A_602 = tpu.memref_squeeze %dma_start3A_601 : memref<1x128x128xf32, #tpu.memory_space<vmem>> -> memref<128x128xf32, #tpu.memory_space<vmem>>
    %dma_start3A_603 = arith.constant 0 : i32
    %dma_start3A_604 = tpu.memref_slice %arg5[%dma_start3A_597, %dma_start3A_603] : memref<32x128xi32, #tpu.memory_space<vmem>> -> memref<1x128xi32, #tpu.memory_space<vmem>>
    %dma_start3A_605 = tpu.memref_squeeze %dma_start3A_604 : memref<1x128xi32, #tpu.memory_space<vmem>> -> memref<128xi32, #tpu.memory_space<vmem>>
    %dma_start3A_606 = arith.constant 0 : i32
    %dma_start3A_607 = arith.constant 0 : i32
    %dma_start3A_608 = tpu.memref_slice %arg2[%dma_start3A_606, %dma_start3A_607] : memref<262144x128xf32, #tpu.memory_space<hbm>> -> memref<262144x128xf32, #tpu.memory_space<hbm>>
    tpu.enqueue_indirect_dma source(%dma_start3A_608 : memref<262144x128xf32, #tpu.memory_space<hbm>>) target(%dma_start3A_602 : memref<128x128xf32, #tpu.memory_space<vmem>>) offsets(%dma_start3A_605 : memref<128xi32, #tpu.memory_space<vmem>>) semaphore(%arg8 : memref<!tpu.dma_semaphore, #tpu.memory_space<semaphore_mem>>)
    %dma_wait3A_609 = arith.constant 11 : i32
    %dma_wait3A_610 = arith.constant 2 : i32
    %dma_wait3A_611 = arith.constant 0 : i32
    %dma_wait3A_612 = arith.constant 0 : i32
    %dma_wait3A_613 = tpu.memref_slice %arg6[%dma_wait3A_610, %dma_wait3A_611, %dma_wait3A_612] : memref<3x128x128xf32, #tpu.memory_space<vmem>> -> memref<1x128x128xf32, #tpu.memory_space<vmem>>
    %dma_wait3A_614 = tpu.memref_squeeze %dma_wait3A_613 : memref<1x128x128xf32, #tpu.memory_space<vmem>> -> memref<128x128xf32, #tpu.memory_space<vmem>>
    %dma_wait3A_615 = arith.constant 0 : i32
    %dma_wait3A_616 = tpu.memref_slice %arg5[%dma_wait3A_609, %dma_wait3A_615] : memref<32x128xi32, #tpu.memory_space<vmem>> -> memref<1x128xi32, #tpu.memory_space<vmem>>
    %dma_wait3A_617 = tpu.memref_squeeze %dma_wait3A_616 : memref<1x128xi32, #tpu.memory_space<vmem>> -> memref<128xi32, #tpu.memory_space<vmem>>
    %dma_wait3A_618 = arith.constant 0 : i32
    %dma_wait3A_619 = arith.constant 0 : i32
    %dma_wait3A_620 = tpu.memref_slice %arg2[%dma_wait3A_618, %dma_wait3A_619] : memref<262144x128xf32, #tpu.memory_space<hbm>> -> memref<262144x128xf32, #tpu.memory_space<hbm>>
    tpu.wait_indirect_dma semaphore(%arg9 : memref<!tpu.dma_semaphore, #tpu.memory_space<semaphore_mem>>) src(%dma_wait3A_620 : memref<262144x128xf32, #tpu.memory_space<hbm>>) dst(%dma_wait3A_614 : memref<128x128xf32, #tpu.memory_space<vmem>>)
    %add3A_621 = arith.constant 1408 : i32
    %add3A_622 = arith.addi %mul3A_2, %add3A_621 : i32
    %dma_start3A_623 = arith.constant 2 : i32
    %dma_start3A_624 = arith.constant 0 : i32
    %dma_start3A_625 = arith.constant 0 : i32
    %dma_start3A_626 = tpu.memref_slice %arg6[%dma_start3A_623, %dma_start3A_624, %dma_start3A_625] : memref<3x128x128xf32, #tpu.memory_space<vmem>> -> memref<1x128x128xf32, #tpu.memory_space<vmem>>
    %dma_start3A_627 = tpu.memref_squeeze %dma_start3A_626 : memref<1x128x128xf32, #tpu.memory_space<vmem>> -> memref<128x128xf32, #tpu.memory_space<vmem>>
    %dma_start3A_628 = arith.constant 0 : i32
    %dma_start3A_629 = tpu.memref_slice %arg4[%add3A_622, %dma_start3A_628] : memref<131072x128xf32, #tpu.memory_space<hbm>> -> memref<128x128xf32, #tpu.memory_space<hbm>>
    %dma_start3A_630 = arith.constant 0 : i32
    %dma_start3A_631 = tpu.memref_slice %arg4[%add3A_622, %dma_start3A_630] : memref<131072x128xf32, #tpu.memory_space<hbm>> -> memref<128x128xf32, #tpu.memory_space<hbm>>
    %dma_start3A_632 = arith.constant 0 : i32
    %dma_start3A_633 = arith.constant 0 : i32
    %dma_start3A_634 = tpu.memref_slice %arg6[%dma_start3A_623, %dma_start3A_632, %dma_start3A_633] : memref<3x128x128xf32, #tpu.memory_space<vmem>> -> memref<1x128x128xf32, #tpu.memory_space<vmem>>
    %dma_start3A_635 = tpu.memref_squeeze %dma_start3A_634 : memref<1x128x128xf32, #tpu.memory_space<vmem>> -> memref<128x128xf32, #tpu.memory_space<vmem>>
    tpu.enqueue_dma source(%dma_start3A_635 : memref<128x128xf32, #tpu.memory_space<vmem>>) target(%dma_start3A_631 : memref<128x128xf32, #tpu.memory_space<hbm>>) target_semaphore(%arg12 : memref<!tpu.dma_semaphore, #tpu.memory_space<semaphore_mem>>)
    %dma_wait3A_636 = arith.constant 2 : i32
    %dma_wait3A_637 = arith.constant 0 : i32
    %dma_wait3A_638 = arith.constant 0 : i32
    %dma_wait3A_639 = tpu.memref_slice %arg6[%dma_wait3A_636, %dma_wait3A_637, %dma_wait3A_638] : memref<3x128x128xf32, #tpu.memory_space<vmem>> -> memref<1x128x128xf32, #tpu.memory_space<vmem>>
    %dma_wait3A_640 = tpu.memref_squeeze %dma_wait3A_639 : memref<1x128x128xf32, #tpu.memory_space<vmem>> -> memref<128x128xf32, #tpu.memory_space<vmem>>
    %dma_wait3A_641 = arith.constant 0 : i32
    %dma_wait3A_642 = tpu.memref_slice %arg4[%add3A_622, %dma_wait3A_641] : memref<131072x128xf32, #tpu.memory_space<hbm>> -> memref<128x128xf32, #tpu.memory_space<hbm>>
    %dma_wait3A_643 = arith.constant 0 : i32
    %dma_wait3A_644 = tpu.memref_slice %arg4[%add3A_622, %dma_wait3A_643] : memref<131072x128xf32, #tpu.memory_space<hbm>> -> memref<128x128xf32, #tpu.memory_space<hbm>>
    %dma_wait3A_645 = arith.constant 0 : i32
    %dma_wait3A_646 = arith.constant 0 : i32
    %dma_wait3A_647 = tpu.memref_slice %arg6[%dma_wait3A_636, %dma_wait3A_645, %dma_wait3A_646] : memref<3x128x128xf32, #tpu.memory_space<vmem>> -> memref<1x128x128xf32, #tpu.memory_space<vmem>>
    %dma_wait3A_648 = tpu.memref_squeeze %dma_wait3A_647 : memref<1x128x128xf32, #tpu.memory_space<vmem>> -> memref<128x128xf32, #tpu.memory_space<vmem>>
    tpu.wait_dma2 semaphore(%arg12 : memref<!tpu.dma_semaphore, #tpu.memory_space<semaphore_mem>>) src(%dma_wait3A_648 : memref<128x128xf32, #tpu.memory_space<vmem>>) dst(%dma_wait3A_644 : memref<128x128xf32, #tpu.memory_space<hbm>>)
    %dma_start3A_649 = arith.constant 14 : i32
    %dma_start3A_650 = arith.constant 2 : i32
    %dma_start3A_651 = arith.constant 0 : i32
    %dma_start3A_652 = arith.constant 0 : i32
    %dma_start3A_653 = tpu.memref_slice %arg6[%dma_start3A_650, %dma_start3A_651, %dma_start3A_652] : memref<3x128x128xf32, #tpu.memory_space<vmem>> -> memref<1x128x128xf32, #tpu.memory_space<vmem>>
    %dma_start3A_654 = tpu.memref_squeeze %dma_start3A_653 : memref<1x128x128xf32, #tpu.memory_space<vmem>> -> memref<128x128xf32, #tpu.memory_space<vmem>>
    %dma_start3A_655 = arith.constant 0 : i32
    %dma_start3A_656 = tpu.memref_slice %arg5[%dma_start3A_649, %dma_start3A_655] : memref<32x128xi32, #tpu.memory_space<vmem>> -> memref<1x128xi32, #tpu.memory_space<vmem>>
    %dma_start3A_657 = tpu.memref_squeeze %dma_start3A_656 : memref<1x128xi32, #tpu.memory_space<vmem>> -> memref<128xi32, #tpu.memory_space<vmem>>
    %dma_start3A_658 = arith.constant 0 : i32
    %dma_start3A_659 = arith.constant 0 : i32
    %dma_start3A_660 = tpu.memref_slice %arg2[%dma_start3A_658, %dma_start3A_659] : memref<262144x128xf32, #tpu.memory_space<hbm>> -> memref<262144x128xf32, #tpu.memory_space<hbm>>
    tpu.enqueue_indirect_dma source(%dma_start3A_660 : memref<262144x128xf32, #tpu.memory_space<hbm>>) target(%dma_start3A_654 : memref<128x128xf32, #tpu.memory_space<vmem>>) offsets(%dma_start3A_657 : memref<128xi32, #tpu.memory_space<vmem>>) semaphore(%arg9 : memref<!tpu.dma_semaphore, #tpu.memory_space<semaphore_mem>>)
    %dma_wait3A_661 = arith.constant 12 : i32
    %dma_wait3A_662 = arith.constant 0 : i32
    %dma_wait3A_663 = arith.constant 0 : i32
    %dma_wait3A_664 = arith.constant 0 : i32
    %dma_wait3A_665 = tpu.memref_slice %arg6[%dma_wait3A_662, %dma_wait3A_663, %dma_wait3A_664] : memref<3x128x128xf32, #tpu.memory_space<vmem>> -> memref<1x128x128xf32, #tpu.memory_space<vmem>>
    %dma_wait3A_666 = tpu.memref_squeeze %dma_wait3A_665 : memref<1x128x128xf32, #tpu.memory_space<vmem>> -> memref<128x128xf32, #tpu.memory_space<vmem>>
    %dma_wait3A_667 = arith.constant 0 : i32
    %dma_wait3A_668 = tpu.memref_slice %arg5[%dma_wait3A_661, %dma_wait3A_667] : memref<32x128xi32, #tpu.memory_space<vmem>> -> memref<1x128xi32, #tpu.memory_space<vmem>>
    %dma_wait3A_669 = tpu.memref_squeeze %dma_wait3A_668 : memref<1x128xi32, #tpu.memory_space<vmem>> -> memref<128xi32, #tpu.memory_space<vmem>>
    %dma_wait3A_670 = arith.constant 0 : i32
    %dma_wait3A_671 = arith.constant 0 : i32
    %dma_wait3A_672 = tpu.memref_slice %arg2[%dma_wait3A_670, %dma_wait3A_671] : memref<262144x128xf32, #tpu.memory_space<hbm>> -> memref<262144x128xf32, #tpu.memory_space<hbm>>
    tpu.wait_indirect_dma semaphore(%arg7 : memref<!tpu.dma_semaphore, #tpu.memory_space<semaphore_mem>>) src(%dma_wait3A_672 : memref<262144x128xf32, #tpu.memory_space<hbm>>) dst(%dma_wait3A_666 : memref<128x128xf32, #tpu.memory_space<vmem>>)
    %add3A_673 = arith.constant 1536 : i32
    %add3A_674 = arith.addi %mul3A_2, %add3A_673 : i32
    %dma_start3A_675 = arith.constant 0 : i32
    %dma_start3A_676 = arith.constant 0 : i32
    %dma_start3A_677 = arith.constant 0 : i32
    %dma_start3A_678 = tpu.memref_slice %arg6[%dma_start3A_675, %dma_start3A_676, %dma_start3A_677] : memref<3x128x128xf32, #tpu.memory_space<vmem>> -> memref<1x128x128xf32, #tpu.memory_space<vmem>>
    %dma_start3A_679 = tpu.memref_squeeze %dma_start3A_678 : memref<1x128x128xf32, #tpu.memory_space<vmem>> -> memref<128x128xf32, #tpu.memory_space<vmem>>
    %dma_start3A_680 = arith.constant 0 : i32
    %dma_start3A_681 = tpu.memref_slice %arg4[%add3A_674, %dma_start3A_680] : memref<131072x128xf32, #tpu.memory_space<hbm>> -> memref<128x128xf32, #tpu.memory_space<hbm>>
    %dma_start3A_682 = arith.constant 0 : i32
    %dma_start3A_683 = tpu.memref_slice %arg4[%add3A_674, %dma_start3A_682] : memref<131072x128xf32, #tpu.memory_space<hbm>> -> memref<128x128xf32, #tpu.memory_space<hbm>>
    %dma_start3A_684 = arith.constant 0 : i32
    %dma_start3A_685 = arith.constant 0 : i32
    %dma_start3A_686 = tpu.memref_slice %arg6[%dma_start3A_675, %dma_start3A_684, %dma_start3A_685] : memref<3x128x128xf32, #tpu.memory_space<vmem>> -> memref<1x128x128xf32, #tpu.memory_space<vmem>>
    %dma_start3A_687 = tpu.memref_squeeze %dma_start3A_686 : memref<1x128x128xf32, #tpu.memory_space<vmem>> -> memref<128x128xf32, #tpu.memory_space<vmem>>
    tpu.enqueue_dma source(%dma_start3A_687 : memref<128x128xf32, #tpu.memory_space<vmem>>) target(%dma_start3A_683 : memref<128x128xf32, #tpu.memory_space<hbm>>) target_semaphore(%arg10 : memref<!tpu.dma_semaphore, #tpu.memory_space<semaphore_mem>>)
    %dma_wait3A_688 = arith.constant 0 : i32
    %dma_wait3A_689 = arith.constant 0 : i32
    %dma_wait3A_690 = arith.constant 0 : i32
    %dma_wait3A_691 = tpu.memref_slice %arg6[%dma_wait3A_688, %dma_wait3A_689, %dma_wait3A_690] : memref<3x128x128xf32, #tpu.memory_space<vmem>> -> memref<1x128x128xf32, #tpu.memory_space<vmem>>
    %dma_wait3A_692 = tpu.memref_squeeze %dma_wait3A_691 : memref<1x128x128xf32, #tpu.memory_space<vmem>> -> memref<128x128xf32, #tpu.memory_space<vmem>>
    %dma_wait3A_693 = arith.constant 0 : i32
    %dma_wait3A_694 = tpu.memref_slice %arg4[%add3A_674, %dma_wait3A_693] : memref<131072x128xf32, #tpu.memory_space<hbm>> -> memref<128x128xf32, #tpu.memory_space<hbm>>
    %dma_wait3A_695 = arith.constant 0 : i32
    %dma_wait3A_696 = tpu.memref_slice %arg4[%add3A_674, %dma_wait3A_695] : memref<131072x128xf32, #tpu.memory_space<hbm>> -> memref<128x128xf32, #tpu.memory_space<hbm>>
    %dma_wait3A_697 = arith.constant 0 : i32
    %dma_wait3A_698 = arith.constant 0 : i32
    %dma_wait3A_699 = tpu.memref_slice %arg6[%dma_wait3A_688, %dma_wait3A_697, %dma_wait3A_698] : memref<3x128x128xf32, #tpu.memory_space<vmem>> -> memref<1x128x128xf32, #tpu.memory_space<vmem>>
    %dma_wait3A_700 = tpu.memref_squeeze %dma_wait3A_699 : memref<1x128x128xf32, #tpu.memory_space<vmem>> -> memref<128x128xf32, #tpu.memory_space<vmem>>
    tpu.wait_dma2 semaphore(%arg10 : memref<!tpu.dma_semaphore, #tpu.memory_space<semaphore_mem>>) src(%dma_wait3A_700 : memref<128x128xf32, #tpu.memory_space<vmem>>) dst(%dma_wait3A_696 : memref<128x128xf32, #tpu.memory_space<hbm>>)
    %dma_start3A_701 = arith.constant 15 : i32
    %dma_start3A_702 = arith.constant 0 : i32
    %dma_start3A_703 = arith.constant 0 : i32
    %dma_start3A_704 = arith.constant 0 : i32
    %dma_start3A_705 = tpu.memref_slice %arg6[%dma_start3A_702, %dma_start3A_703, %dma_start3A_704] : memref<3x128x128xf32, #tpu.memory_space<vmem>> -> memref<1x128x128xf32, #tpu.memory_space<vmem>>
    %dma_start3A_706 = tpu.memref_squeeze %dma_start3A_705 : memref<1x128x128xf32, #tpu.memory_space<vmem>> -> memref<128x128xf32, #tpu.memory_space<vmem>>
    %dma_start3A_707 = arith.constant 0 : i32
    %dma_start3A_708 = tpu.memref_slice %arg5[%dma_start3A_701, %dma_start3A_707] : memref<32x128xi32, #tpu.memory_space<vmem>> -> memref<1x128xi32, #tpu.memory_space<vmem>>
    %dma_start3A_709 = tpu.memref_squeeze %dma_start3A_708 : memref<1x128xi32, #tpu.memory_space<vmem>> -> memref<128xi32, #tpu.memory_space<vmem>>
    %dma_start3A_710 = arith.constant 0 : i32
    %dma_start3A_711 = arith.constant 0 : i32
    %dma_start3A_712 = tpu.memref_slice %arg2[%dma_start3A_710, %dma_start3A_711] : memref<262144x128xf32, #tpu.memory_space<hbm>> -> memref<262144x128xf32, #tpu.memory_space<hbm>>
    tpu.enqueue_indirect_dma source(%dma_start3A_712 : memref<262144x128xf32, #tpu.memory_space<hbm>>) target(%dma_start3A_706 : memref<128x128xf32, #tpu.memory_space<vmem>>) offsets(%dma_start3A_709 : memref<128xi32, #tpu.memory_space<vmem>>) semaphore(%arg7 : memref<!tpu.dma_semaphore, #tpu.memory_space<semaphore_mem>>)
    %dma_wait3A_713 = arith.constant 13 : i32
    %dma_wait3A_714 = arith.constant 1 : i32
    %dma_wait3A_715 = arith.constant 0 : i32
    %dma_wait3A_716 = arith.constant 0 : i32
    %dma_wait3A_717 = tpu.memref_slice %arg6[%dma_wait3A_714, %dma_wait3A_715, %dma_wait3A_716] : memref<3x128x128xf32, #tpu.memory_space<vmem>> -> memref<1x128x128xf32, #tpu.memory_space<vmem>>
    %dma_wait3A_718 = tpu.memref_squeeze %dma_wait3A_717 : memref<1x128x128xf32, #tpu.memory_space<vmem>> -> memref<128x128xf32, #tpu.memory_space<vmem>>
    %dma_wait3A_719 = arith.constant 0 : i32
    %dma_wait3A_720 = tpu.memref_slice %arg5[%dma_wait3A_713, %dma_wait3A_719] : memref<32x128xi32, #tpu.memory_space<vmem>> -> memref<1x128xi32, #tpu.memory_space<vmem>>
    %dma_wait3A_721 = tpu.memref_squeeze %dma_wait3A_720 : memref<1x128xi32, #tpu.memory_space<vmem>> -> memref<128xi32, #tpu.memory_space<vmem>>
    %dma_wait3A_722 = arith.constant 0 : i32
    %dma_wait3A_723 = arith.constant 0 : i32
    %dma_wait3A_724 = tpu.memref_slice %arg2[%dma_wait3A_722, %dma_wait3A_723] : memref<262144x128xf32, #tpu.memory_space<hbm>> -> memref<262144x128xf32, #tpu.memory_space<hbm>>
    tpu.wait_indirect_dma semaphore(%arg8 : memref<!tpu.dma_semaphore, #tpu.memory_space<semaphore_mem>>) src(%dma_wait3A_724 : memref<262144x128xf32, #tpu.memory_space<hbm>>) dst(%dma_wait3A_718 : memref<128x128xf32, #tpu.memory_space<vmem>>)
    %add3A_725 = arith.constant 1664 : i32
    %add3A_726 = arith.addi %mul3A_2, %add3A_725 : i32
    %dma_start3A_727 = arith.constant 1 : i32
    %dma_start3A_728 = arith.constant 0 : i32
    %dma_start3A_729 = arith.constant 0 : i32
    %dma_start3A_730 = tpu.memref_slice %arg6[%dma_start3A_727, %dma_start3A_728, %dma_start3A_729] : memref<3x128x128xf32, #tpu.memory_space<vmem>> -> memref<1x128x128xf32, #tpu.memory_space<vmem>>
    %dma_start3A_731 = tpu.memref_squeeze %dma_start3A_730 : memref<1x128x128xf32, #tpu.memory_space<vmem>> -> memref<128x128xf32, #tpu.memory_space<vmem>>
    %dma_start3A_732 = arith.constant 0 : i32
    %dma_start3A_733 = tpu.memref_slice %arg4[%add3A_726, %dma_start3A_732] : memref<131072x128xf32, #tpu.memory_space<hbm>> -> memref<128x128xf32, #tpu.memory_space<hbm>>
    %dma_start3A_734 = arith.constant 0 : i32
    %dma_start3A_735 = tpu.memref_slice %arg4[%add3A_726, %dma_start3A_734] : memref<131072x128xf32, #tpu.memory_space<hbm>> -> memref<128x128xf32, #tpu.memory_space<hbm>>
    %dma_start3A_736 = arith.constant 0 : i32
    %dma_start3A_737 = arith.constant 0 : i32
    %dma_start3A_738 = tpu.memref_slice %arg6[%dma_start3A_727, %dma_start3A_736, %dma_start3A_737] : memref<3x128x128xf32, #tpu.memory_space<vmem>> -> memref<1x128x128xf32, #tpu.memory_space<vmem>>
    %dma_start3A_739 = tpu.memref_squeeze %dma_start3A_738 : memref<1x128x128xf32, #tpu.memory_space<vmem>> -> memref<128x128xf32, #tpu.memory_space<vmem>>
    tpu.enqueue_dma source(%dma_start3A_739 : memref<128x128xf32, #tpu.memory_space<vmem>>) target(%dma_start3A_735 : memref<128x128xf32, #tpu.memory_space<hbm>>) target_semaphore(%arg11 : memref<!tpu.dma_semaphore, #tpu.memory_space<semaphore_mem>>)
    %dma_wait3A_740 = arith.constant 1 : i32
    %dma_wait3A_741 = arith.constant 0 : i32
    %dma_wait3A_742 = arith.constant 0 : i32
    %dma_wait3A_743 = tpu.memref_slice %arg6[%dma_wait3A_740, %dma_wait3A_741, %dma_wait3A_742] : memref<3x128x128xf32, #tpu.memory_space<vmem>> -> memref<1x128x128xf32, #tpu.memory_space<vmem>>
    %dma_wait3A_744 = tpu.memref_squeeze %dma_wait3A_743 : memref<1x128x128xf32, #tpu.memory_space<vmem>> -> memref<128x128xf32, #tpu.memory_space<vmem>>
    %dma_wait3A_745 = arith.constant 0 : i32
    %dma_wait3A_746 = tpu.memref_slice %arg4[%add3A_726, %dma_wait3A_745] : memref<131072x128xf32, #tpu.memory_space<hbm>> -> memref<128x128xf32, #tpu.memory_space<hbm>>
    %dma_wait3A_747 = arith.constant 0 : i32
    %dma_wait3A_748 = tpu.memref_slice %arg4[%add3A_726, %dma_wait3A_747] : memref<131072x128xf32, #tpu.memory_space<hbm>> -> memref<128x128xf32, #tpu.memory_space<hbm>>
    %dma_wait3A_749 = arith.constant 0 : i32
    %dma_wait3A_750 = arith.constant 0 : i32
    %dma_wait3A_751 = tpu.memref_slice %arg6[%dma_wait3A_740, %dma_wait3A_749, %dma_wait3A_750] : memref<3x128x128xf32, #tpu.memory_space<vmem>> -> memref<1x128x128xf32, #tpu.memory_space<vmem>>
    %dma_wait3A_752 = tpu.memref_squeeze %dma_wait3A_751 : memref<1x128x128xf32, #tpu.memory_space<vmem>> -> memref<128x128xf32, #tpu.memory_space<vmem>>
    tpu.wait_dma2 semaphore(%arg11 : memref<!tpu.dma_semaphore, #tpu.memory_space<semaphore_mem>>) src(%dma_wait3A_752 : memref<128x128xf32, #tpu.memory_space<vmem>>) dst(%dma_wait3A_748 : memref<128x128xf32, #tpu.memory_space<hbm>>)
    %dma_start3A_753 = arith.constant 16 : i32
    %dma_start3A_754 = arith.constant 1 : i32
    %dma_start3A_755 = arith.constant 0 : i32
    %dma_start3A_756 = arith.constant 0 : i32
    %dma_start3A_757 = tpu.memref_slice %arg6[%dma_start3A_754, %dma_start3A_755, %dma_start3A_756] : memref<3x128x128xf32, #tpu.memory_space<vmem>> -> memref<1x128x128xf32, #tpu.memory_space<vmem>>
    %dma_start3A_758 = tpu.memref_squeeze %dma_start3A_757 : memref<1x128x128xf32, #tpu.memory_space<vmem>> -> memref<128x128xf32, #tpu.memory_space<vmem>>
    %dma_start3A_759 = arith.constant 0 : i32
    %dma_start3A_760 = tpu.memref_slice %arg5[%dma_start3A_753, %dma_start3A_759] : memref<32x128xi32, #tpu.memory_space<vmem>> -> memref<1x128xi32, #tpu.memory_space<vmem>>
    %dma_start3A_761 = tpu.memref_squeeze %dma_start3A_760 : memref<1x128xi32, #tpu.memory_space<vmem>> -> memref<128xi32, #tpu.memory_space<vmem>>
    %dma_start3A_762 = arith.constant 0 : i32
    %dma_start3A_763 = arith.constant 0 : i32
    %dma_start3A_764 = tpu.memref_slice %arg2[%dma_start3A_762, %dma_start3A_763] : memref<262144x128xf32, #tpu.memory_space<hbm>> -> memref<262144x128xf32, #tpu.memory_space<hbm>>
    tpu.enqueue_indirect_dma source(%dma_start3A_764 : memref<262144x128xf32, #tpu.memory_space<hbm>>) target(%dma_start3A_758 : memref<128x128xf32, #tpu.memory_space<vmem>>) offsets(%dma_start3A_761 : memref<128xi32, #tpu.memory_space<vmem>>) semaphore(%arg8 : memref<!tpu.dma_semaphore, #tpu.memory_space<semaphore_mem>>)
    %dma_wait3A_765 = arith.constant 14 : i32
    %dma_wait3A_766 = arith.constant 2 : i32
    %dma_wait3A_767 = arith.constant 0 : i32
    %dma_wait3A_768 = arith.constant 0 : i32
    %dma_wait3A_769 = tpu.memref_slice %arg6[%dma_wait3A_766, %dma_wait3A_767, %dma_wait3A_768] : memref<3x128x128xf32, #tpu.memory_space<vmem>> -> memref<1x128x128xf32, #tpu.memory_space<vmem>>
    %dma_wait3A_770 = tpu.memref_squeeze %dma_wait3A_769 : memref<1x128x128xf32, #tpu.memory_space<vmem>> -> memref<128x128xf32, #tpu.memory_space<vmem>>
    %dma_wait3A_771 = arith.constant 0 : i32
    %dma_wait3A_772 = tpu.memref_slice %arg5[%dma_wait3A_765, %dma_wait3A_771] : memref<32x128xi32, #tpu.memory_space<vmem>> -> memref<1x128xi32, #tpu.memory_space<vmem>>
    %dma_wait3A_773 = tpu.memref_squeeze %dma_wait3A_772 : memref<1x128xi32, #tpu.memory_space<vmem>> -> memref<128xi32, #tpu.memory_space<vmem>>
    %dma_wait3A_774 = arith.constant 0 : i32
    %dma_wait3A_775 = arith.constant 0 : i32
    %dma_wait3A_776 = tpu.memref_slice %arg2[%dma_wait3A_774, %dma_wait3A_775] : memref<262144x128xf32, #tpu.memory_space<hbm>> -> memref<262144x128xf32, #tpu.memory_space<hbm>>
    tpu.wait_indirect_dma semaphore(%arg9 : memref<!tpu.dma_semaphore, #tpu.memory_space<semaphore_mem>>) src(%dma_wait3A_776 : memref<262144x128xf32, #tpu.memory_space<hbm>>) dst(%dma_wait3A_770 : memref<128x128xf32, #tpu.memory_space<vmem>>)
    %add3A_777 = arith.constant 1792 : i32
    %add3A_778 = arith.addi %mul3A_2, %add3A_777 : i32
    %dma_start3A_779 = arith.constant 2 : i32
    %dma_start3A_780 = arith.constant 0 : i32
    %dma_start3A_781 = arith.constant 0 : i32
    %dma_start3A_782 = tpu.memref_slice %arg6[%dma_start3A_779, %dma_start3A_780, %dma_start3A_781] : memref<3x128x128xf32, #tpu.memory_space<vmem>> -> memref<1x128x128xf32, #tpu.memory_space<vmem>>
    %dma_start3A_783 = tpu.memref_squeeze %dma_start3A_782 : memref<1x128x128xf32, #tpu.memory_space<vmem>> -> memref<128x128xf32, #tpu.memory_space<vmem>>
    %dma_start3A_784 = arith.constant 0 : i32
    %dma_start3A_785 = tpu.memref_slice %arg4[%add3A_778, %dma_start3A_784] : memref<131072x128xf32, #tpu.memory_space<hbm>> -> memref<128x128xf32, #tpu.memory_space<hbm>>
    %dma_start3A_786 = arith.constant 0 : i32
    %dma_start3A_787 = tpu.memref_slice %arg4[%add3A_778, %dma_start3A_786] : memref<131072x128xf32, #tpu.memory_space<hbm>> -> memref<128x128xf32, #tpu.memory_space<hbm>>
    %dma_start3A_788 = arith.constant 0 : i32
    %dma_start3A_789 = arith.constant 0 : i32
    %dma_start3A_790 = tpu.memref_slice %arg6[%dma_start3A_779, %dma_start3A_788, %dma_start3A_789] : memref<3x128x128xf32, #tpu.memory_space<vmem>> -> memref<1x128x128xf32, #tpu.memory_space<vmem>>
    %dma_start3A_791 = tpu.memref_squeeze %dma_start3A_790 : memref<1x128x128xf32, #tpu.memory_space<vmem>> -> memref<128x128xf32, #tpu.memory_space<vmem>>
    tpu.enqueue_dma source(%dma_start3A_791 : memref<128x128xf32, #tpu.memory_space<vmem>>) target(%dma_start3A_787 : memref<128x128xf32, #tpu.memory_space<hbm>>) target_semaphore(%arg12 : memref<!tpu.dma_semaphore, #tpu.memory_space<semaphore_mem>>)
    %dma_wait3A_792 = arith.constant 2 : i32
    %dma_wait3A_793 = arith.constant 0 : i32
    %dma_wait3A_794 = arith.constant 0 : i32
    %dma_wait3A_795 = tpu.memref_slice %arg6[%dma_wait3A_792, %dma_wait3A_793, %dma_wait3A_794] : memref<3x128x128xf32, #tpu.memory_space<vmem>> -> memref<1x128x128xf32, #tpu.memory_space<vmem>>
    %dma_wait3A_796 = tpu.memref_squeeze %dma_wait3A_795 : memref<1x128x128xf32, #tpu.memory_space<vmem>> -> memref<128x128xf32, #tpu.memory_space<vmem>>
    %dma_wait3A_797 = arith.constant 0 : i32
    %dma_wait3A_798 = tpu.memref_slice %arg4[%add3A_778, %dma_wait3A_797] : memref<131072x128xf32, #tpu.memory_space<hbm>> -> memref<128x128xf32, #tpu.memory_space<hbm>>
    %dma_wait3A_799 = arith.constant 0 : i32
    %dma_wait3A_800 = tpu.memref_slice %arg4[%add3A_778, %dma_wait3A_799] : memref<131072x128xf32, #tpu.memory_space<hbm>> -> memref<128x128xf32, #tpu.memory_space<hbm>>
    %dma_wait3A_801 = arith.constant 0 : i32
    %dma_wait3A_802 = arith.constant 0 : i32
    %dma_wait3A_803 = tpu.memref_slice %arg6[%dma_wait3A_792, %dma_wait3A_801, %dma_wait3A_802] : memref<3x128x128xf32, #tpu.memory_space<vmem>> -> memref<1x128x128xf32, #tpu.memory_space<vmem>>
    %dma_wait3A_804 = tpu.memref_squeeze %dma_wait3A_803 : memref<1x128x128xf32, #tpu.memory_space<vmem>> -> memref<128x128xf32, #tpu.memory_space<vmem>>
    tpu.wait_dma2 semaphore(%arg12 : memref<!tpu.dma_semaphore, #tpu.memory_space<semaphore_mem>>) src(%dma_wait3A_804 : memref<128x128xf32, #tpu.memory_space<vmem>>) dst(%dma_wait3A_800 : memref<128x128xf32, #tpu.memory_space<hbm>>)
    %dma_start3A_805 = arith.constant 17 : i32
    %dma_start3A_806 = arith.constant 2 : i32
    %dma_start3A_807 = arith.constant 0 : i32
    %dma_start3A_808 = arith.constant 0 : i32
    %dma_start3A_809 = tpu.memref_slice %arg6[%dma_start3A_806, %dma_start3A_807, %dma_start3A_808] : memref<3x128x128xf32, #tpu.memory_space<vmem>> -> memref<1x128x128xf32, #tpu.memory_space<vmem>>
    %dma_start3A_810 = tpu.memref_squeeze %dma_start3A_809 : memref<1x128x128xf32, #tpu.memory_space<vmem>> -> memref<128x128xf32, #tpu.memory_space<vmem>>
    %dma_start3A_811 = arith.constant 0 : i32
    %dma_start3A_812 = tpu.memref_slice %arg5[%dma_start3A_805, %dma_start3A_811] : memref<32x128xi32, #tpu.memory_space<vmem>> -> memref<1x128xi32, #tpu.memory_space<vmem>>
    %dma_start3A_813 = tpu.memref_squeeze %dma_start3A_812 : memref<1x128xi32, #tpu.memory_space<vmem>> -> memref<128xi32, #tpu.memory_space<vmem>>
    %dma_start3A_814 = arith.constant 0 : i32
    %dma_start3A_815 = arith.constant 0 : i32
    %dma_start3A_816 = tpu.memref_slice %arg2[%dma_start3A_814, %dma_start3A_815] : memref<262144x128xf32, #tpu.memory_space<hbm>> -> memref<262144x128xf32, #tpu.memory_space<hbm>>
    tpu.enqueue_indirect_dma source(%dma_start3A_816 : memref<262144x128xf32, #tpu.memory_space<hbm>>) target(%dma_start3A_810 : memref<128x128xf32, #tpu.memory_space<vmem>>) offsets(%dma_start3A_813 : memref<128xi32, #tpu.memory_space<vmem>>) semaphore(%arg9 : memref<!tpu.dma_semaphore, #tpu.memory_space<semaphore_mem>>)
    %dma_wait3A_817 = arith.constant 15 : i32
    %dma_wait3A_818 = arith.constant 0 : i32
    %dma_wait3A_819 = arith.constant 0 : i32
    %dma_wait3A_820 = arith.constant 0 : i32
    %dma_wait3A_821 = tpu.memref_slice %arg6[%dma_wait3A_818, %dma_wait3A_819, %dma_wait3A_820] : memref<3x128x128xf32, #tpu.memory_space<vmem>> -> memref<1x128x128xf32, #tpu.memory_space<vmem>>
    %dma_wait3A_822 = tpu.memref_squeeze %dma_wait3A_821 : memref<1x128x128xf32, #tpu.memory_space<vmem>> -> memref<128x128xf32, #tpu.memory_space<vmem>>
    %dma_wait3A_823 = arith.constant 0 : i32
    %dma_wait3A_824 = tpu.memref_slice %arg5[%dma_wait3A_817, %dma_wait3A_823] : memref<32x128xi32, #tpu.memory_space<vmem>> -> memref<1x128xi32, #tpu.memory_space<vmem>>
    %dma_wait3A_825 = tpu.memref_squeeze %dma_wait3A_824 : memref<1x128xi32, #tpu.memory_space<vmem>> -> memref<128xi32, #tpu.memory_space<vmem>>
    %dma_wait3A_826 = arith.constant 0 : i32
    %dma_wait3A_827 = arith.constant 0 : i32
    %dma_wait3A_828 = tpu.memref_slice %arg2[%dma_wait3A_826, %dma_wait3A_827] : memref<262144x128xf32, #tpu.memory_space<hbm>> -> memref<262144x128xf32, #tpu.memory_space<hbm>>
    tpu.wait_indirect_dma semaphore(%arg7 : memref<!tpu.dma_semaphore, #tpu.memory_space<semaphore_mem>>) src(%dma_wait3A_828 : memref<262144x128xf32, #tpu.memory_space<hbm>>) dst(%dma_wait3A_822 : memref<128x128xf32, #tpu.memory_space<vmem>>)
    %add3A_829 = arith.constant 1920 : i32
    %add3A_830 = arith.addi %mul3A_2, %add3A_829 : i32
    %dma_start3A_831 = arith.constant 0 : i32
    %dma_start3A_832 = arith.constant 0 : i32
    %dma_start3A_833 = arith.constant 0 : i32
    %dma_start3A_834 = tpu.memref_slice %arg6[%dma_start3A_831, %dma_start3A_832, %dma_start3A_833] : memref<3x128x128xf32, #tpu.memory_space<vmem>> -> memref<1x128x128xf32, #tpu.memory_space<vmem>>
    %dma_start3A_835 = tpu.memref_squeeze %dma_start3A_834 : memref<1x128x128xf32, #tpu.memory_space<vmem>> -> memref<128x128xf32, #tpu.memory_space<vmem>>
    %dma_start3A_836 = arith.constant 0 : i32
    %dma_start3A_837 = tpu.memref_slice %arg4[%add3A_830, %dma_start3A_836] : memref<131072x128xf32, #tpu.memory_space<hbm>> -> memref<128x128xf32, #tpu.memory_space<hbm>>
    %dma_start3A_838 = arith.constant 0 : i32
    %dma_start3A_839 = tpu.memref_slice %arg4[%add3A_830, %dma_start3A_838] : memref<131072x128xf32, #tpu.memory_space<hbm>> -> memref<128x128xf32, #tpu.memory_space<hbm>>
    %dma_start3A_840 = arith.constant 0 : i32
    %dma_start3A_841 = arith.constant 0 : i32
    %dma_start3A_842 = tpu.memref_slice %arg6[%dma_start3A_831, %dma_start3A_840, %dma_start3A_841] : memref<3x128x128xf32, #tpu.memory_space<vmem>> -> memref<1x128x128xf32, #tpu.memory_space<vmem>>
    %dma_start3A_843 = tpu.memref_squeeze %dma_start3A_842 : memref<1x128x128xf32, #tpu.memory_space<vmem>> -> memref<128x128xf32, #tpu.memory_space<vmem>>
    tpu.enqueue_dma source(%dma_start3A_843 : memref<128x128xf32, #tpu.memory_space<vmem>>) target(%dma_start3A_839 : memref<128x128xf32, #tpu.memory_space<hbm>>) target_semaphore(%arg10 : memref<!tpu.dma_semaphore, #tpu.memory_space<semaphore_mem>>)
    %dma_wait3A_844 = arith.constant 0 : i32
    %dma_wait3A_845 = arith.constant 0 : i32
    %dma_wait3A_846 = arith.constant 0 : i32
    %dma_wait3A_847 = tpu.memref_slice %arg6[%dma_wait3A_844, %dma_wait3A_845, %dma_wait3A_846] : memref<3x128x128xf32, #tpu.memory_space<vmem>> -> memref<1x128x128xf32, #tpu.memory_space<vmem>>
    %dma_wait3A_848 = tpu.memref_squeeze %dma_wait3A_847 : memref<1x128x128xf32, #tpu.memory_space<vmem>> -> memref<128x128xf32, #tpu.memory_space<vmem>>
    %dma_wait3A_849 = arith.constant 0 : i32
    %dma_wait3A_850 = tpu.memref_slice %arg4[%add3A_830, %dma_wait3A_849] : memref<131072x128xf32, #tpu.memory_space<hbm>> -> memref<128x128xf32, #tpu.memory_space<hbm>>
    %dma_wait3A_851 = arith.constant 0 : i32
    %dma_wait3A_852 = tpu.memref_slice %arg4[%add3A_830, %dma_wait3A_851] : memref<131072x128xf32, #tpu.memory_space<hbm>> -> memref<128x128xf32, #tpu.memory_space<hbm>>
    %dma_wait3A_853 = arith.constant 0 : i32
    %dma_wait3A_854 = arith.constant 0 : i32
    %dma_wait3A_855 = tpu.memref_slice %arg6[%dma_wait3A_844, %dma_wait3A_853, %dma_wait3A_854] : memref<3x128x128xf32, #tpu.memory_space<vmem>> -> memref<1x128x128xf32, #tpu.memory_space<vmem>>
    %dma_wait3A_856 = tpu.memref_squeeze %dma_wait3A_855 : memref<1x128x128xf32, #tpu.memory_space<vmem>> -> memref<128x128xf32, #tpu.memory_space<vmem>>
    tpu.wait_dma2 semaphore(%arg10 : memref<!tpu.dma_semaphore, #tpu.memory_space<semaphore_mem>>) src(%dma_wait3A_856 : memref<128x128xf32, #tpu.memory_space<vmem>>) dst(%dma_wait3A_852 : memref<128x128xf32, #tpu.memory_space<hbm>>)
    %dma_start3A_857 = arith.constant 18 : i32
    %dma_start3A_858 = arith.constant 0 : i32
    %dma_start3A_859 = arith.constant 0 : i32
    %dma_start3A_860 = arith.constant 0 : i32
    %dma_start3A_861 = tpu.memref_slice %arg6[%dma_start3A_858, %dma_start3A_859, %dma_start3A_860] : memref<3x128x128xf32, #tpu.memory_space<vmem>> -> memref<1x128x128xf32, #tpu.memory_space<vmem>>
    %dma_start3A_862 = tpu.memref_squeeze %dma_start3A_861 : memref<1x128x128xf32, #tpu.memory_space<vmem>> -> memref<128x128xf32, #tpu.memory_space<vmem>>
    %dma_start3A_863 = arith.constant 0 : i32
    %dma_start3A_864 = tpu.memref_slice %arg5[%dma_start3A_857, %dma_start3A_863] : memref<32x128xi32, #tpu.memory_space<vmem>> -> memref<1x128xi32, #tpu.memory_space<vmem>>
    %dma_start3A_865 = tpu.memref_squeeze %dma_start3A_864 : memref<1x128xi32, #tpu.memory_space<vmem>> -> memref<128xi32, #tpu.memory_space<vmem>>
    %dma_start3A_866 = arith.constant 0 : i32
    %dma_start3A_867 = arith.constant 0 : i32
    %dma_start3A_868 = tpu.memref_slice %arg2[%dma_start3A_866, %dma_start3A_867] : memref<262144x128xf32, #tpu.memory_space<hbm>> -> memref<262144x128xf32, #tpu.memory_space<hbm>>
    tpu.enqueue_indirect_dma source(%dma_start3A_868 : memref<262144x128xf32, #tpu.memory_space<hbm>>) target(%dma_start3A_862 : memref<128x128xf32, #tpu.memory_space<vmem>>) offsets(%dma_start3A_865 : memref<128xi32, #tpu.memory_space<vmem>>) semaphore(%arg7 : memref<!tpu.dma_semaphore, #tpu.memory_space<semaphore_mem>>)
    %dma_wait3A_869 = arith.constant 16 : i32
    %dma_wait3A_870 = arith.constant 1 : i32
    %dma_wait3A_871 = arith.constant 0 : i32
    %dma_wait3A_872 = arith.constant 0 : i32
    %dma_wait3A_873 = tpu.memref_slice %arg6[%dma_wait3A_870, %dma_wait3A_871, %dma_wait3A_872] : memref<3x128x128xf32, #tpu.memory_space<vmem>> -> memref<1x128x128xf32, #tpu.memory_space<vmem>>
    %dma_wait3A_874 = tpu.memref_squeeze %dma_wait3A_873 : memref<1x128x128xf32, #tpu.memory_space<vmem>> -> memref<128x128xf32, #tpu.memory_space<vmem>>
    %dma_wait3A_875 = arith.constant 0 : i32
    %dma_wait3A_876 = tpu.memref_slice %arg5[%dma_wait3A_869, %dma_wait3A_875] : memref<32x128xi32, #tpu.memory_space<vmem>> -> memref<1x128xi32, #tpu.memory_space<vmem>>
    %dma_wait3A_877 = tpu.memref_squeeze %dma_wait3A_876 : memref<1x128xi32, #tpu.memory_space<vmem>> -> memref<128xi32, #tpu.memory_space<vmem>>
    %dma_wait3A_878 = arith.constant 0 : i32
    %dma_wait3A_879 = arith.constant 0 : i32
    %dma_wait3A_880 = tpu.memref_slice %arg2[%dma_wait3A_878, %dma_wait3A_879] : memref<262144x128xf32, #tpu.memory_space<hbm>> -> memref<262144x128xf32, #tpu.memory_space<hbm>>
    tpu.wait_indirect_dma semaphore(%arg8 : memref<!tpu.dma_semaphore, #tpu.memory_space<semaphore_mem>>) src(%dma_wait3A_880 : memref<262144x128xf32, #tpu.memory_space<hbm>>) dst(%dma_wait3A_874 : memref<128x128xf32, #tpu.memory_space<vmem>>)
    %add3A_881 = arith.constant 2048 : i32
    %add3A_882 = arith.addi %mul3A_2, %add3A_881 : i32
    %dma_start3A_883 = arith.constant 1 : i32
    %dma_start3A_884 = arith.constant 0 : i32
    %dma_start3A_885 = arith.constant 0 : i32
    %dma_start3A_886 = tpu.memref_slice %arg6[%dma_start3A_883, %dma_start3A_884, %dma_start3A_885] : memref<3x128x128xf32, #tpu.memory_space<vmem>> -> memref<1x128x128xf32, #tpu.memory_space<vmem>>
    %dma_start3A_887 = tpu.memref_squeeze %dma_start3A_886 : memref<1x128x128xf32, #tpu.memory_space<vmem>> -> memref<128x128xf32, #tpu.memory_space<vmem>>
    %dma_start3A_888 = arith.constant 0 : i32
    %dma_start3A_889 = tpu.memref_slice %arg4[%add3A_882, %dma_start3A_888] : memref<131072x128xf32, #tpu.memory_space<hbm>> -> memref<128x128xf32, #tpu.memory_space<hbm>>
    %dma_start3A_890 = arith.constant 0 : i32
    %dma_start3A_891 = tpu.memref_slice %arg4[%add3A_882, %dma_start3A_890] : memref<131072x128xf32, #tpu.memory_space<hbm>> -> memref<128x128xf32, #tpu.memory_space<hbm>>
    %dma_start3A_892 = arith.constant 0 : i32
    %dma_start3A_893 = arith.constant 0 : i32
    %dma_start3A_894 = tpu.memref_slice %arg6[%dma_start3A_883, %dma_start3A_892, %dma_start3A_893] : memref<3x128x128xf32, #tpu.memory_space<vmem>> -> memref<1x128x128xf32, #tpu.memory_space<vmem>>
    %dma_start3A_895 = tpu.memref_squeeze %dma_start3A_894 : memref<1x128x128xf32, #tpu.memory_space<vmem>> -> memref<128x128xf32, #tpu.memory_space<vmem>>
    tpu.enqueue_dma source(%dma_start3A_895 : memref<128x128xf32, #tpu.memory_space<vmem>>) target(%dma_start3A_891 : memref<128x128xf32, #tpu.memory_space<hbm>>) target_semaphore(%arg11 : memref<!tpu.dma_semaphore, #tpu.memory_space<semaphore_mem>>)
    %dma_wait3A_896 = arith.constant 1 : i32
    %dma_wait3A_897 = arith.constant 0 : i32
    %dma_wait3A_898 = arith.constant 0 : i32
    %dma_wait3A_899 = tpu.memref_slice %arg6[%dma_wait3A_896, %dma_wait3A_897, %dma_wait3A_898] : memref<3x128x128xf32, #tpu.memory_space<vmem>> -> memref<1x128x128xf32, #tpu.memory_space<vmem>>
    %dma_wait3A_900 = tpu.memref_squeeze %dma_wait3A_899 : memref<1x128x128xf32, #tpu.memory_space<vmem>> -> memref<128x128xf32, #tpu.memory_space<vmem>>
    %dma_wait3A_901 = arith.constant 0 : i32
    %dma_wait3A_902 = tpu.memref_slice %arg4[%add3A_882, %dma_wait3A_901] : memref<131072x128xf32, #tpu.memory_space<hbm>> -> memref<128x128xf32, #tpu.memory_space<hbm>>
    %dma_wait3A_903 = arith.constant 0 : i32
    %dma_wait3A_904 = tpu.memref_slice %arg4[%add3A_882, %dma_wait3A_903] : memref<131072x128xf32, #tpu.memory_space<hbm>> -> memref<128x128xf32, #tpu.memory_space<hbm>>
    %dma_wait3A_905 = arith.constant 0 : i32
    %dma_wait3A_906 = arith.constant 0 : i32
    %dma_wait3A_907 = tpu.memref_slice %arg6[%dma_wait3A_896, %dma_wait3A_905, %dma_wait3A_906] : memref<3x128x128xf32, #tpu.memory_space<vmem>> -> memref<1x128x128xf32, #tpu.memory_space<vmem>>
    %dma_wait3A_908 = tpu.memref_squeeze %dma_wait3A_907 : memref<1x128x128xf32, #tpu.memory_space<vmem>> -> memref<128x128xf32, #tpu.memory_space<vmem>>
    tpu.wait_dma2 semaphore(%arg11 : memref<!tpu.dma_semaphore, #tpu.memory_space<semaphore_mem>>) src(%dma_wait3A_908 : memref<128x128xf32, #tpu.memory_space<vmem>>) dst(%dma_wait3A_904 : memref<128x128xf32, #tpu.memory_space<hbm>>)
    %dma_start3A_909 = arith.constant 19 : i32
    %dma_start3A_910 = arith.constant 1 : i32
    %dma_start3A_911 = arith.constant 0 : i32
    %dma_start3A_912 = arith.constant 0 : i32
    %dma_start3A_913 = tpu.memref_slice %arg6[%dma_start3A_910, %dma_start3A_911, %dma_start3A_912] : memref<3x128x128xf32, #tpu.memory_space<vmem>> -> memref<1x128x128xf32, #tpu.memory_space<vmem>>
    %dma_start3A_914 = tpu.memref_squeeze %dma_start3A_913 : memref<1x128x128xf32, #tpu.memory_space<vmem>> -> memref<128x128xf32, #tpu.memory_space<vmem>>
    %dma_start3A_915 = arith.constant 0 : i32
    %dma_start3A_916 = tpu.memref_slice %arg5[%dma_start3A_909, %dma_start3A_915] : memref<32x128xi32, #tpu.memory_space<vmem>> -> memref<1x128xi32, #tpu.memory_space<vmem>>
    %dma_start3A_917 = tpu.memref_squeeze %dma_start3A_916 : memref<1x128xi32, #tpu.memory_space<vmem>> -> memref<128xi32, #tpu.memory_space<vmem>>
    %dma_start3A_918 = arith.constant 0 : i32
    %dma_start3A_919 = arith.constant 0 : i32
    %dma_start3A_920 = tpu.memref_slice %arg2[%dma_start3A_918, %dma_start3A_919] : memref<262144x128xf32, #tpu.memory_space<hbm>> -> memref<262144x128xf32, #tpu.memory_space<hbm>>
    tpu.enqueue_indirect_dma source(%dma_start3A_920 : memref<262144x128xf32, #tpu.memory_space<hbm>>) target(%dma_start3A_914 : memref<128x128xf32, #tpu.memory_space<vmem>>) offsets(%dma_start3A_917 : memref<128xi32, #tpu.memory_space<vmem>>) semaphore(%arg8 : memref<!tpu.dma_semaphore, #tpu.memory_space<semaphore_mem>>)
    %dma_wait3A_921 = arith.constant 17 : i32
    %dma_wait3A_922 = arith.constant 2 : i32
    %dma_wait3A_923 = arith.constant 0 : i32
    %dma_wait3A_924 = arith.constant 0 : i32
    %dma_wait3A_925 = tpu.memref_slice %arg6[%dma_wait3A_922, %dma_wait3A_923, %dma_wait3A_924] : memref<3x128x128xf32, #tpu.memory_space<vmem>> -> memref<1x128x128xf32, #tpu.memory_space<vmem>>
    %dma_wait3A_926 = tpu.memref_squeeze %dma_wait3A_925 : memref<1x128x128xf32, #tpu.memory_space<vmem>> -> memref<128x128xf32, #tpu.memory_space<vmem>>
    %dma_wait3A_927 = arith.constant 0 : i32
    %dma_wait3A_928 = tpu.memref_slice %arg5[%dma_wait3A_921, %dma_wait3A_927] : memref<32x128xi32, #tpu.memory_space<vmem>> -> memref<1x128xi32, #tpu.memory_space<vmem>>
    %dma_wait3A_929 = tpu.memref_squeeze %dma_wait3A_928 : memref<1x128xi32, #tpu.memory_space<vmem>> -> memref<128xi32, #tpu.memory_space<vmem>>
    %dma_wait3A_930 = arith.constant 0 : i32
    %dma_wait3A_931 = arith.constant 0 : i32
    %dma_wait3A_932 = tpu.memref_slice %arg2[%dma_wait3A_930, %dma_wait3A_931] : memref<262144x128xf32, #tpu.memory_space<hbm>> -> memref<262144x128xf32, #tpu.memory_space<hbm>>
    tpu.wait_indirect_dma semaphore(%arg9 : memref<!tpu.dma_semaphore, #tpu.memory_space<semaphore_mem>>) src(%dma_wait3A_932 : memref<262144x128xf32, #tpu.memory_space<hbm>>) dst(%dma_wait3A_926 : memref<128x128xf32, #tpu.memory_space<vmem>>)
    %add3A_933 = arith.constant 2176 : i32
    %add3A_934 = arith.addi %mul3A_2, %add3A_933 : i32
    %dma_start3A_935 = arith.constant 2 : i32
    %dma_start3A_936 = arith.constant 0 : i32
    %dma_start3A_937 = arith.constant 0 : i32
    %dma_start3A_938 = tpu.memref_slice %arg6[%dma_start3A_935, %dma_start3A_936, %dma_start3A_937] : memref<3x128x128xf32, #tpu.memory_space<vmem>> -> memref<1x128x128xf32, #tpu.memory_space<vmem>>
    %dma_start3A_939 = tpu.memref_squeeze %dma_start3A_938 : memref<1x128x128xf32, #tpu.memory_space<vmem>> -> memref<128x128xf32, #tpu.memory_space<vmem>>
    %dma_start3A_940 = arith.constant 0 : i32
    %dma_start3A_941 = tpu.memref_slice %arg4[%add3A_934, %dma_start3A_940] : memref<131072x128xf32, #tpu.memory_space<hbm>> -> memref<128x128xf32, #tpu.memory_space<hbm>>
    %dma_start3A_942 = arith.constant 0 : i32
    %dma_start3A_943 = tpu.memref_slice %arg4[%add3A_934, %dma_start3A_942] : memref<131072x128xf32, #tpu.memory_space<hbm>> -> memref<128x128xf32, #tpu.memory_space<hbm>>
    %dma_start3A_944 = arith.constant 0 : i32
    %dma_start3A_945 = arith.constant 0 : i32
    %dma_start3A_946 = tpu.memref_slice %arg6[%dma_start3A_935, %dma_start3A_944, %dma_start3A_945] : memref<3x128x128xf32, #tpu.memory_space<vmem>> -> memref<1x128x128xf32, #tpu.memory_space<vmem>>
    %dma_start3A_947 = tpu.memref_squeeze %dma_start3A_946 : memref<1x128x128xf32, #tpu.memory_space<vmem>> -> memref<128x128xf32, #tpu.memory_space<vmem>>
    tpu.enqueue_dma source(%dma_start3A_947 : memref<128x128xf32, #tpu.memory_space<vmem>>) target(%dma_start3A_943 : memref<128x128xf32, #tpu.memory_space<hbm>>) target_semaphore(%arg12 : memref<!tpu.dma_semaphore, #tpu.memory_space<semaphore_mem>>)
    %dma_wait3A_948 = arith.constant 2 : i32
    %dma_wait3A_949 = arith.constant 0 : i32
    %dma_wait3A_950 = arith.constant 0 : i32
    %dma_wait3A_951 = tpu.memref_slice %arg6[%dma_wait3A_948, %dma_wait3A_949, %dma_wait3A_950] : memref<3x128x128xf32, #tpu.memory_space<vmem>> -> memref<1x128x128xf32, #tpu.memory_space<vmem>>
    %dma_wait3A_952 = tpu.memref_squeeze %dma_wait3A_951 : memref<1x128x128xf32, #tpu.memory_space<vmem>> -> memref<128x128xf32, #tpu.memory_space<vmem>>
    %dma_wait3A_953 = arith.constant 0 : i32
    %dma_wait3A_954 = tpu.memref_slice %arg4[%add3A_934, %dma_wait3A_953] : memref<131072x128xf32, #tpu.memory_space<hbm>> -> memref<128x128xf32, #tpu.memory_space<hbm>>
    %dma_wait3A_955 = arith.constant 0 : i32
    %dma_wait3A_956 = tpu.memref_slice %arg4[%add3A_934, %dma_wait3A_955] : memref<131072x128xf32, #tpu.memory_space<hbm>> -> memref<128x128xf32, #tpu.memory_space<hbm>>
    %dma_wait3A_957 = arith.constant 0 : i32
    %dma_wait3A_958 = arith.constant 0 : i32
    %dma_wait3A_959 = tpu.memref_slice %arg6[%dma_wait3A_948, %dma_wait3A_957, %dma_wait3A_958] : memref<3x128x128xf32, #tpu.memory_space<vmem>> -> memref<1x128x128xf32, #tpu.memory_space<vmem>>
    %dma_wait3A_960 = tpu.memref_squeeze %dma_wait3A_959 : memref<1x128x128xf32, #tpu.memory_space<vmem>> -> memref<128x128xf32, #tpu.memory_space<vmem>>
    tpu.wait_dma2 semaphore(%arg12 : memref<!tpu.dma_semaphore, #tpu.memory_space<semaphore_mem>>) src(%dma_wait3A_960 : memref<128x128xf32, #tpu.memory_space<vmem>>) dst(%dma_wait3A_956 : memref<128x128xf32, #tpu.memory_space<hbm>>)
    %dma_start3A_961 = arith.constant 20 : i32
    %dma_start3A_962 = arith.constant 2 : i32
    %dma_start3A_963 = arith.constant 0 : i32
    %dma_start3A_964 = arith.constant 0 : i32
    %dma_start3A_965 = tpu.memref_slice %arg6[%dma_start3A_962, %dma_start3A_963, %dma_start3A_964] : memref<3x128x128xf32, #tpu.memory_space<vmem>> -> memref<1x128x128xf32, #tpu.memory_space<vmem>>
    %dma_start3A_966 = tpu.memref_squeeze %dma_start3A_965 : memref<1x128x128xf32, #tpu.memory_space<vmem>> -> memref<128x128xf32, #tpu.memory_space<vmem>>
    %dma_start3A_967 = arith.constant 0 : i32
    %dma_start3A_968 = tpu.memref_slice %arg5[%dma_start3A_961, %dma_start3A_967] : memref<32x128xi32, #tpu.memory_space<vmem>> -> memref<1x128xi32, #tpu.memory_space<vmem>>
    %dma_start3A_969 = tpu.memref_squeeze %dma_start3A_968 : memref<1x128xi32, #tpu.memory_space<vmem>> -> memref<128xi32, #tpu.memory_space<vmem>>
    %dma_start3A_970 = arith.constant 0 : i32
    %dma_start3A_971 = arith.constant 0 : i32
    %dma_start3A_972 = tpu.memref_slice %arg2[%dma_start3A_970, %dma_start3A_971] : memref<262144x128xf32, #tpu.memory_space<hbm>> -> memref<262144x128xf32, #tpu.memory_space<hbm>>
    tpu.enqueue_indirect_dma source(%dma_start3A_972 : memref<262144x128xf32, #tpu.memory_space<hbm>>) target(%dma_start3A_966 : memref<128x128xf32, #tpu.memory_space<vmem>>) offsets(%dma_start3A_969 : memref<128xi32, #tpu.memory_space<vmem>>) semaphore(%arg9 : memref<!tpu.dma_semaphore, #tpu.memory_space<semaphore_mem>>)
    %dma_wait3A_973 = arith.constant 18 : i32
    %dma_wait3A_974 = arith.constant 0 : i32
    %dma_wait3A_975 = arith.constant 0 : i32
    %dma_wait3A_976 = arith.constant 0 : i32
    %dma_wait3A_977 = tpu.memref_slice %arg6[%dma_wait3A_974, %dma_wait3A_975, %dma_wait3A_976] : memref<3x128x128xf32, #tpu.memory_space<vmem>> -> memref<1x128x128xf32, #tpu.memory_space<vmem>>
    %dma_wait3A_978 = tpu.memref_squeeze %dma_wait3A_977 : memref<1x128x128xf32, #tpu.memory_space<vmem>> -> memref<128x128xf32, #tpu.memory_space<vmem>>
    %dma_wait3A_979 = arith.constant 0 : i32
    %dma_wait3A_980 = tpu.memref_slice %arg5[%dma_wait3A_973, %dma_wait3A_979] : memref<32x128xi32, #tpu.memory_space<vmem>> -> memref<1x128xi32, #tpu.memory_space<vmem>>
    %dma_wait3A_981 = tpu.memref_squeeze %dma_wait3A_980 : memref<1x128xi32, #tpu.memory_space<vmem>> -> memref<128xi32, #tpu.memory_space<vmem>>
    %dma_wait3A_982 = arith.constant 0 : i32
    %dma_wait3A_983 = arith.constant 0 : i32
    %dma_wait3A_984 = tpu.memref_slice %arg2[%dma_wait3A_982, %dma_wait3A_983] : memref<262144x128xf32, #tpu.memory_space<hbm>> -> memref<262144x128xf32, #tpu.memory_space<hbm>>
    tpu.wait_indirect_dma semaphore(%arg7 : memref<!tpu.dma_semaphore, #tpu.memory_space<semaphore_mem>>) src(%dma_wait3A_984 : memref<262144x128xf32, #tpu.memory_space<hbm>>) dst(%dma_wait3A_978 : memref<128x128xf32, #tpu.memory_space<vmem>>)
    %add3A_985 = arith.constant 2304 : i32
    %add3A_986 = arith.addi %mul3A_2, %add3A_985 : i32
    %dma_start3A_987 = arith.constant 0 : i32
    %dma_start3A_988 = arith.constant 0 : i32
    %dma_start3A_989 = arith.constant 0 : i32
    %dma_start3A_990 = tpu.memref_slice %arg6[%dma_start3A_987, %dma_start3A_988, %dma_start3A_989] : memref<3x128x128xf32, #tpu.memory_space<vmem>> -> memref<1x128x128xf32, #tpu.memory_space<vmem>>
    %dma_start3A_991 = tpu.memref_squeeze %dma_start3A_990 : memref<1x128x128xf32, #tpu.memory_space<vmem>> -> memref<128x128xf32, #tpu.memory_space<vmem>>
    %dma_start3A_992 = arith.constant 0 : i32
    %dma_start3A_993 = tpu.memref_slice %arg4[%add3A_986, %dma_start3A_992] : memref<131072x128xf32, #tpu.memory_space<hbm>> -> memref<128x128xf32, #tpu.memory_space<hbm>>
    %dma_start3A_994 = arith.constant 0 : i32
    %dma_start3A_995 = tpu.memref_slice %arg4[%add3A_986, %dma_start3A_994] : memref<131072x128xf32, #tpu.memory_space<hbm>> -> memref<128x128xf32, #tpu.memory_space<hbm>>
    %dma_start3A_996 = arith.constant 0 : i32
    %dma_start3A_997 = arith.constant 0 : i32
    %dma_start3A_998 = tpu.memref_slice %arg6[%dma_start3A_987, %dma_start3A_996, %dma_start3A_997] : memref<3x128x128xf32, #tpu.memory_space<vmem>> -> memref<1x128x128xf32, #tpu.memory_space<vmem>>
    %dma_start3A_999 = tpu.memref_squeeze %dma_start3A_998 : memref<1x128x128xf32, #tpu.memory_space<vmem>> -> memref<128x128xf32, #tpu.memory_space<vmem>>
    tpu.enqueue_dma source(%dma_start3A_999 : memref<128x128xf32, #tpu.memory_space<vmem>>) target(%dma_start3A_995 : memref<128x128xf32, #tpu.memory_space<hbm>>) target_semaphore(%arg10 : memref<!tpu.dma_semaphore, #tpu.memory_space<semaphore_mem>>)
    %dma_wait3A_1000 = arith.constant 0 : i32
    %dma_wait3A_1001 = arith.constant 0 : i32
    %dma_wait3A_1002 = arith.constant 0 : i32
    %dma_wait3A_1003 = tpu.memref_slice %arg6[%dma_wait3A_1000, %dma_wait3A_1001, %dma_wait3A_1002] : memref<3x128x128xf32, #tpu.memory_space<vmem>> -> memref<1x128x128xf32, #tpu.memory_space<vmem>>
    %dma_wait3A_1004 = tpu.memref_squeeze %dma_wait3A_1003 : memref<1x128x128xf32, #tpu.memory_space<vmem>> -> memref<128x128xf32, #tpu.memory_space<vmem>>
    %dma_wait3A_1005 = arith.constant 0 : i32
    %dma_wait3A_1006 = tpu.memref_slice %arg4[%add3A_986, %dma_wait3A_1005] : memref<131072x128xf32, #tpu.memory_space<hbm>> -> memref<128x128xf32, #tpu.memory_space<hbm>>
    %dma_wait3A_1007 = arith.constant 0 : i32
    %dma_wait3A_1008 = tpu.memref_slice %arg4[%add3A_986, %dma_wait3A_1007] : memref<131072x128xf32, #tpu.memory_space<hbm>> -> memref<128x128xf32, #tpu.memory_space<hbm>>
    %dma_wait3A_1009 = arith.constant 0 : i32
    %dma_wait3A_1010 = arith.constant 0 : i32
    %dma_wait3A_1011 = tpu.memref_slice %arg6[%dma_wait3A_1000, %dma_wait3A_1009, %dma_wait3A_1010] : memref<3x128x128xf32, #tpu.memory_space<vmem>> -> memref<1x128x128xf32, #tpu.memory_space<vmem>>
    %dma_wait3A_1012 = tpu.memref_squeeze %dma_wait3A_1011 : memref<1x128x128xf32, #tpu.memory_space<vmem>> -> memref<128x128xf32, #tpu.memory_space<vmem>>
    tpu.wait_dma2 semaphore(%arg10 : memref<!tpu.dma_semaphore, #tpu.memory_space<semaphore_mem>>) src(%dma_wait3A_1012 : memref<128x128xf32, #tpu.memory_space<vmem>>) dst(%dma_wait3A_1008 : memref<128x128xf32, #tpu.memory_space<hbm>>)
    %dma_start3A_1013 = arith.constant 21 : i32
    %dma_start3A_1014 = arith.constant 0 : i32
    %dma_start3A_1015 = arith.constant 0 : i32
    %dma_start3A_1016 = arith.constant 0 : i32
    %dma_start3A_1017 = tpu.memref_slice %arg6[%dma_start3A_1014, %dma_start3A_1015, %dma_start3A_1016] : memref<3x128x128xf32, #tpu.memory_space<vmem>> -> memref<1x128x128xf32, #tpu.memory_space<vmem>>
    %dma_start3A_1018 = tpu.memref_squeeze %dma_start3A_1017 : memref<1x128x128xf32, #tpu.memory_space<vmem>> -> memref<128x128xf32, #tpu.memory_space<vmem>>
    %dma_start3A_1019 = arith.constant 0 : i32
    %dma_start3A_1020 = tpu.memref_slice %arg5[%dma_start3A_1013, %dma_start3A_1019] : memref<32x128xi32, #tpu.memory_space<vmem>> -> memref<1x128xi32, #tpu.memory_space<vmem>>
    %dma_start3A_1021 = tpu.memref_squeeze %dma_start3A_1020 : memref<1x128xi32, #tpu.memory_space<vmem>> -> memref<128xi32, #tpu.memory_space<vmem>>
    %dma_start3A_1022 = arith.constant 0 : i32
    %dma_start3A_1023 = arith.constant 0 : i32
    %dma_start3A_1024 = tpu.memref_slice %arg2[%dma_start3A_1022, %dma_start3A_1023] : memref<262144x128xf32, #tpu.memory_space<hbm>> -> memref<262144x128xf32, #tpu.memory_space<hbm>>
    tpu.enqueue_indirect_dma source(%dma_start3A_1024 : memref<262144x128xf32, #tpu.memory_space<hbm>>) target(%dma_start3A_1018 : memref<128x128xf32, #tpu.memory_space<vmem>>) offsets(%dma_start3A_1021 : memref<128xi32, #tpu.memory_space<vmem>>) semaphore(%arg7 : memref<!tpu.dma_semaphore, #tpu.memory_space<semaphore_mem>>)
    %dma_wait3A_1025 = arith.constant 19 : i32
    %dma_wait3A_1026 = arith.constant 1 : i32
    %dma_wait3A_1027 = arith.constant 0 : i32
    %dma_wait3A_1028 = arith.constant 0 : i32
    %dma_wait3A_1029 = tpu.memref_slice %arg6[%dma_wait3A_1026, %dma_wait3A_1027, %dma_wait3A_1028] : memref<3x128x128xf32, #tpu.memory_space<vmem>> -> memref<1x128x128xf32, #tpu.memory_space<vmem>>
    %dma_wait3A_1030 = tpu.memref_squeeze %dma_wait3A_1029 : memref<1x128x128xf32, #tpu.memory_space<vmem>> -> memref<128x128xf32, #tpu.memory_space<vmem>>
    %dma_wait3A_1031 = arith.constant 0 : i32
    %dma_wait3A_1032 = tpu.memref_slice %arg5[%dma_wait3A_1025, %dma_wait3A_1031] : memref<32x128xi32, #tpu.memory_space<vmem>> -> memref<1x128xi32, #tpu.memory_space<vmem>>
    %dma_wait3A_1033 = tpu.memref_squeeze %dma_wait3A_1032 : memref<1x128xi32, #tpu.memory_space<vmem>> -> memref<128xi32, #tpu.memory_space<vmem>>
    %dma_wait3A_1034 = arith.constant 0 : i32
    %dma_wait3A_1035 = arith.constant 0 : i32
    %dma_wait3A_1036 = tpu.memref_slice %arg2[%dma_wait3A_1034, %dma_wait3A_1035] : memref<262144x128xf32, #tpu.memory_space<hbm>> -> memref<262144x128xf32, #tpu.memory_space<hbm>>
    tpu.wait_indirect_dma semaphore(%arg8 : memref<!tpu.dma_semaphore, #tpu.memory_space<semaphore_mem>>) src(%dma_wait3A_1036 : memref<262144x128xf32, #tpu.memory_space<hbm>>) dst(%dma_wait3A_1030 : memref<128x128xf32, #tpu.memory_space<vmem>>)
    %add3A_1037 = arith.constant 2432 : i32
    %add3A_1038 = arith.addi %mul3A_2, %add3A_1037 : i32
    %dma_start3A_1039 = arith.constant 1 : i32
    %dma_start3A_1040 = arith.constant 0 : i32
    %dma_start3A_1041 = arith.constant 0 : i32
    %dma_start3A_1042 = tpu.memref_slice %arg6[%dma_start3A_1039, %dma_start3A_1040, %dma_start3A_1041] : memref<3x128x128xf32, #tpu.memory_space<vmem>> -> memref<1x128x128xf32, #tpu.memory_space<vmem>>
    %dma_start3A_1043 = tpu.memref_squeeze %dma_start3A_1042 : memref<1x128x128xf32, #tpu.memory_space<vmem>> -> memref<128x128xf32, #tpu.memory_space<vmem>>
    %dma_start3A_1044 = arith.constant 0 : i32
    %dma_start3A_1045 = tpu.memref_slice %arg4[%add3A_1038, %dma_start3A_1044] : memref<131072x128xf32, #tpu.memory_space<hbm>> -> memref<128x128xf32, #tpu.memory_space<hbm>>
    %dma_start3A_1046 = arith.constant 0 : i32
    %dma_start3A_1047 = tpu.memref_slice %arg4[%add3A_1038, %dma_start3A_1046] : memref<131072x128xf32, #tpu.memory_space<hbm>> -> memref<128x128xf32, #tpu.memory_space<hbm>>
    %dma_start3A_1048 = arith.constant 0 : i32
    %dma_start3A_1049 = arith.constant 0 : i32
    %dma_start3A_1050 = tpu.memref_slice %arg6[%dma_start3A_1039, %dma_start3A_1048, %dma_start3A_1049] : memref<3x128x128xf32, #tpu.memory_space<vmem>> -> memref<1x128x128xf32, #tpu.memory_space<vmem>>
    %dma_start3A_1051 = tpu.memref_squeeze %dma_start3A_1050 : memref<1x128x128xf32, #tpu.memory_space<vmem>> -> memref<128x128xf32, #tpu.memory_space<vmem>>
    tpu.enqueue_dma source(%dma_start3A_1051 : memref<128x128xf32, #tpu.memory_space<vmem>>) target(%dma_start3A_1047 : memref<128x128xf32, #tpu.memory_space<hbm>>) target_semaphore(%arg11 : memref<!tpu.dma_semaphore, #tpu.memory_space<semaphore_mem>>)
    %dma_wait3A_1052 = arith.constant 1 : i32
    %dma_wait3A_1053 = arith.constant 0 : i32
    %dma_wait3A_1054 = arith.constant 0 : i32
    %dma_wait3A_1055 = tpu.memref_slice %arg6[%dma_wait3A_1052, %dma_wait3A_1053, %dma_wait3A_1054] : memref<3x128x128xf32, #tpu.memory_space<vmem>> -> memref<1x128x128xf32, #tpu.memory_space<vmem>>
    %dma_wait3A_1056 = tpu.memref_squeeze %dma_wait3A_1055 : memref<1x128x128xf32, #tpu.memory_space<vmem>> -> memref<128x128xf32, #tpu.memory_space<vmem>>
    %dma_wait3A_1057 = arith.constant 0 : i32
    %dma_wait3A_1058 = tpu.memref_slice %arg4[%add3A_1038, %dma_wait3A_1057] : memref<131072x128xf32, #tpu.memory_space<hbm>> -> memref<128x128xf32, #tpu.memory_space<hbm>>
    %dma_wait3A_1059 = arith.constant 0 : i32
    %dma_wait3A_1060 = tpu.memref_slice %arg4[%add3A_1038, %dma_wait3A_1059] : memref<131072x128xf32, #tpu.memory_space<hbm>> -> memref<128x128xf32, #tpu.memory_space<hbm>>
    %dma_wait3A_1061 = arith.constant 0 : i32
    %dma_wait3A_1062 = arith.constant 0 : i32
    %dma_wait3A_1063 = tpu.memref_slice %arg6[%dma_wait3A_1052, %dma_wait3A_1061, %dma_wait3A_1062] : memref<3x128x128xf32, #tpu.memory_space<vmem>> -> memref<1x128x128xf32, #tpu.memory_space<vmem>>
    %dma_wait3A_1064 = tpu.memref_squeeze %dma_wait3A_1063 : memref<1x128x128xf32, #tpu.memory_space<vmem>> -> memref<128x128xf32, #tpu.memory_space<vmem>>
    tpu.wait_dma2 semaphore(%arg11 : memref<!tpu.dma_semaphore, #tpu.memory_space<semaphore_mem>>) src(%dma_wait3A_1064 : memref<128x128xf32, #tpu.memory_space<vmem>>) dst(%dma_wait3A_1060 : memref<128x128xf32, #tpu.memory_space<hbm>>)
    %dma_start3A_1065 = arith.constant 22 : i32
    %dma_start3A_1066 = arith.constant 1 : i32
    %dma_start3A_1067 = arith.constant 0 : i32
    %dma_start3A_1068 = arith.constant 0 : i32
    %dma_start3A_1069 = tpu.memref_slice %arg6[%dma_start3A_1066, %dma_start3A_1067, %dma_start3A_1068] : memref<3x128x128xf32, #tpu.memory_space<vmem>> -> memref<1x128x128xf32, #tpu.memory_space<vmem>>
    %dma_start3A_1070 = tpu.memref_squeeze %dma_start3A_1069 : memref<1x128x128xf32, #tpu.memory_space<vmem>> -> memref<128x128xf32, #tpu.memory_space<vmem>>
    %dma_start3A_1071 = arith.constant 0 : i32
    %dma_start3A_1072 = tpu.memref_slice %arg5[%dma_start3A_1065, %dma_start3A_1071] : memref<32x128xi32, #tpu.memory_space<vmem>> -> memref<1x128xi32, #tpu.memory_space<vmem>>
    %dma_start3A_1073 = tpu.memref_squeeze %dma_start3A_1072 : memref<1x128xi32, #tpu.memory_space<vmem>> -> memref<128xi32, #tpu.memory_space<vmem>>
    %dma_start3A_1074 = arith.constant 0 : i32
    %dma_start3A_1075 = arith.constant 0 : i32
    %dma_start3A_1076 = tpu.memref_slice %arg2[%dma_start3A_1074, %dma_start3A_1075] : memref<262144x128xf32, #tpu.memory_space<hbm>> -> memref<262144x128xf32, #tpu.memory_space<hbm>>
    tpu.enqueue_indirect_dma source(%dma_start3A_1076 : memref<262144x128xf32, #tpu.memory_space<hbm>>) target(%dma_start3A_1070 : memref<128x128xf32, #tpu.memory_space<vmem>>) offsets(%dma_start3A_1073 : memref<128xi32, #tpu.memory_space<vmem>>) semaphore(%arg8 : memref<!tpu.dma_semaphore, #tpu.memory_space<semaphore_mem>>)
    %dma_wait3A_1077 = arith.constant 20 : i32
    %dma_wait3A_1078 = arith.constant 2 : i32
    %dma_wait3A_1079 = arith.constant 0 : i32
    %dma_wait3A_1080 = arith.constant 0 : i32
    %dma_wait3A_1081 = tpu.memref_slice %arg6[%dma_wait3A_1078, %dma_wait3A_1079, %dma_wait3A_1080] : memref<3x128x128xf32, #tpu.memory_space<vmem>> -> memref<1x128x128xf32, #tpu.memory_space<vmem>>
    %dma_wait3A_1082 = tpu.memref_squeeze %dma_wait3A_1081 : memref<1x128x128xf32, #tpu.memory_space<vmem>> -> memref<128x128xf32, #tpu.memory_space<vmem>>
    %dma_wait3A_1083 = arith.constant 0 : i32
    %dma_wait3A_1084 = tpu.memref_slice %arg5[%dma_wait3A_1077, %dma_wait3A_1083] : memref<32x128xi32, #tpu.memory_space<vmem>> -> memref<1x128xi32, #tpu.memory_space<vmem>>
    %dma_wait3A_1085 = tpu.memref_squeeze %dma_wait3A_1084 : memref<1x128xi32, #tpu.memory_space<vmem>> -> memref<128xi32, #tpu.memory_space<vmem>>
    %dma_wait3A_1086 = arith.constant 0 : i32
    %dma_wait3A_1087 = arith.constant 0 : i32
    %dma_wait3A_1088 = tpu.memref_slice %arg2[%dma_wait3A_1086, %dma_wait3A_1087] : memref<262144x128xf32, #tpu.memory_space<hbm>> -> memref<262144x128xf32, #tpu.memory_space<hbm>>
    tpu.wait_indirect_dma semaphore(%arg9 : memref<!tpu.dma_semaphore, #tpu.memory_space<semaphore_mem>>) src(%dma_wait3A_1088 : memref<262144x128xf32, #tpu.memory_space<hbm>>) dst(%dma_wait3A_1082 : memref<128x128xf32, #tpu.memory_space<vmem>>)
    %add3A_1089 = arith.constant 2560 : i32
    %add3A_1090 = arith.addi %mul3A_2, %add3A_1089 : i32
    %dma_start3A_1091 = arith.constant 2 : i32
    %dma_start3A_1092 = arith.constant 0 : i32
    %dma_start3A_1093 = arith.constant 0 : i32
    %dma_start3A_1094 = tpu.memref_slice %arg6[%dma_start3A_1091, %dma_start3A_1092, %dma_start3A_1093] : memref<3x128x128xf32, #tpu.memory_space<vmem>> -> memref<1x128x128xf32, #tpu.memory_space<vmem>>
    %dma_start3A_1095 = tpu.memref_squeeze %dma_start3A_1094 : memref<1x128x128xf32, #tpu.memory_space<vmem>> -> memref<128x128xf32, #tpu.memory_space<vmem>>
    %dma_start3A_1096 = arith.constant 0 : i32
    %dma_start3A_1097 = tpu.memref_slice %arg4[%add3A_1090, %dma_start3A_1096] : memref<131072x128xf32, #tpu.memory_space<hbm>> -> memref<128x128xf32, #tpu.memory_space<hbm>>
    %dma_start3A_1098 = arith.constant 0 : i32
    %dma_start3A_1099 = tpu.memref_slice %arg4[%add3A_1090, %dma_start3A_1098] : memref<131072x128xf32, #tpu.memory_space<hbm>> -> memref<128x128xf32, #tpu.memory_space<hbm>>
    %dma_start3A_1100 = arith.constant 0 : i32
    %dma_start3A_1101 = arith.constant 0 : i32
    %dma_start3A_1102 = tpu.memref_slice %arg6[%dma_start3A_1091, %dma_start3A_1100, %dma_start3A_1101] : memref<3x128x128xf32, #tpu.memory_space<vmem>> -> memref<1x128x128xf32, #tpu.memory_space<vmem>>
    %dma_start3A_1103 = tpu.memref_squeeze %dma_start3A_1102 : memref<1x128x128xf32, #tpu.memory_space<vmem>> -> memref<128x128xf32, #tpu.memory_space<vmem>>
    tpu.enqueue_dma source(%dma_start3A_1103 : memref<128x128xf32, #tpu.memory_space<vmem>>) target(%dma_start3A_1099 : memref<128x128xf32, #tpu.memory_space<hbm>>) target_semaphore(%arg12 : memref<!tpu.dma_semaphore, #tpu.memory_space<semaphore_mem>>)
    %dma_wait3A_1104 = arith.constant 2 : i32
    %dma_wait3A_1105 = arith.constant 0 : i32
    %dma_wait3A_1106 = arith.constant 0 : i32
    %dma_wait3A_1107 = tpu.memref_slice %arg6[%dma_wait3A_1104, %dma_wait3A_1105, %dma_wait3A_1106] : memref<3x128x128xf32, #tpu.memory_space<vmem>> -> memref<1x128x128xf32, #tpu.memory_space<vmem>>
    %dma_wait3A_1108 = tpu.memref_squeeze %dma_wait3A_1107 : memref<1x128x128xf32, #tpu.memory_space<vmem>> -> memref<128x128xf32, #tpu.memory_space<vmem>>
    %dma_wait3A_1109 = arith.constant 0 : i32
    %dma_wait3A_1110 = tpu.memref_slice %arg4[%add3A_1090, %dma_wait3A_1109] : memref<131072x128xf32, #tpu.memory_space<hbm>> -> memref<128x128xf32, #tpu.memory_space<hbm>>
    %dma_wait3A_1111 = arith.constant 0 : i32
    %dma_wait3A_1112 = tpu.memref_slice %arg4[%add3A_1090, %dma_wait3A_1111] : memref<131072x128xf32, #tpu.memory_space<hbm>> -> memref<128x128xf32, #tpu.memory_space<hbm>>
    %dma_wait3A_1113 = arith.constant 0 : i32
    %dma_wait3A_1114 = arith.constant 0 : i32
    %dma_wait3A_1115 = tpu.memref_slice %arg6[%dma_wait3A_1104, %dma_wait3A_1113, %dma_wait3A_1114] : memref<3x128x128xf32, #tpu.memory_space<vmem>> -> memref<1x128x128xf32, #tpu.memory_space<vmem>>
    %dma_wait3A_1116 = tpu.memref_squeeze %dma_wait3A_1115 : memref<1x128x128xf32, #tpu.memory_space<vmem>> -> memref<128x128xf32, #tpu.memory_space<vmem>>
    tpu.wait_dma2 semaphore(%arg12 : memref<!tpu.dma_semaphore, #tpu.memory_space<semaphore_mem>>) src(%dma_wait3A_1116 : memref<128x128xf32, #tpu.memory_space<vmem>>) dst(%dma_wait3A_1112 : memref<128x128xf32, #tpu.memory_space<hbm>>)
    %dma_start3A_1117 = arith.constant 23 : i32
    %dma_start3A_1118 = arith.constant 2 : i32
    %dma_start3A_1119 = arith.constant 0 : i32
    %dma_start3A_1120 = arith.constant 0 : i32
    %dma_start3A_1121 = tpu.memref_slice %arg6[%dma_start3A_1118, %dma_start3A_1119, %dma_start3A_1120] : memref<3x128x128xf32, #tpu.memory_space<vmem>> -> memref<1x128x128xf32, #tpu.memory_space<vmem>>
    %dma_start3A_1122 = tpu.memref_squeeze %dma_start3A_1121 : memref<1x128x128xf32, #tpu.memory_space<vmem>> -> memref<128x128xf32, #tpu.memory_space<vmem>>
    %dma_start3A_1123 = arith.constant 0 : i32
    %dma_start3A_1124 = tpu.memref_slice %arg5[%dma_start3A_1117, %dma_start3A_1123] : memref<32x128xi32, #tpu.memory_space<vmem>> -> memref<1x128xi32, #tpu.memory_space<vmem>>
    %dma_start3A_1125 = tpu.memref_squeeze %dma_start3A_1124 : memref<1x128xi32, #tpu.memory_space<vmem>> -> memref<128xi32, #tpu.memory_space<vmem>>
    %dma_start3A_1126 = arith.constant 0 : i32
    %dma_start3A_1127 = arith.constant 0 : i32
    %dma_start3A_1128 = tpu.memref_slice %arg2[%dma_start3A_1126, %dma_start3A_1127] : memref<262144x128xf32, #tpu.memory_space<hbm>> -> memref<262144x128xf32, #tpu.memory_space<hbm>>
    tpu.enqueue_indirect_dma source(%dma_start3A_1128 : memref<262144x128xf32, #tpu.memory_space<hbm>>) target(%dma_start3A_1122 : memref<128x128xf32, #tpu.memory_space<vmem>>) offsets(%dma_start3A_1125 : memref<128xi32, #tpu.memory_space<vmem>>) semaphore(%arg9 : memref<!tpu.dma_semaphore, #tpu.memory_space<semaphore_mem>>)
    %dma_wait3A_1129 = arith.constant 21 : i32
    %dma_wait3A_1130 = arith.constant 0 : i32
    %dma_wait3A_1131 = arith.constant 0 : i32
    %dma_wait3A_1132 = arith.constant 0 : i32
    %dma_wait3A_1133 = tpu.memref_slice %arg6[%dma_wait3A_1130, %dma_wait3A_1131, %dma_wait3A_1132] : memref<3x128x128xf32, #tpu.memory_space<vmem>> -> memref<1x128x128xf32, #tpu.memory_space<vmem>>
    %dma_wait3A_1134 = tpu.memref_squeeze %dma_wait3A_1133 : memref<1x128x128xf32, #tpu.memory_space<vmem>> -> memref<128x128xf32, #tpu.memory_space<vmem>>
    %dma_wait3A_1135 = arith.constant 0 : i32
    %dma_wait3A_1136 = tpu.memref_slice %arg5[%dma_wait3A_1129, %dma_wait3A_1135] : memref<32x128xi32, #tpu.memory_space<vmem>> -> memref<1x128xi32, #tpu.memory_space<vmem>>
    %dma_wait3A_1137 = tpu.memref_squeeze %dma_wait3A_1136 : memref<1x128xi32, #tpu.memory_space<vmem>> -> memref<128xi32, #tpu.memory_space<vmem>>
    %dma_wait3A_1138 = arith.constant 0 : i32
    %dma_wait3A_1139 = arith.constant 0 : i32
    %dma_wait3A_1140 = tpu.memref_slice %arg2[%dma_wait3A_1138, %dma_wait3A_1139] : memref<262144x128xf32, #tpu.memory_space<hbm>> -> memref<262144x128xf32, #tpu.memory_space<hbm>>
    tpu.wait_indirect_dma semaphore(%arg7 : memref<!tpu.dma_semaphore, #tpu.memory_space<semaphore_mem>>) src(%dma_wait3A_1140 : memref<262144x128xf32, #tpu.memory_space<hbm>>) dst(%dma_wait3A_1134 : memref<128x128xf32, #tpu.memory_space<vmem>>)
    %add3A_1141 = arith.constant 2688 : i32
    %add3A_1142 = arith.addi %mul3A_2, %add3A_1141 : i32
    %dma_start3A_1143 = arith.constant 0 : i32
    %dma_start3A_1144 = arith.constant 0 : i32
    %dma_start3A_1145 = arith.constant 0 : i32
    %dma_start3A_1146 = tpu.memref_slice %arg6[%dma_start3A_1143, %dma_start3A_1144, %dma_start3A_1145] : memref<3x128x128xf32, #tpu.memory_space<vmem>> -> memref<1x128x128xf32, #tpu.memory_space<vmem>>
    %dma_start3A_1147 = tpu.memref_squeeze %dma_start3A_1146 : memref<1x128x128xf32, #tpu.memory_space<vmem>> -> memref<128x128xf32, #tpu.memory_space<vmem>>
    %dma_start3A_1148 = arith.constant 0 : i32
    %dma_start3A_1149 = tpu.memref_slice %arg4[%add3A_1142, %dma_start3A_1148] : memref<131072x128xf32, #tpu.memory_space<hbm>> -> memref<128x128xf32, #tpu.memory_space<hbm>>
    %dma_start3A_1150 = arith.constant 0 : i32
    %dma_start3A_1151 = tpu.memref_slice %arg4[%add3A_1142, %dma_start3A_1150] : memref<131072x128xf32, #tpu.memory_space<hbm>> -> memref<128x128xf32, #tpu.memory_space<hbm>>
    %dma_start3A_1152 = arith.constant 0 : i32
    %dma_start3A_1153 = arith.constant 0 : i32
    %dma_start3A_1154 = tpu.memref_slice %arg6[%dma_start3A_1143, %dma_start3A_1152, %dma_start3A_1153] : memref<3x128x128xf32, #tpu.memory_space<vmem>> -> memref<1x128x128xf32, #tpu.memory_space<vmem>>
    %dma_start3A_1155 = tpu.memref_squeeze %dma_start3A_1154 : memref<1x128x128xf32, #tpu.memory_space<vmem>> -> memref<128x128xf32, #tpu.memory_space<vmem>>
    tpu.enqueue_dma source(%dma_start3A_1155 : memref<128x128xf32, #tpu.memory_space<vmem>>) target(%dma_start3A_1151 : memref<128x128xf32, #tpu.memory_space<hbm>>) target_semaphore(%arg10 : memref<!tpu.dma_semaphore, #tpu.memory_space<semaphore_mem>>)
    %dma_wait3A_1156 = arith.constant 0 : i32
    %dma_wait3A_1157 = arith.constant 0 : i32
    %dma_wait3A_1158 = arith.constant 0 : i32
    %dma_wait3A_1159 = tpu.memref_slice %arg6[%dma_wait3A_1156, %dma_wait3A_1157, %dma_wait3A_1158] : memref<3x128x128xf32, #tpu.memory_space<vmem>> -> memref<1x128x128xf32, #tpu.memory_space<vmem>>
    %dma_wait3A_1160 = tpu.memref_squeeze %dma_wait3A_1159 : memref<1x128x128xf32, #tpu.memory_space<vmem>> -> memref<128x128xf32, #tpu.memory_space<vmem>>
    %dma_wait3A_1161 = arith.constant 0 : i32
    %dma_wait3A_1162 = tpu.memref_slice %arg4[%add3A_1142, %dma_wait3A_1161] : memref<131072x128xf32, #tpu.memory_space<hbm>> -> memref<128x128xf32, #tpu.memory_space<hbm>>
    %dma_wait3A_1163 = arith.constant 0 : i32
    %dma_wait3A_1164 = tpu.memref_slice %arg4[%add3A_1142, %dma_wait3A_1163] : memref<131072x128xf32, #tpu.memory_space<hbm>> -> memref<128x128xf32, #tpu.memory_space<hbm>>
    %dma_wait3A_1165 = arith.constant 0 : i32
    %dma_wait3A_1166 = arith.constant 0 : i32
    %dma_wait3A_1167 = tpu.memref_slice %arg6[%dma_wait3A_1156, %dma_wait3A_1165, %dma_wait3A_1166] : memref<3x128x128xf32, #tpu.memory_space<vmem>> -> memref<1x128x128xf32, #tpu.memory_space<vmem>>
    %dma_wait3A_1168 = tpu.memref_squeeze %dma_wait3A_1167 : memref<1x128x128xf32, #tpu.memory_space<vmem>> -> memref<128x128xf32, #tpu.memory_space<vmem>>
    tpu.wait_dma2 semaphore(%arg10 : memref<!tpu.dma_semaphore, #tpu.memory_space<semaphore_mem>>) src(%dma_wait3A_1168 : memref<128x128xf32, #tpu.memory_space<vmem>>) dst(%dma_wait3A_1164 : memref<128x128xf32, #tpu.memory_space<hbm>>)
    %dma_start3A_1169 = arith.constant 24 : i32
    %dma_start3A_1170 = arith.constant 0 : i32
    %dma_start3A_1171 = arith.constant 0 : i32
    %dma_start3A_1172 = arith.constant 0 : i32
    %dma_start3A_1173 = tpu.memref_slice %arg6[%dma_start3A_1170, %dma_start3A_1171, %dma_start3A_1172] : memref<3x128x128xf32, #tpu.memory_space<vmem>> -> memref<1x128x128xf32, #tpu.memory_space<vmem>>
    %dma_start3A_1174 = tpu.memref_squeeze %dma_start3A_1173 : memref<1x128x128xf32, #tpu.memory_space<vmem>> -> memref<128x128xf32, #tpu.memory_space<vmem>>
    %dma_start3A_1175 = arith.constant 0 : i32
    %dma_start3A_1176 = tpu.memref_slice %arg5[%dma_start3A_1169, %dma_start3A_1175] : memref<32x128xi32, #tpu.memory_space<vmem>> -> memref<1x128xi32, #tpu.memory_space<vmem>>
    %dma_start3A_1177 = tpu.memref_squeeze %dma_start3A_1176 : memref<1x128xi32, #tpu.memory_space<vmem>> -> memref<128xi32, #tpu.memory_space<vmem>>
    %dma_start3A_1178 = arith.constant 0 : i32
    %dma_start3A_1179 = arith.constant 0 : i32
    %dma_start3A_1180 = tpu.memref_slice %arg2[%dma_start3A_1178, %dma_start3A_1179] : memref<262144x128xf32, #tpu.memory_space<hbm>> -> memref<262144x128xf32, #tpu.memory_space<hbm>>
    tpu.enqueue_indirect_dma source(%dma_start3A_1180 : memref<262144x128xf32, #tpu.memory_space<hbm>>) target(%dma_start3A_1174 : memref<128x128xf32, #tpu.memory_space<vmem>>) offsets(%dma_start3A_1177 : memref<128xi32, #tpu.memory_space<vmem>>) semaphore(%arg7 : memref<!tpu.dma_semaphore, #tpu.memory_space<semaphore_mem>>)
    %dma_wait3A_1181 = arith.constant 22 : i32
    %dma_wait3A_1182 = arith.constant 1 : i32
    %dma_wait3A_1183 = arith.constant 0 : i32
    %dma_wait3A_1184 = arith.constant 0 : i32
    %dma_wait3A_1185 = tpu.memref_slice %arg6[%dma_wait3A_1182, %dma_wait3A_1183, %dma_wait3A_1184] : memref<3x128x128xf32, #tpu.memory_space<vmem>> -> memref<1x128x128xf32, #tpu.memory_space<vmem>>
    %dma_wait3A_1186 = tpu.memref_squeeze %dma_wait3A_1185 : memref<1x128x128xf32, #tpu.memory_space<vmem>> -> memref<128x128xf32, #tpu.memory_space<vmem>>
    %dma_wait3A_1187 = arith.constant 0 : i32
    %dma_wait3A_1188 = tpu.memref_slice %arg5[%dma_wait3A_1181, %dma_wait3A_1187] : memref<32x128xi32, #tpu.memory_space<vmem>> -> memref<1x128xi32, #tpu.memory_space<vmem>>
    %dma_wait3A_1189 = tpu.memref_squeeze %dma_wait3A_1188 : memref<1x128xi32, #tpu.memory_space<vmem>> -> memref<128xi32, #tpu.memory_space<vmem>>
    %dma_wait3A_1190 = arith.constant 0 : i32
    %dma_wait3A_1191 = arith.constant 0 : i32
    %dma_wait3A_1192 = tpu.memref_slice %arg2[%dma_wait3A_1190, %dma_wait3A_1191] : memref<262144x128xf32, #tpu.memory_space<hbm>> -> memref<262144x128xf32, #tpu.memory_space<hbm>>
    tpu.wait_indirect_dma semaphore(%arg8 : memref<!tpu.dma_semaphore, #tpu.memory_space<semaphore_mem>>) src(%dma_wait3A_1192 : memref<262144x128xf32, #tpu.memory_space<hbm>>) dst(%dma_wait3A_1186 : memref<128x128xf32, #tpu.memory_space<vmem>>)
    %add3A_1193 = arith.constant 2816 : i32
    %add3A_1194 = arith.addi %mul3A_2, %add3A_1193 : i32
    %dma_start3A_1195 = arith.constant 1 : i32
    %dma_start3A_1196 = arith.constant 0 : i32
    %dma_start3A_1197 = arith.constant 0 : i32
    %dma_start3A_1198 = tpu.memref_slice %arg6[%dma_start3A_1195, %dma_start3A_1196, %dma_start3A_1197] : memref<3x128x128xf32, #tpu.memory_space<vmem>> -> memref<1x128x128xf32, #tpu.memory_space<vmem>>
    %dma_start3A_1199 = tpu.memref_squeeze %dma_start3A_1198 : memref<1x128x128xf32, #tpu.memory_space<vmem>> -> memref<128x128xf32, #tpu.memory_space<vmem>>
    %dma_start3A_1200 = arith.constant 0 : i32
    %dma_start3A_1201 = tpu.memref_slice %arg4[%add3A_1194, %dma_start3A_1200] : memref<131072x128xf32, #tpu.memory_space<hbm>> -> memref<128x128xf32, #tpu.memory_space<hbm>>
    %dma_start3A_1202 = arith.constant 0 : i32
    %dma_start3A_1203 = tpu.memref_slice %arg4[%add3A_1194, %dma_start3A_1202] : memref<131072x128xf32, #tpu.memory_space<hbm>> -> memref<128x128xf32, #tpu.memory_space<hbm>>
    %dma_start3A_1204 = arith.constant 0 : i32
    %dma_start3A_1205 = arith.constant 0 : i32
    %dma_start3A_1206 = tpu.memref_slice %arg6[%dma_start3A_1195, %dma_start3A_1204, %dma_start3A_1205] : memref<3x128x128xf32, #tpu.memory_space<vmem>> -> memref<1x128x128xf32, #tpu.memory_space<vmem>>
    %dma_start3A_1207 = tpu.memref_squeeze %dma_start3A_1206 : memref<1x128x128xf32, #tpu.memory_space<vmem>> -> memref<128x128xf32, #tpu.memory_space<vmem>>
    tpu.enqueue_dma source(%dma_start3A_1207 : memref<128x128xf32, #tpu.memory_space<vmem>>) target(%dma_start3A_1203 : memref<128x128xf32, #tpu.memory_space<hbm>>) target_semaphore(%arg11 : memref<!tpu.dma_semaphore, #tpu.memory_space<semaphore_mem>>)
    %dma_wait3A_1208 = arith.constant 1 : i32
    %dma_wait3A_1209 = arith.constant 0 : i32
    %dma_wait3A_1210 = arith.constant 0 : i32
    %dma_wait3A_1211 = tpu.memref_slice %arg6[%dma_wait3A_1208, %dma_wait3A_1209, %dma_wait3A_1210] : memref<3x128x128xf32, #tpu.memory_space<vmem>> -> memref<1x128x128xf32, #tpu.memory_space<vmem>>
    %dma_wait3A_1212 = tpu.memref_squeeze %dma_wait3A_1211 : memref<1x128x128xf32, #tpu.memory_space<vmem>> -> memref<128x128xf32, #tpu.memory_space<vmem>>
    %dma_wait3A_1213 = arith.constant 0 : i32
    %dma_wait3A_1214 = tpu.memref_slice %arg4[%add3A_1194, %dma_wait3A_1213] : memref<131072x128xf32, #tpu.memory_space<hbm>> -> memref<128x128xf32, #tpu.memory_space<hbm>>
    %dma_wait3A_1215 = arith.constant 0 : i32
    %dma_wait3A_1216 = tpu.memref_slice %arg4[%add3A_1194, %dma_wait3A_1215] : memref<131072x128xf32, #tpu.memory_space<hbm>> -> memref<128x128xf32, #tpu.memory_space<hbm>>
    %dma_wait3A_1217 = arith.constant 0 : i32
    %dma_wait3A_1218 = arith.constant 0 : i32
    %dma_wait3A_1219 = tpu.memref_slice %arg6[%dma_wait3A_1208, %dma_wait3A_1217, %dma_wait3A_1218] : memref<3x128x128xf32, #tpu.memory_space<vmem>> -> memref<1x128x128xf32, #tpu.memory_space<vmem>>
    %dma_wait3A_1220 = tpu.memref_squeeze %dma_wait3A_1219 : memref<1x128x128xf32, #tpu.memory_space<vmem>> -> memref<128x128xf32, #tpu.memory_space<vmem>>
    tpu.wait_dma2 semaphore(%arg11 : memref<!tpu.dma_semaphore, #tpu.memory_space<semaphore_mem>>) src(%dma_wait3A_1220 : memref<128x128xf32, #tpu.memory_space<vmem>>) dst(%dma_wait3A_1216 : memref<128x128xf32, #tpu.memory_space<hbm>>)
    %dma_start3A_1221 = arith.constant 25 : i32
    %dma_start3A_1222 = arith.constant 1 : i32
    %dma_start3A_1223 = arith.constant 0 : i32
    %dma_start3A_1224 = arith.constant 0 : i32
    %dma_start3A_1225 = tpu.memref_slice %arg6[%dma_start3A_1222, %dma_start3A_1223, %dma_start3A_1224] : memref<3x128x128xf32, #tpu.memory_space<vmem>> -> memref<1x128x128xf32, #tpu.memory_space<vmem>>
    %dma_start3A_1226 = tpu.memref_squeeze %dma_start3A_1225 : memref<1x128x128xf32, #tpu.memory_space<vmem>> -> memref<128x128xf32, #tpu.memory_space<vmem>>
    %dma_start3A_1227 = arith.constant 0 : i32
    %dma_start3A_1228 = tpu.memref_slice %arg5[%dma_start3A_1221, %dma_start3A_1227] : memref<32x128xi32, #tpu.memory_space<vmem>> -> memref<1x128xi32, #tpu.memory_space<vmem>>
    %dma_start3A_1229 = tpu.memref_squeeze %dma_start3A_1228 : memref<1x128xi32, #tpu.memory_space<vmem>> -> memref<128xi32, #tpu.memory_space<vmem>>
    %dma_start3A_1230 = arith.constant 0 : i32
    %dma_start3A_1231 = arith.constant 0 : i32
    %dma_start3A_1232 = tpu.memref_slice %arg2[%dma_start3A_1230, %dma_start3A_1231] : memref<262144x128xf32, #tpu.memory_space<hbm>> -> memref<262144x128xf32, #tpu.memory_space<hbm>>
    tpu.enqueue_indirect_dma source(%dma_start3A_1232 : memref<262144x128xf32, #tpu.memory_space<hbm>>) target(%dma_start3A_1226 : memref<128x128xf32, #tpu.memory_space<vmem>>) offsets(%dma_start3A_1229 : memref<128xi32, #tpu.memory_space<vmem>>) semaphore(%arg8 : memref<!tpu.dma_semaphore, #tpu.memory_space<semaphore_mem>>)
    %dma_wait3A_1233 = arith.constant 23 : i32
    %dma_wait3A_1234 = arith.constant 2 : i32
    %dma_wait3A_1235 = arith.constant 0 : i32
    %dma_wait3A_1236 = arith.constant 0 : i32
    %dma_wait3A_1237 = tpu.memref_slice %arg6[%dma_wait3A_1234, %dma_wait3A_1235, %dma_wait3A_1236] : memref<3x128x128xf32, #tpu.memory_space<vmem>> -> memref<1x128x128xf32, #tpu.memory_space<vmem>>
    %dma_wait3A_1238 = tpu.memref_squeeze %dma_wait3A_1237 : memref<1x128x128xf32, #tpu.memory_space<vmem>> -> memref<128x128xf32, #tpu.memory_space<vmem>>
    %dma_wait3A_1239 = arith.constant 0 : i32
    %dma_wait3A_1240 = tpu.memref_slice %arg5[%dma_wait3A_1233, %dma_wait3A_1239] : memref<32x128xi32, #tpu.memory_space<vmem>> -> memref<1x128xi32, #tpu.memory_space<vmem>>
    %dma_wait3A_1241 = tpu.memref_squeeze %dma_wait3A_1240 : memref<1x128xi32, #tpu.memory_space<vmem>> -> memref<128xi32, #tpu.memory_space<vmem>>
    %dma_wait3A_1242 = arith.constant 0 : i32
    %dma_wait3A_1243 = arith.constant 0 : i32
    %dma_wait3A_1244 = tpu.memref_slice %arg2[%dma_wait3A_1242, %dma_wait3A_1243] : memref<262144x128xf32, #tpu.memory_space<hbm>> -> memref<262144x128xf32, #tpu.memory_space<hbm>>
    tpu.wait_indirect_dma semaphore(%arg9 : memref<!tpu.dma_semaphore, #tpu.memory_space<semaphore_mem>>) src(%dma_wait3A_1244 : memref<262144x128xf32, #tpu.memory_space<hbm>>) dst(%dma_wait3A_1238 : memref<128x128xf32, #tpu.memory_space<vmem>>)
    %add3A_1245 = arith.constant 2944 : i32
    %add3A_1246 = arith.addi %mul3A_2, %add3A_1245 : i32
    %dma_start3A_1247 = arith.constant 2 : i32
    %dma_start3A_1248 = arith.constant 0 : i32
    %dma_start3A_1249 = arith.constant 0 : i32
    %dma_start3A_1250 = tpu.memref_slice %arg6[%dma_start3A_1247, %dma_start3A_1248, %dma_start3A_1249] : memref<3x128x128xf32, #tpu.memory_space<vmem>> -> memref<1x128x128xf32, #tpu.memory_space<vmem>>
    %dma_start3A_1251 = tpu.memref_squeeze %dma_start3A_1250 : memref<1x128x128xf32, #tpu.memory_space<vmem>> -> memref<128x128xf32, #tpu.memory_space<vmem>>
    %dma_start3A_1252 = arith.constant 0 : i32
    %dma_start3A_1253 = tpu.memref_slice %arg4[%add3A_1246, %dma_start3A_1252] : memref<131072x128xf32, #tpu.memory_space<hbm>> -> memref<128x128xf32, #tpu.memory_space<hbm>>
    %dma_start3A_1254 = arith.constant 0 : i32
    %dma_start3A_1255 = tpu.memref_slice %arg4[%add3A_1246, %dma_start3A_1254] : memref<131072x128xf32, #tpu.memory_space<hbm>> -> memref<128x128xf32, #tpu.memory_space<hbm>>
    %dma_start3A_1256 = arith.constant 0 : i32
    %dma_start3A_1257 = arith.constant 0 : i32
    %dma_start3A_1258 = tpu.memref_slice %arg6[%dma_start3A_1247, %dma_start3A_1256, %dma_start3A_1257] : memref<3x128x128xf32, #tpu.memory_space<vmem>> -> memref<1x128x128xf32, #tpu.memory_space<vmem>>
    %dma_start3A_1259 = tpu.memref_squeeze %dma_start3A_1258 : memref<1x128x128xf32, #tpu.memory_space<vmem>> -> memref<128x128xf32, #tpu.memory_space<vmem>>
    tpu.enqueue_dma source(%dma_start3A_1259 : memref<128x128xf32, #tpu.memory_space<vmem>>) target(%dma_start3A_1255 : memref<128x128xf32, #tpu.memory_space<hbm>>) target_semaphore(%arg12 : memref<!tpu.dma_semaphore, #tpu.memory_space<semaphore_mem>>)
    %dma_wait3A_1260 = arith.constant 2 : i32
    %dma_wait3A_1261 = arith.constant 0 : i32
    %dma_wait3A_1262 = arith.constant 0 : i32
    %dma_wait3A_1263 = tpu.memref_slice %arg6[%dma_wait3A_1260, %dma_wait3A_1261, %dma_wait3A_1262] : memref<3x128x128xf32, #tpu.memory_space<vmem>> -> memref<1x128x128xf32, #tpu.memory_space<vmem>>
    %dma_wait3A_1264 = tpu.memref_squeeze %dma_wait3A_1263 : memref<1x128x128xf32, #tpu.memory_space<vmem>> -> memref<128x128xf32, #tpu.memory_space<vmem>>
    %dma_wait3A_1265 = arith.constant 0 : i32
    %dma_wait3A_1266 = tpu.memref_slice %arg4[%add3A_1246, %dma_wait3A_1265] : memref<131072x128xf32, #tpu.memory_space<hbm>> -> memref<128x128xf32, #tpu.memory_space<hbm>>
    %dma_wait3A_1267 = arith.constant 0 : i32
    %dma_wait3A_1268 = tpu.memref_slice %arg4[%add3A_1246, %dma_wait3A_1267] : memref<131072x128xf32, #tpu.memory_space<hbm>> -> memref<128x128xf32, #tpu.memory_space<hbm>>
    %dma_wait3A_1269 = arith.constant 0 : i32
    %dma_wait3A_1270 = arith.constant 0 : i32
    %dma_wait3A_1271 = tpu.memref_slice %arg6[%dma_wait3A_1260, %dma_wait3A_1269, %dma_wait3A_1270] : memref<3x128x128xf32, #tpu.memory_space<vmem>> -> memref<1x128x128xf32, #tpu.memory_space<vmem>>
    %dma_wait3A_1272 = tpu.memref_squeeze %dma_wait3A_1271 : memref<1x128x128xf32, #tpu.memory_space<vmem>> -> memref<128x128xf32, #tpu.memory_space<vmem>>
    tpu.wait_dma2 semaphore(%arg12 : memref<!tpu.dma_semaphore, #tpu.memory_space<semaphore_mem>>) src(%dma_wait3A_1272 : memref<128x128xf32, #tpu.memory_space<vmem>>) dst(%dma_wait3A_1268 : memref<128x128xf32, #tpu.memory_space<hbm>>)
    %dma_start3A_1273 = arith.constant 26 : i32
    %dma_start3A_1274 = arith.constant 2 : i32
    %dma_start3A_1275 = arith.constant 0 : i32
    %dma_start3A_1276 = arith.constant 0 : i32
    %dma_start3A_1277 = tpu.memref_slice %arg6[%dma_start3A_1274, %dma_start3A_1275, %dma_start3A_1276] : memref<3x128x128xf32, #tpu.memory_space<vmem>> -> memref<1x128x128xf32, #tpu.memory_space<vmem>>
    %dma_start3A_1278 = tpu.memref_squeeze %dma_start3A_1277 : memref<1x128x128xf32, #tpu.memory_space<vmem>> -> memref<128x128xf32, #tpu.memory_space<vmem>>
    %dma_start3A_1279 = arith.constant 0 : i32
    %dma_start3A_1280 = tpu.memref_slice %arg5[%dma_start3A_1273, %dma_start3A_1279] : memref<32x128xi32, #tpu.memory_space<vmem>> -> memref<1x128xi32, #tpu.memory_space<vmem>>
    %dma_start3A_1281 = tpu.memref_squeeze %dma_start3A_1280 : memref<1x128xi32, #tpu.memory_space<vmem>> -> memref<128xi32, #tpu.memory_space<vmem>>
    %dma_start3A_1282 = arith.constant 0 : i32
    %dma_start3A_1283 = arith.constant 0 : i32
    %dma_start3A_1284 = tpu.memref_slice %arg2[%dma_start3A_1282, %dma_start3A_1283] : memref<262144x128xf32, #tpu.memory_space<hbm>> -> memref<262144x128xf32, #tpu.memory_space<hbm>>
    tpu.enqueue_indirect_dma source(%dma_start3A_1284 : memref<262144x128xf32, #tpu.memory_space<hbm>>) target(%dma_start3A_1278 : memref<128x128xf32, #tpu.memory_space<vmem>>) offsets(%dma_start3A_1281 : memref<128xi32, #tpu.memory_space<vmem>>) semaphore(%arg9 : memref<!tpu.dma_semaphore, #tpu.memory_space<semaphore_mem>>)
    %dma_wait3A_1285 = arith.constant 24 : i32
    %dma_wait3A_1286 = arith.constant 0 : i32
    %dma_wait3A_1287 = arith.constant 0 : i32
    %dma_wait3A_1288 = arith.constant 0 : i32
    %dma_wait3A_1289 = tpu.memref_slice %arg6[%dma_wait3A_1286, %dma_wait3A_1287, %dma_wait3A_1288] : memref<3x128x128xf32, #tpu.memory_space<vmem>> -> memref<1x128x128xf32, #tpu.memory_space<vmem>>
    %dma_wait3A_1290 = tpu.memref_squeeze %dma_wait3A_1289 : memref<1x128x128xf32, #tpu.memory_space<vmem>> -> memref<128x128xf32, #tpu.memory_space<vmem>>
    %dma_wait3A_1291 = arith.constant 0 : i32
    %dma_wait3A_1292 = tpu.memref_slice %arg5[%dma_wait3A_1285, %dma_wait3A_1291] : memref<32x128xi32, #tpu.memory_space<vmem>> -> memref<1x128xi32, #tpu.memory_space<vmem>>
    %dma_wait3A_1293 = tpu.memref_squeeze %dma_wait3A_1292 : memref<1x128xi32, #tpu.memory_space<vmem>> -> memref<128xi32, #tpu.memory_space<vmem>>
    %dma_wait3A_1294 = arith.constant 0 : i32
    %dma_wait3A_1295 = arith.constant 0 : i32
    %dma_wait3A_1296 = tpu.memref_slice %arg2[%dma_wait3A_1294, %dma_wait3A_1295] : memref<262144x128xf32, #tpu.memory_space<hbm>> -> memref<262144x128xf32, #tpu.memory_space<hbm>>
    tpu.wait_indirect_dma semaphore(%arg7 : memref<!tpu.dma_semaphore, #tpu.memory_space<semaphore_mem>>) src(%dma_wait3A_1296 : memref<262144x128xf32, #tpu.memory_space<hbm>>) dst(%dma_wait3A_1290 : memref<128x128xf32, #tpu.memory_space<vmem>>)
    %add3A_1297 = arith.constant 3072 : i32
    %add3A_1298 = arith.addi %mul3A_2, %add3A_1297 : i32
    %dma_start3A_1299 = arith.constant 0 : i32
    %dma_start3A_1300 = arith.constant 0 : i32
    %dma_start3A_1301 = arith.constant 0 : i32
    %dma_start3A_1302 = tpu.memref_slice %arg6[%dma_start3A_1299, %dma_start3A_1300, %dma_start3A_1301] : memref<3x128x128xf32, #tpu.memory_space<vmem>> -> memref<1x128x128xf32, #tpu.memory_space<vmem>>
    %dma_start3A_1303 = tpu.memref_squeeze %dma_start3A_1302 : memref<1x128x128xf32, #tpu.memory_space<vmem>> -> memref<128x128xf32, #tpu.memory_space<vmem>>
    %dma_start3A_1304 = arith.constant 0 : i32
    %dma_start3A_1305 = tpu.memref_slice %arg4[%add3A_1298, %dma_start3A_1304] : memref<131072x128xf32, #tpu.memory_space<hbm>> -> memref<128x128xf32, #tpu.memory_space<hbm>>
    %dma_start3A_1306 = arith.constant 0 : i32
    %dma_start3A_1307 = tpu.memref_slice %arg4[%add3A_1298, %dma_start3A_1306] : memref<131072x128xf32, #tpu.memory_space<hbm>> -> memref<128x128xf32, #tpu.memory_space<hbm>>
    %dma_start3A_1308 = arith.constant 0 : i32
    %dma_start3A_1309 = arith.constant 0 : i32
    %dma_start3A_1310 = tpu.memref_slice %arg6[%dma_start3A_1299, %dma_start3A_1308, %dma_start3A_1309] : memref<3x128x128xf32, #tpu.memory_space<vmem>> -> memref<1x128x128xf32, #tpu.memory_space<vmem>>
    %dma_start3A_1311 = tpu.memref_squeeze %dma_start3A_1310 : memref<1x128x128xf32, #tpu.memory_space<vmem>> -> memref<128x128xf32, #tpu.memory_space<vmem>>
    tpu.enqueue_dma source(%dma_start3A_1311 : memref<128x128xf32, #tpu.memory_space<vmem>>) target(%dma_start3A_1307 : memref<128x128xf32, #tpu.memory_space<hbm>>) target_semaphore(%arg10 : memref<!tpu.dma_semaphore, #tpu.memory_space<semaphore_mem>>)
    %dma_wait3A_1312 = arith.constant 0 : i32
    %dma_wait3A_1313 = arith.constant 0 : i32
    %dma_wait3A_1314 = arith.constant 0 : i32
    %dma_wait3A_1315 = tpu.memref_slice %arg6[%dma_wait3A_1312, %dma_wait3A_1313, %dma_wait3A_1314] : memref<3x128x128xf32, #tpu.memory_space<vmem>> -> memref<1x128x128xf32, #tpu.memory_space<vmem>>
    %dma_wait3A_1316 = tpu.memref_squeeze %dma_wait3A_1315 : memref<1x128x128xf32, #tpu.memory_space<vmem>> -> memref<128x128xf32, #tpu.memory_space<vmem>>
    %dma_wait3A_1317 = arith.constant 0 : i32
    %dma_wait3A_1318 = tpu.memref_slice %arg4[%add3A_1298, %dma_wait3A_1317] : memref<131072x128xf32, #tpu.memory_space<hbm>> -> memref<128x128xf32, #tpu.memory_space<hbm>>
    %dma_wait3A_1319 = arith.constant 0 : i32
    %dma_wait3A_1320 = tpu.memref_slice %arg4[%add3A_1298, %dma_wait3A_1319] : memref<131072x128xf32, #tpu.memory_space<hbm>> -> memref<128x128xf32, #tpu.memory_space<hbm>>
    %dma_wait3A_1321 = arith.constant 0 : i32
    %dma_wait3A_1322 = arith.constant 0 : i32
    %dma_wait3A_1323 = tpu.memref_slice %arg6[%dma_wait3A_1312, %dma_wait3A_1321, %dma_wait3A_1322] : memref<3x128x128xf32, #tpu.memory_space<vmem>> -> memref<1x128x128xf32, #tpu.memory_space<vmem>>
    %dma_wait3A_1324 = tpu.memref_squeeze %dma_wait3A_1323 : memref<1x128x128xf32, #tpu.memory_space<vmem>> -> memref<128x128xf32, #tpu.memory_space<vmem>>
    tpu.wait_dma2 semaphore(%arg10 : memref<!tpu.dma_semaphore, #tpu.memory_space<semaphore_mem>>) src(%dma_wait3A_1324 : memref<128x128xf32, #tpu.memory_space<vmem>>) dst(%dma_wait3A_1320 : memref<128x128xf32, #tpu.memory_space<hbm>>)
    %dma_start3A_1325 = arith.constant 27 : i32
    %dma_start3A_1326 = arith.constant 0 : i32
    %dma_start3A_1327 = arith.constant 0 : i32
    %dma_start3A_1328 = arith.constant 0 : i32
    %dma_start3A_1329 = tpu.memref_slice %arg6[%dma_start3A_1326, %dma_start3A_1327, %dma_start3A_1328] : memref<3x128x128xf32, #tpu.memory_space<vmem>> -> memref<1x128x128xf32, #tpu.memory_space<vmem>>
    %dma_start3A_1330 = tpu.memref_squeeze %dma_start3A_1329 : memref<1x128x128xf32, #tpu.memory_space<vmem>> -> memref<128x128xf32, #tpu.memory_space<vmem>>
    %dma_start3A_1331 = arith.constant 0 : i32
    %dma_start3A_1332 = tpu.memref_slice %arg5[%dma_start3A_1325, %dma_start3A_1331] : memref<32x128xi32, #tpu.memory_space<vmem>> -> memref<1x128xi32, #tpu.memory_space<vmem>>
    %dma_start3A_1333 = tpu.memref_squeeze %dma_start3A_1332 : memref<1x128xi32, #tpu.memory_space<vmem>> -> memref<128xi32, #tpu.memory_space<vmem>>
    %dma_start3A_1334 = arith.constant 0 : i32
    %dma_start3A_1335 = arith.constant 0 : i32
    %dma_start3A_1336 = tpu.memref_slice %arg2[%dma_start3A_1334, %dma_start3A_1335] : memref<262144x128xf32, #tpu.memory_space<hbm>> -> memref<262144x128xf32, #tpu.memory_space<hbm>>
    tpu.enqueue_indirect_dma source(%dma_start3A_1336 : memref<262144x128xf32, #tpu.memory_space<hbm>>) target(%dma_start3A_1330 : memref<128x128xf32, #tpu.memory_space<vmem>>) offsets(%dma_start3A_1333 : memref<128xi32, #tpu.memory_space<vmem>>) semaphore(%arg7 : memref<!tpu.dma_semaphore, #tpu.memory_space<semaphore_mem>>)
    %dma_wait3A_1337 = arith.constant 25 : i32
    %dma_wait3A_1338 = arith.constant 1 : i32
    %dma_wait3A_1339 = arith.constant 0 : i32
    %dma_wait3A_1340 = arith.constant 0 : i32
    %dma_wait3A_1341 = tpu.memref_slice %arg6[%dma_wait3A_1338, %dma_wait3A_1339, %dma_wait3A_1340] : memref<3x128x128xf32, #tpu.memory_space<vmem>> -> memref<1x128x128xf32, #tpu.memory_space<vmem>>
    %dma_wait3A_1342 = tpu.memref_squeeze %dma_wait3A_1341 : memref<1x128x128xf32, #tpu.memory_space<vmem>> -> memref<128x128xf32, #tpu.memory_space<vmem>>
    %dma_wait3A_1343 = arith.constant 0 : i32
    %dma_wait3A_1344 = tpu.memref_slice %arg5[%dma_wait3A_1337, %dma_wait3A_1343] : memref<32x128xi32, #tpu.memory_space<vmem>> -> memref<1x128xi32, #tpu.memory_space<vmem>>
    %dma_wait3A_1345 = tpu.memref_squeeze %dma_wait3A_1344 : memref<1x128xi32, #tpu.memory_space<vmem>> -> memref<128xi32, #tpu.memory_space<vmem>>
    %dma_wait3A_1346 = arith.constant 0 : i32
    %dma_wait3A_1347 = arith.constant 0 : i32
    %dma_wait3A_1348 = tpu.memref_slice %arg2[%dma_wait3A_1346, %dma_wait3A_1347] : memref<262144x128xf32, #tpu.memory_space<hbm>> -> memref<262144x128xf32, #tpu.memory_space<hbm>>
    tpu.wait_indirect_dma semaphore(%arg8 : memref<!tpu.dma_semaphore, #tpu.memory_space<semaphore_mem>>) src(%dma_wait3A_1348 : memref<262144x128xf32, #tpu.memory_space<hbm>>) dst(%dma_wait3A_1342 : memref<128x128xf32, #tpu.memory_space<vmem>>)
    %add3A_1349 = arith.constant 3200 : i32
    %add3A_1350 = arith.addi %mul3A_2, %add3A_1349 : i32
    %dma_start3A_1351 = arith.constant 1 : i32
    %dma_start3A_1352 = arith.constant 0 : i32
    %dma_start3A_1353 = arith.constant 0 : i32
    %dma_start3A_1354 = tpu.memref_slice %arg6[%dma_start3A_1351, %dma_start3A_1352, %dma_start3A_1353] : memref<3x128x128xf32, #tpu.memory_space<vmem>> -> memref<1x128x128xf32, #tpu.memory_space<vmem>>
    %dma_start3A_1355 = tpu.memref_squeeze %dma_start3A_1354 : memref<1x128x128xf32, #tpu.memory_space<vmem>> -> memref<128x128xf32, #tpu.memory_space<vmem>>
    %dma_start3A_1356 = arith.constant 0 : i32
    %dma_start3A_1357 = tpu.memref_slice %arg4[%add3A_1350, %dma_start3A_1356] : memref<131072x128xf32, #tpu.memory_space<hbm>> -> memref<128x128xf32, #tpu.memory_space<hbm>>
    %dma_start3A_1358 = arith.constant 0 : i32
    %dma_start3A_1359 = tpu.memref_slice %arg4[%add3A_1350, %dma_start3A_1358] : memref<131072x128xf32, #tpu.memory_space<hbm>> -> memref<128x128xf32, #tpu.memory_space<hbm>>
    %dma_start3A_1360 = arith.constant 0 : i32
    %dma_start3A_1361 = arith.constant 0 : i32
    %dma_start3A_1362 = tpu.memref_slice %arg6[%dma_start3A_1351, %dma_start3A_1360, %dma_start3A_1361] : memref<3x128x128xf32, #tpu.memory_space<vmem>> -> memref<1x128x128xf32, #tpu.memory_space<vmem>>
    %dma_start3A_1363 = tpu.memref_squeeze %dma_start3A_1362 : memref<1x128x128xf32, #tpu.memory_space<vmem>> -> memref<128x128xf32, #tpu.memory_space<vmem>>
    tpu.enqueue_dma source(%dma_start3A_1363 : memref<128x128xf32, #tpu.memory_space<vmem>>) target(%dma_start3A_1359 : memref<128x128xf32, #tpu.memory_space<hbm>>) target_semaphore(%arg11 : memref<!tpu.dma_semaphore, #tpu.memory_space<semaphore_mem>>)
    %dma_wait3A_1364 = arith.constant 1 : i32
    %dma_wait3A_1365 = arith.constant 0 : i32
    %dma_wait3A_1366 = arith.constant 0 : i32
    %dma_wait3A_1367 = tpu.memref_slice %arg6[%dma_wait3A_1364, %dma_wait3A_1365, %dma_wait3A_1366] : memref<3x128x128xf32, #tpu.memory_space<vmem>> -> memref<1x128x128xf32, #tpu.memory_space<vmem>>
    %dma_wait3A_1368 = tpu.memref_squeeze %dma_wait3A_1367 : memref<1x128x128xf32, #tpu.memory_space<vmem>> -> memref<128x128xf32, #tpu.memory_space<vmem>>
    %dma_wait3A_1369 = arith.constant 0 : i32
    %dma_wait3A_1370 = tpu.memref_slice %arg4[%add3A_1350, %dma_wait3A_1369] : memref<131072x128xf32, #tpu.memory_space<hbm>> -> memref<128x128xf32, #tpu.memory_space<hbm>>
    %dma_wait3A_1371 = arith.constant 0 : i32
    %dma_wait3A_1372 = tpu.memref_slice %arg4[%add3A_1350, %dma_wait3A_1371] : memref<131072x128xf32, #tpu.memory_space<hbm>> -> memref<128x128xf32, #tpu.memory_space<hbm>>
    %dma_wait3A_1373 = arith.constant 0 : i32
    %dma_wait3A_1374 = arith.constant 0 : i32
    %dma_wait3A_1375 = tpu.memref_slice %arg6[%dma_wait3A_1364, %dma_wait3A_1373, %dma_wait3A_1374] : memref<3x128x128xf32, #tpu.memory_space<vmem>> -> memref<1x128x128xf32, #tpu.memory_space<vmem>>
    %dma_wait3A_1376 = tpu.memref_squeeze %dma_wait3A_1375 : memref<1x128x128xf32, #tpu.memory_space<vmem>> -> memref<128x128xf32, #tpu.memory_space<vmem>>
    tpu.wait_dma2 semaphore(%arg11 : memref<!tpu.dma_semaphore, #tpu.memory_space<semaphore_mem>>) src(%dma_wait3A_1376 : memref<128x128xf32, #tpu.memory_space<vmem>>) dst(%dma_wait3A_1372 : memref<128x128xf32, #tpu.memory_space<hbm>>)
    %dma_start3A_1377 = arith.constant 28 : i32
    %dma_start3A_1378 = arith.constant 1 : i32
    %dma_start3A_1379 = arith.constant 0 : i32
    %dma_start3A_1380 = arith.constant 0 : i32
    %dma_start3A_1381 = tpu.memref_slice %arg6[%dma_start3A_1378, %dma_start3A_1379, %dma_start3A_1380] : memref<3x128x128xf32, #tpu.memory_space<vmem>> -> memref<1x128x128xf32, #tpu.memory_space<vmem>>
    %dma_start3A_1382 = tpu.memref_squeeze %dma_start3A_1381 : memref<1x128x128xf32, #tpu.memory_space<vmem>> -> memref<128x128xf32, #tpu.memory_space<vmem>>
    %dma_start3A_1383 = arith.constant 0 : i32
    %dma_start3A_1384 = tpu.memref_slice %arg5[%dma_start3A_1377, %dma_start3A_1383] : memref<32x128xi32, #tpu.memory_space<vmem>> -> memref<1x128xi32, #tpu.memory_space<vmem>>
    %dma_start3A_1385 = tpu.memref_squeeze %dma_start3A_1384 : memref<1x128xi32, #tpu.memory_space<vmem>> -> memref<128xi32, #tpu.memory_space<vmem>>
    %dma_start3A_1386 = arith.constant 0 : i32
    %dma_start3A_1387 = arith.constant 0 : i32
    %dma_start3A_1388 = tpu.memref_slice %arg2[%dma_start3A_1386, %dma_start3A_1387] : memref<262144x128xf32, #tpu.memory_space<hbm>> -> memref<262144x128xf32, #tpu.memory_space<hbm>>
    tpu.enqueue_indirect_dma source(%dma_start3A_1388 : memref<262144x128xf32, #tpu.memory_space<hbm>>) target(%dma_start3A_1382 : memref<128x128xf32, #tpu.memory_space<vmem>>) offsets(%dma_start3A_1385 : memref<128xi32, #tpu.memory_space<vmem>>) semaphore(%arg8 : memref<!tpu.dma_semaphore, #tpu.memory_space<semaphore_mem>>)
    %dma_wait3A_1389 = arith.constant 26 : i32
    %dma_wait3A_1390 = arith.constant 2 : i32
    %dma_wait3A_1391 = arith.constant 0 : i32
    %dma_wait3A_1392 = arith.constant 0 : i32
    %dma_wait3A_1393 = tpu.memref_slice %arg6[%dma_wait3A_1390, %dma_wait3A_1391, %dma_wait3A_1392] : memref<3x128x128xf32, #tpu.memory_space<vmem>> -> memref<1x128x128xf32, #tpu.memory_space<vmem>>
    %dma_wait3A_1394 = tpu.memref_squeeze %dma_wait3A_1393 : memref<1x128x128xf32, #tpu.memory_space<vmem>> -> memref<128x128xf32, #tpu.memory_space<vmem>>
    %dma_wait3A_1395 = arith.constant 0 : i32
    %dma_wait3A_1396 = tpu.memref_slice %arg5[%dma_wait3A_1389, %dma_wait3A_1395] : memref<32x128xi32, #tpu.memory_space<vmem>> -> memref<1x128xi32, #tpu.memory_space<vmem>>
    %dma_wait3A_1397 = tpu.memref_squeeze %dma_wait3A_1396 : memref<1x128xi32, #tpu.memory_space<vmem>> -> memref<128xi32, #tpu.memory_space<vmem>>
    %dma_wait3A_1398 = arith.constant 0 : i32
    %dma_wait3A_1399 = arith.constant 0 : i32
    %dma_wait3A_1400 = tpu.memref_slice %arg2[%dma_wait3A_1398, %dma_wait3A_1399] : memref<262144x128xf32, #tpu.memory_space<hbm>> -> memref<262144x128xf32, #tpu.memory_space<hbm>>
    tpu.wait_indirect_dma semaphore(%arg9 : memref<!tpu.dma_semaphore, #tpu.memory_space<semaphore_mem>>) src(%dma_wait3A_1400 : memref<262144x128xf32, #tpu.memory_space<hbm>>) dst(%dma_wait3A_1394 : memref<128x128xf32, #tpu.memory_space<vmem>>)
    %add3A_1401 = arith.constant 3328 : i32
    %add3A_1402 = arith.addi %mul3A_2, %add3A_1401 : i32
    %dma_start3A_1403 = arith.constant 2 : i32
    %dma_start3A_1404 = arith.constant 0 : i32
    %dma_start3A_1405 = arith.constant 0 : i32
    %dma_start3A_1406 = tpu.memref_slice %arg6[%dma_start3A_1403, %dma_start3A_1404, %dma_start3A_1405] : memref<3x128x128xf32, #tpu.memory_space<vmem>> -> memref<1x128x128xf32, #tpu.memory_space<vmem>>
    %dma_start3A_1407 = tpu.memref_squeeze %dma_start3A_1406 : memref<1x128x128xf32, #tpu.memory_space<vmem>> -> memref<128x128xf32, #tpu.memory_space<vmem>>
    %dma_start3A_1408 = arith.constant 0 : i32
    %dma_start3A_1409 = tpu.memref_slice %arg4[%add3A_1402, %dma_start3A_1408] : memref<131072x128xf32, #tpu.memory_space<hbm>> -> memref<128x128xf32, #tpu.memory_space<hbm>>
    %dma_start3A_1410 = arith.constant 0 : i32
    %dma_start3A_1411 = tpu.memref_slice %arg4[%add3A_1402, %dma_start3A_1410] : memref<131072x128xf32, #tpu.memory_space<hbm>> -> memref<128x128xf32, #tpu.memory_space<hbm>>
    %dma_start3A_1412 = arith.constant 0 : i32
    %dma_start3A_1413 = arith.constant 0 : i32
    %dma_start3A_1414 = tpu.memref_slice %arg6[%dma_start3A_1403, %dma_start3A_1412, %dma_start3A_1413] : memref<3x128x128xf32, #tpu.memory_space<vmem>> -> memref<1x128x128xf32, #tpu.memory_space<vmem>>
    %dma_start3A_1415 = tpu.memref_squeeze %dma_start3A_1414 : memref<1x128x128xf32, #tpu.memory_space<vmem>> -> memref<128x128xf32, #tpu.memory_space<vmem>>
    tpu.enqueue_dma source(%dma_start3A_1415 : memref<128x128xf32, #tpu.memory_space<vmem>>) target(%dma_start3A_1411 : memref<128x128xf32, #tpu.memory_space<hbm>>) target_semaphore(%arg12 : memref<!tpu.dma_semaphore, #tpu.memory_space<semaphore_mem>>)
    %dma_wait3A_1416 = arith.constant 2 : i32
    %dma_wait3A_1417 = arith.constant 0 : i32
    %dma_wait3A_1418 = arith.constant 0 : i32
    %dma_wait3A_1419 = tpu.memref_slice %arg6[%dma_wait3A_1416, %dma_wait3A_1417, %dma_wait3A_1418] : memref<3x128x128xf32, #tpu.memory_space<vmem>> -> memref<1x128x128xf32, #tpu.memory_space<vmem>>
    %dma_wait3A_1420 = tpu.memref_squeeze %dma_wait3A_1419 : memref<1x128x128xf32, #tpu.memory_space<vmem>> -> memref<128x128xf32, #tpu.memory_space<vmem>>
    %dma_wait3A_1421 = arith.constant 0 : i32
    %dma_wait3A_1422 = tpu.memref_slice %arg4[%add3A_1402, %dma_wait3A_1421] : memref<131072x128xf32, #tpu.memory_space<hbm>> -> memref<128x128xf32, #tpu.memory_space<hbm>>
    %dma_wait3A_1423 = arith.constant 0 : i32
    %dma_wait3A_1424 = tpu.memref_slice %arg4[%add3A_1402, %dma_wait3A_1423] : memref<131072x128xf32, #tpu.memory_space<hbm>> -> memref<128x128xf32, #tpu.memory_space<hbm>>
    %dma_wait3A_1425 = arith.constant 0 : i32
    %dma_wait3A_1426 = arith.constant 0 : i32
    %dma_wait3A_1427 = tpu.memref_slice %arg6[%dma_wait3A_1416, %dma_wait3A_1425, %dma_wait3A_1426] : memref<3x128x128xf32, #tpu.memory_space<vmem>> -> memref<1x128x128xf32, #tpu.memory_space<vmem>>
    %dma_wait3A_1428 = tpu.memref_squeeze %dma_wait3A_1427 : memref<1x128x128xf32, #tpu.memory_space<vmem>> -> memref<128x128xf32, #tpu.memory_space<vmem>>
    tpu.wait_dma2 semaphore(%arg12 : memref<!tpu.dma_semaphore, #tpu.memory_space<semaphore_mem>>) src(%dma_wait3A_1428 : memref<128x128xf32, #tpu.memory_space<vmem>>) dst(%dma_wait3A_1424 : memref<128x128xf32, #tpu.memory_space<hbm>>)
    %dma_start3A_1429 = arith.constant 29 : i32
    %dma_start3A_1430 = arith.constant 2 : i32
    %dma_start3A_1431 = arith.constant 0 : i32
    %dma_start3A_1432 = arith.constant 0 : i32
    %dma_start3A_1433 = tpu.memref_slice %arg6[%dma_start3A_1430, %dma_start3A_1431, %dma_start3A_1432] : memref<3x128x128xf32, #tpu.memory_space<vmem>> -> memref<1x128x128xf32, #tpu.memory_space<vmem>>
    %dma_start3A_1434 = tpu.memref_squeeze %dma_start3A_1433 : memref<1x128x128xf32, #tpu.memory_space<vmem>> -> memref<128x128xf32, #tpu.memory_space<vmem>>
    %dma_start3A_1435 = arith.constant 0 : i32
    %dma_start3A_1436 = tpu.memref_slice %arg5[%dma_start3A_1429, %dma_start3A_1435] : memref<32x128xi32, #tpu.memory_space<vmem>> -> memref<1x128xi32, #tpu.memory_space<vmem>>
    %dma_start3A_1437 = tpu.memref_squeeze %dma_start3A_1436 : memref<1x128xi32, #tpu.memory_space<vmem>> -> memref<128xi32, #tpu.memory_space<vmem>>
    %dma_start3A_1438 = arith.constant 0 : i32
    %dma_start3A_1439 = arith.constant 0 : i32
    %dma_start3A_1440 = tpu.memref_slice %arg2[%dma_start3A_1438, %dma_start3A_1439] : memref<262144x128xf32, #tpu.memory_space<hbm>> -> memref<262144x128xf32, #tpu.memory_space<hbm>>
    tpu.enqueue_indirect_dma source(%dma_start3A_1440 : memref<262144x128xf32, #tpu.memory_space<hbm>>) target(%dma_start3A_1434 : memref<128x128xf32, #tpu.memory_space<vmem>>) offsets(%dma_start3A_1437 : memref<128xi32, #tpu.memory_space<vmem>>) semaphore(%arg9 : memref<!tpu.dma_semaphore, #tpu.memory_space<semaphore_mem>>)
    %dma_wait3A_1441 = arith.constant 27 : i32
    %dma_wait3A_1442 = arith.constant 0 : i32
    %dma_wait3A_1443 = arith.constant 0 : i32
    %dma_wait3A_1444 = arith.constant 0 : i32
    %dma_wait3A_1445 = tpu.memref_slice %arg6[%dma_wait3A_1442, %dma_wait3A_1443, %dma_wait3A_1444] : memref<3x128x128xf32, #tpu.memory_space<vmem>> -> memref<1x128x128xf32, #tpu.memory_space<vmem>>
    %dma_wait3A_1446 = tpu.memref_squeeze %dma_wait3A_1445 : memref<1x128x128xf32, #tpu.memory_space<vmem>> -> memref<128x128xf32, #tpu.memory_space<vmem>>
    %dma_wait3A_1447 = arith.constant 0 : i32
    %dma_wait3A_1448 = tpu.memref_slice %arg5[%dma_wait3A_1441, %dma_wait3A_1447] : memref<32x128xi32, #tpu.memory_space<vmem>> -> memref<1x128xi32, #tpu.memory_space<vmem>>
    %dma_wait3A_1449 = tpu.memref_squeeze %dma_wait3A_1448 : memref<1x128xi32, #tpu.memory_space<vmem>> -> memref<128xi32, #tpu.memory_space<vmem>>
    %dma_wait3A_1450 = arith.constant 0 : i32
    %dma_wait3A_1451 = arith.constant 0 : i32
    %dma_wait3A_1452 = tpu.memref_slice %arg2[%dma_wait3A_1450, %dma_wait3A_1451] : memref<262144x128xf32, #tpu.memory_space<hbm>> -> memref<262144x128xf32, #tpu.memory_space<hbm>>
    tpu.wait_indirect_dma semaphore(%arg7 : memref<!tpu.dma_semaphore, #tpu.memory_space<semaphore_mem>>) src(%dma_wait3A_1452 : memref<262144x128xf32, #tpu.memory_space<hbm>>) dst(%dma_wait3A_1446 : memref<128x128xf32, #tpu.memory_space<vmem>>)
    %add3A_1453 = arith.constant 3456 : i32
    %add3A_1454 = arith.addi %mul3A_2, %add3A_1453 : i32
    %dma_start3A_1455 = arith.constant 0 : i32
    %dma_start3A_1456 = arith.constant 0 : i32
    %dma_start3A_1457 = arith.constant 0 : i32
    %dma_start3A_1458 = tpu.memref_slice %arg6[%dma_start3A_1455, %dma_start3A_1456, %dma_start3A_1457] : memref<3x128x128xf32, #tpu.memory_space<vmem>> -> memref<1x128x128xf32, #tpu.memory_space<vmem>>
    %dma_start3A_1459 = tpu.memref_squeeze %dma_start3A_1458 : memref<1x128x128xf32, #tpu.memory_space<vmem>> -> memref<128x128xf32, #tpu.memory_space<vmem>>
    %dma_start3A_1460 = arith.constant 0 : i32
    %dma_start3A_1461 = tpu.memref_slice %arg4[%add3A_1454, %dma_start3A_1460] : memref<131072x128xf32, #tpu.memory_space<hbm>> -> memref<128x128xf32, #tpu.memory_space<hbm>>
    %dma_start3A_1462 = arith.constant 0 : i32
    %dma_start3A_1463 = tpu.memref_slice %arg4[%add3A_1454, %dma_start3A_1462] : memref<131072x128xf32, #tpu.memory_space<hbm>> -> memref<128x128xf32, #tpu.memory_space<hbm>>
    %dma_start3A_1464 = arith.constant 0 : i32
    %dma_start3A_1465 = arith.constant 0 : i32
    %dma_start3A_1466 = tpu.memref_slice %arg6[%dma_start3A_1455, %dma_start3A_1464, %dma_start3A_1465] : memref<3x128x128xf32, #tpu.memory_space<vmem>> -> memref<1x128x128xf32, #tpu.memory_space<vmem>>
    %dma_start3A_1467 = tpu.memref_squeeze %dma_start3A_1466 : memref<1x128x128xf32, #tpu.memory_space<vmem>> -> memref<128x128xf32, #tpu.memory_space<vmem>>
    tpu.enqueue_dma source(%dma_start3A_1467 : memref<128x128xf32, #tpu.memory_space<vmem>>) target(%dma_start3A_1463 : memref<128x128xf32, #tpu.memory_space<hbm>>) target_semaphore(%arg10 : memref<!tpu.dma_semaphore, #tpu.memory_space<semaphore_mem>>)
    %dma_wait3A_1468 = arith.constant 0 : i32
    %dma_wait3A_1469 = arith.constant 0 : i32
    %dma_wait3A_1470 = arith.constant 0 : i32
    %dma_wait3A_1471 = tpu.memref_slice %arg6[%dma_wait3A_1468, %dma_wait3A_1469, %dma_wait3A_1470] : memref<3x128x128xf32, #tpu.memory_space<vmem>> -> memref<1x128x128xf32, #tpu.memory_space<vmem>>
    %dma_wait3A_1472 = tpu.memref_squeeze %dma_wait3A_1471 : memref<1x128x128xf32, #tpu.memory_space<vmem>> -> memref<128x128xf32, #tpu.memory_space<vmem>>
    %dma_wait3A_1473 = arith.constant 0 : i32
    %dma_wait3A_1474 = tpu.memref_slice %arg4[%add3A_1454, %dma_wait3A_1473] : memref<131072x128xf32, #tpu.memory_space<hbm>> -> memref<128x128xf32, #tpu.memory_space<hbm>>
    %dma_wait3A_1475 = arith.constant 0 : i32
    %dma_wait3A_1476 = tpu.memref_slice %arg4[%add3A_1454, %dma_wait3A_1475] : memref<131072x128xf32, #tpu.memory_space<hbm>> -> memref<128x128xf32, #tpu.memory_space<hbm>>
    %dma_wait3A_1477 = arith.constant 0 : i32
    %dma_wait3A_1478 = arith.constant 0 : i32
    %dma_wait3A_1479 = tpu.memref_slice %arg6[%dma_wait3A_1468, %dma_wait3A_1477, %dma_wait3A_1478] : memref<3x128x128xf32, #tpu.memory_space<vmem>> -> memref<1x128x128xf32, #tpu.memory_space<vmem>>
    %dma_wait3A_1480 = tpu.memref_squeeze %dma_wait3A_1479 : memref<1x128x128xf32, #tpu.memory_space<vmem>> -> memref<128x128xf32, #tpu.memory_space<vmem>>
    tpu.wait_dma2 semaphore(%arg10 : memref<!tpu.dma_semaphore, #tpu.memory_space<semaphore_mem>>) src(%dma_wait3A_1480 : memref<128x128xf32, #tpu.memory_space<vmem>>) dst(%dma_wait3A_1476 : memref<128x128xf32, #tpu.memory_space<hbm>>)
    %dma_start3A_1481 = arith.constant 30 : i32
    %dma_start3A_1482 = arith.constant 0 : i32
    %dma_start3A_1483 = arith.constant 0 : i32
    %dma_start3A_1484 = arith.constant 0 : i32
    %dma_start3A_1485 = tpu.memref_slice %arg6[%dma_start3A_1482, %dma_start3A_1483, %dma_start3A_1484] : memref<3x128x128xf32, #tpu.memory_space<vmem>> -> memref<1x128x128xf32, #tpu.memory_space<vmem>>
    %dma_start3A_1486 = tpu.memref_squeeze %dma_start3A_1485 : memref<1x128x128xf32, #tpu.memory_space<vmem>> -> memref<128x128xf32, #tpu.memory_space<vmem>>
    %dma_start3A_1487 = arith.constant 0 : i32
    %dma_start3A_1488 = tpu.memref_slice %arg5[%dma_start3A_1481, %dma_start3A_1487] : memref<32x128xi32, #tpu.memory_space<vmem>> -> memref<1x128xi32, #tpu.memory_space<vmem>>
    %dma_start3A_1489 = tpu.memref_squeeze %dma_start3A_1488 : memref<1x128xi32, #tpu.memory_space<vmem>> -> memref<128xi32, #tpu.memory_space<vmem>>
    %dma_start3A_1490 = arith.constant 0 : i32
    %dma_start3A_1491 = arith.constant 0 : i32
    %dma_start3A_1492 = tpu.memref_slice %arg2[%dma_start3A_1490, %dma_start3A_1491] : memref<262144x128xf32, #tpu.memory_space<hbm>> -> memref<262144x128xf32, #tpu.memory_space<hbm>>
    tpu.enqueue_indirect_dma source(%dma_start3A_1492 : memref<262144x128xf32, #tpu.memory_space<hbm>>) target(%dma_start3A_1486 : memref<128x128xf32, #tpu.memory_space<vmem>>) offsets(%dma_start3A_1489 : memref<128xi32, #tpu.memory_space<vmem>>) semaphore(%arg7 : memref<!tpu.dma_semaphore, #tpu.memory_space<semaphore_mem>>)
    %dma_wait3A_1493 = arith.constant 28 : i32
    %dma_wait3A_1494 = arith.constant 1 : i32
    %dma_wait3A_1495 = arith.constant 0 : i32
    %dma_wait3A_1496 = arith.constant 0 : i32
    %dma_wait3A_1497 = tpu.memref_slice %arg6[%dma_wait3A_1494, %dma_wait3A_1495, %dma_wait3A_1496] : memref<3x128x128xf32, #tpu.memory_space<vmem>> -> memref<1x128x128xf32, #tpu.memory_space<vmem>>
    %dma_wait3A_1498 = tpu.memref_squeeze %dma_wait3A_1497 : memref<1x128x128xf32, #tpu.memory_space<vmem>> -> memref<128x128xf32, #tpu.memory_space<vmem>>
    %dma_wait3A_1499 = arith.constant 0 : i32
    %dma_wait3A_1500 = tpu.memref_slice %arg5[%dma_wait3A_1493, %dma_wait3A_1499] : memref<32x128xi32, #tpu.memory_space<vmem>> -> memref<1x128xi32, #tpu.memory_space<vmem>>
    %dma_wait3A_1501 = tpu.memref_squeeze %dma_wait3A_1500 : memref<1x128xi32, #tpu.memory_space<vmem>> -> memref<128xi32, #tpu.memory_space<vmem>>
    %dma_wait3A_1502 = arith.constant 0 : i32
    %dma_wait3A_1503 = arith.constant 0 : i32
    %dma_wait3A_1504 = tpu.memref_slice %arg2[%dma_wait3A_1502, %dma_wait3A_1503] : memref<262144x128xf32, #tpu.memory_space<hbm>> -> memref<262144x128xf32, #tpu.memory_space<hbm>>
    tpu.wait_indirect_dma semaphore(%arg8 : memref<!tpu.dma_semaphore, #tpu.memory_space<semaphore_mem>>) src(%dma_wait3A_1504 : memref<262144x128xf32, #tpu.memory_space<hbm>>) dst(%dma_wait3A_1498 : memref<128x128xf32, #tpu.memory_space<vmem>>)
    %add3A_1505 = arith.constant 3584 : i32
    %add3A_1506 = arith.addi %mul3A_2, %add3A_1505 : i32
    %dma_start3A_1507 = arith.constant 1 : i32
    %dma_start3A_1508 = arith.constant 0 : i32
    %dma_start3A_1509 = arith.constant 0 : i32
    %dma_start3A_1510 = tpu.memref_slice %arg6[%dma_start3A_1507, %dma_start3A_1508, %dma_start3A_1509] : memref<3x128x128xf32, #tpu.memory_space<vmem>> -> memref<1x128x128xf32, #tpu.memory_space<vmem>>
    %dma_start3A_1511 = tpu.memref_squeeze %dma_start3A_1510 : memref<1x128x128xf32, #tpu.memory_space<vmem>> -> memref<128x128xf32, #tpu.memory_space<vmem>>
    %dma_start3A_1512 = arith.constant 0 : i32
    %dma_start3A_1513 = tpu.memref_slice %arg4[%add3A_1506, %dma_start3A_1512] : memref<131072x128xf32, #tpu.memory_space<hbm>> -> memref<128x128xf32, #tpu.memory_space<hbm>>
    %dma_start3A_1514 = arith.constant 0 : i32
    %dma_start3A_1515 = tpu.memref_slice %arg4[%add3A_1506, %dma_start3A_1514] : memref<131072x128xf32, #tpu.memory_space<hbm>> -> memref<128x128xf32, #tpu.memory_space<hbm>>
    %dma_start3A_1516 = arith.constant 0 : i32
    %dma_start3A_1517 = arith.constant 0 : i32
    %dma_start3A_1518 = tpu.memref_slice %arg6[%dma_start3A_1507, %dma_start3A_1516, %dma_start3A_1517] : memref<3x128x128xf32, #tpu.memory_space<vmem>> -> memref<1x128x128xf32, #tpu.memory_space<vmem>>
    %dma_start3A_1519 = tpu.memref_squeeze %dma_start3A_1518 : memref<1x128x128xf32, #tpu.memory_space<vmem>> -> memref<128x128xf32, #tpu.memory_space<vmem>>
    tpu.enqueue_dma source(%dma_start3A_1519 : memref<128x128xf32, #tpu.memory_space<vmem>>) target(%dma_start3A_1515 : memref<128x128xf32, #tpu.memory_space<hbm>>) target_semaphore(%arg11 : memref<!tpu.dma_semaphore, #tpu.memory_space<semaphore_mem>>)
    %dma_wait3A_1520 = arith.constant 1 : i32
    %dma_wait3A_1521 = arith.constant 0 : i32
    %dma_wait3A_1522 = arith.constant 0 : i32
    %dma_wait3A_1523 = tpu.memref_slice %arg6[%dma_wait3A_1520, %dma_wait3A_1521, %dma_wait3A_1522] : memref<3x128x128xf32, #tpu.memory_space<vmem>> -> memref<1x128x128xf32, #tpu.memory_space<vmem>>
    %dma_wait3A_1524 = tpu.memref_squeeze %dma_wait3A_1523 : memref<1x128x128xf32, #tpu.memory_space<vmem>> -> memref<128x128xf32, #tpu.memory_space<vmem>>
    %dma_wait3A_1525 = arith.constant 0 : i32
    %dma_wait3A_1526 = tpu.memref_slice %arg4[%add3A_1506, %dma_wait3A_1525] : memref<131072x128xf32, #tpu.memory_space<hbm>> -> memref<128x128xf32, #tpu.memory_space<hbm>>
    %dma_wait3A_1527 = arith.constant 0 : i32
    %dma_wait3A_1528 = tpu.memref_slice %arg4[%add3A_1506, %dma_wait3A_1527] : memref<131072x128xf32, #tpu.memory_space<hbm>> -> memref<128x128xf32, #tpu.memory_space<hbm>>
    %dma_wait3A_1529 = arith.constant 0 : i32
    %dma_wait3A_1530 = arith.constant 0 : i32
    %dma_wait3A_1531 = tpu.memref_slice %arg6[%dma_wait3A_1520, %dma_wait3A_1529, %dma_wait3A_1530] : memref<3x128x128xf32, #tpu.memory_space<vmem>> -> memref<1x128x128xf32, #tpu.memory_space<vmem>>
    %dma_wait3A_1532 = tpu.memref_squeeze %dma_wait3A_1531 : memref<1x128x128xf32, #tpu.memory_space<vmem>> -> memref<128x128xf32, #tpu.memory_space<vmem>>
    tpu.wait_dma2 semaphore(%arg11 : memref<!tpu.dma_semaphore, #tpu.memory_space<semaphore_mem>>) src(%dma_wait3A_1532 : memref<128x128xf32, #tpu.memory_space<vmem>>) dst(%dma_wait3A_1528 : memref<128x128xf32, #tpu.memory_space<hbm>>)
    %dma_start3A_1533 = arith.constant 31 : i32
    %dma_start3A_1534 = arith.constant 1 : i32
    %dma_start3A_1535 = arith.constant 0 : i32
    %dma_start3A_1536 = arith.constant 0 : i32
    %dma_start3A_1537 = tpu.memref_slice %arg6[%dma_start3A_1534, %dma_start3A_1535, %dma_start3A_1536] : memref<3x128x128xf32, #tpu.memory_space<vmem>> -> memref<1x128x128xf32, #tpu.memory_space<vmem>>
    %dma_start3A_1538 = tpu.memref_squeeze %dma_start3A_1537 : memref<1x128x128xf32, #tpu.memory_space<vmem>> -> memref<128x128xf32, #tpu.memory_space<vmem>>
    %dma_start3A_1539 = arith.constant 0 : i32
    %dma_start3A_1540 = tpu.memref_slice %arg5[%dma_start3A_1533, %dma_start3A_1539] : memref<32x128xi32, #tpu.memory_space<vmem>> -> memref<1x128xi32, #tpu.memory_space<vmem>>
    %dma_start3A_1541 = tpu.memref_squeeze %dma_start3A_1540 : memref<1x128xi32, #tpu.memory_space<vmem>> -> memref<128xi32, #tpu.memory_space<vmem>>
    %dma_start3A_1542 = arith.constant 0 : i32
    %dma_start3A_1543 = arith.constant 0 : i32
    %dma_start3A_1544 = tpu.memref_slice %arg2[%dma_start3A_1542, %dma_start3A_1543] : memref<262144x128xf32, #tpu.memory_space<hbm>> -> memref<262144x128xf32, #tpu.memory_space<hbm>>
    tpu.enqueue_indirect_dma source(%dma_start3A_1544 : memref<262144x128xf32, #tpu.memory_space<hbm>>) target(%dma_start3A_1538 : memref<128x128xf32, #tpu.memory_space<vmem>>) offsets(%dma_start3A_1541 : memref<128xi32, #tpu.memory_space<vmem>>) semaphore(%arg8 : memref<!tpu.dma_semaphore, #tpu.memory_space<semaphore_mem>>)
    %dma_wait3A_1545 = arith.constant 29 : i32
    %dma_wait3A_1546 = arith.constant 2 : i32
    %dma_wait3A_1547 = arith.constant 0 : i32
    %dma_wait3A_1548 = arith.constant 0 : i32
    %dma_wait3A_1549 = tpu.memref_slice %arg6[%dma_wait3A_1546, %dma_wait3A_1547, %dma_wait3A_1548] : memref<3x128x128xf32, #tpu.memory_space<vmem>> -> memref<1x128x128xf32, #tpu.memory_space<vmem>>
    %dma_wait3A_1550 = tpu.memref_squeeze %dma_wait3A_1549 : memref<1x128x128xf32, #tpu.memory_space<vmem>> -> memref<128x128xf32, #tpu.memory_space<vmem>>
    %dma_wait3A_1551 = arith.constant 0 : i32
    %dma_wait3A_1552 = tpu.memref_slice %arg5[%dma_wait3A_1545, %dma_wait3A_1551] : memref<32x128xi32, #tpu.memory_space<vmem>> -> memref<1x128xi32, #tpu.memory_space<vmem>>
    %dma_wait3A_1553 = tpu.memref_squeeze %dma_wait3A_1552 : memref<1x128xi32, #tpu.memory_space<vmem>> -> memref<128xi32, #tpu.memory_space<vmem>>
    %dma_wait3A_1554 = arith.constant 0 : i32
    %dma_wait3A_1555 = arith.constant 0 : i32
    %dma_wait3A_1556 = tpu.memref_slice %arg2[%dma_wait3A_1554, %dma_wait3A_1555] : memref<262144x128xf32, #tpu.memory_space<hbm>> -> memref<262144x128xf32, #tpu.memory_space<hbm>>
    tpu.wait_indirect_dma semaphore(%arg9 : memref<!tpu.dma_semaphore, #tpu.memory_space<semaphore_mem>>) src(%dma_wait3A_1556 : memref<262144x128xf32, #tpu.memory_space<hbm>>) dst(%dma_wait3A_1550 : memref<128x128xf32, #tpu.memory_space<vmem>>)
    %add3A_1557 = arith.constant 3712 : i32
    %add3A_1558 = arith.addi %mul3A_2, %add3A_1557 : i32
    %dma_start3A_1559 = arith.constant 2 : i32
    %dma_start3A_1560 = arith.constant 0 : i32
    %dma_start3A_1561 = arith.constant 0 : i32
    %dma_start3A_1562 = tpu.memref_slice %arg6[%dma_start3A_1559, %dma_start3A_1560, %dma_start3A_1561] : memref<3x128x128xf32, #tpu.memory_space<vmem>> -> memref<1x128x128xf32, #tpu.memory_space<vmem>>
    %dma_start3A_1563 = tpu.memref_squeeze %dma_start3A_1562 : memref<1x128x128xf32, #tpu.memory_space<vmem>> -> memref<128x128xf32, #tpu.memory_space<vmem>>
    %dma_start3A_1564 = arith.constant 0 : i32
    %dma_start3A_1565 = tpu.memref_slice %arg4[%add3A_1558, %dma_start3A_1564] : memref<131072x128xf32, #tpu.memory_space<hbm>> -> memref<128x128xf32, #tpu.memory_space<hbm>>
    %dma_start3A_1566 = arith.constant 0 : i32
    %dma_start3A_1567 = tpu.memref_slice %arg4[%add3A_1558, %dma_start3A_1566] : memref<131072x128xf32, #tpu.memory_space<hbm>> -> memref<128x128xf32, #tpu.memory_space<hbm>>
    %dma_start3A_1568 = arith.constant 0 : i32
    %dma_start3A_1569 = arith.constant 0 : i32
    %dma_start3A_1570 = tpu.memref_slice %arg6[%dma_start3A_1559, %dma_start3A_1568, %dma_start3A_1569] : memref<3x128x128xf32, #tpu.memory_space<vmem>> -> memref<1x128x128xf32, #tpu.memory_space<vmem>>
    %dma_start3A_1571 = tpu.memref_squeeze %dma_start3A_1570 : memref<1x128x128xf32, #tpu.memory_space<vmem>> -> memref<128x128xf32, #tpu.memory_space<vmem>>
    tpu.enqueue_dma source(%dma_start3A_1571 : memref<128x128xf32, #tpu.memory_space<vmem>>) target(%dma_start3A_1567 : memref<128x128xf32, #tpu.memory_space<hbm>>) target_semaphore(%arg12 : memref<!tpu.dma_semaphore, #tpu.memory_space<semaphore_mem>>)
    %dma_wait3A_1572 = arith.constant 30 : i32
    %dma_wait3A_1573 = arith.constant 0 : i32
    %dma_wait3A_1574 = arith.constant 0 : i32
    %dma_wait3A_1575 = arith.constant 0 : i32
    %dma_wait3A_1576 = tpu.memref_slice %arg6[%dma_wait3A_1573, %dma_wait3A_1574, %dma_wait3A_1575] : memref<3x128x128xf32, #tpu.memory_space<vmem>> -> memref<1x128x128xf32, #tpu.memory_space<vmem>>
    %dma_wait3A_1577 = tpu.memref_squeeze %dma_wait3A_1576 : memref<1x128x128xf32, #tpu.memory_space<vmem>> -> memref<128x128xf32, #tpu.memory_space<vmem>>
    %dma_wait3A_1578 = arith.constant 0 : i32
    %dma_wait3A_1579 = tpu.memref_slice %arg5[%dma_wait3A_1572, %dma_wait3A_1578] : memref<32x128xi32, #tpu.memory_space<vmem>> -> memref<1x128xi32, #tpu.memory_space<vmem>>
    %dma_wait3A_1580 = tpu.memref_squeeze %dma_wait3A_1579 : memref<1x128xi32, #tpu.memory_space<vmem>> -> memref<128xi32, #tpu.memory_space<vmem>>
    %dma_wait3A_1581 = arith.constant 0 : i32
    %dma_wait3A_1582 = arith.constant 0 : i32
    %dma_wait3A_1583 = tpu.memref_slice %arg2[%dma_wait3A_1581, %dma_wait3A_1582] : memref<262144x128xf32, #tpu.memory_space<hbm>> -> memref<262144x128xf32, #tpu.memory_space<hbm>>
    tpu.wait_indirect_dma semaphore(%arg7 : memref<!tpu.dma_semaphore, #tpu.memory_space<semaphore_mem>>) src(%dma_wait3A_1583 : memref<262144x128xf32, #tpu.memory_space<hbm>>) dst(%dma_wait3A_1577 : memref<128x128xf32, #tpu.memory_space<vmem>>)
    %add3A_1584 = arith.constant 3840 : i32
    %add3A_1585 = arith.addi %mul3A_2, %add3A_1584 : i32
    %dma_start3A_1586 = arith.constant 0 : i32
    %dma_start3A_1587 = arith.constant 0 : i32
    %dma_start3A_1588 = arith.constant 0 : i32
    %dma_start3A_1589 = tpu.memref_slice %arg6[%dma_start3A_1586, %dma_start3A_1587, %dma_start3A_1588] : memref<3x128x128xf32, #tpu.memory_space<vmem>> -> memref<1x128x128xf32, #tpu.memory_space<vmem>>
    %dma_start3A_1590 = tpu.memref_squeeze %dma_start3A_1589 : memref<1x128x128xf32, #tpu.memory_space<vmem>> -> memref<128x128xf32, #tpu.memory_space<vmem>>
    %dma_start3A_1591 = arith.constant 0 : i32
    %dma_start3A_1592 = tpu.memref_slice %arg4[%add3A_1585, %dma_start3A_1591] : memref<131072x128xf32, #tpu.memory_space<hbm>> -> memref<128x128xf32, #tpu.memory_space<hbm>>
    %dma_start3A_1593 = arith.constant 0 : i32
    %dma_start3A_1594 = tpu.memref_slice %arg4[%add3A_1585, %dma_start3A_1593] : memref<131072x128xf32, #tpu.memory_space<hbm>> -> memref<128x128xf32, #tpu.memory_space<hbm>>
    %dma_start3A_1595 = arith.constant 0 : i32
    %dma_start3A_1596 = arith.constant 0 : i32
    %dma_start3A_1597 = tpu.memref_slice %arg6[%dma_start3A_1586, %dma_start3A_1595, %dma_start3A_1596] : memref<3x128x128xf32, #tpu.memory_space<vmem>> -> memref<1x128x128xf32, #tpu.memory_space<vmem>>
    %dma_start3A_1598 = tpu.memref_squeeze %dma_start3A_1597 : memref<1x128x128xf32, #tpu.memory_space<vmem>> -> memref<128x128xf32, #tpu.memory_space<vmem>>
    tpu.enqueue_dma source(%dma_start3A_1598 : memref<128x128xf32, #tpu.memory_space<vmem>>) target(%dma_start3A_1594 : memref<128x128xf32, #tpu.memory_space<hbm>>) target_semaphore(%arg10 : memref<!tpu.dma_semaphore, #tpu.memory_space<semaphore_mem>>)
    %dma_wait3A_1599 = arith.constant 31 : i32
    %dma_wait3A_1600 = arith.constant 1 : i32
    %dma_wait3A_1601 = arith.constant 0 : i32
    %dma_wait3A_1602 = arith.constant 0 : i32
    %dma_wait3A_1603 = tpu.memref_slice %arg6[%dma_wait3A_1600, %dma_wait3A_1601, %dma_wait3A_1602] : memref<3x128x128xf32, #tpu.memory_space<vmem>> -> memref<1x128x128xf32, #tpu.memory_space<vmem>>
    %dma_wait3A_1604 = tpu.memref_squeeze %dma_wait3A_1603 : memref<1x128x128xf32, #tpu.memory_space<vmem>> -> memref<128x128xf32, #tpu.memory_space<vmem>>
    %dma_wait3A_1605 = arith.constant 0 : i32
    %dma_wait3A_1606 = tpu.memref_slice %arg5[%dma_wait3A_1599, %dma_wait3A_1605] : memref<32x128xi32, #tpu.memory_space<vmem>> -> memref<1x128xi32, #tpu.memory_space<vmem>>
    %dma_wait3A_1607 = tpu.memref_squeeze %dma_wait3A_1606 : memref<1x128xi32, #tpu.memory_space<vmem>> -> memref<128xi32, #tpu.memory_space<vmem>>
    %dma_wait3A_1608 = arith.constant 0 : i32
    %dma_wait3A_1609 = arith.constant 0 : i32
    %dma_wait3A_1610 = tpu.memref_slice %arg2[%dma_wait3A_1608, %dma_wait3A_1609] : memref<262144x128xf32, #tpu.memory_space<hbm>> -> memref<262144x128xf32, #tpu.memory_space<hbm>>
    tpu.wait_indirect_dma semaphore(%arg8 : memref<!tpu.dma_semaphore, #tpu.memory_space<semaphore_mem>>) src(%dma_wait3A_1610 : memref<262144x128xf32, #tpu.memory_space<hbm>>) dst(%dma_wait3A_1604 : memref<128x128xf32, #tpu.memory_space<vmem>>)
    %add3A_1611 = arith.constant 3968 : i32
    %add3A_1612 = arith.addi %mul3A_2, %add3A_1611 : i32
    %dma_start3A_1613 = arith.constant 1 : i32
    %dma_start3A_1614 = arith.constant 0 : i32
    %dma_start3A_1615 = arith.constant 0 : i32
    %dma_start3A_1616 = tpu.memref_slice %arg6[%dma_start3A_1613, %dma_start3A_1614, %dma_start3A_1615] : memref<3x128x128xf32, #tpu.memory_space<vmem>> -> memref<1x128x128xf32, #tpu.memory_space<vmem>>
    %dma_start3A_1617 = tpu.memref_squeeze %dma_start3A_1616 : memref<1x128x128xf32, #tpu.memory_space<vmem>> -> memref<128x128xf32, #tpu.memory_space<vmem>>
    %dma_start3A_1618 = arith.constant 0 : i32
    %dma_start3A_1619 = tpu.memref_slice %arg4[%add3A_1612, %dma_start3A_1618] : memref<131072x128xf32, #tpu.memory_space<hbm>> -> memref<128x128xf32, #tpu.memory_space<hbm>>
    %dma_start3A_1620 = arith.constant 0 : i32
    %dma_start3A_1621 = tpu.memref_slice %arg4[%add3A_1612, %dma_start3A_1620] : memref<131072x128xf32, #tpu.memory_space<hbm>> -> memref<128x128xf32, #tpu.memory_space<hbm>>
    %dma_start3A_1622 = arith.constant 0 : i32
    %dma_start3A_1623 = arith.constant 0 : i32
    %dma_start3A_1624 = tpu.memref_slice %arg6[%dma_start3A_1613, %dma_start3A_1622, %dma_start3A_1623] : memref<3x128x128xf32, #tpu.memory_space<vmem>> -> memref<1x128x128xf32, #tpu.memory_space<vmem>>
    %dma_start3A_1625 = tpu.memref_squeeze %dma_start3A_1624 : memref<1x128x128xf32, #tpu.memory_space<vmem>> -> memref<128x128xf32, #tpu.memory_space<vmem>>
    tpu.enqueue_dma source(%dma_start3A_1625 : memref<128x128xf32, #tpu.memory_space<vmem>>) target(%dma_start3A_1621 : memref<128x128xf32, #tpu.memory_space<hbm>>) target_semaphore(%arg11 : memref<!tpu.dma_semaphore, #tpu.memory_space<semaphore_mem>>)
    %dma_wait3A_1626 = arith.constant 2 : i32
    %dma_wait3A_1627 = arith.constant 0 : i32
    %dma_wait3A_1628 = arith.constant 0 : i32
    %dma_wait3A_1629 = tpu.memref_slice %arg6[%dma_wait3A_1626, %dma_wait3A_1627, %dma_wait3A_1628] : memref<3x128x128xf32, #tpu.memory_space<vmem>> -> memref<1x128x128xf32, #tpu.memory_space<vmem>>
    %dma_wait3A_1630 = tpu.memref_squeeze %dma_wait3A_1629 : memref<1x128x128xf32, #tpu.memory_space<vmem>> -> memref<128x128xf32, #tpu.memory_space<vmem>>
    %dma_wait3A_1631 = arith.constant 0 : i32
    %dma_wait3A_1632 = tpu.memref_slice %arg4[%add3A_1558, %dma_wait3A_1631] : memref<131072x128xf32, #tpu.memory_space<hbm>> -> memref<128x128xf32, #tpu.memory_space<hbm>>
    %dma_wait3A_1633 = arith.constant 0 : i32
    %dma_wait3A_1634 = tpu.memref_slice %arg4[%add3A_1558, %dma_wait3A_1633] : memref<131072x128xf32, #tpu.memory_space<hbm>> -> memref<128x128xf32, #tpu.memory_space<hbm>>
    %dma_wait3A_1635 = arith.constant 0 : i32
    %dma_wait3A_1636 = arith.constant 0 : i32
    %dma_wait3A_1637 = tpu.memref_slice %arg6[%dma_wait3A_1626, %dma_wait3A_1635, %dma_wait3A_1636] : memref<3x128x128xf32, #tpu.memory_space<vmem>> -> memref<1x128x128xf32, #tpu.memory_space<vmem>>
    %dma_wait3A_1638 = tpu.memref_squeeze %dma_wait3A_1637 : memref<1x128x128xf32, #tpu.memory_space<vmem>> -> memref<128x128xf32, #tpu.memory_space<vmem>>
    tpu.wait_dma2 semaphore(%arg12 : memref<!tpu.dma_semaphore, #tpu.memory_space<semaphore_mem>>) src(%dma_wait3A_1638 : memref<128x128xf32, #tpu.memory_space<vmem>>) dst(%dma_wait3A_1634 : memref<128x128xf32, #tpu.memory_space<hbm>>)
    %dma_wait3A_1639 = arith.constant 0 : i32
    %dma_wait3A_1640 = arith.constant 0 : i32
    %dma_wait3A_1641 = arith.constant 0 : i32
    %dma_wait3A_1642 = tpu.memref_slice %arg6[%dma_wait3A_1639, %dma_wait3A_1640, %dma_wait3A_1641] : memref<3x128x128xf32, #tpu.memory_space<vmem>> -> memref<1x128x128xf32, #tpu.memory_space<vmem>>
    %dma_wait3A_1643 = tpu.memref_squeeze %dma_wait3A_1642 : memref<1x128x128xf32, #tpu.memory_space<vmem>> -> memref<128x128xf32, #tpu.memory_space<vmem>>
    %dma_wait3A_1644 = arith.constant 0 : i32
    %dma_wait3A_1645 = tpu.memref_slice %arg4[%add3A_1585, %dma_wait3A_1644] : memref<131072x128xf32, #tpu.memory_space<hbm>> -> memref<128x128xf32, #tpu.memory_space<hbm>>
    %dma_wait3A_1646 = arith.constant 0 : i32
    %dma_wait3A_1647 = tpu.memref_slice %arg4[%add3A_1585, %dma_wait3A_1646] : memref<131072x128xf32, #tpu.memory_space<hbm>> -> memref<128x128xf32, #tpu.memory_space<hbm>>
    %dma_wait3A_1648 = arith.constant 0 : i32
    %dma_wait3A_1649 = arith.constant 0 : i32
    %dma_wait3A_1650 = tpu.memref_slice %arg6[%dma_wait3A_1639, %dma_wait3A_1648, %dma_wait3A_1649] : memref<3x128x128xf32, #tpu.memory_space<vmem>> -> memref<1x128x128xf32, #tpu.memory_space<vmem>>
    %dma_wait3A_1651 = tpu.memref_squeeze %dma_wait3A_1650 : memref<1x128x128xf32, #tpu.memory_space<vmem>> -> memref<128x128xf32, #tpu.memory_space<vmem>>
    tpu.wait_dma2 semaphore(%arg10 : memref<!tpu.dma_semaphore, #tpu.memory_space<semaphore_mem>>) src(%dma_wait3A_1651 : memref<128x128xf32, #tpu.memory_space<vmem>>) dst(%dma_wait3A_1647 : memref<128x128xf32, #tpu.memory_space<hbm>>)
    %dma_wait3A_1652 = arith.constant 1 : i32
    %dma_wait3A_1653 = arith.constant 0 : i32
    %dma_wait3A_1654 = arith.constant 0 : i32
    %dma_wait3A_1655 = tpu.memref_slice %arg6[%dma_wait3A_1652, %dma_wait3A_1653, %dma_wait3A_1654] : memref<3x128x128xf32, #tpu.memory_space<vmem>> -> memref<1x128x128xf32, #tpu.memory_space<vmem>>
    %dma_wait3A_1656 = tpu.memref_squeeze %dma_wait3A_1655 : memref<1x128x128xf32, #tpu.memory_space<vmem>> -> memref<128x128xf32, #tpu.memory_space<vmem>>
    %dma_wait3A_1657 = arith.constant 0 : i32
    %dma_wait3A_1658 = tpu.memref_slice %arg4[%add3A_1612, %dma_wait3A_1657] : memref<131072x128xf32, #tpu.memory_space<hbm>> -> memref<128x128xf32, #tpu.memory_space<hbm>>
    %dma_wait3A_1659 = arith.constant 0 : i32
    %dma_wait3A_1660 = tpu.memref_slice %arg4[%add3A_1612, %dma_wait3A_1659] : memref<131072x128xf32, #tpu.memory_space<hbm>> -> memref<128x128xf32, #tpu.memory_space<hbm>>
    %dma_wait3A_1661 = arith.constant 0 : i32
    %dma_wait3A_1662 = arith.constant 0 : i32
    %dma_wait3A_1663 = tpu.memref_slice %arg6[%dma_wait3A_1652, %dma_wait3A_1661, %dma_wait3A_1662] : memref<3x128x128xf32, #tpu.memory_space<vmem>> -> memref<1x128x128xf32, #tpu.memory_space<vmem>>
    %dma_wait3A_1664 = tpu.memref_squeeze %dma_wait3A_1663 : memref<1x128x128xf32, #tpu.memory_space<vmem>> -> memref<128x128xf32, #tpu.memory_space<vmem>>
    tpu.wait_dma2 semaphore(%arg11 : memref<!tpu.dma_semaphore, #tpu.memory_space<semaphore_mem>>) src(%dma_wait3A_1664 : memref<128x128xf32, #tpu.memory_space<vmem>>) dst(%dma_wait3A_1660 : memref<128x128xf32, #tpu.memory_space<hbm>>)
    return
  }
}

module attributes {stable_mosaic.version = 14 : i64} {
  func.func @_stage1_body(%arg0: i32, %arg1: memref<512x1024xf32, #tpu.memory_space<vmem>>, %arg2: memref<1024x1024xf32, #tpu.memory_space<vmem>>, %arg3: memref<1x1024xf32, #tpu.memory_space<vmem>>, %arg4: memref<4x256x128xf32, #tpu.memory_space<vmem>>, %arg5: memref<4x256x128xf32, #tpu.memory_space<vmem>>, %arg6: memref<32x512xi32, #tpu.memory_space<vmem>>, %arg7: memref<32x512xf32, #tpu.memory_space<vmem>>) attributes {dimension_semantics = [#tpu.dimension_semantics<arbitrary>], iteration_bounds = array<i64: 8>, scalar_prefetch = 0 : i64, scratch_operands = 0 : i64, tpu.core_type = #tpu.core_type<tc>, window_params = [{transform_indices = @transform_0, window_bounds = array<i64: 512, 1024>}, {pipeline_mode = #tpu.pipeline_mode<synchronous>, transform_indices = @transform_1, window_bounds = array<i64: 1024, 1024>}, {pipeline_mode = #tpu.pipeline_mode<synchronous>, transform_indices = @transform_2, window_bounds = array<i64: 1, 1024>}, {pipeline_mode = #tpu.pipeline_mode<synchronous>, transform_indices = @transform_3, window_bounds = array<i64: 4, 256, 128>}, {pipeline_mode = #tpu.pipeline_mode<synchronous>, transform_indices = @transform_4, window_bounds = array<i64: 4, 256, 128>}, {transform_indices = @transform_5, window_bounds = array<i64: 32, 512>}, {transform_indices = @transform_6, window_bounds = array<i64: 32, 512>}]} {
    %get3A = arith.constant 0 : index
    %get3A_0 = arith.constant 0 : index
    %get3A_1 = vector.load %arg1[%get3A, %get3A_0] : memref<512x1024xf32, #tpu.memory_space<vmem>>, vector<512x1024xf32>
    %mul3A = arith.mulf %get3A_1, %get3A_1 : vector<512x1024xf32>
    %reduce_sum3A = arith.constant dense<0.000000e+00> : vector<512xf32>
    %reduce_sum3A_2 = vector.multi_reduction <add>, %mul3A, %reduce_sum3A [1] : vector<512x1024xf32> to vector<512xf32>
    %broadcast_in_dim3A = vector.shape_cast %reduce_sum3A_2 : vector<512xf32> to vector<512x1xf32>
    %div3A = arith.constant 1.024000e+03 : f32
    %div3A_3 = vector.broadcast %div3A : f32 to vector<512x1xf32>
    %div3A_4 = arith.divf %broadcast_in_dim3A, %div3A_3 : vector<512x1xf32>
    %add3A = arith.constant 1.1920929E-7 : f32
    %add3A_5 = vector.broadcast %add3A : f32 to vector<512x1xf32>
    %add3A_6 = arith.addf %div3A_4, %add3A_5 : vector<512x1xf32>
    %rsqrt3A = math.rsqrt %add3A_6 : vector<512x1xf32>
    %mul3A_7 = vector.broadcast %rsqrt3A : vector<512x1xf32> to vector<512x1024xf32>
    %mul3A_8 = arith.mulf %get3A_1, %mul3A_7 : vector<512x1024xf32>
    %get3A_9 = arith.constant 0 : index
    %get3A_10 = arith.constant 0 : index
    %get3A_11 = vector.load %arg3[%get3A_9, %get3A_10] : memref<1x1024xf32, #tpu.memory_space<vmem>>, vector<1x1024xf32>
    %mul3A_12 = vector.broadcast %get3A_11 : vector<1x1024xf32> to vector<512x1024xf32>
    %mul3A_13 = arith.mulf %mul3A_8, %mul3A_12 : vector<512x1024xf32>
    %get3A_14 = arith.constant 0 : index
    %get3A_15 = arith.constant 0 : index
    %get3A_16 = vector.load %arg2[%get3A_14, %get3A_15] : memref<1024x1024xf32, #tpu.memory_space<vmem>>, vector<1024x1024xf32>
    %dot_general3A = arith.constant dense<0.000000e+00> : vector<512x1024xf32>
    %dot_general3A_17 = tpu.matmul %mul3A_13, %get3A_16, %dot_general3A {dimension_numbers = #tpu.dot_dimension_numbers<[1], [0], [0], [1], [0, 0, 1, 1], [], []>, transpose_lhs_hint = false} : vector<512x1024xf32>, vector<1024x1024xf32>, vector<512x1024xf32> -> vector<512x1024xf32>
    %slice3A = vector.extract_strided_slice %dot_general3A_17 {offsets = [0, 0], sizes = [512, 128], strides = [1, 1]} : vector<512x1024xf32> to vector<512x128xf32>
    %get3A_18 = arith.constant 0 : index
    %get3A_19 = arith.constant 0 : index
    %get3A_20 = arith.constant 0 : index
    %get3A_21 = vector.load %arg4[%get3A_18, %get3A_19, %get3A_20] : memref<4x256x128xf32, #tpu.memory_space<vmem>>, vector<1x256x128xf32>
    %get3A_22 = vector.shape_cast %get3A_21 : vector<1x256x128xf32> to vector<256x128xf32>
    %dot_general3A_23 = arith.constant dense<0.000000e+00> : vector<512x256xf32>
    %dot_general3A_24 = tpu.matmul %slice3A, %get3A_22, %dot_general3A_23 {dimension_numbers = #tpu.dot_dimension_numbers<[1], [1], [0], [0], [0, 0, 1, 0], [], []>, transpose_lhs_hint = false} : vector<512x128xf32>, vector<256x128xf32>, vector<512x256xf32> -> vector<512x256xf32>
    %mul3A_25 = arith.mulf %slice3A, %slice3A : vector<512x128xf32>
    %reduce_sum3A_26 = arith.constant dense<0.000000e+00> : vector<512xf32>
    %reduce_sum3A_27 = vector.multi_reduction <add>, %mul3A_25, %reduce_sum3A_26 [1] : vector<512x128xf32> to vector<512xf32>
    %broadcast_in_dim3A_28 = vector.shape_cast %reduce_sum3A_27 : vector<512xf32> to vector<512x1xf32>
    %mul3A_29 = arith.mulf %get3A_22, %get3A_22 : vector<256x128xf32>
    %reduce_sum3A_30 = arith.constant dense<0.000000e+00> : vector<256xf32>
    %reduce_sum3A_31 = vector.multi_reduction <add>, %mul3A_29, %reduce_sum3A_30 [1] : vector<256x128xf32> to vector<256xf32>
    %broadcast_in_dim3A_32 = vector.shape_cast %reduce_sum3A_31 : vector<256xf32> to vector<1x256xf32>
    %add3A_33 = vector.broadcast %broadcast_in_dim3A_28 : vector<512x1xf32> to vector<512x256xf32>
    %add3A_34 = vector.broadcast %broadcast_in_dim3A_32 : vector<1x256xf32> to vector<512x256xf32>
    %add3A_35 = arith.addf %add3A_33, %add3A_34 : vector<512x256xf32>
    %mul3A_36 = arith.constant 2.000000e+00 : f32
    %mul3A_37 = vector.broadcast %mul3A_36 : f32 to vector<512x256xf32>
    %mul3A_38 = arith.mulf %mul3A_37, %dot_general3A_24 : vector<512x256xf32>
    %sub3A = arith.subf %add3A_35, %mul3A_38 : vector<512x256xf32>
    %transpose3A = tpu.transpose %sub3A, [1, 0] : vector<512x256xf32> -> vector<256x512xf32>
    %slice3A_39 = vector.extract_strided_slice %dot_general3A_17 {offsets = [0, 128], sizes = [512, 128], strides = [1, 1]} : vector<512x1024xf32> to vector<512x128xf32>
    %get3A_40 = arith.constant 1 : index
    %get3A_41 = arith.constant 0 : index
    %get3A_42 = arith.constant 0 : index
    %get3A_43 = vector.load %arg4[%get3A_40, %get3A_41, %get3A_42] : memref<4x256x128xf32, #tpu.memory_space<vmem>>, vector<1x256x128xf32>
    %get3A_44 = vector.shape_cast %get3A_43 : vector<1x256x128xf32> to vector<256x128xf32>
    %dot_general3A_45 = arith.constant dense<0.000000e+00> : vector<512x256xf32>
    %dot_general3A_46 = tpu.matmul %slice3A_39, %get3A_44, %dot_general3A_45 {dimension_numbers = #tpu.dot_dimension_numbers<[1], [1], [0], [0], [0, 0, 1, 0], [], []>, transpose_lhs_hint = false} : vector<512x128xf32>, vector<256x128xf32>, vector<512x256xf32> -> vector<512x256xf32>
    %mul3A_47 = arith.mulf %slice3A_39, %slice3A_39 : vector<512x128xf32>
    %reduce_sum3A_48 = arith.constant dense<0.000000e+00> : vector<512xf32>
    %reduce_sum3A_49 = vector.multi_reduction <add>, %mul3A_47, %reduce_sum3A_48 [1] : vector<512x128xf32> to vector<512xf32>
    %broadcast_in_dim3A_50 = vector.shape_cast %reduce_sum3A_49 : vector<512xf32> to vector<512x1xf32>
    %mul3A_51 = arith.mulf %get3A_44, %get3A_44 : vector<256x128xf32>
    %reduce_sum3A_52 = arith.constant dense<0.000000e+00> : vector<256xf32>
    %reduce_sum3A_53 = vector.multi_reduction <add>, %mul3A_51, %reduce_sum3A_52 [1] : vector<256x128xf32> to vector<256xf32>
    %broadcast_in_dim3A_54 = vector.shape_cast %reduce_sum3A_53 : vector<256xf32> to vector<1x256xf32>
    %add3A_55 = vector.broadcast %broadcast_in_dim3A_50 : vector<512x1xf32> to vector<512x256xf32>
    %add3A_56 = vector.broadcast %broadcast_in_dim3A_54 : vector<1x256xf32> to vector<512x256xf32>
    %add3A_57 = arith.addf %add3A_55, %add3A_56 : vector<512x256xf32>
    %mul3A_58 = arith.constant 2.000000e+00 : f32
    %mul3A_59 = vector.broadcast %mul3A_58 : f32 to vector<512x256xf32>
    %mul3A_60 = arith.mulf %mul3A_59, %dot_general3A_46 : vector<512x256xf32>
    %sub3A_61 = arith.subf %add3A_57, %mul3A_60 : vector<512x256xf32>
    %transpose3A_62 = tpu.transpose %sub3A_61, [1, 0] : vector<512x256xf32> -> vector<256x512xf32>
    %slice3A_63 = vector.extract_strided_slice %dot_general3A_17 {offsets = [0, 256], sizes = [512, 128], strides = [1, 1]} : vector<512x1024xf32> to vector<512x128xf32>
    %get3A_64 = arith.constant 2 : index
    %get3A_65 = arith.constant 0 : index
    %get3A_66 = arith.constant 0 : index
    %get3A_67 = vector.load %arg4[%get3A_64, %get3A_65, %get3A_66] : memref<4x256x128xf32, #tpu.memory_space<vmem>>, vector<1x256x128xf32>
    %get3A_68 = vector.shape_cast %get3A_67 : vector<1x256x128xf32> to vector<256x128xf32>
    %dot_general3A_69 = arith.constant dense<0.000000e+00> : vector<512x256xf32>
    %dot_general3A_70 = tpu.matmul %slice3A_63, %get3A_68, %dot_general3A_69 {dimension_numbers = #tpu.dot_dimension_numbers<[1], [1], [0], [0], [0, 0, 1, 0], [], []>, transpose_lhs_hint = false} : vector<512x128xf32>, vector<256x128xf32>, vector<512x256xf32> -> vector<512x256xf32>
    %mul3A_71 = arith.mulf %slice3A_63, %slice3A_63 : vector<512x128xf32>
    %reduce_sum3A_72 = arith.constant dense<0.000000e+00> : vector<512xf32>
    %reduce_sum3A_73 = vector.multi_reduction <add>, %mul3A_71, %reduce_sum3A_72 [1] : vector<512x128xf32> to vector<512xf32>
    %broadcast_in_dim3A_74 = vector.shape_cast %reduce_sum3A_73 : vector<512xf32> to vector<512x1xf32>
    %mul3A_75 = arith.mulf %get3A_68, %get3A_68 : vector<256x128xf32>
    %reduce_sum3A_76 = arith.constant dense<0.000000e+00> : vector<256xf32>
    %reduce_sum3A_77 = vector.multi_reduction <add>, %mul3A_75, %reduce_sum3A_76 [1] : vector<256x128xf32> to vector<256xf32>
    %broadcast_in_dim3A_78 = vector.shape_cast %reduce_sum3A_77 : vector<256xf32> to vector<1x256xf32>
    %add3A_79 = vector.broadcast %broadcast_in_dim3A_74 : vector<512x1xf32> to vector<512x256xf32>
    %add3A_80 = vector.broadcast %broadcast_in_dim3A_78 : vector<1x256xf32> to vector<512x256xf32>
    %add3A_81 = arith.addf %add3A_79, %add3A_80 : vector<512x256xf32>
    %mul3A_82 = arith.constant 2.000000e+00 : f32
    %mul3A_83 = vector.broadcast %mul3A_82 : f32 to vector<512x256xf32>
    %mul3A_84 = arith.mulf %mul3A_83, %dot_general3A_70 : vector<512x256xf32>
    %sub3A_85 = arith.subf %add3A_81, %mul3A_84 : vector<512x256xf32>
    %transpose3A_86 = tpu.transpose %sub3A_85, [1, 0] : vector<512x256xf32> -> vector<256x512xf32>
    %slice3A_87 = vector.extract_strided_slice %dot_general3A_17 {offsets = [0, 384], sizes = [512, 128], strides = [1, 1]} : vector<512x1024xf32> to vector<512x128xf32>
    %get3A_88 = arith.constant 3 : index
    %get3A_89 = arith.constant 0 : index
    %get3A_90 = arith.constant 0 : index
    %get3A_91 = vector.load %arg4[%get3A_88, %get3A_89, %get3A_90] : memref<4x256x128xf32, #tpu.memory_space<vmem>>, vector<1x256x128xf32>
    %get3A_92 = vector.shape_cast %get3A_91 : vector<1x256x128xf32> to vector<256x128xf32>
    %dot_general3A_93 = arith.constant dense<0.000000e+00> : vector<512x256xf32>
    %dot_general3A_94 = tpu.matmul %slice3A_87, %get3A_92, %dot_general3A_93 {dimension_numbers = #tpu.dot_dimension_numbers<[1], [1], [0], [0], [0, 0, 1, 0], [], []>, transpose_lhs_hint = false} : vector<512x128xf32>, vector<256x128xf32>, vector<512x256xf32> -> vector<512x256xf32>
    %mul3A_95 = arith.mulf %slice3A_87, %slice3A_87 : vector<512x128xf32>
    %reduce_sum3A_96 = arith.constant dense<0.000000e+00> : vector<512xf32>
    %reduce_sum3A_97 = vector.multi_reduction <add>, %mul3A_95, %reduce_sum3A_96 [1] : vector<512x128xf32> to vector<512xf32>
    %broadcast_in_dim3A_98 = vector.shape_cast %reduce_sum3A_97 : vector<512xf32> to vector<512x1xf32>
    %mul3A_99 = arith.mulf %get3A_92, %get3A_92 : vector<256x128xf32>
    %reduce_sum3A_100 = arith.constant dense<0.000000e+00> : vector<256xf32>
    %reduce_sum3A_101 = vector.multi_reduction <add>, %mul3A_99, %reduce_sum3A_100 [1] : vector<256x128xf32> to vector<256xf32>
    %broadcast_in_dim3A_102 = vector.shape_cast %reduce_sum3A_101 : vector<256xf32> to vector<1x256xf32>
    %add3A_103 = vector.broadcast %broadcast_in_dim3A_98 : vector<512x1xf32> to vector<512x256xf32>
    %add3A_104 = vector.broadcast %broadcast_in_dim3A_102 : vector<1x256xf32> to vector<512x256xf32>
    %add3A_105 = arith.addf %add3A_103, %add3A_104 : vector<512x256xf32>
    %mul3A_106 = arith.constant 2.000000e+00 : f32
    %mul3A_107 = vector.broadcast %mul3A_106 : f32 to vector<512x256xf32>
    %mul3A_108 = arith.mulf %mul3A_107, %dot_general3A_94 : vector<512x256xf32>
    %sub3A_109 = arith.subf %add3A_105, %mul3A_108 : vector<512x256xf32>
    %transpose3A_110 = tpu.transpose %sub3A_109, [1, 0] : vector<512x256xf32> -> vector<256x512xf32>
    %slice3A_111 = vector.extract_strided_slice %dot_general3A_17 {offsets = [0, 512], sizes = [512, 128], strides = [1, 1]} : vector<512x1024xf32> to vector<512x128xf32>
    %get3A_112 = arith.constant 0 : index
    %get3A_113 = arith.constant 0 : index
    %get3A_114 = arith.constant 0 : index
    %get3A_115 = vector.load %arg5[%get3A_112, %get3A_113, %get3A_114] : memref<4x256x128xf32, #tpu.memory_space<vmem>>, vector<1x256x128xf32>
    %get3A_116 = vector.shape_cast %get3A_115 : vector<1x256x128xf32> to vector<256x128xf32>
    %dot_general3A_117 = arith.constant dense<0.000000e+00> : vector<512x256xf32>
    %dot_general3A_118 = tpu.matmul %slice3A_111, %get3A_116, %dot_general3A_117 {dimension_numbers = #tpu.dot_dimension_numbers<[1], [1], [0], [0], [0, 0, 1, 0], [], []>, transpose_lhs_hint = false} : vector<512x128xf32>, vector<256x128xf32>, vector<512x256xf32> -> vector<512x256xf32>
    %mul3A_119 = arith.mulf %slice3A_111, %slice3A_111 : vector<512x128xf32>
    %reduce_sum3A_120 = arith.constant dense<0.000000e+00> : vector<512xf32>
    %reduce_sum3A_121 = vector.multi_reduction <add>, %mul3A_119, %reduce_sum3A_120 [1] : vector<512x128xf32> to vector<512xf32>
    %broadcast_in_dim3A_122 = vector.shape_cast %reduce_sum3A_121 : vector<512xf32> to vector<512x1xf32>
    %mul3A_123 = arith.mulf %get3A_116, %get3A_116 : vector<256x128xf32>
    %reduce_sum3A_124 = arith.constant dense<0.000000e+00> : vector<256xf32>
    %reduce_sum3A_125 = vector.multi_reduction <add>, %mul3A_123, %reduce_sum3A_124 [1] : vector<256x128xf32> to vector<256xf32>
    %broadcast_in_dim3A_126 = vector.shape_cast %reduce_sum3A_125 : vector<256xf32> to vector<1x256xf32>
    %add3A_127 = vector.broadcast %broadcast_in_dim3A_122 : vector<512x1xf32> to vector<512x256xf32>
    %add3A_128 = vector.broadcast %broadcast_in_dim3A_126 : vector<1x256xf32> to vector<512x256xf32>
    %add3A_129 = arith.addf %add3A_127, %add3A_128 : vector<512x256xf32>
    %mul3A_130 = arith.constant 2.000000e+00 : f32
    %mul3A_131 = vector.broadcast %mul3A_130 : f32 to vector<512x256xf32>
    %mul3A_132 = arith.mulf %mul3A_131, %dot_general3A_118 : vector<512x256xf32>
    %sub3A_133 = arith.subf %add3A_129, %mul3A_132 : vector<512x256xf32>
    %transpose3A_134 = tpu.transpose %sub3A_133, [1, 0] : vector<512x256xf32> -> vector<256x512xf32>
    %slice3A_135 = vector.extract_strided_slice %dot_general3A_17 {offsets = [0, 640], sizes = [512, 128], strides = [1, 1]} : vector<512x1024xf32> to vector<512x128xf32>
    %get3A_136 = arith.constant 1 : index
    %get3A_137 = arith.constant 0 : index
    %get3A_138 = arith.constant 0 : index
    %get3A_139 = vector.load %arg5[%get3A_136, %get3A_137, %get3A_138] : memref<4x256x128xf32, #tpu.memory_space<vmem>>, vector<1x256x128xf32>
    %get3A_140 = vector.shape_cast %get3A_139 : vector<1x256x128xf32> to vector<256x128xf32>
    %dot_general3A_141 = arith.constant dense<0.000000e+00> : vector<512x256xf32>
    %dot_general3A_142 = tpu.matmul %slice3A_135, %get3A_140, %dot_general3A_141 {dimension_numbers = #tpu.dot_dimension_numbers<[1], [1], [0], [0], [0, 0, 1, 0], [], []>, transpose_lhs_hint = false} : vector<512x128xf32>, vector<256x128xf32>, vector<512x256xf32> -> vector<512x256xf32>
    %mul3A_143 = arith.mulf %slice3A_135, %slice3A_135 : vector<512x128xf32>
    %reduce_sum3A_144 = arith.constant dense<0.000000e+00> : vector<512xf32>
    %reduce_sum3A_145 = vector.multi_reduction <add>, %mul3A_143, %reduce_sum3A_144 [1] : vector<512x128xf32> to vector<512xf32>
    %broadcast_in_dim3A_146 = vector.shape_cast %reduce_sum3A_145 : vector<512xf32> to vector<512x1xf32>
    %mul3A_147 = arith.mulf %get3A_140, %get3A_140 : vector<256x128xf32>
    %reduce_sum3A_148 = arith.constant dense<0.000000e+00> : vector<256xf32>
    %reduce_sum3A_149 = vector.multi_reduction <add>, %mul3A_147, %reduce_sum3A_148 [1] : vector<256x128xf32> to vector<256xf32>
    %broadcast_in_dim3A_150 = vector.shape_cast %reduce_sum3A_149 : vector<256xf32> to vector<1x256xf32>
    %add3A_151 = vector.broadcast %broadcast_in_dim3A_146 : vector<512x1xf32> to vector<512x256xf32>
    %add3A_152 = vector.broadcast %broadcast_in_dim3A_150 : vector<1x256xf32> to vector<512x256xf32>
    %add3A_153 = arith.addf %add3A_151, %add3A_152 : vector<512x256xf32>
    %mul3A_154 = arith.constant 2.000000e+00 : f32
    %mul3A_155 = vector.broadcast %mul3A_154 : f32 to vector<512x256xf32>
    %mul3A_156 = arith.mulf %mul3A_155, %dot_general3A_142 : vector<512x256xf32>
    %sub3A_157 = arith.subf %add3A_153, %mul3A_156 : vector<512x256xf32>
    %transpose3A_158 = tpu.transpose %sub3A_157, [1, 0] : vector<512x256xf32> -> vector<256x512xf32>
    %slice3A_159 = vector.extract_strided_slice %dot_general3A_17 {offsets = [0, 768], sizes = [512, 128], strides = [1, 1]} : vector<512x1024xf32> to vector<512x128xf32>
    %get3A_160 = arith.constant 2 : index
    %get3A_161 = arith.constant 0 : index
    %get3A_162 = arith.constant 0 : index
    %get3A_163 = vector.load %arg5[%get3A_160, %get3A_161, %get3A_162] : memref<4x256x128xf32, #tpu.memory_space<vmem>>, vector<1x256x128xf32>
    %get3A_164 = vector.shape_cast %get3A_163 : vector<1x256x128xf32> to vector<256x128xf32>
    %dot_general3A_165 = arith.constant dense<0.000000e+00> : vector<512x256xf32>
    %dot_general3A_166 = tpu.matmul %slice3A_159, %get3A_164, %dot_general3A_165 {dimension_numbers = #tpu.dot_dimension_numbers<[1], [1], [0], [0], [0, 0, 1, 0], [], []>, transpose_lhs_hint = false} : vector<512x128xf32>, vector<256x128xf32>, vector<512x256xf32> -> vector<512x256xf32>
    %mul3A_167 = arith.mulf %slice3A_159, %slice3A_159 : vector<512x128xf32>
    %reduce_sum3A_168 = arith.constant dense<0.000000e+00> : vector<512xf32>
    %reduce_sum3A_169 = vector.multi_reduction <add>, %mul3A_167, %reduce_sum3A_168 [1] : vector<512x128xf32> to vector<512xf32>
    %broadcast_in_dim3A_170 = vector.shape_cast %reduce_sum3A_169 : vector<512xf32> to vector<512x1xf32>
    %mul3A_171 = arith.mulf %get3A_164, %get3A_164 : vector<256x128xf32>
    %reduce_sum3A_172 = arith.constant dense<0.000000e+00> : vector<256xf32>
    %reduce_sum3A_173 = vector.multi_reduction <add>, %mul3A_171, %reduce_sum3A_172 [1] : vector<256x128xf32> to vector<256xf32>
    %broadcast_in_dim3A_174 = vector.shape_cast %reduce_sum3A_173 : vector<256xf32> to vector<1x256xf32>
    %add3A_175 = vector.broadcast %broadcast_in_dim3A_170 : vector<512x1xf32> to vector<512x256xf32>
    %add3A_176 = vector.broadcast %broadcast_in_dim3A_174 : vector<1x256xf32> to vector<512x256xf32>
    %add3A_177 = arith.addf %add3A_175, %add3A_176 : vector<512x256xf32>
    %mul3A_178 = arith.constant 2.000000e+00 : f32
    %mul3A_179 = vector.broadcast %mul3A_178 : f32 to vector<512x256xf32>
    %mul3A_180 = arith.mulf %mul3A_179, %dot_general3A_166 : vector<512x256xf32>
    %sub3A_181 = arith.subf %add3A_177, %mul3A_180 : vector<512x256xf32>
    %transpose3A_182 = tpu.transpose %sub3A_181, [1, 0] : vector<512x256xf32> -> vector<256x512xf32>
    %slice3A_183 = vector.extract_strided_slice %dot_general3A_17 {offsets = [0, 896], sizes = [512, 128], strides = [1, 1]} : vector<512x1024xf32> to vector<512x128xf32>
    %get3A_184 = arith.constant 3 : index
    %get3A_185 = arith.constant 0 : index
    %get3A_186 = arith.constant 0 : index
    %get3A_187 = vector.load %arg5[%get3A_184, %get3A_185, %get3A_186] : memref<4x256x128xf32, #tpu.memory_space<vmem>>, vector<1x256x128xf32>
    %get3A_188 = vector.shape_cast %get3A_187 : vector<1x256x128xf32> to vector<256x128xf32>
    %dot_general3A_189 = arith.constant dense<0.000000e+00> : vector<512x256xf32>
    %dot_general3A_190 = tpu.matmul %slice3A_183, %get3A_188, %dot_general3A_189 {dimension_numbers = #tpu.dot_dimension_numbers<[1], [1], [0], [0], [0, 0, 1, 0], [], []>, transpose_lhs_hint = false} : vector<512x128xf32>, vector<256x128xf32>, vector<512x256xf32> -> vector<512x256xf32>
    %mul3A_191 = arith.mulf %slice3A_183, %slice3A_183 : vector<512x128xf32>
    %reduce_sum3A_192 = arith.constant dense<0.000000e+00> : vector<512xf32>
    %reduce_sum3A_193 = vector.multi_reduction <add>, %mul3A_191, %reduce_sum3A_192 [1] : vector<512x128xf32> to vector<512xf32>
    %broadcast_in_dim3A_194 = vector.shape_cast %reduce_sum3A_193 : vector<512xf32> to vector<512x1xf32>
    %mul3A_195 = arith.mulf %get3A_188, %get3A_188 : vector<256x128xf32>
    %reduce_sum3A_196 = arith.constant dense<0.000000e+00> : vector<256xf32>
    %reduce_sum3A_197 = vector.multi_reduction <add>, %mul3A_195, %reduce_sum3A_196 [1] : vector<256x128xf32> to vector<256xf32>
    %broadcast_in_dim3A_198 = vector.shape_cast %reduce_sum3A_197 : vector<256xf32> to vector<1x256xf32>
    %add3A_199 = vector.broadcast %broadcast_in_dim3A_194 : vector<512x1xf32> to vector<512x256xf32>
    %add3A_200 = vector.broadcast %broadcast_in_dim3A_198 : vector<1x256xf32> to vector<512x256xf32>
    %add3A_201 = arith.addf %add3A_199, %add3A_200 : vector<512x256xf32>
    %mul3A_202 = arith.constant 2.000000e+00 : f32
    %mul3A_203 = vector.broadcast %mul3A_202 : f32 to vector<512x256xf32>
    %mul3A_204 = arith.mulf %mul3A_203, %dot_general3A_190 : vector<512x256xf32>
    %sub3A_205 = arith.subf %add3A_201, %mul3A_204 : vector<512x256xf32>
    %transpose3A_206 = tpu.transpose %sub3A_205, [1, 0] : vector<512x256xf32> -> vector<256x512xf32>
    %concatenate3A = tpu.concatenate %transpose3A, %transpose3A_62, %transpose3A_86, %transpose3A_110, %transpose3A_134, %transpose3A_158, %transpose3A_182, %transpose3A_206 in 1 : vector<256x512xf32>, vector<256x512xf32>, vector<256x512xf32>, vector<256x512xf32>, vector<256x512xf32>, vector<256x512xf32>, vector<256x512xf32>, vector<256x512xf32> -> vector<256x4096xf32>
    %iota3A = tpu.iota {dimensions = array<i32: 0>} : vector<256x4096xi32>
    %reduce_min3A = arith.constant dense<0x7F800000> : vector<4096xf32>
    %reduce_min3A_207 = vector.multi_reduction <minimumf>, %concatenate3A, %reduce_min3A [0] : vector<256x4096xf32> to vector<4096xf32>
    %broadcast_in_dim3A_208 = vector.shape_cast %reduce_min3A_207 : vector<4096xf32> to vector<1x4096xf32>
    %eq3A = vector.broadcast %broadcast_in_dim3A_208 : vector<1x4096xf32> to vector<256x4096xf32>
    %eq3A_209 = arith.cmpf oeq, %concatenate3A, %eq3A : vector<256x4096xf32>
    %jit3A = arith.constant 257 : i32
    %broadcast_in_dim3A_210 = vector.broadcast %jit3A : i32 to vector<256x4096xi32>
    %select_n3A = arith.select %eq3A_209, %iota3A, %broadcast_in_dim3A_210 : vector<256x4096xi1>, vector<256x4096xi32>
    %reduce_min3A_211 = arith.constant dense<2147483647> : vector<4096xi32>
    %reduce_min3A_212 = vector.multi_reduction <minsi>, %select_n3A, %reduce_min3A_211 [0] : vector<256x4096xi32> to vector<4096xi32>
    %broadcast_in_dim3A_213 = vector.shape_cast %reduce_min3A_212 : vector<4096xi32> to vector<1x4096xi32>
    %eq3A_214 = vector.broadcast %broadcast_in_dim3A_213 : vector<1x4096xi32> to vector<256x4096xi32>
    %eq3A_215 = arith.cmpi eq, %iota3A, %eq3A_214 : vector<256x4096xi32>
    %jit3A_216 = arith.constant 3.000000e+38 : f32
    %broadcast_in_dim3A_217 = vector.broadcast %jit3A_216 : f32 to vector<256x4096xf32>
    %select_n3A_218 = arith.select %eq3A_215, %broadcast_in_dim3A_217, %concatenate3A : vector<256x4096xi1>, vector<256x4096xf32>
    %reduce_min3A_219 = arith.constant dense<0x7F800000> : vector<4096xf32>
    %reduce_min3A_220 = vector.multi_reduction <minimumf>, %select_n3A_218, %reduce_min3A_219 [0] : vector<256x4096xf32> to vector<4096xf32>
    %broadcast_in_dim3A_221 = vector.shape_cast %reduce_min3A_220 : vector<4096xf32> to vector<1x4096xf32>
    %eq3A_222 = vector.broadcast %broadcast_in_dim3A_221 : vector<1x4096xf32> to vector<256x4096xf32>
    %eq3A_223 = arith.cmpf oeq, %select_n3A_218, %eq3A_222 : vector<256x4096xf32>
    %jit3A_224 = arith.constant 257 : i32
    %broadcast_in_dim3A_225 = vector.broadcast %jit3A_224 : i32 to vector<256x4096xi32>
    %select_n3A_226 = arith.select %eq3A_223, %iota3A, %broadcast_in_dim3A_225 : vector<256x4096xi1>, vector<256x4096xi32>
    %reduce_min3A_227 = arith.constant dense<2147483647> : vector<4096xi32>
    %reduce_min3A_228 = vector.multi_reduction <minsi>, %select_n3A_226, %reduce_min3A_227 [0] : vector<256x4096xi32> to vector<4096xi32>
    %broadcast_in_dim3A_229 = vector.shape_cast %reduce_min3A_228 : vector<4096xi32> to vector<1x4096xi32>
    %eq3A_230 = vector.broadcast %broadcast_in_dim3A_229 : vector<1x4096xi32> to vector<256x4096xi32>
    %eq3A_231 = arith.cmpi eq, %iota3A, %eq3A_230 : vector<256x4096xi32>
    %jit3A_232 = arith.constant 3.000000e+38 : f32
    %broadcast_in_dim3A_233 = vector.broadcast %jit3A_232 : f32 to vector<256x4096xf32>
    %select_n3A_234 = arith.select %eq3A_231, %broadcast_in_dim3A_233, %select_n3A_218 : vector<256x4096xi1>, vector<256x4096xf32>
    %reduce_min3A_235 = arith.constant dense<0x7F800000> : vector<4096xf32>
    %reduce_min3A_236 = vector.multi_reduction <minimumf>, %select_n3A_234, %reduce_min3A_235 [0] : vector<256x4096xf32> to vector<4096xf32>
    %broadcast_in_dim3A_237 = vector.shape_cast %reduce_min3A_236 : vector<4096xf32> to vector<1x4096xf32>
    %eq3A_238 = vector.broadcast %broadcast_in_dim3A_237 : vector<1x4096xf32> to vector<256x4096xf32>
    %eq3A_239 = arith.cmpf oeq, %select_n3A_234, %eq3A_238 : vector<256x4096xf32>
    %jit3A_240 = arith.constant 257 : i32
    %broadcast_in_dim3A_241 = vector.broadcast %jit3A_240 : i32 to vector<256x4096xi32>
    %select_n3A_242 = arith.select %eq3A_239, %iota3A, %broadcast_in_dim3A_241 : vector<256x4096xi1>, vector<256x4096xi32>
    %reduce_min3A_243 = arith.constant dense<2147483647> : vector<4096xi32>
    %reduce_min3A_244 = vector.multi_reduction <minsi>, %select_n3A_242, %reduce_min3A_243 [0] : vector<256x4096xi32> to vector<4096xi32>
    %broadcast_in_dim3A_245 = vector.shape_cast %reduce_min3A_244 : vector<4096xi32> to vector<1x4096xi32>
    %eq3A_246 = vector.broadcast %broadcast_in_dim3A_245 : vector<1x4096xi32> to vector<256x4096xi32>
    %eq3A_247 = arith.cmpi eq, %iota3A, %eq3A_246 : vector<256x4096xi32>
    %jit3A_248 = arith.constant 3.000000e+38 : f32
    %broadcast_in_dim3A_249 = vector.broadcast %jit3A_248 : f32 to vector<256x4096xf32>
    %select_n3A_250 = arith.select %eq3A_247, %broadcast_in_dim3A_249, %select_n3A_234 : vector<256x4096xi1>, vector<256x4096xf32>
    %reduce_min3A_251 = arith.constant dense<0x7F800000> : vector<4096xf32>
    %reduce_min3A_252 = vector.multi_reduction <minimumf>, %select_n3A_250, %reduce_min3A_251 [0] : vector<256x4096xf32> to vector<4096xf32>
    %broadcast_in_dim3A_253 = vector.shape_cast %reduce_min3A_252 : vector<4096xf32> to vector<1x4096xf32>
    %eq3A_254 = vector.broadcast %broadcast_in_dim3A_253 : vector<1x4096xf32> to vector<256x4096xf32>
    %eq3A_255 = arith.cmpf oeq, %select_n3A_250, %eq3A_254 : vector<256x4096xf32>
    %jit3A_256 = arith.constant 257 : i32
    %broadcast_in_dim3A_257 = vector.broadcast %jit3A_256 : i32 to vector<256x4096xi32>
    %select_n3A_258 = arith.select %eq3A_255, %iota3A, %broadcast_in_dim3A_257 : vector<256x4096xi1>, vector<256x4096xi32>
    %reduce_min3A_259 = arith.constant dense<2147483647> : vector<4096xi32>
    %reduce_min3A_260 = vector.multi_reduction <minsi>, %select_n3A_258, %reduce_min3A_259 [0] : vector<256x4096xi32> to vector<4096xi32>
    %broadcast_in_dim3A_261 = vector.shape_cast %reduce_min3A_260 : vector<4096xi32> to vector<1x4096xi32>
    %eq3A_262 = vector.broadcast %broadcast_in_dim3A_261 : vector<1x4096xi32> to vector<256x4096xi32>
    %eq3A_263 = arith.cmpi eq, %iota3A, %eq3A_262 : vector<256x4096xi32>
    %jit3A_264 = arith.constant 3.000000e+38 : f32
    %broadcast_in_dim3A_265 = vector.broadcast %jit3A_264 : f32 to vector<256x4096xf32>
    %select_n3A_266 = arith.select %eq3A_263, %broadcast_in_dim3A_265, %select_n3A_250 : vector<256x4096xi1>, vector<256x4096xf32>
    %reduce_min3A_267 = arith.constant dense<0x7F800000> : vector<4096xf32>
    %reduce_min3A_268 = vector.multi_reduction <minimumf>, %select_n3A_266, %reduce_min3A_267 [0] : vector<256x4096xf32> to vector<4096xf32>
    %broadcast_in_dim3A_269 = vector.shape_cast %reduce_min3A_268 : vector<4096xf32> to vector<1x4096xf32>
    %eq3A_270 = vector.broadcast %broadcast_in_dim3A_269 : vector<1x4096xf32> to vector<256x4096xf32>
    %eq3A_271 = arith.cmpf oeq, %select_n3A_266, %eq3A_270 : vector<256x4096xf32>
    %jit3A_272 = arith.constant 257 : i32
    %broadcast_in_dim3A_273 = vector.broadcast %jit3A_272 : i32 to vector<256x4096xi32>
    %select_n3A_274 = arith.select %eq3A_271, %iota3A, %broadcast_in_dim3A_273 : vector<256x4096xi1>, vector<256x4096xi32>
    %reduce_min3A_275 = arith.constant dense<2147483647> : vector<4096xi32>
    %reduce_min3A_276 = vector.multi_reduction <minsi>, %select_n3A_274, %reduce_min3A_275 [0] : vector<256x4096xi32> to vector<4096xi32>
    %broadcast_in_dim3A_277 = vector.shape_cast %reduce_min3A_276 : vector<4096xi32> to vector<1x4096xi32>
    %eq3A_278 = vector.broadcast %broadcast_in_dim3A_277 : vector<1x4096xi32> to vector<256x4096xi32>
    %eq3A_279 = arith.cmpi eq, %iota3A, %eq3A_278 : vector<256x4096xi32>
    %jit3A_280 = arith.constant 3.000000e+38 : f32
    %broadcast_in_dim3A_281 = vector.broadcast %jit3A_280 : f32 to vector<256x4096xf32>
    %select_n3A_282 = arith.select %eq3A_279, %broadcast_in_dim3A_281, %select_n3A_266 : vector<256x4096xi1>, vector<256x4096xf32>
    %reduce_min3A_283 = arith.constant dense<0x7F800000> : vector<4096xf32>
    %reduce_min3A_284 = vector.multi_reduction <minimumf>, %select_n3A_282, %reduce_min3A_283 [0] : vector<256x4096xf32> to vector<4096xf32>
    %broadcast_in_dim3A_285 = vector.shape_cast %reduce_min3A_284 : vector<4096xf32> to vector<1x4096xf32>
    %eq3A_286 = vector.broadcast %broadcast_in_dim3A_285 : vector<1x4096xf32> to vector<256x4096xf32>
    %eq3A_287 = arith.cmpf oeq, %select_n3A_282, %eq3A_286 : vector<256x4096xf32>
    %jit3A_288 = arith.constant 257 : i32
    %broadcast_in_dim3A_289 = vector.broadcast %jit3A_288 : i32 to vector<256x4096xi32>
    %select_n3A_290 = arith.select %eq3A_287, %iota3A, %broadcast_in_dim3A_289 : vector<256x4096xi1>, vector<256x4096xi32>
    %reduce_min3A_291 = arith.constant dense<2147483647> : vector<4096xi32>
    %reduce_min3A_292 = vector.multi_reduction <minsi>, %select_n3A_290, %reduce_min3A_291 [0] : vector<256x4096xi32> to vector<4096xi32>
    %broadcast_in_dim3A_293 = vector.shape_cast %reduce_min3A_292 : vector<4096xi32> to vector<1x4096xi32>
    %eq3A_294 = vector.broadcast %broadcast_in_dim3A_293 : vector<1x4096xi32> to vector<256x4096xi32>
    %eq3A_295 = arith.cmpi eq, %iota3A, %eq3A_294 : vector<256x4096xi32>
    %jit3A_296 = arith.constant 3.000000e+38 : f32
    %broadcast_in_dim3A_297 = vector.broadcast %jit3A_296 : f32 to vector<256x4096xf32>
    %select_n3A_298 = arith.select %eq3A_295, %broadcast_in_dim3A_297, %select_n3A_282 : vector<256x4096xi1>, vector<256x4096xf32>
    %reduce_min3A_299 = arith.constant dense<0x7F800000> : vector<4096xf32>
    %reduce_min3A_300 = vector.multi_reduction <minimumf>, %select_n3A_298, %reduce_min3A_299 [0] : vector<256x4096xf32> to vector<4096xf32>
    %broadcast_in_dim3A_301 = vector.shape_cast %reduce_min3A_300 : vector<4096xf32> to vector<1x4096xf32>
    %eq3A_302 = vector.broadcast %broadcast_in_dim3A_301 : vector<1x4096xf32> to vector<256x4096xf32>
    %eq3A_303 = arith.cmpf oeq, %select_n3A_298, %eq3A_302 : vector<256x4096xf32>
    %jit3A_304 = arith.constant 257 : i32
    %broadcast_in_dim3A_305 = vector.broadcast %jit3A_304 : i32 to vector<256x4096xi32>
    %select_n3A_306 = arith.select %eq3A_303, %iota3A, %broadcast_in_dim3A_305 : vector<256x4096xi1>, vector<256x4096xi32>
    %reduce_min3A_307 = arith.constant dense<2147483647> : vector<4096xi32>
    %reduce_min3A_308 = vector.multi_reduction <minsi>, %select_n3A_306, %reduce_min3A_307 [0] : vector<256x4096xi32> to vector<4096xi32>
    %broadcast_in_dim3A_309 = vector.shape_cast %reduce_min3A_308 : vector<4096xi32> to vector<1x4096xi32>
    %eq3A_310 = vector.broadcast %broadcast_in_dim3A_309 : vector<1x4096xi32> to vector<256x4096xi32>
    %eq3A_311 = arith.cmpi eq, %iota3A, %eq3A_310 : vector<256x4096xi32>
    %jit3A_312 = arith.constant 3.000000e+38 : f32
    %broadcast_in_dim3A_313 = vector.broadcast %jit3A_312 : f32 to vector<256x4096xf32>
    %select_n3A_314 = arith.select %eq3A_311, %broadcast_in_dim3A_313, %select_n3A_298 : vector<256x4096xi1>, vector<256x4096xf32>
    %reduce_min3A_315 = arith.constant dense<0x7F800000> : vector<4096xf32>
    %reduce_min3A_316 = vector.multi_reduction <minimumf>, %select_n3A_314, %reduce_min3A_315 [0] : vector<256x4096xf32> to vector<4096xf32>
    %broadcast_in_dim3A_317 = vector.shape_cast %reduce_min3A_316 : vector<4096xf32> to vector<1x4096xf32>
    %eq3A_318 = vector.broadcast %broadcast_in_dim3A_317 : vector<1x4096xf32> to vector<256x4096xf32>
    %eq3A_319 = arith.cmpf oeq, %select_n3A_314, %eq3A_318 : vector<256x4096xf32>
    %jit3A_320 = arith.constant 257 : i32
    %broadcast_in_dim3A_321 = vector.broadcast %jit3A_320 : i32 to vector<256x4096xi32>
    %select_n3A_322 = arith.select %eq3A_319, %iota3A, %broadcast_in_dim3A_321 : vector<256x4096xi1>, vector<256x4096xi32>
    %reduce_min3A_323 = arith.constant dense<2147483647> : vector<4096xi32>
    %reduce_min3A_324 = vector.multi_reduction <minsi>, %select_n3A_322, %reduce_min3A_323 [0] : vector<256x4096xi32> to vector<4096xi32>
    %broadcast_in_dim3A_325 = vector.shape_cast %reduce_min3A_324 : vector<4096xi32> to vector<1x4096xi32>
    %concatenate3A_326 = tpu.concatenate %broadcast_in_dim3A_208, %broadcast_in_dim3A_221, %broadcast_in_dim3A_237, %broadcast_in_dim3A_253, %broadcast_in_dim3A_269, %broadcast_in_dim3A_285, %broadcast_in_dim3A_301, %broadcast_in_dim3A_317 in 0 : vector<1x4096xf32>, vector<1x4096xf32>, vector<1x4096xf32>, vector<1x4096xf32>, vector<1x4096xf32>, vector<1x4096xf32>, vector<1x4096xf32>, vector<1x4096xf32> -> vector<8x4096xf32>
    %add3A_327 = arith.constant 1.000000e-03 : f32
    %add3A_328 = vector.broadcast %add3A_327 : f32 to vector<8x4096xf32>
    %add3A_329 = arith.addf %concatenate3A_326, %add3A_328 : vector<8x4096xf32>
    %concatenate3A_330 = tpu.concatenate %broadcast_in_dim3A_213, %broadcast_in_dim3A_229, %broadcast_in_dim3A_245, %broadcast_in_dim3A_261, %broadcast_in_dim3A_277, %broadcast_in_dim3A_293, %broadcast_in_dim3A_309, %broadcast_in_dim3A_325 in 0 : vector<1x4096xi32>, vector<1x4096xi32>, vector<1x4096xi32>, vector<1x4096xi32>, vector<1x4096xi32>, vector<1x4096xi32>, vector<1x4096xi32>, vector<1x4096xi32> -> vector<8x4096xi32>
    %log3A = math.log %add3A_329 : vector<8x4096xf32>
    %neg3A = arith.constant 0.000000e+00 : f32
    %neg3A_331 = vector.broadcast %neg3A : f32 to vector<8x4096xf32>
    %neg3A_332 = arith.subf %neg3A_331, %log3A : vector<8x4096xf32>
    %slice3A_333 = vector.extract_strided_slice %add3A_329 {offsets = [0, 0], sizes = [8, 2048], strides = [1, 1]} : vector<8x4096xf32> to vector<8x2048xf32>
    %slice3A_334 = vector.extract_strided_slice %add3A_329 {offsets = [0, 2048], sizes = [8, 2048], strides = [1, 1]} : vector<8x4096xf32> to vector<8x2048xf32>
    %slice3A_335 = vector.extract_strided_slice %neg3A_332 {offsets = [0, 0], sizes = [8, 2048], strides = [1, 1]} : vector<8x4096xf32> to vector<8x2048xf32>
    %slice3A_336 = vector.extract_strided_slice %neg3A_332 {offsets = [0, 2048], sizes = [8, 2048], strides = [1, 1]} : vector<8x4096xf32> to vector<8x2048xf32>
    %slice3A_337 = vector.extract_strided_slice %concatenate3A_330 {offsets = [0, 0], sizes = [8, 2048], strides = [1, 1]} : vector<8x4096xi32> to vector<8x2048xi32>
    %slice3A_338 = vector.extract_strided_slice %concatenate3A_330 {offsets = [0, 2048], sizes = [8, 2048], strides = [1, 1]} : vector<8x4096xi32> to vector<8x2048xi32>
    %slice3A_339 = vector.extract_strided_slice %slice3A_333 {offsets = [0, 0], sizes = [1, 2048], strides = [1, 1]} : vector<8x2048xf32> to vector<1x2048xf32>
    %broadcast_in_dim3A_340 = vector.shape_cast %slice3A_339 : vector<1x2048xf32> to vector<1x2048xf32>
    %broadcast_in_dim3A_341 = vector.broadcast %broadcast_in_dim3A_340 : vector<1x2048xf32> to vector<8x2048xf32>
    %slice3A_342 = vector.extract_strided_slice %slice3A_333 {offsets = [1, 0], sizes = [1, 2048], strides = [1, 1]} : vector<8x2048xf32> to vector<1x2048xf32>
    %broadcast_in_dim3A_343 = vector.shape_cast %slice3A_342 : vector<1x2048xf32> to vector<1x2048xf32>
    %broadcast_in_dim3A_344 = vector.broadcast %broadcast_in_dim3A_343 : vector<1x2048xf32> to vector<8x2048xf32>
    %slice3A_345 = vector.extract_strided_slice %slice3A_333 {offsets = [2, 0], sizes = [1, 2048], strides = [1, 1]} : vector<8x2048xf32> to vector<1x2048xf32>
    %broadcast_in_dim3A_346 = vector.shape_cast %slice3A_345 : vector<1x2048xf32> to vector<1x2048xf32>
    %broadcast_in_dim3A_347 = vector.broadcast %broadcast_in_dim3A_346 : vector<1x2048xf32> to vector<8x2048xf32>
    %slice3A_348 = vector.extract_strided_slice %slice3A_333 {offsets = [3, 0], sizes = [1, 2048], strides = [1, 1]} : vector<8x2048xf32> to vector<1x2048xf32>
    %broadcast_in_dim3A_349 = vector.shape_cast %slice3A_348 : vector<1x2048xf32> to vector<1x2048xf32>
    %broadcast_in_dim3A_350 = vector.broadcast %broadcast_in_dim3A_349 : vector<1x2048xf32> to vector<8x2048xf32>
    %slice3A_351 = vector.extract_strided_slice %slice3A_333 {offsets = [4, 0], sizes = [1, 2048], strides = [1, 1]} : vector<8x2048xf32> to vector<1x2048xf32>
    %broadcast_in_dim3A_352 = vector.shape_cast %slice3A_351 : vector<1x2048xf32> to vector<1x2048xf32>
    %broadcast_in_dim3A_353 = vector.broadcast %broadcast_in_dim3A_352 : vector<1x2048xf32> to vector<8x2048xf32>
    %slice3A_354 = vector.extract_strided_slice %slice3A_333 {offsets = [5, 0], sizes = [1, 2048], strides = [1, 1]} : vector<8x2048xf32> to vector<1x2048xf32>
    %broadcast_in_dim3A_355 = vector.shape_cast %slice3A_354 : vector<1x2048xf32> to vector<1x2048xf32>
    %broadcast_in_dim3A_356 = vector.broadcast %broadcast_in_dim3A_355 : vector<1x2048xf32> to vector<8x2048xf32>
    %slice3A_357 = vector.extract_strided_slice %slice3A_333 {offsets = [6, 0], sizes = [1, 2048], strides = [1, 1]} : vector<8x2048xf32> to vector<1x2048xf32>
    %broadcast_in_dim3A_358 = vector.shape_cast %slice3A_357 : vector<1x2048xf32> to vector<1x2048xf32>
    %broadcast_in_dim3A_359 = vector.broadcast %broadcast_in_dim3A_358 : vector<1x2048xf32> to vector<8x2048xf32>
    %slice3A_360 = vector.extract_strided_slice %slice3A_333 {offsets = [7, 0], sizes = [1, 2048], strides = [1, 1]} : vector<8x2048xf32> to vector<1x2048xf32>
    %broadcast_in_dim3A_361 = vector.shape_cast %slice3A_360 : vector<1x2048xf32> to vector<1x2048xf32>
    %broadcast_in_dim3A_362 = vector.broadcast %broadcast_in_dim3A_361 : vector<1x2048xf32> to vector<8x2048xf32>
    %concatenate3A_363 = tpu.concatenate %broadcast_in_dim3A_341, %broadcast_in_dim3A_344, %broadcast_in_dim3A_347, %broadcast_in_dim3A_350, %broadcast_in_dim3A_353, %broadcast_in_dim3A_356, %broadcast_in_dim3A_359, %broadcast_in_dim3A_362 in 0 : vector<8x2048xf32>, vector<8x2048xf32>, vector<8x2048xf32>, vector<8x2048xf32>, vector<8x2048xf32>, vector<8x2048xf32>, vector<8x2048xf32>, vector<8x2048xf32> -> vector<64x2048xf32>
    %concatenate3A_364 = tpu.concatenate %slice3A_334, %slice3A_334, %slice3A_334, %slice3A_334, %slice3A_334, %slice3A_334, %slice3A_334, %slice3A_334 in 0 : vector<8x2048xf32>, vector<8x2048xf32>, vector<8x2048xf32>, vector<8x2048xf32>, vector<8x2048xf32>, vector<8x2048xf32>, vector<8x2048xf32>, vector<8x2048xf32> -> vector<64x2048xf32>
    %mul3A_365 = arith.mulf %concatenate3A_363, %concatenate3A_364 : vector<64x2048xf32>
    %slice3A_366 = vector.extract_strided_slice %slice3A_335 {offsets = [0, 0], sizes = [1, 2048], strides = [1, 1]} : vector<8x2048xf32> to vector<1x2048xf32>
    %broadcast_in_dim3A_367 = vector.shape_cast %slice3A_366 : vector<1x2048xf32> to vector<1x2048xf32>
    %broadcast_in_dim3A_368 = vector.broadcast %broadcast_in_dim3A_367 : vector<1x2048xf32> to vector<8x2048xf32>
    %slice3A_369 = vector.extract_strided_slice %slice3A_335 {offsets = [1, 0], sizes = [1, 2048], strides = [1, 1]} : vector<8x2048xf32> to vector<1x2048xf32>
    %broadcast_in_dim3A_370 = vector.shape_cast %slice3A_369 : vector<1x2048xf32> to vector<1x2048xf32>
    %broadcast_in_dim3A_371 = vector.broadcast %broadcast_in_dim3A_370 : vector<1x2048xf32> to vector<8x2048xf32>
    %slice3A_372 = vector.extract_strided_slice %slice3A_335 {offsets = [2, 0], sizes = [1, 2048], strides = [1, 1]} : vector<8x2048xf32> to vector<1x2048xf32>
    %broadcast_in_dim3A_373 = vector.shape_cast %slice3A_372 : vector<1x2048xf32> to vector<1x2048xf32>
    %broadcast_in_dim3A_374 = vector.broadcast %broadcast_in_dim3A_373 : vector<1x2048xf32> to vector<8x2048xf32>
    %slice3A_375 = vector.extract_strided_slice %slice3A_335 {offsets = [3, 0], sizes = [1, 2048], strides = [1, 1]} : vector<8x2048xf32> to vector<1x2048xf32>
    %broadcast_in_dim3A_376 = vector.shape_cast %slice3A_375 : vector<1x2048xf32> to vector<1x2048xf32>
    %broadcast_in_dim3A_377 = vector.broadcast %broadcast_in_dim3A_376 : vector<1x2048xf32> to vector<8x2048xf32>
    %slice3A_378 = vector.extract_strided_slice %slice3A_335 {offsets = [4, 0], sizes = [1, 2048], strides = [1, 1]} : vector<8x2048xf32> to vector<1x2048xf32>
    %broadcast_in_dim3A_379 = vector.shape_cast %slice3A_378 : vector<1x2048xf32> to vector<1x2048xf32>
    %broadcast_in_dim3A_380 = vector.broadcast %broadcast_in_dim3A_379 : vector<1x2048xf32> to vector<8x2048xf32>
    %slice3A_381 = vector.extract_strided_slice %slice3A_335 {offsets = [5, 0], sizes = [1, 2048], strides = [1, 1]} : vector<8x2048xf32> to vector<1x2048xf32>
    %broadcast_in_dim3A_382 = vector.shape_cast %slice3A_381 : vector<1x2048xf32> to vector<1x2048xf32>
    %broadcast_in_dim3A_383 = vector.broadcast %broadcast_in_dim3A_382 : vector<1x2048xf32> to vector<8x2048xf32>
    %slice3A_384 = vector.extract_strided_slice %slice3A_335 {offsets = [6, 0], sizes = [1, 2048], strides = [1, 1]} : vector<8x2048xf32> to vector<1x2048xf32>
    %broadcast_in_dim3A_385 = vector.shape_cast %slice3A_384 : vector<1x2048xf32> to vector<1x2048xf32>
    %broadcast_in_dim3A_386 = vector.broadcast %broadcast_in_dim3A_385 : vector<1x2048xf32> to vector<8x2048xf32>
    %slice3A_387 = vector.extract_strided_slice %slice3A_335 {offsets = [7, 0], sizes = [1, 2048], strides = [1, 1]} : vector<8x2048xf32> to vector<1x2048xf32>
    %broadcast_in_dim3A_388 = vector.shape_cast %slice3A_387 : vector<1x2048xf32> to vector<1x2048xf32>
    %broadcast_in_dim3A_389 = vector.broadcast %broadcast_in_dim3A_388 : vector<1x2048xf32> to vector<8x2048xf32>
    %concatenate3A_390 = tpu.concatenate %broadcast_in_dim3A_368, %broadcast_in_dim3A_371, %broadcast_in_dim3A_374, %broadcast_in_dim3A_377, %broadcast_in_dim3A_380, %broadcast_in_dim3A_383, %broadcast_in_dim3A_386, %broadcast_in_dim3A_389 in 0 : vector<8x2048xf32>, vector<8x2048xf32>, vector<8x2048xf32>, vector<8x2048xf32>, vector<8x2048xf32>, vector<8x2048xf32>, vector<8x2048xf32>, vector<8x2048xf32> -> vector<64x2048xf32>
    %concatenate3A_391 = tpu.concatenate %slice3A_336, %slice3A_336, %slice3A_336, %slice3A_336, %slice3A_336, %slice3A_336, %slice3A_336, %slice3A_336 in 0 : vector<8x2048xf32>, vector<8x2048xf32>, vector<8x2048xf32>, vector<8x2048xf32>, vector<8x2048xf32>, vector<8x2048xf32>, vector<8x2048xf32>, vector<8x2048xf32> -> vector<64x2048xf32>
    %add3A_392 = arith.addf %concatenate3A_390, %concatenate3A_391 : vector<64x2048xf32>
    %slice3A_393 = vector.extract_strided_slice %slice3A_337 {offsets = [0, 0], sizes = [1, 2048], strides = [1, 1]} : vector<8x2048xi32> to vector<1x2048xi32>
    %broadcast_in_dim3A_394 = vector.shape_cast %slice3A_393 : vector<1x2048xi32> to vector<1x2048xi32>
    %broadcast_in_dim3A_395 = vector.broadcast %broadcast_in_dim3A_394 : vector<1x2048xi32> to vector<8x2048xi32>
    %slice3A_396 = vector.extract_strided_slice %slice3A_337 {offsets = [1, 0], sizes = [1, 2048], strides = [1, 1]} : vector<8x2048xi32> to vector<1x2048xi32>
    %broadcast_in_dim3A_397 = vector.shape_cast %slice3A_396 : vector<1x2048xi32> to vector<1x2048xi32>
    %broadcast_in_dim3A_398 = vector.broadcast %broadcast_in_dim3A_397 : vector<1x2048xi32> to vector<8x2048xi32>
    %slice3A_399 = vector.extract_strided_slice %slice3A_337 {offsets = [2, 0], sizes = [1, 2048], strides = [1, 1]} : vector<8x2048xi32> to vector<1x2048xi32>
    %broadcast_in_dim3A_400 = vector.shape_cast %slice3A_399 : vector<1x2048xi32> to vector<1x2048xi32>
    %broadcast_in_dim3A_401 = vector.broadcast %broadcast_in_dim3A_400 : vector<1x2048xi32> to vector<8x2048xi32>
    %slice3A_402 = vector.extract_strided_slice %slice3A_337 {offsets = [3, 0], sizes = [1, 2048], strides = [1, 1]} : vector<8x2048xi32> to vector<1x2048xi32>
    %broadcast_in_dim3A_403 = vector.shape_cast %slice3A_402 : vector<1x2048xi32> to vector<1x2048xi32>
    %broadcast_in_dim3A_404 = vector.broadcast %broadcast_in_dim3A_403 : vector<1x2048xi32> to vector<8x2048xi32>
    %slice3A_405 = vector.extract_strided_slice %slice3A_337 {offsets = [4, 0], sizes = [1, 2048], strides = [1, 1]} : vector<8x2048xi32> to vector<1x2048xi32>
    %broadcast_in_dim3A_406 = vector.shape_cast %slice3A_405 : vector<1x2048xi32> to vector<1x2048xi32>
    %broadcast_in_dim3A_407 = vector.broadcast %broadcast_in_dim3A_406 : vector<1x2048xi32> to vector<8x2048xi32>
    %slice3A_408 = vector.extract_strided_slice %slice3A_337 {offsets = [5, 0], sizes = [1, 2048], strides = [1, 1]} : vector<8x2048xi32> to vector<1x2048xi32>
    %broadcast_in_dim3A_409 = vector.shape_cast %slice3A_408 : vector<1x2048xi32> to vector<1x2048xi32>
    %broadcast_in_dim3A_410 = vector.broadcast %broadcast_in_dim3A_409 : vector<1x2048xi32> to vector<8x2048xi32>
    %slice3A_411 = vector.extract_strided_slice %slice3A_337 {offsets = [6, 0], sizes = [1, 2048], strides = [1, 1]} : vector<8x2048xi32> to vector<1x2048xi32>
    %broadcast_in_dim3A_412 = vector.shape_cast %slice3A_411 : vector<1x2048xi32> to vector<1x2048xi32>
    %broadcast_in_dim3A_413 = vector.broadcast %broadcast_in_dim3A_412 : vector<1x2048xi32> to vector<8x2048xi32>
    %slice3A_414 = vector.extract_strided_slice %slice3A_337 {offsets = [7, 0], sizes = [1, 2048], strides = [1, 1]} : vector<8x2048xi32> to vector<1x2048xi32>
    %broadcast_in_dim3A_415 = vector.shape_cast %slice3A_414 : vector<1x2048xi32> to vector<1x2048xi32>
    %broadcast_in_dim3A_416 = vector.broadcast %broadcast_in_dim3A_415 : vector<1x2048xi32> to vector<8x2048xi32>
    %concatenate3A_417 = tpu.concatenate %broadcast_in_dim3A_395, %broadcast_in_dim3A_398, %broadcast_in_dim3A_401, %broadcast_in_dim3A_404, %broadcast_in_dim3A_407, %broadcast_in_dim3A_410, %broadcast_in_dim3A_413, %broadcast_in_dim3A_416 in 0 : vector<8x2048xi32>, vector<8x2048xi32>, vector<8x2048xi32>, vector<8x2048xi32>, vector<8x2048xi32>, vector<8x2048xi32>, vector<8x2048xi32>, vector<8x2048xi32> -> vector<64x2048xi32>
    %mul3A_418 = arith.constant 256 : i32
    %mul3A_419 = vector.broadcast %mul3A_418 : i32 to vector<64x2048xi32>
    %mul3A_420 = arith.muli %concatenate3A_417, %mul3A_419 : vector<64x2048xi32>
    %concatenate3A_421 = tpu.concatenate %slice3A_338, %slice3A_338, %slice3A_338, %slice3A_338, %slice3A_338, %slice3A_338, %slice3A_338, %slice3A_338 in 0 : vector<8x2048xi32>, vector<8x2048xi32>, vector<8x2048xi32>, vector<8x2048xi32>, vector<8x2048xi32>, vector<8x2048xi32>, vector<8x2048xi32>, vector<8x2048xi32> -> vector<64x2048xi32>
    %add3A_422 = arith.addi %mul3A_420, %concatenate3A_421 : vector<64x2048xi32>
    %iota3A_423 = tpu.iota {dimensions = array<i32: 0>} : vector<64x2048xi32>
    %reduce_min3A_424 = arith.constant dense<0x7F800000> : vector<2048xf32>
    %reduce_min3A_425 = vector.multi_reduction <minimumf>, %mul3A_365, %reduce_min3A_424 [0] : vector<64x2048xf32> to vector<2048xf32>
    %broadcast_in_dim3A_426 = vector.shape_cast %reduce_min3A_425 : vector<2048xf32> to vector<1x2048xf32>
    %eq3A_427 = vector.broadcast %broadcast_in_dim3A_426 : vector<1x2048xf32> to vector<64x2048xf32>
    %eq3A_428 = arith.cmpf oeq, %mul3A_365, %eq3A_427 : vector<64x2048xf32>
    %jit3A_429 = arith.constant 65 : i32
    %broadcast_in_dim3A_430 = vector.broadcast %jit3A_429 : i32 to vector<64x2048xi32>
    %select_n3A_431 = arith.select %eq3A_428, %iota3A_423, %broadcast_in_dim3A_430 : vector<64x2048xi1>, vector<64x2048xi32>
    %reduce_min3A_432 = arith.constant dense<2147483647> : vector<2048xi32>
    %reduce_min3A_433 = vector.multi_reduction <minsi>, %select_n3A_431, %reduce_min3A_432 [0] : vector<64x2048xi32> to vector<2048xi32>
    %broadcast_in_dim3A_434 = vector.shape_cast %reduce_min3A_433 : vector<2048xi32> to vector<1x2048xi32>
    %eq3A_435 = vector.broadcast %broadcast_in_dim3A_434 : vector<1x2048xi32> to vector<64x2048xi32>
    %eq3A_436 = arith.cmpi eq, %iota3A_423, %eq3A_435 : vector<64x2048xi32>
    %jit3A_437 = arith.constant 0 : i32
    %broadcast_in_dim3A_438 = vector.broadcast %jit3A_437 : i32 to vector<64x2048xi32>
    %select_n3A_439 = arith.select %eq3A_436, %add3A_422, %broadcast_in_dim3A_438 : vector<64x2048xi1>, vector<64x2048xi32>
    %reduce_sum3A_440 = arith.constant dense<0> : vector<2048xi32>
    %reduce_sum3A_441 = vector.multi_reduction <add>, %select_n3A_439, %reduce_sum3A_440 [0] : vector<64x2048xi32> to vector<2048xi32>
    %broadcast_in_dim3A_442 = vector.shape_cast %reduce_sum3A_441 : vector<2048xi32> to vector<1x2048xi32>
    %jit3A_443 = arith.constant 0.000000e+00 : f32
    %broadcast_in_dim3A_444 = vector.broadcast %jit3A_443 : f32 to vector<64x2048xf32>
    %select_n3A_445 = arith.select %eq3A_436, %add3A_392, %broadcast_in_dim3A_444 : vector<64x2048xi1>, vector<64x2048xf32>
    %reduce_sum3A_446 = arith.constant dense<0.000000e+00> : vector<2048xf32>
    %reduce_sum3A_447 = vector.multi_reduction <add>, %select_n3A_445, %reduce_sum3A_446 [0] : vector<64x2048xf32> to vector<2048xf32>
    %broadcast_in_dim3A_448 = vector.shape_cast %reduce_sum3A_447 : vector<2048xf32> to vector<1x2048xf32>
    %jit3A_449 = arith.constant 3.000000e+38 : f32
    %broadcast_in_dim3A_450 = vector.broadcast %jit3A_449 : f32 to vector<64x2048xf32>
    %select_n3A_451 = arith.select %eq3A_436, %broadcast_in_dim3A_450, %mul3A_365 : vector<64x2048xi1>, vector<64x2048xf32>
    %reduce_min3A_452 = arith.constant dense<0x7F800000> : vector<2048xf32>
    %reduce_min3A_453 = vector.multi_reduction <minimumf>, %select_n3A_451, %reduce_min3A_452 [0] : vector<64x2048xf32> to vector<2048xf32>
    %broadcast_in_dim3A_454 = vector.shape_cast %reduce_min3A_453 : vector<2048xf32> to vector<1x2048xf32>
    %eq3A_455 = vector.broadcast %broadcast_in_dim3A_454 : vector<1x2048xf32> to vector<64x2048xf32>
    %eq3A_456 = arith.cmpf oeq, %select_n3A_451, %eq3A_455 : vector<64x2048xf32>
    %jit3A_457 = arith.constant 65 : i32
    %broadcast_in_dim3A_458 = vector.broadcast %jit3A_457 : i32 to vector<64x2048xi32>
    %select_n3A_459 = arith.select %eq3A_456, %iota3A_423, %broadcast_in_dim3A_458 : vector<64x2048xi1>, vector<64x2048xi32>
    %reduce_min3A_460 = arith.constant dense<2147483647> : vector<2048xi32>
    %reduce_min3A_461 = vector.multi_reduction <minsi>, %select_n3A_459, %reduce_min3A_460 [0] : vector<64x2048xi32> to vector<2048xi32>
    %broadcast_in_dim3A_462 = vector.shape_cast %reduce_min3A_461 : vector<2048xi32> to vector<1x2048xi32>
    %eq3A_463 = vector.broadcast %broadcast_in_dim3A_462 : vector<1x2048xi32> to vector<64x2048xi32>
    %eq3A_464 = arith.cmpi eq, %iota3A_423, %eq3A_463 : vector<64x2048xi32>
    %jit3A_465 = arith.constant 0 : i32
    %broadcast_in_dim3A_466 = vector.broadcast %jit3A_465 : i32 to vector<64x2048xi32>
    %select_n3A_467 = arith.select %eq3A_464, %add3A_422, %broadcast_in_dim3A_466 : vector<64x2048xi1>, vector<64x2048xi32>
    %reduce_sum3A_468 = arith.constant dense<0> : vector<2048xi32>
    %reduce_sum3A_469 = vector.multi_reduction <add>, %select_n3A_467, %reduce_sum3A_468 [0] : vector<64x2048xi32> to vector<2048xi32>
    %broadcast_in_dim3A_470 = vector.shape_cast %reduce_sum3A_469 : vector<2048xi32> to vector<1x2048xi32>
    %jit3A_471 = arith.constant 0.000000e+00 : f32
    %broadcast_in_dim3A_472 = vector.broadcast %jit3A_471 : f32 to vector<64x2048xf32>
    %select_n3A_473 = arith.select %eq3A_464, %add3A_392, %broadcast_in_dim3A_472 : vector<64x2048xi1>, vector<64x2048xf32>
    %reduce_sum3A_474 = arith.constant dense<0.000000e+00> : vector<2048xf32>
    %reduce_sum3A_475 = vector.multi_reduction <add>, %select_n3A_473, %reduce_sum3A_474 [0] : vector<64x2048xf32> to vector<2048xf32>
    %broadcast_in_dim3A_476 = vector.shape_cast %reduce_sum3A_475 : vector<2048xf32> to vector<1x2048xf32>
    %jit3A_477 = arith.constant 3.000000e+38 : f32
    %broadcast_in_dim3A_478 = vector.broadcast %jit3A_477 : f32 to vector<64x2048xf32>
    %select_n3A_479 = arith.select %eq3A_464, %broadcast_in_dim3A_478, %select_n3A_451 : vector<64x2048xi1>, vector<64x2048xf32>
    %reduce_min3A_480 = arith.constant dense<0x7F800000> : vector<2048xf32>
    %reduce_min3A_481 = vector.multi_reduction <minimumf>, %select_n3A_479, %reduce_min3A_480 [0] : vector<64x2048xf32> to vector<2048xf32>
    %broadcast_in_dim3A_482 = vector.shape_cast %reduce_min3A_481 : vector<2048xf32> to vector<1x2048xf32>
    %eq3A_483 = vector.broadcast %broadcast_in_dim3A_482 : vector<1x2048xf32> to vector<64x2048xf32>
    %eq3A_484 = arith.cmpf oeq, %select_n3A_479, %eq3A_483 : vector<64x2048xf32>
    %jit3A_485 = arith.constant 65 : i32
    %broadcast_in_dim3A_486 = vector.broadcast %jit3A_485 : i32 to vector<64x2048xi32>
    %select_n3A_487 = arith.select %eq3A_484, %iota3A_423, %broadcast_in_dim3A_486 : vector<64x2048xi1>, vector<64x2048xi32>
    %reduce_min3A_488 = arith.constant dense<2147483647> : vector<2048xi32>
    %reduce_min3A_489 = vector.multi_reduction <minsi>, %select_n3A_487, %reduce_min3A_488 [0] : vector<64x2048xi32> to vector<2048xi32>
    %broadcast_in_dim3A_490 = vector.shape_cast %reduce_min3A_489 : vector<2048xi32> to vector<1x2048xi32>
    %eq3A_491 = vector.broadcast %broadcast_in_dim3A_490 : vector<1x2048xi32> to vector<64x2048xi32>
    %eq3A_492 = arith.cmpi eq, %iota3A_423, %eq3A_491 : vector<64x2048xi32>
    %jit3A_493 = arith.constant 0 : i32
    %broadcast_in_dim3A_494 = vector.broadcast %jit3A_493 : i32 to vector<64x2048xi32>
    %select_n3A_495 = arith.select %eq3A_492, %add3A_422, %broadcast_in_dim3A_494 : vector<64x2048xi1>, vector<64x2048xi32>
    %reduce_sum3A_496 = arith.constant dense<0> : vector<2048xi32>
    %reduce_sum3A_497 = vector.multi_reduction <add>, %select_n3A_495, %reduce_sum3A_496 [0] : vector<64x2048xi32> to vector<2048xi32>
    %broadcast_in_dim3A_498 = vector.shape_cast %reduce_sum3A_497 : vector<2048xi32> to vector<1x2048xi32>
    %jit3A_499 = arith.constant 0.000000e+00 : f32
    %broadcast_in_dim3A_500 = vector.broadcast %jit3A_499 : f32 to vector<64x2048xf32>
    %select_n3A_501 = arith.select %eq3A_492, %add3A_392, %broadcast_in_dim3A_500 : vector<64x2048xi1>, vector<64x2048xf32>
    %reduce_sum3A_502 = arith.constant dense<0.000000e+00> : vector<2048xf32>
    %reduce_sum3A_503 = vector.multi_reduction <add>, %select_n3A_501, %reduce_sum3A_502 [0] : vector<64x2048xf32> to vector<2048xf32>
    %broadcast_in_dim3A_504 = vector.shape_cast %reduce_sum3A_503 : vector<2048xf32> to vector<1x2048xf32>
    %jit3A_505 = arith.constant 3.000000e+38 : f32
    %broadcast_in_dim3A_506 = vector.broadcast %jit3A_505 : f32 to vector<64x2048xf32>
    %select_n3A_507 = arith.select %eq3A_492, %broadcast_in_dim3A_506, %select_n3A_479 : vector<64x2048xi1>, vector<64x2048xf32>
    %reduce_min3A_508 = arith.constant dense<0x7F800000> : vector<2048xf32>
    %reduce_min3A_509 = vector.multi_reduction <minimumf>, %select_n3A_507, %reduce_min3A_508 [0] : vector<64x2048xf32> to vector<2048xf32>
    %broadcast_in_dim3A_510 = vector.shape_cast %reduce_min3A_509 : vector<2048xf32> to vector<1x2048xf32>
    %eq3A_511 = vector.broadcast %broadcast_in_dim3A_510 : vector<1x2048xf32> to vector<64x2048xf32>
    %eq3A_512 = arith.cmpf oeq, %select_n3A_507, %eq3A_511 : vector<64x2048xf32>
    %jit3A_513 = arith.constant 65 : i32
    %broadcast_in_dim3A_514 = vector.broadcast %jit3A_513 : i32 to vector<64x2048xi32>
    %select_n3A_515 = arith.select %eq3A_512, %iota3A_423, %broadcast_in_dim3A_514 : vector<64x2048xi1>, vector<64x2048xi32>
    %reduce_min3A_516 = arith.constant dense<2147483647> : vector<2048xi32>
    %reduce_min3A_517 = vector.multi_reduction <minsi>, %select_n3A_515, %reduce_min3A_516 [0] : vector<64x2048xi32> to vector<2048xi32>
    %broadcast_in_dim3A_518 = vector.shape_cast %reduce_min3A_517 : vector<2048xi32> to vector<1x2048xi32>
    %eq3A_519 = vector.broadcast %broadcast_in_dim3A_518 : vector<1x2048xi32> to vector<64x2048xi32>
    %eq3A_520 = arith.cmpi eq, %iota3A_423, %eq3A_519 : vector<64x2048xi32>
    %jit3A_521 = arith.constant 0 : i32
    %broadcast_in_dim3A_522 = vector.broadcast %jit3A_521 : i32 to vector<64x2048xi32>
    %select_n3A_523 = arith.select %eq3A_520, %add3A_422, %broadcast_in_dim3A_522 : vector<64x2048xi1>, vector<64x2048xi32>
    %reduce_sum3A_524 = arith.constant dense<0> : vector<2048xi32>
    %reduce_sum3A_525 = vector.multi_reduction <add>, %select_n3A_523, %reduce_sum3A_524 [0] : vector<64x2048xi32> to vector<2048xi32>
    %broadcast_in_dim3A_526 = vector.shape_cast %reduce_sum3A_525 : vector<2048xi32> to vector<1x2048xi32>
    %jit3A_527 = arith.constant 0.000000e+00 : f32
    %broadcast_in_dim3A_528 = vector.broadcast %jit3A_527 : f32 to vector<64x2048xf32>
    %select_n3A_529 = arith.select %eq3A_520, %add3A_392, %broadcast_in_dim3A_528 : vector<64x2048xi1>, vector<64x2048xf32>
    %reduce_sum3A_530 = arith.constant dense<0.000000e+00> : vector<2048xf32>
    %reduce_sum3A_531 = vector.multi_reduction <add>, %select_n3A_529, %reduce_sum3A_530 [0] : vector<64x2048xf32> to vector<2048xf32>
    %broadcast_in_dim3A_532 = vector.shape_cast %reduce_sum3A_531 : vector<2048xf32> to vector<1x2048xf32>
    %jit3A_533 = arith.constant 3.000000e+38 : f32
    %broadcast_in_dim3A_534 = vector.broadcast %jit3A_533 : f32 to vector<64x2048xf32>
    %select_n3A_535 = arith.select %eq3A_520, %broadcast_in_dim3A_534, %select_n3A_507 : vector<64x2048xi1>, vector<64x2048xf32>
    %reduce_min3A_536 = arith.constant dense<0x7F800000> : vector<2048xf32>
    %reduce_min3A_537 = vector.multi_reduction <minimumf>, %select_n3A_535, %reduce_min3A_536 [0] : vector<64x2048xf32> to vector<2048xf32>
    %broadcast_in_dim3A_538 = vector.shape_cast %reduce_min3A_537 : vector<2048xf32> to vector<1x2048xf32>
    %eq3A_539 = vector.broadcast %broadcast_in_dim3A_538 : vector<1x2048xf32> to vector<64x2048xf32>
    %eq3A_540 = arith.cmpf oeq, %select_n3A_535, %eq3A_539 : vector<64x2048xf32>
    %jit3A_541 = arith.constant 65 : i32
    %broadcast_in_dim3A_542 = vector.broadcast %jit3A_541 : i32 to vector<64x2048xi32>
    %select_n3A_543 = arith.select %eq3A_540, %iota3A_423, %broadcast_in_dim3A_542 : vector<64x2048xi1>, vector<64x2048xi32>
    %reduce_min3A_544 = arith.constant dense<2147483647> : vector<2048xi32>
    %reduce_min3A_545 = vector.multi_reduction <minsi>, %select_n3A_543, %reduce_min3A_544 [0] : vector<64x2048xi32> to vector<2048xi32>
    %broadcast_in_dim3A_546 = vector.shape_cast %reduce_min3A_545 : vector<2048xi32> to vector<1x2048xi32>
    %eq3A_547 = vector.broadcast %broadcast_in_dim3A_546 : vector<1x2048xi32> to vector<64x2048xi32>
    %eq3A_548 = arith.cmpi eq, %iota3A_423, %eq3A_547 : vector<64x2048xi32>
    %jit3A_549 = arith.constant 0 : i32
    %broadcast_in_dim3A_550 = vector.broadcast %jit3A_549 : i32 to vector<64x2048xi32>
    %select_n3A_551 = arith.select %eq3A_548, %add3A_422, %broadcast_in_dim3A_550 : vector<64x2048xi1>, vector<64x2048xi32>
    %reduce_sum3A_552 = arith.constant dense<0> : vector<2048xi32>
    %reduce_sum3A_553 = vector.multi_reduction <add>, %select_n3A_551, %reduce_sum3A_552 [0] : vector<64x2048xi32> to vector<2048xi32>
    %broadcast_in_dim3A_554 = vector.shape_cast %reduce_sum3A_553 : vector<2048xi32> to vector<1x2048xi32>
    %jit3A_555 = arith.constant 0.000000e+00 : f32
    %broadcast_in_dim3A_556 = vector.broadcast %jit3A_555 : f32 to vector<64x2048xf32>
    %select_n3A_557 = arith.select %eq3A_548, %add3A_392, %broadcast_in_dim3A_556 : vector<64x2048xi1>, vector<64x2048xf32>
    %reduce_sum3A_558 = arith.constant dense<0.000000e+00> : vector<2048xf32>
    %reduce_sum3A_559 = vector.multi_reduction <add>, %select_n3A_557, %reduce_sum3A_558 [0] : vector<64x2048xf32> to vector<2048xf32>
    %broadcast_in_dim3A_560 = vector.shape_cast %reduce_sum3A_559 : vector<2048xf32> to vector<1x2048xf32>
    %jit3A_561 = arith.constant 3.000000e+38 : f32
    %broadcast_in_dim3A_562 = vector.broadcast %jit3A_561 : f32 to vector<64x2048xf32>
    %select_n3A_563 = arith.select %eq3A_548, %broadcast_in_dim3A_562, %select_n3A_535 : vector<64x2048xi1>, vector<64x2048xf32>
    %reduce_min3A_564 = arith.constant dense<0x7F800000> : vector<2048xf32>
    %reduce_min3A_565 = vector.multi_reduction <minimumf>, %select_n3A_563, %reduce_min3A_564 [0] : vector<64x2048xf32> to vector<2048xf32>
    %broadcast_in_dim3A_566 = vector.shape_cast %reduce_min3A_565 : vector<2048xf32> to vector<1x2048xf32>
    %eq3A_567 = vector.broadcast %broadcast_in_dim3A_566 : vector<1x2048xf32> to vector<64x2048xf32>
    %eq3A_568 = arith.cmpf oeq, %select_n3A_563, %eq3A_567 : vector<64x2048xf32>
    %jit3A_569 = arith.constant 65 : i32
    %broadcast_in_dim3A_570 = vector.broadcast %jit3A_569 : i32 to vector<64x2048xi32>
    %select_n3A_571 = arith.select %eq3A_568, %iota3A_423, %broadcast_in_dim3A_570 : vector<64x2048xi1>, vector<64x2048xi32>
    %reduce_min3A_572 = arith.constant dense<2147483647> : vector<2048xi32>
    %reduce_min3A_573 = vector.multi_reduction <minsi>, %select_n3A_571, %reduce_min3A_572 [0] : vector<64x2048xi32> to vector<2048xi32>
    %broadcast_in_dim3A_574 = vector.shape_cast %reduce_min3A_573 : vector<2048xi32> to vector<1x2048xi32>
    %eq3A_575 = vector.broadcast %broadcast_in_dim3A_574 : vector<1x2048xi32> to vector<64x2048xi32>
    %eq3A_576 = arith.cmpi eq, %iota3A_423, %eq3A_575 : vector<64x2048xi32>
    %jit3A_577 = arith.constant 0 : i32
    %broadcast_in_dim3A_578 = vector.broadcast %jit3A_577 : i32 to vector<64x2048xi32>
    %select_n3A_579 = arith.select %eq3A_576, %add3A_422, %broadcast_in_dim3A_578 : vector<64x2048xi1>, vector<64x2048xi32>
    %reduce_sum3A_580 = arith.constant dense<0> : vector<2048xi32>
    %reduce_sum3A_581 = vector.multi_reduction <add>, %select_n3A_579, %reduce_sum3A_580 [0] : vector<64x2048xi32> to vector<2048xi32>
    %broadcast_in_dim3A_582 = vector.shape_cast %reduce_sum3A_581 : vector<2048xi32> to vector<1x2048xi32>
    %jit3A_583 = arith.constant 0.000000e+00 : f32
    %broadcast_in_dim3A_584 = vector.broadcast %jit3A_583 : f32 to vector<64x2048xf32>
    %select_n3A_585 = arith.select %eq3A_576, %add3A_392, %broadcast_in_dim3A_584 : vector<64x2048xi1>, vector<64x2048xf32>
    %reduce_sum3A_586 = arith.constant dense<0.000000e+00> : vector<2048xf32>
    %reduce_sum3A_587 = vector.multi_reduction <add>, %select_n3A_585, %reduce_sum3A_586 [0] : vector<64x2048xf32> to vector<2048xf32>
    %broadcast_in_dim3A_588 = vector.shape_cast %reduce_sum3A_587 : vector<2048xf32> to vector<1x2048xf32>
    %jit3A_589 = arith.constant 3.000000e+38 : f32
    %broadcast_in_dim3A_590 = vector.broadcast %jit3A_589 : f32 to vector<64x2048xf32>
    %select_n3A_591 = arith.select %eq3A_576, %broadcast_in_dim3A_590, %select_n3A_563 : vector<64x2048xi1>, vector<64x2048xf32>
    %reduce_min3A_592 = arith.constant dense<0x7F800000> : vector<2048xf32>
    %reduce_min3A_593 = vector.multi_reduction <minimumf>, %select_n3A_591, %reduce_min3A_592 [0] : vector<64x2048xf32> to vector<2048xf32>
    %broadcast_in_dim3A_594 = vector.shape_cast %reduce_min3A_593 : vector<2048xf32> to vector<1x2048xf32>
    %eq3A_595 = vector.broadcast %broadcast_in_dim3A_594 : vector<1x2048xf32> to vector<64x2048xf32>
    %eq3A_596 = arith.cmpf oeq, %select_n3A_591, %eq3A_595 : vector<64x2048xf32>
    %jit3A_597 = arith.constant 65 : i32
    %broadcast_in_dim3A_598 = vector.broadcast %jit3A_597 : i32 to vector<64x2048xi32>
    %select_n3A_599 = arith.select %eq3A_596, %iota3A_423, %broadcast_in_dim3A_598 : vector<64x2048xi1>, vector<64x2048xi32>
    %reduce_min3A_600 = arith.constant dense<2147483647> : vector<2048xi32>
    %reduce_min3A_601 = vector.multi_reduction <minsi>, %select_n3A_599, %reduce_min3A_600 [0] : vector<64x2048xi32> to vector<2048xi32>
    %broadcast_in_dim3A_602 = vector.shape_cast %reduce_min3A_601 : vector<2048xi32> to vector<1x2048xi32>
    %eq3A_603 = vector.broadcast %broadcast_in_dim3A_602 : vector<1x2048xi32> to vector<64x2048xi32>
    %eq3A_604 = arith.cmpi eq, %iota3A_423, %eq3A_603 : vector<64x2048xi32>
    %jit3A_605 = arith.constant 0 : i32
    %broadcast_in_dim3A_606 = vector.broadcast %jit3A_605 : i32 to vector<64x2048xi32>
    %select_n3A_607 = arith.select %eq3A_604, %add3A_422, %broadcast_in_dim3A_606 : vector<64x2048xi1>, vector<64x2048xi32>
    %reduce_sum3A_608 = arith.constant dense<0> : vector<2048xi32>
    %reduce_sum3A_609 = vector.multi_reduction <add>, %select_n3A_607, %reduce_sum3A_608 [0] : vector<64x2048xi32> to vector<2048xi32>
    %broadcast_in_dim3A_610 = vector.shape_cast %reduce_sum3A_609 : vector<2048xi32> to vector<1x2048xi32>
    %jit3A_611 = arith.constant 0.000000e+00 : f32
    %broadcast_in_dim3A_612 = vector.broadcast %jit3A_611 : f32 to vector<64x2048xf32>
    %select_n3A_613 = arith.select %eq3A_604, %add3A_392, %broadcast_in_dim3A_612 : vector<64x2048xi1>, vector<64x2048xf32>
    %reduce_sum3A_614 = arith.constant dense<0.000000e+00> : vector<2048xf32>
    %reduce_sum3A_615 = vector.multi_reduction <add>, %select_n3A_613, %reduce_sum3A_614 [0] : vector<64x2048xf32> to vector<2048xf32>
    %broadcast_in_dim3A_616 = vector.shape_cast %reduce_sum3A_615 : vector<2048xf32> to vector<1x2048xf32>
    %jit3A_617 = arith.constant 3.000000e+38 : f32
    %broadcast_in_dim3A_618 = vector.broadcast %jit3A_617 : f32 to vector<64x2048xf32>
    %select_n3A_619 = arith.select %eq3A_604, %broadcast_in_dim3A_618, %select_n3A_591 : vector<64x2048xi1>, vector<64x2048xf32>
    %reduce_min3A_620 = arith.constant dense<0x7F800000> : vector<2048xf32>
    %reduce_min3A_621 = vector.multi_reduction <minimumf>, %select_n3A_619, %reduce_min3A_620 [0] : vector<64x2048xf32> to vector<2048xf32>
    %broadcast_in_dim3A_622 = vector.shape_cast %reduce_min3A_621 : vector<2048xf32> to vector<1x2048xf32>
    %eq3A_623 = vector.broadcast %broadcast_in_dim3A_622 : vector<1x2048xf32> to vector<64x2048xf32>
    %eq3A_624 = arith.cmpf oeq, %select_n3A_619, %eq3A_623 : vector<64x2048xf32>
    %jit3A_625 = arith.constant 65 : i32
    %broadcast_in_dim3A_626 = vector.broadcast %jit3A_625 : i32 to vector<64x2048xi32>
    %select_n3A_627 = arith.select %eq3A_624, %iota3A_423, %broadcast_in_dim3A_626 : vector<64x2048xi1>, vector<64x2048xi32>
    %reduce_min3A_628 = arith.constant dense<2147483647> : vector<2048xi32>
    %reduce_min3A_629 = vector.multi_reduction <minsi>, %select_n3A_627, %reduce_min3A_628 [0] : vector<64x2048xi32> to vector<2048xi32>
    %broadcast_in_dim3A_630 = vector.shape_cast %reduce_min3A_629 : vector<2048xi32> to vector<1x2048xi32>
    %eq3A_631 = vector.broadcast %broadcast_in_dim3A_630 : vector<1x2048xi32> to vector<64x2048xi32>
    %eq3A_632 = arith.cmpi eq, %iota3A_423, %eq3A_631 : vector<64x2048xi32>
    %jit3A_633 = arith.constant 0 : i32
    %broadcast_in_dim3A_634 = vector.broadcast %jit3A_633 : i32 to vector<64x2048xi32>
    %select_n3A_635 = arith.select %eq3A_632, %add3A_422, %broadcast_in_dim3A_634 : vector<64x2048xi1>, vector<64x2048xi32>
    %reduce_sum3A_636 = arith.constant dense<0> : vector<2048xi32>
    %reduce_sum3A_637 = vector.multi_reduction <add>, %select_n3A_635, %reduce_sum3A_636 [0] : vector<64x2048xi32> to vector<2048xi32>
    %broadcast_in_dim3A_638 = vector.shape_cast %reduce_sum3A_637 : vector<2048xi32> to vector<1x2048xi32>
    %jit3A_639 = arith.constant 0.000000e+00 : f32
    %broadcast_in_dim3A_640 = vector.broadcast %jit3A_639 : f32 to vector<64x2048xf32>
    %select_n3A_641 = arith.select %eq3A_632, %add3A_392, %broadcast_in_dim3A_640 : vector<64x2048xi1>, vector<64x2048xf32>
    %reduce_sum3A_642 = arith.constant dense<0.000000e+00> : vector<2048xf32>
    %reduce_sum3A_643 = vector.multi_reduction <add>, %select_n3A_641, %reduce_sum3A_642 [0] : vector<64x2048xf32> to vector<2048xf32>
    %broadcast_in_dim3A_644 = vector.shape_cast %reduce_sum3A_643 : vector<2048xf32> to vector<1x2048xf32>
    %concatenate3A_645 = tpu.concatenate %broadcast_in_dim3A_442, %broadcast_in_dim3A_470, %broadcast_in_dim3A_498, %broadcast_in_dim3A_526, %broadcast_in_dim3A_554, %broadcast_in_dim3A_582, %broadcast_in_dim3A_610, %broadcast_in_dim3A_638 in 0 : vector<1x2048xi32>, vector<1x2048xi32>, vector<1x2048xi32>, vector<1x2048xi32>, vector<1x2048xi32>, vector<1x2048xi32>, vector<1x2048xi32>, vector<1x2048xi32> -> vector<8x2048xi32>
    %concatenate3A_646 = tpu.concatenate %broadcast_in_dim3A_448, %broadcast_in_dim3A_476, %broadcast_in_dim3A_504, %broadcast_in_dim3A_532, %broadcast_in_dim3A_560, %broadcast_in_dim3A_588, %broadcast_in_dim3A_616, %broadcast_in_dim3A_644 in 0 : vector<1x2048xf32>, vector<1x2048xf32>, vector<1x2048xf32>, vector<1x2048xf32>, vector<1x2048xf32>, vector<1x2048xf32>, vector<1x2048xf32>, vector<1x2048xf32> -> vector<8x2048xf32>
    %reduce_max3A = arith.constant dense<0xFF800000> : vector<2048xf32>
    %reduce_max3A_647 = vector.multi_reduction <maximumf>, %concatenate3A_646, %reduce_max3A [0] : vector<8x2048xf32> to vector<2048xf32>
    %broadcast_in_dim3A_648 = vector.shape_cast %reduce_max3A_647 : vector<2048xf32> to vector<1x2048xf32>
    %sub3A_649 = vector.broadcast %broadcast_in_dim3A_648 : vector<1x2048xf32> to vector<8x2048xf32>
    %sub3A_650 = arith.subf %concatenate3A_646, %sub3A_649 : vector<8x2048xf32>
    %exp3A = math.exp %sub3A_650 : vector<8x2048xf32>
    %reduce_sum3A_651 = arith.constant dense<0.000000e+00> : vector<2048xf32>
    %reduce_sum3A_652 = vector.multi_reduction <add>, %exp3A, %reduce_sum3A_651 [0] : vector<8x2048xf32> to vector<2048xf32>
    %broadcast_in_dim3A_653 = vector.shape_cast %reduce_sum3A_652 : vector<2048xf32> to vector<1x2048xf32>
    %div3A_654 = vector.broadcast %broadcast_in_dim3A_653 : vector<1x2048xf32> to vector<8x2048xf32>
    %div3A_655 = arith.divf %exp3A, %div3A_654 : vector<8x2048xf32>
    %slice3A_656 = vector.extract_strided_slice %concatenate3A_645 {offsets = [0, 0], sizes = [8, 512], strides = [1, 1]} : vector<8x2048xi32> to vector<8x512xi32>
    %mul3A_657 = arith.constant 4 : i32
    %mul3A_658 = vector.broadcast %mul3A_657 : i32 to vector<8x512xi32>
    %mul3A_659 = arith.muli %slice3A_656, %mul3A_658 : vector<8x512xi32>
    %add3A_660 = arith.constant 0 : i32
    %add3A_661 = vector.broadcast %add3A_660 : i32 to vector<8x512xi32>
    %add3A_662 = arith.addi %mul3A_659, %add3A_661 : vector<8x512xi32>
    %slice3A_663 = vector.extract_strided_slice %concatenate3A_645 {offsets = [0, 512], sizes = [8, 512], strides = [1, 1]} : vector<8x2048xi32> to vector<8x512xi32>
    %mul3A_664 = arith.constant 4 : i32
    %mul3A_665 = vector.broadcast %mul3A_664 : i32 to vector<8x512xi32>
    %mul3A_666 = arith.muli %slice3A_663, %mul3A_665 : vector<8x512xi32>
    %add3A_667 = arith.constant 1 : i32
    %add3A_668 = vector.broadcast %add3A_667 : i32 to vector<8x512xi32>
    %add3A_669 = arith.addi %mul3A_666, %add3A_668 : vector<8x512xi32>
    %slice3A_670 = vector.extract_strided_slice %concatenate3A_645 {offsets = [0, 1024], sizes = [8, 512], strides = [1, 1]} : vector<8x2048xi32> to vector<8x512xi32>
    %mul3A_671 = arith.constant 4 : i32
    %mul3A_672 = vector.broadcast %mul3A_671 : i32 to vector<8x512xi32>
    %mul3A_673 = arith.muli %slice3A_670, %mul3A_672 : vector<8x512xi32>
    %add3A_674 = arith.constant 2 : i32
    %add3A_675 = vector.broadcast %add3A_674 : i32 to vector<8x512xi32>
    %add3A_676 = arith.addi %mul3A_673, %add3A_675 : vector<8x512xi32>
    %slice3A_677 = vector.extract_strided_slice %concatenate3A_645 {offsets = [0, 1536], sizes = [8, 512], strides = [1, 1]} : vector<8x2048xi32> to vector<8x512xi32>
    %mul3A_678 = arith.constant 4 : i32
    %mul3A_679 = vector.broadcast %mul3A_678 : i32 to vector<8x512xi32>
    %mul3A_680 = arith.muli %slice3A_677, %mul3A_679 : vector<8x512xi32>
    %add3A_681 = arith.constant 3 : i32
    %add3A_682 = vector.broadcast %add3A_681 : i32 to vector<8x512xi32>
    %add3A_683 = arith.addi %mul3A_680, %add3A_682 : vector<8x512xi32>
    %concatenate3A_684 = tpu.concatenate %add3A_662, %add3A_669, %add3A_676, %add3A_683 in 0 : vector<8x512xi32>, vector<8x512xi32>, vector<8x512xi32>, vector<8x512xi32> -> vector<32x512xi32>
    %swap3A = arith.constant 0 : index
    %swap3A_685 = arith.constant 0 : index
    %swap3A_686 = vector.load %arg6[%swap3A, %swap3A_685] : memref<32x512xi32, #tpu.memory_space<vmem>>, vector<32x512xi32>
    tpu.vector_store %arg6[%swap3A, %swap3A_685], %concatenate3A_684 {strides = array<i32>} : memref<32x512xi32, #tpu.memory_space<vmem>>, vector<32x512xi32>,
    %slice3A_687 = vector.extract_strided_slice %div3A_655 {offsets = [0, 0], sizes = [8, 512], strides = [1, 1]} : vector<8x2048xf32> to vector<8x512xf32>
    %slice3A_688 = vector.extract_strided_slice %div3A_655 {offsets = [0, 512], sizes = [8, 512], strides = [1, 1]} : vector<8x2048xf32> to vector<8x512xf32>
    %slice3A_689 = vector.extract_strided_slice %div3A_655 {offsets = [0, 1024], sizes = [8, 512], strides = [1, 1]} : vector<8x2048xf32> to vector<8x512xf32>
    %slice3A_690 = vector.extract_strided_slice %div3A_655 {offsets = [0, 1536], sizes = [8, 512], strides = [1, 1]} : vector<8x2048xf32> to vector<8x512xf32>
    %concatenate3A_691 = tpu.concatenate %slice3A_687, %slice3A_688, %slice3A_689, %slice3A_690 in 0 : vector<8x512xf32>, vector<8x512xf32>, vector<8x512xf32>, vector<8x512xf32> -> vector<32x512xf32>
    %swap3A_692 = arith.constant 0 : index
    %swap3A_693 = arith.constant 0 : index
    %swap3A_694 = vector.load %arg7[%swap3A_692, %swap3A_693] : memref<32x512xf32, #tpu.memory_space<vmem>>, vector<32x512xf32>
    tpu.vector_store %arg7[%swap3A_692, %swap3A_693], %concatenate3A_691 {strides = array<i32>} : memref<32x512xf32, #tpu.memory_space<vmem>>, vector<32x512xf32>,
    return
  }
  func.func @transform_0(%arg0: i32) -> (i32, i32) {
    %c0_i32 = arith.constant 0 : i32
    %c0_i32_0 = arith.constant 0 : i32
    return %arg0, %c0_i32 : i32, i32
  }
  func.func @transform_1(%arg0: i32) -> (i32, i32) {
    %c0_i32 = arith.constant 0 : i32
    %c0_i32_0 = arith.constant 0 : i32
    %c0_i32_1 = arith.constant 0 : i32
    return %c0_i32, %c0_i32_0 : i32, i32
  }
  func.func @transform_2(%arg0: i32) -> (i32, i32) {
    %c0_i32 = arith.constant 0 : i32
    %c0_i32_0 = arith.constant 0 : i32
    %c0_i32_1 = arith.constant 0 : i32
    return %c0_i32, %c0_i32_0 : i32, i32
  }
  func.func @transform_3(%arg0: i32) -> (i32, i32, i32) {
    %c0_i32 = arith.constant 0 : i32
    %c0_i32_0 = arith.constant 0 : i32
    %c0_i32_1 = arith.constant 0 : i32
    %c0_i32_2 = arith.constant 0 : i32
    return %c0_i32, %c0_i32_0, %c0_i32_1 : i32, i32, i32
  }
  func.func @transform_4(%arg0: i32) -> (i32, i32, i32) {
    %c0_i32 = arith.constant 0 : i32
    %c0_i32_0 = arith.constant 0 : i32
    %c0_i32_1 = arith.constant 0 : i32
    %c0_i32_2 = arith.constant 0 : i32
    return %c0_i32, %c0_i32_0, %c0_i32_1 : i32, i32, i32
  }
  func.func @transform_5(%arg0: i32) -> (i32, i32) {
    %c0_i32 = arith.constant 0 : i32
    %c0_i32_0 = arith.constant 0 : i32
    return %c0_i32, %arg0 : i32, i32
  }
  func.func @transform_6(%arg0: i32) -> (i32, i32) {
    %c0_i32 = arith.constant 0 : i32
    %c0_i32_0 = arith.constant 0 : i32
    return %c0_i32, %arg0 : i32, i32
  }
}

module attributes {stable_mosaic.version = 14 : i64} {
  func.func @_stage3a_body(%arg0: i32, %arg1: memref<512x1024xf32, #tpu.memory_space<vmem>>, %arg2: memref<1024x1xf32, #tpu.memory_space<vmem>>, %arg3: memref<1024x512xf32, #tpu.memory_space<vmem>>, %arg4: memref<1x1024xf32, #tpu.memory_space<vmem>>, %arg5: memref<1x1024xf32, #tpu.memory_space<vmem>>, %arg6: memref<512x512xf32, #tpu.memory_space<vmem>>, %arg7: memref<512x1xf32, #tpu.memory_space<vmem>>) attributes {dimension_semantics = [#tpu.dimension_semantics<arbitrary>], iteration_bounds = array<i64: 8>, scalar_prefetch = 0 : i64, scratch_operands = 0 : i64, tpu.core_type = #tpu.core_type<tc>, window_params = [{transform_indices = @transform_0, window_bounds = array<i64: 512, 1024>}, {pipeline_mode = #tpu.pipeline_mode<synchronous>, transform_indices = @transform_1, window_bounds = array<i64: 1024, 1>}, {pipeline_mode = #tpu.pipeline_mode<synchronous>, transform_indices = @transform_2, window_bounds = array<i64: 1024, 512>}, {pipeline_mode = #tpu.pipeline_mode<synchronous>, transform_indices = @transform_3, window_bounds = array<i64: 1, 1024>}, {pipeline_mode = #tpu.pipeline_mode<synchronous>, transform_indices = @transform_4, window_bounds = array<i64: 1, 1024>}, {transform_indices = @transform_5, window_bounds = array<i64: 512, 512>}, {transform_indices = @transform_6, window_bounds = array<i64: 512, 1>}]} {
    %get3A = arith.constant 0 : index
    %get3A_0 = arith.constant 0 : index
    %get3A_1 = vector.load %arg1[%get3A, %get3A_0] : memref<512x1024xf32, #tpu.memory_space<vmem>>, vector<512x1024xf32>
    %mul3A = arith.mulf %get3A_1, %get3A_1 : vector<512x1024xf32>
    %reduce_sum3A = arith.constant dense<0.000000e+00> : vector<512xf32>
    %reduce_sum3A_2 = vector.multi_reduction <add>, %mul3A, %reduce_sum3A [1] : vector<512x1024xf32> to vector<512xf32>
    %broadcast_in_dim3A = vector.shape_cast %reduce_sum3A_2 : vector<512xf32> to vector<512x1xf32>
    %div3A = arith.constant 1.024000e+03 : f32
    %div3A_3 = vector.broadcast %div3A : f32 to vector<512x1xf32>
    %div3A_4 = arith.divf %broadcast_in_dim3A, %div3A_3 : vector<512x1xf32>
    %add3A = arith.constant 1.1920929E-7 : f32
    %add3A_5 = vector.broadcast %add3A : f32 to vector<512x1xf32>
    %add3A_6 = arith.addf %div3A_4, %add3A_5 : vector<512x1xf32>
    %rsqrt3A = math.rsqrt %add3A_6 : vector<512x1xf32>
    %mul3A_7 = vector.broadcast %rsqrt3A : vector<512x1xf32> to vector<512x1024xf32>
    %mul3A_8 = arith.mulf %get3A_1, %mul3A_7 : vector<512x1024xf32>
    %get3A_9 = arith.constant 0 : index
    %get3A_10 = arith.constant 0 : index
    %get3A_11 = vector.load %arg4[%get3A_9, %get3A_10] : memref<1x1024xf32, #tpu.memory_space<vmem>>, vector<1x1024xf32>
    %mul3A_12 = vector.broadcast %get3A_11 : vector<1x1024xf32> to vector<512x1024xf32>
    %mul3A_13 = arith.mulf %mul3A_8, %mul3A_12 : vector<512x1024xf32>
    %get3A_14 = arith.constant 0 : index
    %get3A_15 = arith.constant 0 : index
    %get3A_16 = vector.load %arg2[%get3A_14, %get3A_15] : memref<1024x1xf32, #tpu.memory_space<vmem>>, vector<1024x1xf32>
    %dot_general3A = arith.constant dense<0.000000e+00> : vector<512x1xf32>
    %dot_general3A_17 = tpu.matmul %mul3A_13, %get3A_16, %dot_general3A {dimension_numbers = #tpu.dot_dimension_numbers<[1], [0], [0], [1], [0, 0, 1, 1], [], []>, transpose_lhs_hint = false} : vector<512x1024xf32>, vector<1024x1xf32>, vector<512x1xf32> -> vector<512x1xf32>
    %neg3A = arith.constant 0.000000e+00 : f32
    %neg3A_18 = vector.broadcast %neg3A : f32 to vector<512x1xf32>
    %neg3A_19 = arith.subf %neg3A_18, %dot_general3A_17 : vector<512x1xf32>
    %exp3A = math.exp %neg3A_19 : vector<512x1xf32>
    %add3A_20 = arith.constant 1.000000e+00 : f32
    %add3A_21 = vector.broadcast %add3A_20 : f32 to vector<512x1xf32>
    %add3A_22 = arith.addf %add3A_21, %exp3A : vector<512x1xf32>
    %div3A_23 = arith.constant 1.000000e+00 : f32
    %div3A_24 = vector.broadcast %div3A_23 : f32 to vector<512x1xf32>
    %div3A_25 = arith.divf %div3A_24, %add3A_22 : vector<512x1xf32>
    %swap3A = arith.constant 0 : index
    %swap3A_26 = arith.constant 0 : index
    %swap3A_27 = vector.load %arg7[%swap3A, %swap3A_26] : memref<512x1xf32, #tpu.memory_space<vmem>>, vector<512x1xf32>
    tpu.vector_store %arg7[%swap3A, %swap3A_26], %div3A_25 {strides = array<i32>} : memref<512x1xf32, #tpu.memory_space<vmem>>, vector<512x1xf32>,
    %get3A_28 = arith.constant 0 : index
    %get3A_29 = arith.constant 0 : index
    %get3A_30 = vector.load %arg5[%get3A_28, %get3A_29] : memref<1x1024xf32, #tpu.memory_space<vmem>>, vector<1x1024xf32>
    %mul3A_31 = vector.broadcast %get3A_30 : vector<1x1024xf32> to vector<512x1024xf32>
    %mul3A_32 = arith.mulf %mul3A_8, %mul3A_31 : vector<512x1024xf32>
    %get3A_33 = arith.constant 0 : index
    %get3A_34 = arith.constant 0 : index
    %get3A_35 = vector.load %arg3[%get3A_33, %get3A_34] : memref<1024x512xf32, #tpu.memory_space<vmem>>, vector<1024x512xf32>
    %dot_general3A_36 = arith.constant dense<0.000000e+00> : vector<512x512xf32>
    %dot_general3A_37 = tpu.matmul %mul3A_32, %get3A_35, %dot_general3A_36 {dimension_numbers = #tpu.dot_dimension_numbers<[1], [0], [0], [1], [0, 0, 1, 1], [], []>, transpose_lhs_hint = false} : vector<512x1024xf32>, vector<1024x512xf32>, vector<512x512xf32> -> vector<512x512xf32>
    %slice3A = vector.extract_strided_slice %dot_general3A_37 {offsets = [0, 0], sizes = [512, 128], strides = [1, 1]} : vector<512x512xf32> to vector<512x128xf32>
    %reduce_sum3A_38 = arith.constant dense<0.000000e+00> : vector<512xf32>
    %reduce_sum3A_39 = vector.multi_reduction <add>, %slice3A, %reduce_sum3A_38 [1] : vector<512x128xf32> to vector<512xf32>
    %broadcast_in_dim3A_40 = vector.shape_cast %reduce_sum3A_39 : vector<512xf32> to vector<512x1xf32>
    %div3A_41 = arith.constant 1.280000e+02 : f32
    %div3A_42 = vector.broadcast %div3A_41 : f32 to vector<512x1xf32>
    %div3A_43 = arith.divf %broadcast_in_dim3A_40, %div3A_42 : vector<512x1xf32>
    %sub3A = vector.broadcast %div3A_43 : vector<512x1xf32> to vector<512x128xf32>
    %sub3A_44 = arith.subf %slice3A, %sub3A : vector<512x128xf32>
    %mul3A_45 = arith.mulf %sub3A_44, %sub3A_44 : vector<512x128xf32>
    %reduce_sum3A_46 = arith.constant dense<0.000000e+00> : vector<512xf32>
    %reduce_sum3A_47 = vector.multi_reduction <add>, %mul3A_45, %reduce_sum3A_46 [1] : vector<512x128xf32> to vector<512xf32>
    %broadcast_in_dim3A_48 = vector.shape_cast %reduce_sum3A_47 : vector<512xf32> to vector<512x1xf32>
    %div3A_49 = arith.constant 1.270000e+02 : f32
    %div3A_50 = vector.broadcast %div3A_49 : f32 to vector<512x1xf32>
    %div3A_51 = arith.divf %broadcast_in_dim3A_48, %div3A_50 : vector<512x1xf32>
    %sqrt3A = math.sqrt %div3A_51 : vector<512x1xf32>
    %max3A = arith.constant 1.000000e-10 : f32
    %max3A_52 = vector.broadcast %max3A : f32 to vector<512x1xf32>
    %max3A_53 = arith.maximumf %sqrt3A, %max3A_52 : vector<512x1xf32>
    %div3A_54 = vector.broadcast %max3A_53 : vector<512x1xf32> to vector<512x128xf32>
    %div3A_55 = arith.divf %sub3A_44, %div3A_54 : vector<512x128xf32>
    %slice3A_56 = vector.extract_strided_slice %dot_general3A_37 {offsets = [0, 128], sizes = [512, 128], strides = [1, 1]} : vector<512x512xf32> to vector<512x128xf32>
    %reduce_sum3A_57 = arith.constant dense<0.000000e+00> : vector<512xf32>
    %reduce_sum3A_58 = vector.multi_reduction <add>, %slice3A_56, %reduce_sum3A_57 [1] : vector<512x128xf32> to vector<512xf32>
    %broadcast_in_dim3A_59 = vector.shape_cast %reduce_sum3A_58 : vector<512xf32> to vector<512x1xf32>
    %div3A_60 = arith.constant 1.280000e+02 : f32
    %div3A_61 = vector.broadcast %div3A_60 : f32 to vector<512x1xf32>
    %div3A_62 = arith.divf %broadcast_in_dim3A_59, %div3A_61 : vector<512x1xf32>
    %sub3A_63 = vector.broadcast %div3A_62 : vector<512x1xf32> to vector<512x128xf32>
    %sub3A_64 = arith.subf %slice3A_56, %sub3A_63 : vector<512x128xf32>
    %mul3A_65 = arith.mulf %sub3A_64, %sub3A_64 : vector<512x128xf32>
    %reduce_sum3A_66 = arith.constant dense<0.000000e+00> : vector<512xf32>
    %reduce_sum3A_67 = vector.multi_reduction <add>, %mul3A_65, %reduce_sum3A_66 [1] : vector<512x128xf32> to vector<512xf32>
    %broadcast_in_dim3A_68 = vector.shape_cast %reduce_sum3A_67 : vector<512xf32> to vector<512x1xf32>
    %div3A_69 = arith.constant 1.270000e+02 : f32
    %div3A_70 = vector.broadcast %div3A_69 : f32 to vector<512x1xf32>
    %div3A_71 = arith.divf %broadcast_in_dim3A_68, %div3A_70 : vector<512x1xf32>
    %sqrt3A_72 = math.sqrt %div3A_71 : vector<512x1xf32>
    %max3A_73 = arith.constant 1.000000e-10 : f32
    %max3A_74 = vector.broadcast %max3A_73 : f32 to vector<512x1xf32>
    %max3A_75 = arith.maximumf %sqrt3A_72, %max3A_74 : vector<512x1xf32>
    %div3A_76 = vector.broadcast %max3A_75 : vector<512x1xf32> to vector<512x128xf32>
    %div3A_77 = arith.divf %sub3A_64, %div3A_76 : vector<512x128xf32>
    %slice3A_78 = vector.extract_strided_slice %dot_general3A_37 {offsets = [0, 256], sizes = [512, 128], strides = [1, 1]} : vector<512x512xf32> to vector<512x128xf32>
    %reduce_sum3A_79 = arith.constant dense<0.000000e+00> : vector<512xf32>
    %reduce_sum3A_80 = vector.multi_reduction <add>, %slice3A_78, %reduce_sum3A_79 [1] : vector<512x128xf32> to vector<512xf32>
    %broadcast_in_dim3A_81 = vector.shape_cast %reduce_sum3A_80 : vector<512xf32> to vector<512x1xf32>
    %div3A_82 = arith.constant 1.280000e+02 : f32
    %div3A_83 = vector.broadcast %div3A_82 : f32 to vector<512x1xf32>
    %div3A_84 = arith.divf %broadcast_in_dim3A_81, %div3A_83 : vector<512x1xf32>
    %sub3A_85 = vector.broadcast %div3A_84 : vector<512x1xf32> to vector<512x128xf32>
    %sub3A_86 = arith.subf %slice3A_78, %sub3A_85 : vector<512x128xf32>
    %mul3A_87 = arith.mulf %sub3A_86, %sub3A_86 : vector<512x128xf32>
    %reduce_sum3A_88 = arith.constant dense<0.000000e+00> : vector<512xf32>
    %reduce_sum3A_89 = vector.multi_reduction <add>, %mul3A_87, %reduce_sum3A_88 [1] : vector<512x128xf32> to vector<512xf32>
    %broadcast_in_dim3A_90 = vector.shape_cast %reduce_sum3A_89 : vector<512xf32> to vector<512x1xf32>
    %div3A_91 = arith.constant 1.270000e+02 : f32
    %div3A_92 = vector.broadcast %div3A_91 : f32 to vector<512x1xf32>
    %div3A_93 = arith.divf %broadcast_in_dim3A_90, %div3A_92 : vector<512x1xf32>
    %sqrt3A_94 = math.sqrt %div3A_93 : vector<512x1xf32>
    %max3A_95 = arith.constant 1.000000e-10 : f32
    %max3A_96 = vector.broadcast %max3A_95 : f32 to vector<512x1xf32>
    %max3A_97 = arith.maximumf %sqrt3A_94, %max3A_96 : vector<512x1xf32>
    %div3A_98 = vector.broadcast %max3A_97 : vector<512x1xf32> to vector<512x128xf32>
    %div3A_99 = arith.divf %sub3A_86, %div3A_98 : vector<512x128xf32>
    %slice3A_100 = vector.extract_strided_slice %dot_general3A_37 {offsets = [0, 384], sizes = [512, 128], strides = [1, 1]} : vector<512x512xf32> to vector<512x128xf32>
    %reduce_sum3A_101 = arith.constant dense<0.000000e+00> : vector<512xf32>
    %reduce_sum3A_102 = vector.multi_reduction <add>, %slice3A_100, %reduce_sum3A_101 [1] : vector<512x128xf32> to vector<512xf32>
    %broadcast_in_dim3A_103 = vector.shape_cast %reduce_sum3A_102 : vector<512xf32> to vector<512x1xf32>
    %div3A_104 = arith.constant 1.280000e+02 : f32
    %div3A_105 = vector.broadcast %div3A_104 : f32 to vector<512x1xf32>
    %div3A_106 = arith.divf %broadcast_in_dim3A_103, %div3A_105 : vector<512x1xf32>
    %sub3A_107 = vector.broadcast %div3A_106 : vector<512x1xf32> to vector<512x128xf32>
    %sub3A_108 = arith.subf %slice3A_100, %sub3A_107 : vector<512x128xf32>
    %mul3A_109 = arith.mulf %sub3A_108, %sub3A_108 : vector<512x128xf32>
    %reduce_sum3A_110 = arith.constant dense<0.000000e+00> : vector<512xf32>
    %reduce_sum3A_111 = vector.multi_reduction <add>, %mul3A_109, %reduce_sum3A_110 [1] : vector<512x128xf32> to vector<512xf32>
    %broadcast_in_dim3A_112 = vector.shape_cast %reduce_sum3A_111 : vector<512xf32> to vector<512x1xf32>
    %div3A_113 = arith.constant 1.270000e+02 : f32
    %div3A_114 = vector.broadcast %div3A_113 : f32 to vector<512x1xf32>
    %div3A_115 = arith.divf %broadcast_in_dim3A_112, %div3A_114 : vector<512x1xf32>
    %sqrt3A_116 = math.sqrt %div3A_115 : vector<512x1xf32>
    %max3A_117 = arith.constant 1.000000e-10 : f32
    %max3A_118 = vector.broadcast %max3A_117 : f32 to vector<512x1xf32>
    %max3A_119 = arith.maximumf %sqrt3A_116, %max3A_118 : vector<512x1xf32>
    %div3A_120 = vector.broadcast %max3A_119 : vector<512x1xf32> to vector<512x128xf32>
    %div3A_121 = arith.divf %sub3A_108, %div3A_120 : vector<512x128xf32>
    %concatenate3A = tpu.concatenate %div3A_55, %div3A_77, %div3A_99, %div3A_121 in 1 : vector<512x128xf32>, vector<512x128xf32>, vector<512x128xf32>, vector<512x128xf32> -> vector<512x512xf32>
    %swap3A_122 = arith.constant 0 : index
    %swap3A_123 = arith.constant 0 : index
    %swap3A_124 = vector.load %arg6[%swap3A_122, %swap3A_123] : memref<512x512xf32, #tpu.memory_space<vmem>>, vector<512x512xf32>
    tpu.vector_store %arg6[%swap3A_122, %swap3A_123], %concatenate3A {strides = array<i32>} : memref<512x512xf32, #tpu.memory_space<vmem>>, vector<512x512xf32>,
    return
  }
  func.func @transform_0(%arg0: i32) -> (i32, i32) {
    %c0_i32 = arith.constant 0 : i32
    %c0_i32_0 = arith.constant 0 : i32
    return %arg0, %c0_i32 : i32, i32
  }
  func.func @transform_1(%arg0: i32) -> (i32, i32) {
    %c0_i32 = arith.constant 0 : i32
    %c0_i32_0 = arith.constant 0 : i32
    %c0_i32_1 = arith.constant 0 : i32
    return %c0_i32, %c0_i32_0 : i32, i32
  }
  func.func @transform_2(%arg0: i32) -> (i32, i32) {
    %c0_i32 = arith.constant 0 : i32
    %c0_i32_0 = arith.constant 0 : i32
    %c0_i32_1 = arith.constant 0 : i32
    return %c0_i32, %c0_i32_0 : i32, i32
  }
  func.func @transform_3(%arg0: i32) -> (i32, i32) {
    %c0_i32 = arith.constant 0 : i32
    %c0_i32_0 = arith.constant 0 : i32
    %c0_i32_1 = arith.constant 0 : i32
    return %c0_i32, %c0_i32_0 : i32, i32
  }
  func.func @transform_4(%arg0: i32) -> (i32, i32) {
    %c0_i32 = arith.constant 0 : i32
    %c0_i32_0 = arith.constant 0 : i32
    %c0_i32_1 = arith.constant 0 : i32
    return %c0_i32, %c0_i32_0 : i32, i32
  }
  func.func @transform_5(%arg0: i32) -> (i32, i32) {
    %c0_i32 = arith.constant 0 : i32
    %c0_i32_0 = arith.constant 0 : i32
    return %arg0, %c0_i32 : i32, i32
  }
  func.func @transform_6(%arg0: i32) -> (i32, i32) {
    %c0_i32 = arith.constant 0 : i32
    %c0_i32_0 = arith.constant 0 : i32
    return %arg0, %c0_i32 : i32, i32
  }
}

module attributes {stable_mosaic.version = 14 : i64} {
  func.func @_stage3b_body(%arg0: i32, %arg1: memref<32x512x128xf32, #tpu.memory_space<vmem>>, %arg2: memref<32x512xf32, #tpu.memory_space<vmem>>, %arg3: memref<512x512xf32, #tpu.memory_space<vmem>>, %arg4: memref<512x1xf32, #tpu.memory_space<vmem>>, %arg5: memref<512x1024xf32, #tpu.memory_space<vmem>>, %arg6: memref<1x512xf32, #tpu.memory_space<vmem>>, %arg7: memref<512x1024xf32, #tpu.memory_space<vmem>>) attributes {dimension_semantics = [#tpu.dimension_semantics<arbitrary>], iteration_bounds = array<i64: 8>, scalar_prefetch = 0 : i64, scratch_operands = 0 : i64, tpu.core_type = #tpu.core_type<tc>, window_params = [{transform_indices = @transform_0, window_bounds = array<i64: 32, 512, 128>}, {transform_indices = @transform_1, window_bounds = array<i64: 32, 512>}, {transform_indices = @transform_2, window_bounds = array<i64: 512, 512>}, {transform_indices = @transform_3, window_bounds = array<i64: 512, 1>}, {pipeline_mode = #tpu.pipeline_mode<synchronous>, transform_indices = @transform_4, window_bounds = array<i64: 512, 1024>}, {pipeline_mode = #tpu.pipeline_mode<synchronous>, transform_indices = @transform_5, window_bounds = array<i64: 1, 512>}, {transform_indices = @transform_6, window_bounds = array<i64: 512, 1024>}]} {
    %get3A = arith.constant 0 : index
    %get3A_0 = arith.constant 0 : index
    %get3A_1 = vector.load %arg2[%get3A, %get3A_0] : memref<32x512xf32, #tpu.memory_space<vmem>>, vector<32x512xf32>
    %transpose3A = tpu.transpose %get3A_1, [1, 0] : vector<32x512xf32> -> vector<512x32xf32>
    %get3A_2 = arith.constant 0 : index
    %get3A_3 = arith.constant 0 : index
    %get3A_4 = vector.load %arg4[%get3A_2, %get3A_3] : memref<512x1xf32, #tpu.memory_space<vmem>>, vector<512x1xf32>
    %get3A_5 = arith.constant 0 : index
    %get3A_6 = arith.constant 0 : index
    %get3A_7 = vector.load %arg3[%get3A_5, %get3A_6] : memref<512x512xf32, #tpu.memory_space<vmem>>, vector<512x512xf32>
    %broadcast_in_dim3A = arith.constant 0.000000e+00 : f32
    %broadcast_in_dim3A_8 = vector.broadcast %broadcast_in_dim3A : f32 to vector<512x128xf32>
    %slice3A = vector.extract_strided_slice %transpose3A {offsets = [0, 0], sizes = [512, 1], strides = [1, 1]} : vector<512x32xf32> to vector<512x1xf32>
    %get3A_9 = arith.constant 0 : index
    %get3A_10 = arith.constant 0 : index
    %get3A_11 = arith.constant 0 : index
    %get3A_12 = vector.load %arg1[%get3A_9, %get3A_10, %get3A_11] : memref<32x512x128xf32, #tpu.memory_space<vmem>>, vector<1x512x128xf32>
    %get3A_13 = vector.shape_cast %get3A_12 : vector<1x512x128xf32> to vector<512x128xf32>
    %mul3A = vector.broadcast %slice3A : vector<512x1xf32> to vector<512x128xf32>
    %mul3A_14 = arith.mulf %mul3A, %get3A_13 : vector<512x128xf32>
    %add3A = arith.addf %broadcast_in_dim3A_8, %mul3A_14 : vector<512x128xf32>
    %slice3A_15 = vector.extract_strided_slice %transpose3A {offsets = [0, 1], sizes = [512, 1], strides = [1, 1]} : vector<512x32xf32> to vector<512x1xf32>
    %get3A_16 = arith.constant 1 : index
    %get3A_17 = arith.constant 0 : index
    %get3A_18 = arith.constant 0 : index
    %get3A_19 = vector.load %arg1[%get3A_16, %get3A_17, %get3A_18] : memref<32x512x128xf32, #tpu.memory_space<vmem>>, vector<1x512x128xf32>
    %get3A_20 = vector.shape_cast %get3A_19 : vector<1x512x128xf32> to vector<512x128xf32>
    %mul3A_21 = vector.broadcast %slice3A_15 : vector<512x1xf32> to vector<512x128xf32>
    %mul3A_22 = arith.mulf %mul3A_21, %get3A_20 : vector<512x128xf32>
    %add3A_23 = arith.addf %add3A, %mul3A_22 : vector<512x128xf32>
    %slice3A_24 = vector.extract_strided_slice %transpose3A {offsets = [0, 2], sizes = [512, 1], strides = [1, 1]} : vector<512x32xf32> to vector<512x1xf32>
    %get3A_25 = arith.constant 2 : index
    %get3A_26 = arith.constant 0 : index
    %get3A_27 = arith.constant 0 : index
    %get3A_28 = vector.load %arg1[%get3A_25, %get3A_26, %get3A_27] : memref<32x512x128xf32, #tpu.memory_space<vmem>>, vector<1x512x128xf32>
    %get3A_29 = vector.shape_cast %get3A_28 : vector<1x512x128xf32> to vector<512x128xf32>
    %mul3A_30 = vector.broadcast %slice3A_24 : vector<512x1xf32> to vector<512x128xf32>
    %mul3A_31 = arith.mulf %mul3A_30, %get3A_29 : vector<512x128xf32>
    %add3A_32 = arith.addf %add3A_23, %mul3A_31 : vector<512x128xf32>
    %slice3A_33 = vector.extract_strided_slice %transpose3A {offsets = [0, 3], sizes = [512, 1], strides = [1, 1]} : vector<512x32xf32> to vector<512x1xf32>
    %get3A_34 = arith.constant 3 : index
    %get3A_35 = arith.constant 0 : index
    %get3A_36 = arith.constant 0 : index
    %get3A_37 = vector.load %arg1[%get3A_34, %get3A_35, %get3A_36] : memref<32x512x128xf32, #tpu.memory_space<vmem>>, vector<1x512x128xf32>
    %get3A_38 = vector.shape_cast %get3A_37 : vector<1x512x128xf32> to vector<512x128xf32>
    %mul3A_39 = vector.broadcast %slice3A_33 : vector<512x1xf32> to vector<512x128xf32>
    %mul3A_40 = arith.mulf %mul3A_39, %get3A_38 : vector<512x128xf32>
    %add3A_41 = arith.addf %add3A_32, %mul3A_40 : vector<512x128xf32>
    %slice3A_42 = vector.extract_strided_slice %transpose3A {offsets = [0, 4], sizes = [512, 1], strides = [1, 1]} : vector<512x32xf32> to vector<512x1xf32>
    %get3A_43 = arith.constant 4 : index
    %get3A_44 = arith.constant 0 : index
    %get3A_45 = arith.constant 0 : index
    %get3A_46 = vector.load %arg1[%get3A_43, %get3A_44, %get3A_45] : memref<32x512x128xf32, #tpu.memory_space<vmem>>, vector<1x512x128xf32>
    %get3A_47 = vector.shape_cast %get3A_46 : vector<1x512x128xf32> to vector<512x128xf32>
    %mul3A_48 = vector.broadcast %slice3A_42 : vector<512x1xf32> to vector<512x128xf32>
    %mul3A_49 = arith.mulf %mul3A_48, %get3A_47 : vector<512x128xf32>
    %add3A_50 = arith.addf %add3A_41, %mul3A_49 : vector<512x128xf32>
    %slice3A_51 = vector.extract_strided_slice %transpose3A {offsets = [0, 5], sizes = [512, 1], strides = [1, 1]} : vector<512x32xf32> to vector<512x1xf32>
    %get3A_52 = arith.constant 5 : index
    %get3A_53 = arith.constant 0 : index
    %get3A_54 = arith.constant 0 : index
    %get3A_55 = vector.load %arg1[%get3A_52, %get3A_53, %get3A_54] : memref<32x512x128xf32, #tpu.memory_space<vmem>>, vector<1x512x128xf32>
    %get3A_56 = vector.shape_cast %get3A_55 : vector<1x512x128xf32> to vector<512x128xf32>
    %mul3A_57 = vector.broadcast %slice3A_51 : vector<512x1xf32> to vector<512x128xf32>
    %mul3A_58 = arith.mulf %mul3A_57, %get3A_56 : vector<512x128xf32>
    %add3A_59 = arith.addf %add3A_50, %mul3A_58 : vector<512x128xf32>
    %slice3A_60 = vector.extract_strided_slice %transpose3A {offsets = [0, 6], sizes = [512, 1], strides = [1, 1]} : vector<512x32xf32> to vector<512x1xf32>
    %get3A_61 = arith.constant 6 : index
    %get3A_62 = arith.constant 0 : index
    %get3A_63 = arith.constant 0 : index
    %get3A_64 = vector.load %arg1[%get3A_61, %get3A_62, %get3A_63] : memref<32x512x128xf32, #tpu.memory_space<vmem>>, vector<1x512x128xf32>
    %get3A_65 = vector.shape_cast %get3A_64 : vector<1x512x128xf32> to vector<512x128xf32>
    %mul3A_66 = vector.broadcast %slice3A_60 : vector<512x1xf32> to vector<512x128xf32>
    %mul3A_67 = arith.mulf %mul3A_66, %get3A_65 : vector<512x128xf32>
    %add3A_68 = arith.addf %add3A_59, %mul3A_67 : vector<512x128xf32>
    %slice3A_69 = vector.extract_strided_slice %transpose3A {offsets = [0, 7], sizes = [512, 1], strides = [1, 1]} : vector<512x32xf32> to vector<512x1xf32>
    %get3A_70 = arith.constant 7 : index
    %get3A_71 = arith.constant 0 : index
    %get3A_72 = arith.constant 0 : index
    %get3A_73 = vector.load %arg1[%get3A_70, %get3A_71, %get3A_72] : memref<32x512x128xf32, #tpu.memory_space<vmem>>, vector<1x512x128xf32>
    %get3A_74 = vector.shape_cast %get3A_73 : vector<1x512x128xf32> to vector<512x128xf32>
    %mul3A_75 = vector.broadcast %slice3A_69 : vector<512x1xf32> to vector<512x128xf32>
    %mul3A_76 = arith.mulf %mul3A_75, %get3A_74 : vector<512x128xf32>
    %add3A_77 = arith.addf %add3A_68, %mul3A_76 : vector<512x128xf32>
    %slice3A_78 = vector.extract_strided_slice %get3A_7 {offsets = [0, 0], sizes = [512, 128], strides = [1, 1]} : vector<512x512xf32> to vector<512x128xf32>
    %sub3A = arith.subf %add3A_77, %slice3A_78 : vector<512x128xf32>
    %mul3A_79 = vector.broadcast %get3A_4 : vector<512x1xf32> to vector<512x128xf32>
    %mul3A_80 = arith.mulf %mul3A_79, %sub3A : vector<512x128xf32>
    %add3A_81 = arith.addf %slice3A_78, %mul3A_80 : vector<512x128xf32>
    %broadcast_in_dim3A_82 = arith.constant 0.000000e+00 : f32
    %broadcast_in_dim3A_83 = vector.broadcast %broadcast_in_dim3A_82 : f32 to vector<512x128xf32>
    %slice3A_84 = vector.extract_strided_slice %transpose3A {offsets = [0, 8], sizes = [512, 1], strides = [1, 1]} : vector<512x32xf32> to vector<512x1xf32>
    %get3A_85 = arith.constant 8 : index
    %get3A_86 = arith.constant 0 : index
    %get3A_87 = arith.constant 0 : index
    %get3A_88 = vector.load %arg1[%get3A_85, %get3A_86, %get3A_87] : memref<32x512x128xf32, #tpu.memory_space<vmem>>, vector<1x512x128xf32>
    %get3A_89 = vector.shape_cast %get3A_88 : vector<1x512x128xf32> to vector<512x128xf32>
    %mul3A_90 = vector.broadcast %slice3A_84 : vector<512x1xf32> to vector<512x128xf32>
    %mul3A_91 = arith.mulf %mul3A_90, %get3A_89 : vector<512x128xf32>
    %add3A_92 = arith.addf %broadcast_in_dim3A_83, %mul3A_91 : vector<512x128xf32>
    %slice3A_93 = vector.extract_strided_slice %transpose3A {offsets = [0, 9], sizes = [512, 1], strides = [1, 1]} : vector<512x32xf32> to vector<512x1xf32>
    %get3A_94 = arith.constant 9 : index
    %get3A_95 = arith.constant 0 : index
    %get3A_96 = arith.constant 0 : index
    %get3A_97 = vector.load %arg1[%get3A_94, %get3A_95, %get3A_96] : memref<32x512x128xf32, #tpu.memory_space<vmem>>, vector<1x512x128xf32>
    %get3A_98 = vector.shape_cast %get3A_97 : vector<1x512x128xf32> to vector<512x128xf32>
    %mul3A_99 = vector.broadcast %slice3A_93 : vector<512x1xf32> to vector<512x128xf32>
    %mul3A_100 = arith.mulf %mul3A_99, %get3A_98 : vector<512x128xf32>
    %add3A_101 = arith.addf %add3A_92, %mul3A_100 : vector<512x128xf32>
    %slice3A_102 = vector.extract_strided_slice %transpose3A {offsets = [0, 10], sizes = [512, 1], strides = [1, 1]} : vector<512x32xf32> to vector<512x1xf32>
    %get3A_103 = arith.constant 10 : index
    %get3A_104 = arith.constant 0 : index
    %get3A_105 = arith.constant 0 : index
    %get3A_106 = vector.load %arg1[%get3A_103, %get3A_104, %get3A_105] : memref<32x512x128xf32, #tpu.memory_space<vmem>>, vector<1x512x128xf32>
    %get3A_107 = vector.shape_cast %get3A_106 : vector<1x512x128xf32> to vector<512x128xf32>
    %mul3A_108 = vector.broadcast %slice3A_102 : vector<512x1xf32> to vector<512x128xf32>
    %mul3A_109 = arith.mulf %mul3A_108, %get3A_107 : vector<512x128xf32>
    %add3A_110 = arith.addf %add3A_101, %mul3A_109 : vector<512x128xf32>
    %slice3A_111 = vector.extract_strided_slice %transpose3A {offsets = [0, 11], sizes = [512, 1], strides = [1, 1]} : vector<512x32xf32> to vector<512x1xf32>
    %get3A_112 = arith.constant 11 : index
    %get3A_113 = arith.constant 0 : index
    %get3A_114 = arith.constant 0 : index
    %get3A_115 = vector.load %arg1[%get3A_112, %get3A_113, %get3A_114] : memref<32x512x128xf32, #tpu.memory_space<vmem>>, vector<1x512x128xf32>
    %get3A_116 = vector.shape_cast %get3A_115 : vector<1x512x128xf32> to vector<512x128xf32>
    %mul3A_117 = vector.broadcast %slice3A_111 : vector<512x1xf32> to vector<512x128xf32>
    %mul3A_118 = arith.mulf %mul3A_117, %get3A_116 : vector<512x128xf32>
    %add3A_119 = arith.addf %add3A_110, %mul3A_118 : vector<512x128xf32>
    %slice3A_120 = vector.extract_strided_slice %transpose3A {offsets = [0, 12], sizes = [512, 1], strides = [1, 1]} : vector<512x32xf32> to vector<512x1xf32>
    %get3A_121 = arith.constant 12 : index
    %get3A_122 = arith.constant 0 : index
    %get3A_123 = arith.constant 0 : index
    %get3A_124 = vector.load %arg1[%get3A_121, %get3A_122, %get3A_123] : memref<32x512x128xf32, #tpu.memory_space<vmem>>, vector<1x512x128xf32>
    %get3A_125 = vector.shape_cast %get3A_124 : vector<1x512x128xf32> to vector<512x128xf32>
    %mul3A_126 = vector.broadcast %slice3A_120 : vector<512x1xf32> to vector<512x128xf32>
    %mul3A_127 = arith.mulf %mul3A_126, %get3A_125 : vector<512x128xf32>
    %add3A_128 = arith.addf %add3A_119, %mul3A_127 : vector<512x128xf32>
    %slice3A_129 = vector.extract_strided_slice %transpose3A {offsets = [0, 13], sizes = [512, 1], strides = [1, 1]} : vector<512x32xf32> to vector<512x1xf32>
    %get3A_130 = arith.constant 13 : index
    %get3A_131 = arith.constant 0 : index
    %get3A_132 = arith.constant 0 : index
    %get3A_133 = vector.load %arg1[%get3A_130, %get3A_131, %get3A_132] : memref<32x512x128xf32, #tpu.memory_space<vmem>>, vector<1x512x128xf32>
    %get3A_134 = vector.shape_cast %get3A_133 : vector<1x512x128xf32> to vector<512x128xf32>
    %mul3A_135 = vector.broadcast %slice3A_129 : vector<512x1xf32> to vector<512x128xf32>
    %mul3A_136 = arith.mulf %mul3A_135, %get3A_134 : vector<512x128xf32>
    %add3A_137 = arith.addf %add3A_128, %mul3A_136 : vector<512x128xf32>
    %slice3A_138 = vector.extract_strided_slice %transpose3A {offsets = [0, 14], sizes = [512, 1], strides = [1, 1]} : vector<512x32xf32> to vector<512x1xf32>
    %get3A_139 = arith.constant 14 : index
    %get3A_140 = arith.constant 0 : index
    %get3A_141 = arith.constant 0 : index
    %get3A_142 = vector.load %arg1[%get3A_139, %get3A_140, %get3A_141] : memref<32x512x128xf32, #tpu.memory_space<vmem>>, vector<1x512x128xf32>
    %get3A_143 = vector.shape_cast %get3A_142 : vector<1x512x128xf32> to vector<512x128xf32>
    %mul3A_144 = vector.broadcast %slice3A_138 : vector<512x1xf32> to vector<512x128xf32>
    %mul3A_145 = arith.mulf %mul3A_144, %get3A_143 : vector<512x128xf32>
    %add3A_146 = arith.addf %add3A_137, %mul3A_145 : vector<512x128xf32>
    %slice3A_147 = vector.extract_strided_slice %transpose3A {offsets = [0, 15], sizes = [512, 1], strides = [1, 1]} : vector<512x32xf32> to vector<512x1xf32>
    %get3A_148 = arith.constant 15 : index
    %get3A_149 = arith.constant 0 : index
    %get3A_150 = arith.constant 0 : index
    %get3A_151 = vector.load %arg1[%get3A_148, %get3A_149, %get3A_150] : memref<32x512x128xf32, #tpu.memory_space<vmem>>, vector<1x512x128xf32>
    %get3A_152 = vector.shape_cast %get3A_151 : vector<1x512x128xf32> to vector<512x128xf32>
    %mul3A_153 = vector.broadcast %slice3A_147 : vector<512x1xf32> to vector<512x128xf32>
    %mul3A_154 = arith.mulf %mul3A_153, %get3A_152 : vector<512x128xf32>
    %add3A_155 = arith.addf %add3A_146, %mul3A_154 : vector<512x128xf32>
    %slice3A_156 = vector.extract_strided_slice %get3A_7 {offsets = [0, 128], sizes = [512, 128], strides = [1, 1]} : vector<512x512xf32> to vector<512x128xf32>
    %sub3A_157 = arith.subf %add3A_155, %slice3A_156 : vector<512x128xf32>
    %mul3A_158 = vector.broadcast %get3A_4 : vector<512x1xf32> to vector<512x128xf32>
    %mul3A_159 = arith.mulf %mul3A_158, %sub3A_157 : vector<512x128xf32>
    %add3A_160 = arith.addf %slice3A_156, %mul3A_159 : vector<512x128xf32>
    %broadcast_in_dim3A_161 = arith.constant 0.000000e+00 : f32
    %broadcast_in_dim3A_162 = vector.broadcast %broadcast_in_dim3A_161 : f32 to vector<512x128xf32>
    %slice3A_163 = vector.extract_strided_slice %transpose3A {offsets = [0, 16], sizes = [512, 1], strides = [1, 1]} : vector<512x32xf32> to vector<512x1xf32>
    %get3A_164 = arith.constant 16 : index
    %get3A_165 = arith.constant 0 : index
    %get3A_166 = arith.constant 0 : index
    %get3A_167 = vector.load %arg1[%get3A_164, %get3A_165, %get3A_166] : memref<32x512x128xf32, #tpu.memory_space<vmem>>, vector<1x512x128xf32>
    %get3A_168 = vector.shape_cast %get3A_167 : vector<1x512x128xf32> to vector<512x128xf32>
    %mul3A_169 = vector.broadcast %slice3A_163 : vector<512x1xf32> to vector<512x128xf32>
    %mul3A_170 = arith.mulf %mul3A_169, %get3A_168 : vector<512x128xf32>
    %add3A_171 = arith.addf %broadcast_in_dim3A_162, %mul3A_170 : vector<512x128xf32>
    %slice3A_172 = vector.extract_strided_slice %transpose3A {offsets = [0, 17], sizes = [512, 1], strides = [1, 1]} : vector<512x32xf32> to vector<512x1xf32>
    %get3A_173 = arith.constant 17 : index
    %get3A_174 = arith.constant 0 : index
    %get3A_175 = arith.constant 0 : index
    %get3A_176 = vector.load %arg1[%get3A_173, %get3A_174, %get3A_175] : memref<32x512x128xf32, #tpu.memory_space<vmem>>, vector<1x512x128xf32>
    %get3A_177 = vector.shape_cast %get3A_176 : vector<1x512x128xf32> to vector<512x128xf32>
    %mul3A_178 = vector.broadcast %slice3A_172 : vector<512x1xf32> to vector<512x128xf32>
    %mul3A_179 = arith.mulf %mul3A_178, %get3A_177 : vector<512x128xf32>
    %add3A_180 = arith.addf %add3A_171, %mul3A_179 : vector<512x128xf32>
    %slice3A_181 = vector.extract_strided_slice %transpose3A {offsets = [0, 18], sizes = [512, 1], strides = [1, 1]} : vector<512x32xf32> to vector<512x1xf32>
    %get3A_182 = arith.constant 18 : index
    %get3A_183 = arith.constant 0 : index
    %get3A_184 = arith.constant 0 : index
    %get3A_185 = vector.load %arg1[%get3A_182, %get3A_183, %get3A_184] : memref<32x512x128xf32, #tpu.memory_space<vmem>>, vector<1x512x128xf32>
    %get3A_186 = vector.shape_cast %get3A_185 : vector<1x512x128xf32> to vector<512x128xf32>
    %mul3A_187 = vector.broadcast %slice3A_181 : vector<512x1xf32> to vector<512x128xf32>
    %mul3A_188 = arith.mulf %mul3A_187, %get3A_186 : vector<512x128xf32>
    %add3A_189 = arith.addf %add3A_180, %mul3A_188 : vector<512x128xf32>
    %slice3A_190 = vector.extract_strided_slice %transpose3A {offsets = [0, 19], sizes = [512, 1], strides = [1, 1]} : vector<512x32xf32> to vector<512x1xf32>
    %get3A_191 = arith.constant 19 : index
    %get3A_192 = arith.constant 0 : index
    %get3A_193 = arith.constant 0 : index
    %get3A_194 = vector.load %arg1[%get3A_191, %get3A_192, %get3A_193] : memref<32x512x128xf32, #tpu.memory_space<vmem>>, vector<1x512x128xf32>
    %get3A_195 = vector.shape_cast %get3A_194 : vector<1x512x128xf32> to vector<512x128xf32>
    %mul3A_196 = vector.broadcast %slice3A_190 : vector<512x1xf32> to vector<512x128xf32>
    %mul3A_197 = arith.mulf %mul3A_196, %get3A_195 : vector<512x128xf32>
    %add3A_198 = arith.addf %add3A_189, %mul3A_197 : vector<512x128xf32>
    %slice3A_199 = vector.extract_strided_slice %transpose3A {offsets = [0, 20], sizes = [512, 1], strides = [1, 1]} : vector<512x32xf32> to vector<512x1xf32>
    %get3A_200 = arith.constant 20 : index
    %get3A_201 = arith.constant 0 : index
    %get3A_202 = arith.constant 0 : index
    %get3A_203 = vector.load %arg1[%get3A_200, %get3A_201, %get3A_202] : memref<32x512x128xf32, #tpu.memory_space<vmem>>, vector<1x512x128xf32>
    %get3A_204 = vector.shape_cast %get3A_203 : vector<1x512x128xf32> to vector<512x128xf32>
    %mul3A_205 = vector.broadcast %slice3A_199 : vector<512x1xf32> to vector<512x128xf32>
    %mul3A_206 = arith.mulf %mul3A_205, %get3A_204 : vector<512x128xf32>
    %add3A_207 = arith.addf %add3A_198, %mul3A_206 : vector<512x128xf32>
    %slice3A_208 = vector.extract_strided_slice %transpose3A {offsets = [0, 21], sizes = [512, 1], strides = [1, 1]} : vector<512x32xf32> to vector<512x1xf32>
    %get3A_209 = arith.constant 21 : index
    %get3A_210 = arith.constant 0 : index
    %get3A_211 = arith.constant 0 : index
    %get3A_212 = vector.load %arg1[%get3A_209, %get3A_210, %get3A_211] : memref<32x512x128xf32, #tpu.memory_space<vmem>>, vector<1x512x128xf32>
    %get3A_213 = vector.shape_cast %get3A_212 : vector<1x512x128xf32> to vector<512x128xf32>
    %mul3A_214 = vector.broadcast %slice3A_208 : vector<512x1xf32> to vector<512x128xf32>
    %mul3A_215 = arith.mulf %mul3A_214, %get3A_213 : vector<512x128xf32>
    %add3A_216 = arith.addf %add3A_207, %mul3A_215 : vector<512x128xf32>
    %slice3A_217 = vector.extract_strided_slice %transpose3A {offsets = [0, 22], sizes = [512, 1], strides = [1, 1]} : vector<512x32xf32> to vector<512x1xf32>
    %get3A_218 = arith.constant 22 : index
    %get3A_219 = arith.constant 0 : index
    %get3A_220 = arith.constant 0 : index
    %get3A_221 = vector.load %arg1[%get3A_218, %get3A_219, %get3A_220] : memref<32x512x128xf32, #tpu.memory_space<vmem>>, vector<1x512x128xf32>
    %get3A_222 = vector.shape_cast %get3A_221 : vector<1x512x128xf32> to vector<512x128xf32>
    %mul3A_223 = vector.broadcast %slice3A_217 : vector<512x1xf32> to vector<512x128xf32>
    %mul3A_224 = arith.mulf %mul3A_223, %get3A_222 : vector<512x128xf32>
    %add3A_225 = arith.addf %add3A_216, %mul3A_224 : vector<512x128xf32>
    %slice3A_226 = vector.extract_strided_slice %transpose3A {offsets = [0, 23], sizes = [512, 1], strides = [1, 1]} : vector<512x32xf32> to vector<512x1xf32>
    %get3A_227 = arith.constant 23 : index
    %get3A_228 = arith.constant 0 : index
    %get3A_229 = arith.constant 0 : index
    %get3A_230 = vector.load %arg1[%get3A_227, %get3A_228, %get3A_229] : memref<32x512x128xf32, #tpu.memory_space<vmem>>, vector<1x512x128xf32>
    %get3A_231 = vector.shape_cast %get3A_230 : vector<1x512x128xf32> to vector<512x128xf32>
    %mul3A_232 = vector.broadcast %slice3A_226 : vector<512x1xf32> to vector<512x128xf32>
    %mul3A_233 = arith.mulf %mul3A_232, %get3A_231 : vector<512x128xf32>
    %add3A_234 = arith.addf %add3A_225, %mul3A_233 : vector<512x128xf32>
    %slice3A_235 = vector.extract_strided_slice %get3A_7 {offsets = [0, 256], sizes = [512, 128], strides = [1, 1]} : vector<512x512xf32> to vector<512x128xf32>
    %sub3A_236 = arith.subf %add3A_234, %slice3A_235 : vector<512x128xf32>
    %mul3A_237 = vector.broadcast %get3A_4 : vector<512x1xf32> to vector<512x128xf32>
    %mul3A_238 = arith.mulf %mul3A_237, %sub3A_236 : vector<512x128xf32>
    %add3A_239 = arith.addf %slice3A_235, %mul3A_238 : vector<512x128xf32>
    %broadcast_in_dim3A_240 = arith.constant 0.000000e+00 : f32
    %broadcast_in_dim3A_241 = vector.broadcast %broadcast_in_dim3A_240 : f32 to vector<512x128xf32>
    %slice3A_242 = vector.extract_strided_slice %transpose3A {offsets = [0, 24], sizes = [512, 1], strides = [1, 1]} : vector<512x32xf32> to vector<512x1xf32>
    %get3A_243 = arith.constant 24 : index
    %get3A_244 = arith.constant 0 : index
    %get3A_245 = arith.constant 0 : index
    %get3A_246 = vector.load %arg1[%get3A_243, %get3A_244, %get3A_245] : memref<32x512x128xf32, #tpu.memory_space<vmem>>, vector<1x512x128xf32>
    %get3A_247 = vector.shape_cast %get3A_246 : vector<1x512x128xf32> to vector<512x128xf32>
    %mul3A_248 = vector.broadcast %slice3A_242 : vector<512x1xf32> to vector<512x128xf32>
    %mul3A_249 = arith.mulf %mul3A_248, %get3A_247 : vector<512x128xf32>
    %add3A_250 = arith.addf %broadcast_in_dim3A_241, %mul3A_249 : vector<512x128xf32>
    %slice3A_251 = vector.extract_strided_slice %transpose3A {offsets = [0, 25], sizes = [512, 1], strides = [1, 1]} : vector<512x32xf32> to vector<512x1xf32>
    %get3A_252 = arith.constant 25 : index
    %get3A_253 = arith.constant 0 : index
    %get3A_254 = arith.constant 0 : index
    %get3A_255 = vector.load %arg1[%get3A_252, %get3A_253, %get3A_254] : memref<32x512x128xf32, #tpu.memory_space<vmem>>, vector<1x512x128xf32>
    %get3A_256 = vector.shape_cast %get3A_255 : vector<1x512x128xf32> to vector<512x128xf32>
    %mul3A_257 = vector.broadcast %slice3A_251 : vector<512x1xf32> to vector<512x128xf32>
    %mul3A_258 = arith.mulf %mul3A_257, %get3A_256 : vector<512x128xf32>
    %add3A_259 = arith.addf %add3A_250, %mul3A_258 : vector<512x128xf32>
    %slice3A_260 = vector.extract_strided_slice %transpose3A {offsets = [0, 26], sizes = [512, 1], strides = [1, 1]} : vector<512x32xf32> to vector<512x1xf32>
    %get3A_261 = arith.constant 26 : index
    %get3A_262 = arith.constant 0 : index
    %get3A_263 = arith.constant 0 : index
    %get3A_264 = vector.load %arg1[%get3A_261, %get3A_262, %get3A_263] : memref<32x512x128xf32, #tpu.memory_space<vmem>>, vector<1x512x128xf32>
    %get3A_265 = vector.shape_cast %get3A_264 : vector<1x512x128xf32> to vector<512x128xf32>
    %mul3A_266 = vector.broadcast %slice3A_260 : vector<512x1xf32> to vector<512x128xf32>
    %mul3A_267 = arith.mulf %mul3A_266, %get3A_265 : vector<512x128xf32>
    %add3A_268 = arith.addf %add3A_259, %mul3A_267 : vector<512x128xf32>
    %slice3A_269 = vector.extract_strided_slice %transpose3A {offsets = [0, 27], sizes = [512, 1], strides = [1, 1]} : vector<512x32xf32> to vector<512x1xf32>
    %get3A_270 = arith.constant 27 : index
    %get3A_271 = arith.constant 0 : index
    %get3A_272 = arith.constant 0 : index
    %get3A_273 = vector.load %arg1[%get3A_270, %get3A_271, %get3A_272] : memref<32x512x128xf32, #tpu.memory_space<vmem>>, vector<1x512x128xf32>
    %get3A_274 = vector.shape_cast %get3A_273 : vector<1x512x128xf32> to vector<512x128xf32>
    %mul3A_275 = vector.broadcast %slice3A_269 : vector<512x1xf32> to vector<512x128xf32>
    %mul3A_276 = arith.mulf %mul3A_275, %get3A_274 : vector<512x128xf32>
    %add3A_277 = arith.addf %add3A_268, %mul3A_276 : vector<512x128xf32>
    %slice3A_278 = vector.extract_strided_slice %transpose3A {offsets = [0, 28], sizes = [512, 1], strides = [1, 1]} : vector<512x32xf32> to vector<512x1xf32>
    %get3A_279 = arith.constant 28 : index
    %get3A_280 = arith.constant 0 : index
    %get3A_281 = arith.constant 0 : index
    %get3A_282 = vector.load %arg1[%get3A_279, %get3A_280, %get3A_281] : memref<32x512x128xf32, #tpu.memory_space<vmem>>, vector<1x512x128xf32>
    %get3A_283 = vector.shape_cast %get3A_282 : vector<1x512x128xf32> to vector<512x128xf32>
    %mul3A_284 = vector.broadcast %slice3A_278 : vector<512x1xf32> to vector<512x128xf32>
    %mul3A_285 = arith.mulf %mul3A_284, %get3A_283 : vector<512x128xf32>
    %add3A_286 = arith.addf %add3A_277, %mul3A_285 : vector<512x128xf32>
    %slice3A_287 = vector.extract_strided_slice %transpose3A {offsets = [0, 29], sizes = [512, 1], strides = [1, 1]} : vector<512x32xf32> to vector<512x1xf32>
    %get3A_288 = arith.constant 29 : index
    %get3A_289 = arith.constant 0 : index
    %get3A_290 = arith.constant 0 : index
    %get3A_291 = vector.load %arg1[%get3A_288, %get3A_289, %get3A_290] : memref<32x512x128xf32, #tpu.memory_space<vmem>>, vector<1x512x128xf32>
    %get3A_292 = vector.shape_cast %get3A_291 : vector<1x512x128xf32> to vector<512x128xf32>
    %mul3A_293 = vector.broadcast %slice3A_287 : vector<512x1xf32> to vector<512x128xf32>
    %mul3A_294 = arith.mulf %mul3A_293, %get3A_292 : vector<512x128xf32>
    %add3A_295 = arith.addf %add3A_286, %mul3A_294 : vector<512x128xf32>
    %slice3A_296 = vector.extract_strided_slice %transpose3A {offsets = [0, 30], sizes = [512, 1], strides = [1, 1]} : vector<512x32xf32> to vector<512x1xf32>
    %get3A_297 = arith.constant 30 : index
    %get3A_298 = arith.constant 0 : index
    %get3A_299 = arith.constant 0 : index
    %get3A_300 = vector.load %arg1[%get3A_297, %get3A_298, %get3A_299] : memref<32x512x128xf32, #tpu.memory_space<vmem>>, vector<1x512x128xf32>
    %get3A_301 = vector.shape_cast %get3A_300 : vector<1x512x128xf32> to vector<512x128xf32>
    %mul3A_302 = vector.broadcast %slice3A_296 : vector<512x1xf32> to vector<512x128xf32>
    %mul3A_303 = arith.mulf %mul3A_302, %get3A_301 : vector<512x128xf32>
    %add3A_304 = arith.addf %add3A_295, %mul3A_303 : vector<512x128xf32>
    %slice3A_305 = vector.extract_strided_slice %transpose3A {offsets = [0, 31], sizes = [512, 1], strides = [1, 1]} : vector<512x32xf32> to vector<512x1xf32>
    %get3A_306 = arith.constant 31 : index
    %get3A_307 = arith.constant 0 : index
    %get3A_308 = arith.constant 0 : index
    %get3A_309 = vector.load %arg1[%get3A_306, %get3A_307, %get3A_308] : memref<32x512x128xf32, #tpu.memory_space<vmem>>, vector<1x512x128xf32>
    %get3A_310 = vector.shape_cast %get3A_309 : vector<1x512x128xf32> to vector<512x128xf32>
    %mul3A_311 = vector.broadcast %slice3A_305 : vector<512x1xf32> to vector<512x128xf32>
    %mul3A_312 = arith.mulf %mul3A_311, %get3A_310 : vector<512x128xf32>
    %add3A_313 = arith.addf %add3A_304, %mul3A_312 : vector<512x128xf32>
    %slice3A_314 = vector.extract_strided_slice %get3A_7 {offsets = [0, 384], sizes = [512, 128], strides = [1, 1]} : vector<512x512xf32> to vector<512x128xf32>
    %sub3A_315 = arith.subf %add3A_313, %slice3A_314 : vector<512x128xf32>
    %mul3A_316 = vector.broadcast %get3A_4 : vector<512x1xf32> to vector<512x128xf32>
    %mul3A_317 = arith.mulf %mul3A_316, %sub3A_315 : vector<512x128xf32>
    %add3A_318 = arith.addf %slice3A_314, %mul3A_317 : vector<512x128xf32>
    %concatenate3A = tpu.concatenate %add3A_81, %add3A_160, %add3A_239, %add3A_318 in 1 : vector<512x128xf32>, vector<512x128xf32>, vector<512x128xf32>, vector<512x128xf32> -> vector<512x512xf32>
    %mul3A_319 = arith.mulf %concatenate3A, %concatenate3A : vector<512x512xf32>
    %reduce_sum3A = arith.constant dense<0.000000e+00> : vector<512xf32>
    %reduce_sum3A_320 = vector.multi_reduction <add>, %mul3A_319, %reduce_sum3A [1] : vector<512x512xf32> to vector<512xf32>
    %broadcast_in_dim3A_321 = vector.shape_cast %reduce_sum3A_320 : vector<512xf32> to vector<512x1xf32>
    %div3A = arith.constant 5.120000e+02 : f32
    %div3A_322 = vector.broadcast %div3A : f32 to vector<512x1xf32>
    %div3A_323 = arith.divf %broadcast_in_dim3A_321, %div3A_322 : vector<512x1xf32>
    %add3A_324 = arith.constant 1.1920929E-7 : f32
    %add3A_325 = vector.broadcast %add3A_324 : f32 to vector<512x1xf32>
    %add3A_326 = arith.addf %div3A_323, %add3A_325 : vector<512x1xf32>
    %rsqrt3A = math.rsqrt %add3A_326 : vector<512x1xf32>
    %mul3A_327 = vector.broadcast %rsqrt3A : vector<512x1xf32> to vector<512x512xf32>
    %mul3A_328 = arith.mulf %concatenate3A, %mul3A_327 : vector<512x512xf32>
    %get3A_329 = arith.constant 0 : index
    %get3A_330 = arith.constant 0 : index
    %get3A_331 = vector.load %arg6[%get3A_329, %get3A_330] : memref<1x512xf32, #tpu.memory_space<vmem>>, vector<1x512xf32>
    %mul3A_332 = vector.broadcast %get3A_331 : vector<1x512xf32> to vector<512x512xf32>
    %mul3A_333 = arith.mulf %mul3A_328, %mul3A_332 : vector<512x512xf32>
    %get3A_334 = arith.constant 0 : index
    %get3A_335 = arith.constant 0 : index
    %get3A_336 = vector.load %arg5[%get3A_334, %get3A_335] : memref<512x1024xf32, #tpu.memory_space<vmem>>, vector<512x1024xf32>
    %dot_general3A = arith.constant dense<0.000000e+00> : vector<512x1024xf32>
    %dot_general3A_337 = tpu.matmul %mul3A_333, %get3A_336, %dot_general3A {dimension_numbers = #tpu.dot_dimension_numbers<[1], [0], [0], [1], [0, 0, 1, 1], [], []>, transpose_lhs_hint = false} : vector<512x512xf32>, vector<512x1024xf32>, vector<512x1024xf32> -> vector<512x1024xf32>
    %swap3A = arith.constant 0 : index
    %swap3A_338 = arith.constant 0 : index
    %swap3A_339 = vector.load %arg7[%swap3A, %swap3A_338] : memref<512x1024xf32, #tpu.memory_space<vmem>>, vector<512x1024xf32>
    tpu.vector_store %arg7[%swap3A, %swap3A_338], %dot_general3A_337 {strides = array<i32>} : memref<512x1024xf32, #tpu.memory_space<vmem>>, vector<512x1024xf32>,
    return
  }
  func.func @transform_0(%arg0: i32) -> (i32, i32, i32) {
    %c0_i32 = arith.constant 0 : i32
    %c0_i32_0 = arith.constant 0 : i32
    %c0_i32_1 = arith.constant 0 : i32
    return %c0_i32, %arg0, %c0_i32_0 : i32, i32, i32
  }
  func.func @transform_1(%arg0: i32) -> (i32, i32) {
    %c0_i32 = arith.constant 0 : i32
    %c0_i32_0 = arith.constant 0 : i32
    return %c0_i32, %arg0 : i32, i32
  }
  func.func @transform_2(%arg0: i32) -> (i32, i32) {
    %c0_i32 = arith.constant 0 : i32
    %c0_i32_0 = arith.constant 0 : i32
    return %arg0, %c0_i32 : i32, i32
  }
  func.func @transform_3(%arg0: i32) -> (i32, i32) {
    %c0_i32 = arith.constant 0 : i32
    %c0_i32_0 = arith.constant 0 : i32
    return %arg0, %c0_i32 : i32, i32
  }
  func.func @transform_4(%arg0: i32) -> (i32, i32) {
    %c0_i32 = arith.constant 0 : i32
    %c0_i32_0 = arith.constant 0 : i32
    %c0_i32_1 = arith.constant 0 : i32
    return %c0_i32, %c0_i32_0 : i32, i32
  }
  func.func @transform_5(%arg0: i32) -> (i32, i32) {
    %c0_i32 = arith.constant 0 : i32
    %c0_i32_0 = arith.constant 0 : i32
    %c0_i32_1 = arith.constant 0 : i32
    return %c0_i32, %c0_i32_0 : i32, i32
  }
  func.func @transform_6(%arg0: i32) -> (i32, i32) {
    %c0_i32 = arith.constant 0 : i32
    %c0_i32_0 = arith.constant 0 : i32
    return %arg0, %c0_i32 : i32, i32
  }
}

</mosaic_0001>

<sc_bundles>
// kernel: kernel.6.cloned.1.call-start
scs
__scs_entry_jumppad:
0x0: {  	(pc) =	sbr.rel $0x88, $3  }
0x1: {  	(tag) =	ssettag $0x0;
	lr =	simm.s32 $0x1  }
0x2: {  	[smem:$0x3F96] =	sst lr;
	_ =	strace $0xD0000000  }
0x3: {  	_ = 	snop  }
0x4: {  	_ = 	snop  }
0x5: {  	_ = 	snop  }
0x6: {  	_ = 	snop  }
0x7: {  	_ = 	snop  }
__scs_overlays_trampoline_lowered:
0x8: {  	[smem:$0x3FA5] =	sst s0  }
0x9: {  	[smem:$0x3FA6] =	sst s1  }
0xa: {  	[smem:$0x3FA7] =	sst s2  }
0xb: {  	[smem:$0x3FA8] =	sst s3  }
0xc: {  	[smem:$0x3FA9] =	sst s4  }
0xd: {  	[smem:$0x3FAA] =	sst s5  }
0xe: {  	[smem:$0x3FAB] =	sst s6  }
0xf: {  	[smem:$0x3FAC] =	sst s7  }
0x10: {  	[smem:$0x3FAD] =	sst s8  }
0x11: {  	[smem:$0x3FAE] =	sst s9;
	s0 =	simm.s32 @!p0 $0x0  }
0x12: {  	s1 =	sld [smem:$0x3F94];
	s0 =	simm.s32 @p0 $0x1  }
0x13: {  	[smem:$0x3FAF] =	sst s0;
	s0 =	simm.s32 @!p1 $0x0  }
0x14: {  	s2 =	sld [smem:$0x3F93];
	s0 =	simm.s32 @p1 $0x1  }
0x15: {  	[smem:$0x3FB0] =	sst s0;
	s0 =	simm.s32 @!p2 $0x0  }
0x16: {  	s3 =	sld [smem:$0x3FDB];
	s0 =	simm.s32 @p2 $0x1  }
0x17: {  	s4 =	simm.s32 $0x1BF5;
	[smem:$0x3FB2] =	sst s0  }
0x18: {  	s0 =	sld [smem:$0x3F95];
	_ =	swait.ge [sflag:s4], $0x0  }
0x19: {  	s7 =	sld [smem:$0x3F96]  }
0x1a: {  	s8 =	sadd.s32 $0xFFFFE003, lr  }
0x1b: {  	s9 =	sadd.s32 $0xFFFFFEF7, lr;
	s5 =	simm.s32 $0xFFFFFFFF;
	p2 =	slt.u32 s8, $0xFFFFF086  }
0x1c: {  	p1 =	slt.u32 s9, $0xF7A;
	s5 =	simm.s32 @!p2 $0x0  }
0x1d: {  	s5 =	simm.s32 @p1 $0x1;
	p0 =	seq.s32 s7, s2  }
0x1e: {  	s7 =	smul.u32 @!p0 $0xF7A, s2;
	p2 =	seq.s32 @!p0 s5, $0x0  }
0x1f: {  	s9 =	smul.u32 $0xF7A, s1;
	s8 =	simm.s32 @!p0 $0x1BF5;
	p2 =	por !p2, p0  }
0x20: {  	[sflag:s8] =	ssyncset.s32 @!p0 $0xFFFFF086;
	s6 =	sadd.s32 @!p0 s3, s7;
	s7 =	simm.s32 @!p0 $0x108  }
0x21: {  	s3 =	sadd.s32 s3, s9;
	s6 =	sadd.s32 @!p0 $0x88, s6;
	s7 =	simm.s32 @p2 $0x1082  }
0x22: {  	[simem:s7], [sflag:s8] =	dma.local @!p0 [hbm:s6], $0xF7A  }
0x23: {  	s9 =	sor.u32 $0xD0000000, s2;
	s6 =	simm.s32 $0x108;
	_ =	swait.ge @!p0 [sflag:s8], $0x0  }
0x24: {  	s3 =	sadd.s32 $0x88, s3;
	s6 =	simm.s32 @!p1 $0x1082;
	[sflag:s4] =	ssyncset.s32 $0xFFFFF086  }
0x25: {  	[simem:s6], [sflag:s4] =	dma.local [hbm:s3], $0xF7A  }
0x26: {  	[smem:$0x3F96] =	sst s1;
	(tag) =	ssettag s2;
	_ =	strace s9  }
0x27: {  	s1 =	sld [smem:$0x3FA6]  }
0x28: {  	s2 =	sld [smem:$0x3FA7]  }
0x29: {  	s4 =	sld [smem:$0x3FA9]  }
0x2a: {  	p0 =	seq.s32 s5, $0x0;
	s5 =	sld [smem:$0x3FAA]  }
0x2b: {  	s6 =	sld [smem:$0x3FAB]  }
0x2c: {  	s7 =	sld [smem:$0x3FAC]  }
0x2d: {  	s3 =	simm.s32 $0x108;
	s8 =	sld [smem:$0x3FAD]  }
0x2e: {  	s3 =	simm.s32 @!p0 $0x1082;
	s9 =	sld [smem:$0x3FAE]  }
0x2f: {  	lr =	sadd.s32 s0, s3;
	s0 =	sld [smem:$0x3FA5]  }
0x30: {  	s3 =	sld [smem:$0x3FA8]  }
0x31: {  	[smem:$0x3FB1] =	sst s10  }
0x32: {  	s10 =	sld [smem:$0x3FAF];
	_ =	sdelay $0x3  }
0x33: {  	p0 =	seq.s32 s10, $0x1;
	s10 =	sld [smem:$0x3FB1];
	_ =	sdelay $0x3  }
0x34: {  	[smem:$0x3FB1] =	sst s10  }
0x35: {  	s10 =	sld [smem:$0x3FB0];
	_ =	sdelay $0x3  }
0x36: {  	p1 =	seq.s32 s10, $0x1;
	s10 =	sld [smem:$0x3FB1];
	_ =	sdelay $0x3  }
0x37: {  	[smem:$0x3FB1] =	sst s10  }
0x38: {  	s10 =	sld [smem:$0x3FB2]  }
0x39: {  	_ = 	snop;
	(pc) =	sbr.ind lr, $3  }
0x3a: {  	_ = 	snop  }
0x3b: {  	_ = 	snop  }
0x3c: {  	p2 =	seq.s32 s10, $0x1;
	s10 =	sld [smem:$0x3FB1]  }
0x3d: {  	_ =	shalt  }
0x3e: {  	_ =	shalt  }
0x3f: {  	_ =	shalt  }
0x40: {  	_ =	shalt  }
0x41: {  	_ =	shalt  }
0x42: {  	_ =	shalt  }
0x43: {  	_ =	shalt  }
0x44: {  	_ =	shalt  }
0x45: {  	_ =	shalt  }
0x46: {  	_ =	shalt  }
0x47: {  	_ =	shalt  }
0x48: {  	_ =	shalt  }
0x49: {  	_ =	shalt  }
0x4a: {  	_ =	shalt  }
0x4b: {  	_ =	shalt  }
0x4c: {  	_ =	shalt  }
0x4d: {  	_ =	shalt  }
0x4e: {  	_ =	shalt  }
0x4f: {  	_ =	shalt  }
0x50: {  	_ =	shalt  }
0x51: {  	_ =	shalt  }
0x52: {  	_ =	shalt  }
0x53: {  	_ =	shalt  }
0x54: {  	_ =	shalt  }
0x55: {  	_ =	shalt  }
0x56: {  	_ =	shalt  }
0x57: {  	_ =	shalt  }
0x58: {  	_ =	shalt  }
0x59: {  	_ =	shalt  }
0x5a: {  	_ =	shalt  }
0x5b: {  	_ =	shalt  }
0x5c: {  	_ =	shalt  }
0x5d: {  	_ =	shalt  }
0x5e: {  	_ =	shalt  }
0x5f: {  	_ =	shalt  }
0x60: {  	_ =	shalt  }
0x61: {  	_ =	shalt  }
0x62: {  	_ =	shalt  }
0x63: {  	_ =	shalt  }
0x64: {  	_ =	shalt  }
0x65: {  	_ =	shalt  }
0x66: {  	_ =	shalt  }
0x67: {  	_ =	shalt  }
0x68: {  	_ =	shalt  }
0x69: {  	_ =	shalt  }
0x6a: {  	_ =	shalt  }
0x6b: {  	_ =	shalt  }
0x6c: {  	_ =	shalt  }
0x6d: {  	_ =	shalt  }
0x6e: {  	_ =	shalt  }
0x6f: {  	_ =	shalt  }
0x70: {  	_ =	shalt  }
0x71: {  	_ =	shalt  }
0x72: {  	_ =	shalt  }
0x73: {  	_ =	shalt  }
0x74: {  	_ =	shalt  }
0x75: {  	_ =	shalt  }
0x76: {  	_ =	shalt  }
0x77: {  	_ =	shalt  }
0x78: {  	_ =	shalt  }
0x79: {  	_ =	shalt  }
0x7a: {  	_ =	shalt  }
0x7b: {  	_ =	shalt  }
0x7c: {  	_ =	shalt  }
0x7d: {  	_ =	shalt  }
0x7e: {  	_ =	shalt  }
0x7f: {  	_ =	shalt  }
0x80: {  	_ =	shalt  }
0x81: {  	_ =	shalt  }
0x82: {  	_ =	shalt  }
0x83: {  	_ =	shalt  }
0x84: {  	_ =	shalt  }
0x85: {  	_ =	shalt  }
0x86: {  	_ =	shalt  }
0x87: {  	_ =	shalt  }
.Lfunc_end0:
.L_simem_size_0:
called_computation_lowered:
.L_overlay_start_0:
0x88: {  	s2 =	sld [smem:$0x3FD9]  }
0x89: {  	s3 =	sld [smem:$0x3FFE];
	_ =	sdelay $0x1  }
0x8a: {  	s1 =	srdreg.scid  }
0x8b: {  	s0 =	sand.u32 $0x1, s1  }
0x8c: {  	s17 =	sshll.u32 s0, $0xA;
	s2 =	sadd.s32 s3, s2  }
0x8d: {  	s2 =	sadd.s32 s2, s17  }
0x8e: {  	[smem:$0x3FBD] =	sst s2  }
0x8f: {  	_ = 	snop  }
0x90: {  	s2 =	sld [smem:$0x3FC8]  }
0x91: {  	s18 =	sld [smem:$0x3FD0];
	(tm) =	ssettm $0x1  }
0x92: {  	s4 =	sld [smem:$0x3FFB];
	_ =	sdelay $0x3  }
0x93: {  	_ =	strace s4  }
0x94: {  	s4 =	sld [smem:$0x3FFC];
	_ =	sdelay $0x3  }
0x95: {  	_ =	strace s4  }
0x96: {  	s4 =	sld [smem:$0x3FFD];
	_ =	sdelay $0x3  }
0x97: {  	_ =	strace s4  }
0x98: {  	_ =	strace $0x8FFFFFFF  }
0x99: {  	s19 =	sld [smem:$0x3FDB];
	_ =	sdelay $0x1  }
0x9a: {  	s5 =	simm.s32 $_scs_section_size  }
0x9b: {  	s6 =	simm.s32 $_size__tile_overlayer_lowered;
	s7 =	simm.s32 $_tile_overlayer_lowered  }
0x9c: {  	s22 =	simm.s32 $0x1BFF;
	s21 =	sshll.u32 s7, $0x1;
	s4 =	sadd.s32 s5, s19  }
0x9d: {  	s8 =	simm.s32 $0x0;
	s20 =	sshll.u32 s6, $0x1;
	s6 =	sadd.s32 s21, s4  }
0x9e: {  	[timem:s8], [sflag:s22] =	dma.local [hbm:s6], s20  }
0x9f: {  	_ =	swait.ge [sflag:s22], s20  }
0xa0: {  	s5 =	ssub.s32 $0x0, s20;
	[sflag:s22] =	ssyncset.done $0x0  }
0xa1: {  	[sflag:s22] =	ssyncadd.s32 s5;
	_ =	sdelay $0x1  }
0xa2: {  	s23 =	simm.s32 $0x1B8B  }
0xa3: {  	_ =	swait.ge [sflag:s23], $0x1  }
0xa4: {  	[sflag:s23] =	ssyncset.done $0x0  }
0xa5: {  	s25 =	simm.s32 $0x1B8E;
	s24 =	sld [smem:$0x3FFE];
	[sflag:s23] =	ssyncadd.s32 $0xFFFFFFFF  }
0xa6: {  	s26 =	simm.s32 $execute0_lowered;
	[smem:$0x3FD2] =	sst s25  }
0xa7: {  	s6 =	sshll.u32 s26, $0x1;
	_ =	strace $0x80000046;
	[dreg:$0x1] =	wrdreg $0xFFFFFFFF  }
0xa8: {  	s28 =	simm.s32 $_size_execute0_lowered;
	s4 =	sadd.s32 s4, s6;
	[dreg:$0x0] =	wrdreg $0x0  }
0xa9: {  	s6 =	sshll.u32 s28, $0x1;
	[dreg:$0x2] =	wrdreg s4  }
0xaa: {  	[dreg:$0x3] =	wrdreg s6  }
0xab: {  	[dreg:$0x4] =	wrdreg $0xC0  }
0xac: {  	_ =	task [dreg:s8], $0x5FFFF  }
0xad: {  	[dreg:$0x1] =	wrdreg $0xFFFFFFFF  }
0xae: {  	[dreg:$0x0] =	wrdreg $0x60  }
0xaf: {  	[dreg:$0x2] =	wrdreg s2  }
0xb0: {  	[dreg:$0x3] =	wrdreg s18  }
0xb1: {  	[dreg:$0x4] =	wrdreg s24  }
0xb2: {  	[dreg:$0x5] =	wrdreg $0x9  }
0xb3: {  	_ =	task.clear_ibuf [dreg:s8], $0x6FFFF;
	_ =	strace $0x90000046  }
0xb4: {  	s29 =	simm.s32 $0x9;
	_ =	strace $0x80000048  }
0xb5: {  	_ =	swait.ge [sflag:s29], $0x1  }
0xb6: {  	[sflag:s29] =	ssyncadd.s32 $0xFFFFFFFF  }
0xb7: {  	_ =	strace $0x90000048  }
0xb8: {  	_ =	sfence  }
0xb9: {  	s30 =	sld [smem:$0x0];
	_ =	sdelay $0x2  }
0xba: {  	s31 =	sshll.u32 s1, $0xD;
	s1 =	sshrl.u32 s1, $0x2  }
0xbb: {  	s3 =	sand.u32 $0x4000, s31;
	s1 =	sadd.s32 s1, s30  }
0xbc: {  	s0 =	sor.u32 s3, s0;
	s1 =	sshll.u32 s1, $0x11  }
0xbd: {  	s0 =	sor.u32 s1, s0  }
0xbe: {  	s0 =	sadd.s32 $0x8F2B, s0  }
0xbf: {  	[sflag:s0] =	ssyncadd.remote.s32 $0x1  }
0xc0: {  	_ =	sfence.sel $0xFFFF  }
0xc1: {  	[dreg:$0x0] =	wrdreg $0xFFFFFFFF;
	(pc) =	sbr.abs _section_cstart, $3  }
0xc2: {  	[dreg:$0x1] =	wrdreg $0xFFFFFFFF  }
0xc3: {  	_ =	task.clear_ibuf [dreg:s8], $0x2FFFF;
	_ =	strace $0x9FFFFFFF  }
0xc4: {  	(tm) =	ssettm $0x7FFFFFFF  }
0xc5: {  	_ =	shalt  }
tec
execute0_lowered:
.L_overlay_start_1:
0x0: {  	(tag) =	ssettag $0x1  }
0x1: {  	s0 =	srdreg.scid  }
0x2: {  	s3 =	rddreg [dreg:$0x0];
	s2 =	stileid.u32;
	s1 =	sand.u32 $0x1, s0  }
0x3: {  	s5 =	rddreg [dreg:$0x1];
	s4 =	sshll.u32 s2, $0xD;
	s6 =	sshll.u32 s1, $0xC  }
0x4: {  	s22 =	rddreg [dreg:$0x2];
	s4 =	sor.u32 s6, s4  }
0x5: {  	s2 =	simm.s32 $0x0;
	s6 =	sshll.u32 s4, $0x4;
	s7 =	sshrl.u32 s4, $0x3  }
0x6: {  	[smem:$0x7FF] =	sst s2;
	s4 =	sadd.s32 s6, s22;
	s23 =	sadd.s32 s5, s7  }
0x7: {  	_ =	strace $0x80000047;
	[dreg:$0x4] =	wrdreg s23;
	s24 =	sadd.s32 $0x5E00, s4  }
0x8: {  	s25 =	sadd.s32 $0x6600, s4;
	[dreg:$0x5] =	wrdreg s24  }
0x9: {  	s26 =	sadd.s32 $0x6E00, s4;
	[dreg:$0x6] =	wrdreg s25  }
0xa: {  	s5 =	sadd.s32 $0x7600, s4;
	[dreg:$0x7] =	wrdreg s26  }
0xb: {  	s6 =	sadd.s32 $0x7E00, s4;
	[dreg:$0x8] =	wrdreg s5  }
0xc: {  	s7 =	sadd.s32 $0x8600, s4;
	[dreg:$0x9] =	wrdreg s6  }
0xd: {  	s8 =	sadd.s32 $0x8E00, s4;
	[dreg:$0xa] =	wrdreg s7  }
0xe: {  	s9 =	sadd.s32 $0x9600, s4;
	[dreg:$0xb] =	wrdreg s8  }
0xf: {  	s10 =	sadd.s32 $0x9E00, s4;
	[dreg:$0xc] =	wrdreg s9  }
0x10: {  	s11 =	sadd.s32 $0xA600, s4;
	[dreg:$0xd] =	wrdreg s10  }
0x11: {  	s12 =	sadd.s32 $0xAE00, s4;
	[dreg:$0xe] =	wrdreg s11  }
0x12: {  	s13 =	sadd.s32 $0xB600, s4;
	[dreg:$0xf] =	wrdreg s12  }
0x13: {  	s14 =	sadd.s32 $0xBE00, s4;
	[dreg:$0x10] =	wrdreg s13  }
0x14: {  	s15 =	sadd.s32 $0xC600, s4;
	[dreg:$0x11] =	wrdreg s14  }
0x15: {  	s16 =	sadd.s32 $0xCE00, s4;
	[dreg:$0x12] =	wrdreg s15  }
0x16: {  	s17 =	sadd.s32 $0xD600, s4;
	[dreg:$0x13] =	wrdreg s16  }
0x17: {  	s18 =	sadd.s32 $0xDE00, s4;
	[dreg:$0x14] =	wrdreg s17  }
0x18: {  	s19 =	sadd.s32 $0xE600, s4;
	[dreg:$0x15] =	wrdreg s18  }
0x19: {  	s20 =	sadd.s32 $0xEE00, s4;
	[dreg:$0x16] =	wrdreg s19  }
0x1a: {  	s21 =	sadd.s32 $0xF600, s4;
	[dreg:$0x17] =	wrdreg s20  }
0x1b: {  	s22 =	sadd.s32 $0xFE00, s4;
	[dreg:$0x18] =	wrdreg s21  }
0x1c: {  	s23 =	sadd.s32 $0x10600, s4;
	[dreg:$0x19] =	wrdreg s22  }
0x1d: {  	[dreg:$0x1a] =	wrdreg s23  }
0x1e: {  	s24 =	sadd.s32 $0x10E00, s4;
	s0 =	rddreg [dreg:$0x4]  }
0x1f: {  	s25 =	sadd.s32 $0x11600, s4;
	[dreg:$0x1b] =	wrdreg s24  }
0x20: {  	s26 =	sadd.s32 $0x11E00, s4;
	[dreg:$0x1c] =	wrdreg s25  }
0x21: {  	s5 =	sadd.s32 $0x12600, s4;
	[dreg:$0x1d] =	wrdreg s26  }
0x22: {  	s6 =	sadd.s32 $0x12E00, s4;
	[dreg:$0x1e] =	wrdreg s5  }
0x23: {  	s7 =	sadd.s32 $0x13600, s4;
	[dreg:$0x1f] =	wrdreg s6  }
0x24: {  	s31 =	simm.s32 $0x7;
	s8 =	sadd.s32 $0x13E00, s4;
	[smem:$0x7EB] =	sst s7  }
0x25: {  	s30 =	simm.s32 $0x800;
	s9 =	sadd.s32 $0x14600, s4;
	[smem:$0x7EC] =	sst s8  }
0x26: {  	s29 =	simm.s32 $0x880;
	s10 =	sadd.s32 $0x14E00, s4;
	[smem:$0x7ED] =	sst s9  }
0x27: {  	s28 =	simm.s32 $0x900;
	s11 =	sadd.s32 $0x15600, s4;
	[smem:$0x7EE] =	sst s10  }
0x28: {  	p0 =	por $0x0, $0x0;
	s13 =	simm.s32 $0x100;
	[smem:$0x7EF] =	sst s11  }
0x29: {  	s1 =	ssub.s32 $0x2, s1;
	s14 =	simm.s32 $0x180;
	[smem:$0x7F0] =	sst s13  }
0x2a: {  	s12 =	sshrl.u32 s1, $0x1;
	s15 =	simm.s32 $0x200;
	[smem:$0x7F1] =	sst s14  }
0x2b: {  	s16 =	simm.s32 $0x280;
	s17 =	simm.s32 $0x300;
	[smem:$0x7F2] =	sst s15  }
0x2c: {  	s18 =	simm.s32 $0x380;
	s4 =	simm.s32 $0x5000;
	[smem:$0x7F3] =	sst s16  }
0x2d: {  	s19 =	simm.s32 $0x400;
	s20 =	simm.s32 $0x480;
	[smem:$0x7F4] =	sst s17  }
0x2e: {  	s21 =	simm.s32 $0x500;
	s22 =	simm.s32 $0x580;
	[smem:$0x7F5] =	sst s18  }
0x2f: {  	s23 =	simm.s32 $0x600;
	s1 =	ssub.s32 s1, s12;
	[smem:$0x7F6] =	sst s19  }
0x30: {  	s8 =	simm.s32 $0x80;
	s5 =	simm.s32 $0x1000;
	[smem:$0x7F7] =	sst s20  }
0x31: {  	s10 =	simm.s32 $0x9000;
	s9 =	simm.s32 $0x1;
	[smem:$0x7F8] =	sst s21  }
0x32: {  	s6 =	simm.s32 $0x4;
	s11 =	simm.s32 $0x2;
	[smem:$0x7F9] =	sst s22  }
0x33: {  	s7 =	simm.s32 $0x5;
	[smem:$0x7FA] =	sst s23;
	s24 =	simm.s32 $0x680  }
0x34: {  	s13 =	simm.s32 $0x3;
	s25 =	simm.s32 $0x700;
	s12 =	simm.s32 $0x6  }
0x35: {  	s26 =	simm.s32 $0x780;
	s23 =	simm.s32 $0xB00;
	s1 =	smax.u32 s1, $0x1  }
0x36: {  	s22 =	simm.s32 $0xB80;
	s21 =	simm.s32 $0xC00;
	p1 =	sne.s32 s1, $0x1  }
.Ltmp0:
0x37: {  	s20 =	simm.s32 $0xC80;
	s19 =	simm.s32 $0xD00;
	(pc) =	sbr.rel @!p1 .LBB2_3-.Ltmp0, $4  }
0x38: {  	s18 =	simm.s32 $0xD80;
	s17 =	simm.s32 $0xE00;
	[smem:$0x7FB] =	sst s24  }
0x39: {  	s16 =	simm.s32 $0xE80;
	s15 =	simm.s32 $0xF00;
	[smem:$0x7FC] =	sst s25  }
0x3a: {  	s14 =	simm.s32 $0xF80;
	[smem:$0x7FD] =	sst s26;
	s26 =	simm.s32 $0x980  }
0x3b: {  	s25 =	simm.s32 $0xA00;
	s24 =	simm.s32 $0xA80;
	s1 =	sadd.s32 $0xFFFFFFFF, s1  }
0x3c: {  	[tilespmem:s2], [sflag:$0x7] =	stream.linear.gather [hbm4b:s0+s2], $0x1000, $0x38;
	[tilespmem:$0xD000] =	vst v63  }
0x3d: {  	_ =	swait.ge [sflag:s31], $0x1000  }
0x3e: {  	[sflag:s31] =	ssyncset.done $0x0  }
0x3f: {  	[sflag:s31] =	ssyncadd.s32 $0xFFFFF000  }
0x40: {  	[tilespmem:s5], [sflag:$0x1] =	stream.indirect.gather [hbm4b:s3+s8], $0x80, s2, s8, $0xb8;
	[tilespmem:$0xD000] =	vst v63  }
0x41: {  	s0 =	sld [smem:$0x7F0]  }
0x42: {  	[tilespmem:s4], [sflag:$0x2] =	stream.indirect.gather [hbm4b:s3+s8], $0x80, s8, s8, $0xb8;
	[tilespmem:$0xD000] =	vst v63  }
0x43: {  	_ = 	snop  }
0x44: {  	[tilespmem:s10], [sflag:$0x3] =	stream.indirect.gather [hbm4b:s3+s8], $0x80, s0, s8, $0xb8;
	[tilespmem:$0xD000] =	vst v63  }
0x45: {  	_ =	swait.ge [sflag:s9], $0x4000  }
0x46: {  	[sflag:s9] =	ssyncset.done $0x0  }
0x47: {  	s0 =	rddreg [dreg:$0x5];
	[sflag:s9] =	ssyncadd.s32 $0xFFFFC000  }
0x48: {  	[hbm4b:s0+s2] =	stream.linear.scatter [tilespmem:s5], [sflag:$0x4], $0x4000, $0x38;
	[tilespmem:$0xD000] =	vst v63  }
0x49: {  	_ =	swait.ge [sflag:s6], $0x4000  }
0x4a: {  	s0 =	sld [smem:$0x7F1]  }
0x4b: {  	[sflag:s6] =	ssyncset.done $0x0  }
0x4c: {  	[sflag:s6] =	ssyncadd.s32 $0xFFFFC000  }
0x4d: {  	[tilespmem:s5], [sflag:$0x1] =	stream.indirect.gather [hbm4b:s3+s8], $0x80, s0, s8, $0xb8;
	[tilespmem:$0xD000] =	vst v63  }
0x4e: {  	_ =	swait.ge [sflag:s11], $0x4000  }
0x4f: {  	[sflag:s11] =	ssyncset.done $0x0  }
0x50: {  	s0 =	rddreg [dreg:$0x6];
	[sflag:s11] =	ssyncadd.s32 $0xFFFFC000  }
0x51: {  	[hbm4b:s0+s2] =	stream.linear.scatter [tilespmem:s4], [sflag:$0x5], $0x4000, $0x38;
	[tilespmem:$0xD000] =	vst v63  }
0x52: {  	_ =	swait.ge [sflag:s7], $0x4000  }
0x53: {  	s0 =	sld [smem:$0x7F2]  }
0x54: {  	[sflag:s7] =	ssyncset.done $0x0  }
0x55: {  	[sflag:s7] =	ssyncadd.s32 $0xFFFFC000  }
0x56: {  	[tilespmem:s4], [sflag:$0x2] =	stream.indirect.gather [hbm4b:s3+s8], $0x80, s0, s8, $0xb8;
	[tilespmem:$0xD000] =	vst v63  }
0x57: {  	_ =	swait.ge [sflag:s13], $0x4000  }
0x58: {  	[sflag:s13] =	ssyncset.done $0x0  }
0x59: {  	s0 =	rddreg [dreg:$0x7];
	[sflag:s13] =	ssyncadd.s32 $0xFFFFC000  }
0x5a: {  	[hbm4b:s0+s2] =	stream.linear.scatter [tilespmem:s10], [sflag:$0x6], $0x4000, $0x38;
	[tilespmem:$0xD000] =	vst v63  }
0x5b: {  	_ =	swait.ge [sflag:s12], $0x4000  }
0x5c: {  	s0 =	sld [smem:$0x7F3]  }
0x5d: {  	[sflag:s12] =	ssyncset.done $0x0  }
0x5e: {  	[sflag:s12] =	ssyncadd.s32 $0xFFFFC000  }
0x5f: {  	[tilespmem:s10], [sflag:$0x3] =	stream.indirect.gather [hbm4b:s3+s8], $0x80, s0, s8, $0xb8;
	[tilespmem:$0xD000] =	vst v63  }
0x60: {  	_ =	swait.ge [sflag:s9], $0x4000  }
0x61: {  	[sflag:s9] =	ssyncset.done $0x0  }
0x62: {  	s0 =	rddreg [dreg:$0x8];
	[sflag:s9] =	ssyncadd.s32 $0xFFFFC000  }
0x63: {  	[hbm4b:s0+s2] =	stream.linear.scatter [tilespmem:s5], [sflag:$0x4], $0x4000, $0x38;
	[tilespmem:$0xD000] =	vst v63  }
0x64: {  	_ =	swait.ge [sflag:s6], $0x4000  }
0x65: {  	s0 =	sld [smem:$0x7F4]  }
0x66: {  	[sflag:s6] =	ssyncset.done $0x0  }
0x67: {  	[sflag:s6] =	ssyncadd.s32 $0xFFFFC000  }
0x68: {  	[tilespmem:s5], [sflag:$0x1] =	stream.indirect.gather [hbm4b:s3+s8], $0x80, s0, s8, $0xb8;
	[tilespmem:$0xD000] =	vst v63  }
0x69: {  	_ =	swait.ge [sflag:s11], $0x4000  }
0x6a: {  	[sflag:s11] =	ssyncset.done $0x0  }
0x6b: {  	s0 =	rddreg [dreg:$0x9];
	[sflag:s11] =	ssyncadd.s32 $0xFFFFC000  }
0x6c: {  	[hbm4b:s0+s2] =	stream.linear.scatter [tilespmem:s4], [sflag:$0x5], $0x4000, $0x38;
	[tilespmem:$0xD000] =	vst v63  }
0x6d: {  	_ =	swait.ge [sflag:s7], $0x4000  }
0x6e: {  	s0 =	sld [smem:$0x7F5]  }
0x6f: {  	[sflag:s7] =	ssyncset.done $0x0  }
0x70: {  	[sflag:s7] =	ssyncadd.s32 $0xFFFFC000  }
0x71: {  	[tilespmem:s4], [sflag:$0x2] =	stream.indirect.gather [hbm4b:s3+s8], $0x80, s0, s8, $0xb8;
	[tilespmem:$0xD000] =	vst v63  }
0x72: {  	_ =	swait.ge [sflag:s13], $0x4000  }
0x73: {  	[sflag:s13] =	ssyncset.done $0x0  }
0x74: {  	s0 =	rddreg [dreg:$0xa];
	[sflag:s13] =	ssyncadd.s32 $0xFFFFC000  }
0x75: {  	[hbm4b:s0+s2] =	stream.linear.scatter [tilespmem:s10], [sflag:$0x6], $0x4000, $0x38;
	[tilespmem:$0xD000] =	vst v63  }
0x76: {  	_ =	swait.ge [sflag:s12], $0x4000  }
0x77: {  	s0 =	sld [smem:$0x7F6]  }
0x78: {  	[sflag:s12] =	ssyncset.done $0x0  }
0x79: {  	[sflag:s12] =	ssyncadd.s32 $0xFFFFC000  }
0x7a: {  	[tilespmem:s10], [sflag:$0x3] =	stream.indirect.gather [hbm4b:s3+s8], $0x80, s0, s8, $0xb8;
	[tilespmem:$0xD000] =	vst v63  }
0x7b: {  	_ =	swait.ge [sflag:s9], $0x4000  }
0x7c: {  	[sflag:s9] =	ssyncset.done $0x0  }
0x7d: {  	s0 =	rddreg [dreg:$0xb];
	[sflag:s9] =	ssyncadd.s32 $0xFFFFC000  }
0x7e: {  	[hbm4b:s0+s2] =	stream.linear.scatter [tilespmem:s5], [sflag:$0x4], $0x4000, $0x38;
	[tilespmem:$0xD000] =	vst v63  }
0x7f: {  	_ =	swait.ge [sflag:s6], $0x4000  }
0x80: {  	s0 =	sld [smem:$0x7F7]  }
0x81: {  	[sflag:s6] =	ssyncset.done $0x0  }
0x82: {  	[sflag:s6] =	ssyncadd.s32 $0xFFFFC000  }
0x83: {  	[tilespmem:s5], [sflag:$0x1] =	stream.indirect.gather [hbm4b:s3+s8], $0x80, s0, s8, $0xb8;
	[tilespmem:$0xD000] =	vst v63  }
0x84: {  	_ =	swait.ge [sflag:s11], $0x4000  }
0x85: {  	[sflag:s11] =	ssyncset.done $0x0  }
0x86: {  	s0 =	rddreg [dreg:$0xc];
	[sflag:s11] =	ssyncadd.s32 $0xFFFFC000  }
0x87: {  	[hbm4b:s0+s2] =	stream.linear.scatter [tilespmem:s4], [sflag:$0x5], $0x4000, $0x38;
	[tilespmem:$0xD000] =	vst v63  }
0x88: {  	_ =	swait.ge [sflag:s7], $0x4000  }
0x89: {  	s0 =	sld [smem:$0x7F8]  }
0x8a: {  	[sflag:s7] =	ssyncset.done $0x0  }
0x8b: {  	[sflag:s7] =	ssyncadd.s32 $0xFFFFC000  }
0x8c: {  	[tilespmem:s4], [sflag:$0x2] =	stream.indirect.gather [hbm4b:s3+s8], $0x80, s0, s8, $0xb8;
	[tilespmem:$0xD000] =	vst v63  }
0x8d: {  	_ =	swait.ge [sflag:s13], $0x4000  }
0x8e: {  	[sflag:s13] =	ssyncset.done $0x0  }
0x8f: {  	s0 =	rddreg [dreg:$0xd];
	[sflag:s13] =	ssyncadd.s32 $0xFFFFC000  }
0x90: {  	[hbm4b:s0+s2] =	stream.linear.scatter [tilespmem:s10], [sflag:$0x6], $0x4000, $0x38;
	[tilespmem:$0xD000] =	vst v63  }
0x91: {  	_ =	swait.ge [sflag:s12], $0x4000  }
0x92: {  	s0 =	sld [smem:$0x7F9]  }
0x93: {  	[sflag:s12] =	ssyncset.done $0x0  }
0x94: {  	[sflag:s12] =	ssyncadd.s32 $0xFFFFC000  }
0x95: {  	[tilespmem:s10], [sflag:$0x3] =	stream.indirect.gather [hbm4b:s3+s8], $0x80, s0, s8, $0xb8;
	[tilespmem:$0xD000] =	vst v63  }
0x96: {  	_ =	swait.ge [sflag:s9], $0x4000  }
0x97: {  	[sflag:s9] =	ssyncset.done $0x0  }
0x98: {  	s0 =	rddreg [dreg:$0xe];
	[sflag:s9] =	ssyncadd.s32 $0xFFFFC000  }
0x99: {  	[hbm4b:s0+s2] =	stream.linear.scatter [tilespmem:s5], [sflag:$0x4], $0x4000, $0x38;
	[tilespmem:$0xD000] =	vst v63  }
0x9a: {  	_ =	swait.ge [sflag:s6], $0x4000  }
0x9b: {  	s0 =	sld [smem:$0x7FA]  }
0x9c: {  	[sflag:s6] =	ssyncset.done $0x0  }
0x9d: {  	[sflag:s6] =	ssyncadd.s32 $0xFFFFC000  }
0x9e: {  	[tilespmem:s5], [sflag:$0x1] =	stream.indirect.gather [hbm4b:s3+s8], $0x80, s0, s8, $0xb8;
	[tilespmem:$0xD000] =	vst v63  }
0x9f: {  	_ =	swait.ge [sflag:s11], $0x4000  }
0xa0: {  	[sflag:s11] =	ssyncset.done $0x0  }
0xa1: {  	s0 =	rddreg [dreg:$0xf];
	[sflag:s11] =	ssyncadd.s32 $0xFFFFC000  }
0xa2: {  	[hbm4b:s0+s2] =	stream.linear.scatter [tilespmem:s4], [sflag:$0x5], $0x4000, $0x38;
	[tilespmem:$0xD000] =	vst v63  }
0xa3: {  	_ =	swait.ge [sflag:s7], $0x4000  }
0xa4: {  	s0 =	sld [smem:$0x7FB]  }
0xa5: {  	[sflag:s7] =	ssyncset.done $0x0  }
0xa6: {  	[sflag:s7] =	ssyncadd.s32 $0xFFFFC000  }
0xa7: {  	[tilespmem:s4], [sflag:$0x2] =	stream.indirect.gather [hbm4b:s3+s8], $0x80, s0, s8, $0xb8;
	[tilespmem:$0xD000] =	vst v63  }
0xa8: {  	_ =	swait.ge [sflag:s13], $0x4000  }
0xa9: {  	[sflag:s13] =	ssyncset.done $0x0  }
0xaa: {  	s0 =	rddreg [dreg:$0x10];
	[sflag:s13] =	ssyncadd.s32 $0xFFFFC000  }
0xab: {  	[hbm4b:s0+s2] =	stream.linear.scatter [tilespmem:s10], [sflag:$0x6], $0x4000, $0x38;
	[tilespmem:$0xD000] =	vst v63  }
0xac: {  	_ =	swait.ge [sflag:s12], $0x4000  }
0xad: {  	s0 =	sld [smem:$0x7FC]  }
0xae: {  	[sflag:s12] =	ssyncset.done $0x0  }
0xaf: {  	[sflag:s12] =	ssyncadd.s32 $0xFFFFC000  }
0xb0: {  	[tilespmem:s10], [sflag:$0x3] =	stream.indirect.gather [hbm4b:s3+s8], $0x80, s0, s8, $0xb8;
	[tilespmem:$0xD000] =	vst v63  }
0xb1: {  	_ =	swait.ge [sflag:s9], $0x4000  }
0xb2: {  	[sflag:s9] =	ssyncset.done $0x0  }
0xb3: {  	s0 =	rddreg [dreg:$0x11];
	[sflag:s9] =	ssyncadd.s32 $0xFFFFC000  }
0xb4: {  	[hbm4b:s0+s2] =	stream.linear.scatter [tilespmem:s5], [sflag:$0x4], $0x4000, $0x38;
	[tilespmem:$0xD000] =	vst v63  }
0xb5: {  	_ =	swait.ge [sflag:s6], $0x4000  }
0xb6: {  	s0 =	sld [smem:$0x7FD]  }
0xb7: {  	[sflag:s6] =	ssyncset.done $0x0  }
0xb8: {  	[sflag:s6] =	ssyncadd.s32 $0xFFFFC000  }
0xb9: {  	[tilespmem:s5], [sflag:$0x1] =	stream.indirect.gather [hbm4b:s3+s8], $0x80, s0, s8, $0xb8;
	[tilespmem:$0xD000] =	vst v63  }
0xba: {  	_ =	swait.ge [sflag:s11], $0x4000  }
0xbb: {  	[sflag:s11] =	ssyncset.done $0x0  }
0xbc: {  	s0 =	rddreg [dreg:$0x12];
	[sflag:s11] =	ssyncadd.s32 $0xFFFFC000  }
0xbd: {  	[hbm4b:s0+s2] =	stream.linear.scatter [tilespmem:s4], [sflag:$0x5], $0x4000, $0x38;
	[tilespmem:$0xD000] =	vst v63  }
0xbe: {  	_ =	swait.ge [sflag:s7], $0x4000  }
0xbf: {  	[sflag:s7] =	ssyncset.done $0x0  }
0xc0: {  	[sflag:s7] =	ssyncadd.s32 $0xFFFFC000  }
0xc1: {  	[tilespmem:s4], [sflag:$0x2] =	stream.indirect.gather [hbm4b:s3+s8], $0x80, s30, s8, $0xb8;
	[tilespmem:$0xD000] =	vst v63  }
0xc2: {  	_ =	swait.ge [sflag:s13], $0x4000  }
0xc3: {  	[sflag:s13] =	ssyncset.done $0x0  }
0xc4: {  	s0 =	rddreg [dreg:$0x13];
	[sflag:s13] =	ssyncadd.s32 $0xFFFFC000  }
0xc5: {  	[hbm4b:s0+s2] =	stream.linear.scatter [tilespmem:s10], [sflag:$0x6], $0x4000, $0x38;
	[tilespmem:$0xD000] =	vst v63  }
0xc6: {  	_ =	swait.ge [sflag:s12], $0x4000  }
0xc7: {  	[sflag:s12] =	ssyncset.done $0x0  }
0xc8: {  	[sflag:s12] =	ssyncadd.s32 $0xFFFFC000  }
0xc9: {  	[tilespmem:s10], [sflag:$0x3] =	stream.indirect.gather [hbm4b:s3+s8], $0x80, s29, s8, $0xb8;
	[tilespmem:$0xD000] =	vst v63  }
0xca: {  	_ =	swait.ge [sflag:s9], $0x4000  }
0xcb: {  	[sflag:s9] =	ssyncset.done $0x0  }
0xcc: {  	s0 =	rddreg [dreg:$0x14];
	[sflag:s9] =	ssyncadd.s32 $0xFFFFC000  }
0xcd: {  	[hbm4b:s0+s2] =	stream.linear.scatter [tilespmem:s5], [sflag:$0x4], $0x4000, $0x38;
	[tilespmem:$0xD000] =	vst v63  }
0xce: {  	_ =	swait.ge [sflag:s6], $0x4000  }
0xcf: {  	[sflag:s6] =	ssyncset.done $0x0  }
0xd0: {  	[sflag:s6] =	ssyncadd.s32 $0xFFFFC000  }
0xd1: {  	[tilespmem:s5], [sflag:$0x1] =	stream.indirect.gather [hbm4b:s3+s8], $0x80, s28, s8, $0xb8;
	[tilespmem:$0xD000] =	vst v63  }
0xd2: {  	_ =	swait.ge [sflag:s11], $0x4000  }
0xd3: {  	[sflag:s11] =	ssyncset.done $0x0  }
0xd4: {  	s0 =	rddreg [dreg:$0x15];
	[sflag:s11] =	ssyncadd.s32 $0xFFFFC000  }
0xd5: {  	[hbm4b:s0+s2] =	stream.linear.scatter [tilespmem:s4], [sflag:$0x5], $0x4000, $0x38;
	[tilespmem:$0xD000] =	vst v63  }
0xd6: {  	_ =	swait.ge [sflag:s7], $0x4000  }
0xd7: {  	[sflag:s7] =	ssyncset.done $0x0  }
0xd8: {  	[sflag:s7] =	ssyncadd.s32 $0xFFFFC000  }
0xd9: {  	[tilespmem:s4], [sflag:$0x2] =	stream.indirect.gather [hbm4b:s3+s8], $0x80, s26, s8, $0xb8;
	[tilespmem:$0xD000] =	vst v63  }
0xda: {  	_ =	swait.ge [sflag:s13], $0x4000  }
0xdb: {  	[sflag:s13] =	ssyncset.done $0x0  }
0xdc: {  	s0 =	rddreg [dreg:$0x16];
	[sflag:s13] =	ssyncadd.s32 $0xFFFFC000  }
0xdd: {  	[hbm4b:s0+s2] =	stream.linear.scatter [tilespmem:s10], [sflag:$0x6], $0x4000, $0x38;
	[tilespmem:$0xD000] =	vst v63  }
0xde: {  	_ =	swait.ge [sflag:s12], $0x4000  }
0xdf: {  	[sflag:s12] =	ssyncset.done $0x0  }
0xe0: {  	[sflag:s12] =	ssyncadd.s32 $0xFFFFC000  }
0xe1: {  	[tilespmem:s10], [sflag:$0x3] =	stream.indirect.gather [hbm4b:s3+s8], $0x80, s25, s8, $0xb8;
	[tilespmem:$0xD000] =	vst v63  }
0xe2: {  	_ =	swait.ge [sflag:s9], $0x4000  }
0xe3: {  	[sflag:s9] =	ssyncset.done $0x0  }
0xe4: {  	s0 =	rddreg [dreg:$0x17];
	[sflag:s9] =	ssyncadd.s32 $0xFFFFC000  }
0xe5: {  	[hbm4b:s0+s2] =	stream.linear.scatter [tilespmem:s5], [sflag:$0x4], $0x4000, $0x38;
	[tilespmem:$0xD000] =	vst v63  }
0xe6: {  	_ =	swait.ge [sflag:s6], $0x4000  }
0xe7: {  	[sflag:s6] =	ssyncset.done $0x0  }
0xe8: {  	[sflag:s6] =	ssyncadd.s32 $0xFFFFC000  }
0xe9: {  	[tilespmem:s5], [sflag:$0x1] =	stream.indirect.gather [hbm4b:s3+s8], $0x80, s24, s8, $0xb8;
	[tilespmem:$0xD000] =	vst v63  }
0xea: {  	_ =	swait.ge [sflag:s11], $0x4000  }
0xeb: {  	[sflag:s11] =	ssyncset.done $0x0  }
0xec: {  	s0 =	rddreg [dreg:$0x18];
	[sflag:s11] =	ssyncadd.s32 $0xFFFFC000  }
0xed: {  	[hbm4b:s0+s2] =	stream.linear.scatter [tilespmem:s4], [sflag:$0x5], $0x4000, $0x38;
	[tilespmem:$0xD000] =	vst v63  }
0xee: {  	_ =	swait.ge [sflag:s7], $0x4000  }
0xef: {  	[sflag:s7] =	ssyncset.done $0x0  }
0xf0: {  	[sflag:s7] =	ssyncadd.s32 $0xFFFFC000  }
0xf1: {  	[tilespmem:s4], [sflag:$0x2] =	stream.indirect.gather [hbm4b:s3+s8], $0x80, s23, s8, $0xb8;
	[tilespmem:$0xD000] =	vst v63  }
0xf2: {  	_ =	swait.ge [sflag:s13], $0x4000  }
0xf3: {  	[sflag:s13] =	ssyncset.done $0x0  }
0xf4: {  	s0 =	rddreg [dreg:$0x19];
	[sflag:s13] =	ssyncadd.s32 $0xFFFFC000  }
0xf5: {  	[hbm4b:s0+s2] =	stream.linear.scatter [tilespmem:s10], [sflag:$0x6], $0x4000, $0x38;
	[tilespmem:$0xD000] =	vst v63  }
0xf6: {  	_ =	swait.ge [sflag:s12], $0x4000  }
0xf7: {  	[sflag:s12] =	ssyncset.done $0x0  }
0xf8: {  	[sflag:s12] =	ssyncadd.s32 $0xFFFFC000  }
0xf9: {  	[tilespmem:s10], [sflag:$0x3] =	stream.indirect.gather [hbm4b:s3+s8], $0x80, s22, s8, $0xb8;
	[tilespmem:$0xD000] =	vst v63  }
0xfa: {  	_ =	swait.ge [sflag:s9], $0x4000  }
0xfb: {  	[sflag:s9] =	ssyncset.done $0x0  }
0xfc: {  	s0 =	rddreg [dreg:$0x1a];
	[sflag:s9] =	ssyncadd.s32 $0xFFFFC000  }
0xfd: {  	[hbm4b:s0+s2] =	stream.linear.scatter [tilespmem:s5], [sflag:$0x4], $0x4000, $0x38;
	[tilespmem:$0xD000] =	vst v63  }
0xfe: {  	_ =	swait.ge [sflag:s6], $0x4000  }
0xff: {  	[sflag:s6] =	ssyncset.done $0x0  }
0x100: {  	[sflag:s6] =	ssyncadd.s32 $0xFFFFC000  }
0x101: {  	[tilespmem:s5], [sflag:$0x1] =	stream.indirect.gather [hbm4b:s3+s8], $0x80, s21, s8, $0xb8;
	[tilespmem:$0xD000] =	vst v63  }
0x102: {  	_ =	swait.ge [sflag:s11], $0x4000  }
0x103: {  	[sflag:s11] =	ssyncset.done $0x0  }
0x104: {  	s0 =	rddreg [dreg:$0x1b];
	[sflag:s11] =	ssyncadd.s32 $0xFFFFC000  }
0x105: {  	[hbm4b:s0+s2] =	stream.linear.scatter [tilespmem:s4], [sflag:$0x5], $0x4000, $0x38;
	[tilespmem:$0xD000] =	vst v63  }
0x106: {  	_ =	swait.ge [sflag:s7], $0x4000  }
0x107: {  	[sflag:s7] =	ssyncset.done $0x0  }
0x108: {  	[sflag:s7] =	ssyncadd.s32 $0xFFFFC000  }
0x109: {  	[tilespmem:s4], [sflag:$0x2] =	stream.indirect.gather [hbm4b:s3+s8], $0x80, s20, s8, $0xb8;
	[tilespmem:$0xD000] =	vst v63  }
0x10a: {  	_ =	swait.ge [sflag:s13], $0x4000  }
0x10b: {  	[sflag:s13] =	ssyncset.done $0x0  }
0x10c: {  	s0 =	rddreg [dreg:$0x1c];
	[sflag:s13] =	ssyncadd.s32 $0xFFFFC000  }
0x10d: {  	[hbm4b:s0+s2] =	stream.linear.scatter [tilespmem:s10], [sflag:$0x6], $0x4000, $0x38;
	[tilespmem:$0xD000] =	vst v63  }
0x10e: {  	_ =	swait.ge [sflag:s12], $0x4000  }
0x10f: {  	[sflag:s12] =	ssyncset.done $0x0  }
0x110: {  	[sflag:s12] =	ssyncadd.s32 $0xFFFFC000  }
0x111: {  	[tilespmem:s10], [sflag:$0x3] =	stream.indirect.gather [hbm4b:s3+s8], $0x80, s19, s8, $0xb8;
	[tilespmem:$0xD000] =	vst v63  }
0x112: {  	_ =	swait.ge [sflag:s9], $0x4000  }
0x113: {  	[sflag:s9] =	ssyncset.done $0x0  }
0x114: {  	s0 =	rddreg [dreg:$0x1d];
	[sflag:s9] =	ssyncadd.s32 $0xFFFFC000  }
0x115: {  	[hbm4b:s0+s2] =	stream.linear.scatter [tilespmem:s5], [sflag:$0x4], $0x4000, $0x38;
	[tilespmem:$0xD000] =	vst v63  }
0x116: {  	_ =	swait.ge [sflag:s6], $0x4000  }
0x117: {  	[sflag:s6] =	ssyncset.done $0x0  }
0x118: {  	[sflag:s6] =	ssyncadd.s32 $0xFFFFC000  }
0x119: {  	[tilespmem:s5], [sflag:$0x1] =	stream.indirect.gather [hbm4b:s3+s8], $0x80, s18, s8, $0xb8;
	[tilespmem:$0xD000] =	vst v63  }
0x11a: {  	_ =	swait.ge [sflag:s11], $0x4000  }
0x11b: {  	[sflag:s11] =	ssyncset.done $0x0  }
0x11c: {  	s0 =	rddreg [dreg:$0x1e];
	[sflag:s11] =	ssyncadd.s32 $0xFFFFC000  }
0x11d: {  	[hbm4b:s0+s2] =	stream.linear.scatter [tilespmem:s4], [sflag:$0x5], $0x4000, $0x38;
	[tilespmem:$0xD000] =	vst v63  }
0x11e: {  	_ =	swait.ge [sflag:s7], $0x4000  }
0x11f: {  	[sflag:s7] =	ssyncset.done $0x0  }
0x120: {  	[sflag:s7] =	ssyncadd.s32 $0xFFFFC000  }
0x121: {  	[tilespmem:s4], [sflag:$0x2] =	stream.indirect.gather [hbm4b:s3+s8], $0x80, s17, s8, $0xb8;
	[tilespmem:$0xD000] =	vst v63  }
0x122: {  	_ =	swait.ge [sflag:s13], $0x4000  }
0x123: {  	[sflag:s13] =	ssyncset.done $0x0  }
0x124: {  	s0 =	rddreg [dreg:$0x1f];
	[sflag:s13] =	ssyncadd.s32 $0xFFFFC000  }
0x125: {  	[hbm4b:s0+s2] =	stream.linear.scatter [tilespmem:s10], [sflag:$0x6], $0x4000, $0x38;
	[tilespmem:$0xD000] =	vst v63  }
0x126: {  	_ =	swait.ge [sflag:s12], $0x4000  }
0x127: {  	[sflag:s12] =	ssyncset.done $0x0  }
0x128: {  	[sflag:s12] =	ssyncadd.s32 $0xFFFFC000  }
0x129: {  	[tilespmem:s10], [sflag:$0x3] =	stream.indirect.gather [hbm4b:s3+s8], $0x80, s16, s8, $0xb8;
	[tilespmem:$0xD000] =	vst v63  }
0x12a: {  	_ =	swait.ge [sflag:s9], $0x4000  }
0x12b: {  	s0 =	sld [smem:$0x7EB]  }
0x12c: {  	[sflag:s9] =	ssyncset.done $0x0  }
0x12d: {  	[sflag:s9] =	ssyncadd.s32 $0xFFFFC000  }
0x12e: {  	[hbm4b:s0+s2] =	stream.linear.scatter [tilespmem:s5], [sflag:$0x4], $0x4000, $0x38;
	[tilespmem:$0xD000] =	vst v63  }
0x12f: {  	_ =	swait.ge [sflag:s6], $0x4000  }
0x130: {  	[sflag:s6] =	ssyncset.done $0x0  }
0x131: {  	[sflag:s6] =	ssyncadd.s32 $0xFFFFC000  }
0x132: {  	[tilespmem:s5], [sflag:$0x1] =	stream.indirect.gather [hbm4b:s3+s8], $0x80, s15, s8, $0xb8;
	[tilespmem:$0xD000] =	vst v63  }
0x133: {  	_ =	swait.ge [sflag:s11], $0x4000  }
0x134: {  	s0 =	sld [smem:$0x7EC]  }
0x135: {  	[sflag:s11] =	ssyncset.done $0x0  }
0x136: {  	[sflag:s11] =	ssyncadd.s32 $0xFFFFC000  }
0x137: {  	[hbm4b:s0+s2] =	stream.linear.scatter [tilespmem:s4], [sflag:$0x5], $0x4000, $0x38;
	[tilespmem:$0xD000] =	vst v63  }
0x138: {  	_ =	swait.ge [sflag:s7], $0x4000  }
0x139: {  	[sflag:s7] =	ssyncset.done $0x0  }
0x13a: {  	[sflag:s7] =	ssyncadd.s32 $0xFFFFC000  }
0x13b: {  	[tilespmem:s4], [sflag:$0x2] =	stream.indirect.gather [hbm4b:s3+s8], $0x80, s14, s8, $0xb8;
	[tilespmem:$0xD000] =	vst v63  }
0x13c: {  	_ =	swait.ge [sflag:s13], $0x4000  }
0x13d: {  	s0 =	sld [smem:$0x7ED]  }
0x13e: {  	[sflag:s13] =	ssyncset.done $0x0  }
0x13f: {  	[sflag:s13] =	ssyncadd.s32 $0xFFFFC000  }
0x140: {  	[hbm4b:s0+s2] =	stream.linear.scatter [tilespmem:s10], [sflag:$0x6], $0x4000, $0x38;
	[tilespmem:$0xD000] =	vst v63  }
0x141: {  	_ =	swait.ge [sflag:s9], $0x4000  }
0x142: {  	s0 =	sld [smem:$0x7EE]  }
0x143: {  	[sflag:s9] =	ssyncset.done $0x0  }
0x144: {  	[sflag:s9] =	ssyncadd.s32 $0xFFFFC000  }
0x145: {  	[hbm4b:s0+s2] =	stream.linear.scatter [tilespmem:s5], [sflag:$0x4], $0x4000, $0x38;
	[tilespmem:$0xD000] =	vst v63  }
0x146: {  	_ =	swait.ge [sflag:s11], $0x4000  }
0x147: {  	s0 =	sld [smem:$0x7EF]  }
0x148: {  	[sflag:s11] =	ssyncset.done $0x0  }
0x149: {  	[sflag:s11] =	ssyncadd.s32 $0xFFFFC000  }
0x14a: {  	[hbm4b:s0+s2] =	stream.linear.scatter [tilespmem:s4], [sflag:$0x5], $0x4000, $0x38;
	[tilespmem:$0xD000] =	vst v63  }
0x14b: {  	_ =	swait.ge [sflag:s12], $0x4000  }
0x14c: {  	[sflag:s12] =	ssyncset.done $0x0  }
0x14d: {  	p1 =	sne.s32 s1, $0x1;
	[sflag:s12] =	ssyncadd.s32 $0xFFFFC000  }
.Ltmp1:
0x14e: {  	_ =	swait.ge [sflag:s6], $0x4000;
	(pc) =	sbr.rel @!p1 .LBB2_3-.Ltmp1, $4  }
0x14f: {  	[sflag:s6] =	ssyncset.done $0x0  }
0x150: {  	[sflag:s6] =	ssyncadd.s32 $0xFFFFC000  }
0x151: {  	s1 =	sadd.s32 $0xFFFFFFFF, s1;
	_ =	swait.ge [sflag:s7], $0x4000  }
0x152: {  	p0 =	por $0x1, $0x1;
	s0 =	rddreg [dreg:$0x4];
	[sflag:s7] =	ssyncset.done $0x0  }
.LBB2_2:
0x153: {  	[sflag:s7] =	ssyncadd.s32 $0xFFFFC000  }
0x154: {  	[tilespmem:s2], [sflag:$0x7] =	stream.linear.gather [hbm4b:s0+s2], $0x1000, $0x38;
	[tilespmem:$0xD000] =	vst v63  }
0x155: {  	_ =	swait.ge [sflag:s31], $0x1000  }
0x156: {  	[sflag:s31] =	ssyncset.done $0x0  }
0x157: {  	[sflag:s31] =	ssyncadd.s32 $0xFFFFF000  }
0x158: {  	[tilespmem:s5], [sflag:$0x1] =	stream.indirect.gather [hbm4b:s3+s8], $0x80, s2, s8, $0xb8;
	[tilespmem:$0xD000] =	vst v63  }
0x159: {  	s0 =	sld [smem:$0x7F0]  }
0x15a: {  	[tilespmem:s4], [sflag:$0x2] =	stream.indirect.gather [hbm4b:s3+s8], $0x80, s8, s8, $0xb8;
	[tilespmem:$0xD000] =	vst v63  }
0x15b: {  	_ = 	snop  }
0x15c: {  	[tilespmem:s10], [sflag:$0x3] =	stream.indirect.gather [hbm4b:s3+s8], $0x80, s0, s8, $0xb8;
	[tilespmem:$0xD000] =	vst v63  }
0x15d: {  	_ =	swait.ge [sflag:s9], $0x4000  }
0x15e: {  	[sflag:s9] =	ssyncset.done $0x0  }
0x15f: {  	s0 =	rddreg [dreg:$0x5];
	[sflag:s9] =	ssyncadd.s32 $0xFFFFC000  }
0x160: {  	[hbm4b:s0+s2] =	stream.linear.scatter [tilespmem:s5], [sflag:$0x4], $0x4000, $0x38;
	[tilespmem:$0xD000] =	vst v63  }
0x161: {  	_ =	swait.ge [sflag:s6], $0x4000  }
0x162: {  	s0 =	sld [smem:$0x7F1]  }
0x163: {  	[sflag:s6] =	ssyncset.done $0x0  }
0x164: {  	[sflag:s6] =	ssyncadd.s32 $0xFFFFC000  }
0x165: {  	[tilespmem:s5], [sflag:$0x1] =	stream.indirect.gather [hbm4b:s3+s8], $0x80, s0, s8, $0xb8;
	[tilespmem:$0xD000] =	vst v63  }
0x166: {  	_ =	swait.ge [sflag:s11], $0x4000  }
0x167: {  	[sflag:s11] =	ssyncset.done $0x0  }
0x168: {  	s0 =	rddreg [dreg:$0x6];
	[sflag:s11] =	ssyncadd.s32 $0xFFFFC000  }
0x169: {  	[hbm4b:s0+s2] =	stream.linear.scatter [tilespmem:s4], [sflag:$0x5], $0x4000, $0x38;
	[tilespmem:$0xD000] =	vst v63  }
0x16a: {  	_ =	swait.ge [sflag:s7], $0x4000  }
0x16b: {  	s0 =	sld [smem:$0x7F2]  }
0x16c: {  	[sflag:s7] =	ssyncset.done $0x0  }
0x16d: {  	[sflag:s7] =	ssyncadd.s32 $0xFFFFC000  }
0x16e: {  	[tilespmem:s4], [sflag:$0x2] =	stream.indirect.gather [hbm4b:s3+s8], $0x80, s0, s8, $0xb8;
	[tilespmem:$0xD000] =	vst v63  }
0x16f: {  	_ =	swait.ge [sflag:s13], $0x4000  }
0x170: {  	[sflag:s13] =	ssyncset.done $0x0  }
0x171: {  	s0 =	rddreg [dreg:$0x7];
	[sflag:s13] =	ssyncadd.s32 $0xFFFFC000  }
0x172: {  	[hbm4b:s0+s2] =	stream.linear.scatter [tilespmem:s10], [sflag:$0x6], $0x4000, $0x38;
	[tilespmem:$0xD000] =	vst v63  }
0x173: {  	_ =	swait.ge [sflag:s12], $0x4000  }
0x174: {  	s0 =	sld [smem:$0x7F3]  }
0x175: {  	[sflag:s12] =	ssyncset.done $0x0  }
0x176: {  	[sflag:s12] =	ssyncadd.s32 $0xFFFFC000  }
0x177: {  	[tilespmem:s10], [sflag:$0x3] =	stream.indirect.gather [hbm4b:s3+s8], $0x80, s0, s8, $0xb8;
	[tilespmem:$0xD000] =	vst v63  }
0x178: {  	_ =	swait.ge [sflag:s9], $0x4000  }
0x179: {  	[sflag:s9] =	ssyncset.done $0x0  }
0x17a: {  	s0 =	rddreg [dreg:$0x8];
	[sflag:s9] =	ssyncadd.s32 $0xFFFFC000  }
0x17b: {  	[hbm4b:s0+s2] =	stream.linear.scatter [tilespmem:s5], [sflag:$0x4], $0x4000, $0x38;
	[tilespmem:$0xD000] =	vst v63  }
0x17c: {  	_ =	swait.ge [sflag:s6], $0x4000  }
0x17d: {  	s0 =	sld [smem:$0x7F4]  }
0x17e: {  	[sflag:s6] =	ssyncset.done $0x0  }
0x17f: {  	[sflag:s6] =	ssyncadd.s32 $0xFFFFC000  }
0x180: {  	[tilespmem:s5], [sflag:$0x1] =	stream.indirect.gather [hbm4b:s3+s8], $0x80, s0, s8, $0xb8;
	[tilespmem:$0xD000] =	vst v63  }
0x181: {  	_ =	swait.ge [sflag:s11], $0x4000  }
0x182: {  	[sflag:s11] =	ssyncset.done $0x0  }
0x183: {  	s0 =	rddreg [dreg:$0x9];
	[sflag:s11] =	ssyncadd.s32 $0xFFFFC000  }
0x184: {  	[hbm4b:s0+s2] =	stream.linear.scatter [tilespmem:s4], [sflag:$0x5], $0x4000, $0x38;
	[tilespmem:$0xD000] =	vst v63  }
0x185: {  	_ =	swait.ge [sflag:s7], $0x4000  }
0x186: {  	s0 =	sld [smem:$0x7F5]  }
0x187: {  	[sflag:s7] =	ssyncset.done $0x0  }
0x188: {  	[sflag:s7] =	ssyncadd.s32 $0xFFFFC000  }
0x189: {  	[tilespmem:s4], [sflag:$0x2] =	stream.indirect.gather [hbm4b:s3+s8], $0x80, s0, s8, $0xb8;
	[tilespmem:$0xD000] =	vst v63  }
0x18a: {  	_ =	swait.ge [sflag:s13], $0x4000  }
0x18b: {  	[sflag:s13] =	ssyncset.done $0x0  }
0x18c: {  	s0 =	rddreg [dreg:$0xa];
	[sflag:s13] =	ssyncadd.s32 $0xFFFFC000  }
0x18d: {  	[hbm4b:s0+s2] =	stream.linear.scatter [tilespmem:s10], [sflag:$0x6], $0x4000, $0x38;
	[tilespmem:$0xD000] =	vst v63  }
0x18e: {  	_ =	swait.ge [sflag:s12], $0x4000  }
0x18f: {  	s0 =	sld [smem:$0x7F6]  }
0x190: {  	[sflag:s12] =	ssyncset.done $0x0  }
0x191: {  	[sflag:s12] =	ssyncadd.s32 $0xFFFFC000  }
0x192: {  	[tilespmem:s10], [sflag:$0x3] =	stream.indirect.gather [hbm4b:s3+s8], $0x80, s0, s8, $0xb8;
	[tilespmem:$0xD000] =	vst v63  }
0x193: {  	_ =	swait.ge [sflag:s9], $0x4000  }
0x194: {  	[sflag:s9] =	ssyncset.done $0x0  }
0x195: {  	s0 =	rddreg [dreg:$0xb];
	[sflag:s9] =	ssyncadd.s32 $0xFFFFC000  }
0x196: {  	[hbm4b:s0+s2] =	stream.linear.scatter [tilespmem:s5], [sflag:$0x4], $0x4000, $0x38;
	[tilespmem:$0xD000] =	vst v63  }
0x197: {  	_ =	swait.ge [sflag:s6], $0x4000  }
0x198: {  	s0 =	sld [smem:$0x7F7]  }
0x199: {  	[sflag:s6] =	ssyncset.done $0x0  }
0x19a: {  	[sflag:s6] =	ssyncadd.s32 $0xFFFFC000  }
0x19b: {  	[tilespmem:s5], [sflag:$0x1] =	stream.indirect.gather [hbm4b:s3+s8], $0x80, s0, s8, $0xb8;
	[tilespmem:$0xD000] =	vst v63  }
0x19c: {  	_ =	swait.ge [sflag:s11], $0x4000  }
0x19d: {  	[sflag:s11] =	ssyncset.done $0x0  }
0x19e: {  	s0 =	rddreg [dreg:$0xc];
	[sflag:s11] =	ssyncadd.s32 $0xFFFFC000  }
0x19f: {  	[hbm4b:s0+s2] =	stream.linear.scatter [tilespmem:s4], [sflag:$0x5], $0x4000, $0x38;
	[tilespmem:$0xD000] =	vst v63  }
0x1a0: {  	_ =	swait.ge [sflag:s7], $0x4000  }
0x1a1: {  	s0 =	sld [smem:$0x7F8]  }
0x1a2: {  	[sflag:s7] =	ssyncset.done $0x0  }
0x1a3: {  	[sflag:s7] =	ssyncadd.s32 $0xFFFFC000  }
0x1a4: {  	[tilespmem:s4], [sflag:$0x2] =	stream.indirect.gather [hbm4b:s3+s8], $0x80, s0, s8, $0xb8;
	[tilespmem:$0xD000] =	vst v63  }
0x1a5: {  	_ =	swait.ge [sflag:s13], $0x4000  }
0x1a6: {  	[sflag:s13] =	ssyncset.done $0x0  }
0x1a7: {  	s0 =	rddreg [dreg:$0xd];
	[sflag:s13] =	ssyncadd.s32 $0xFFFFC000  }
0x1a8: {  	[hbm4b:s0+s2] =	stream.linear.scatter [tilespmem:s10], [sflag:$0x6], $0x4000, $0x38;
	[tilespmem:$0xD000] =	vst v63  }
0x1a9: {  	_ =	swait.ge [sflag:s12], $0x4000  }
0x1aa: {  	s0 =	sld [smem:$0x7F9]  }
0x1ab: {  	[sflag:s12] =	ssyncset.done $0x0  }
0x1ac: {  	[sflag:s12] =	ssyncadd.s32 $0xFFFFC000  }
0x1ad: {  	[tilespmem:s10], [sflag:$0x3] =	stream.indirect.gather [hbm4b:s3+s8], $0x80, s0, s8, $0xb8;
	[tilespmem:$0xD000] =	vst v63  }
0x1ae: {  	_ =	swait.ge [sflag:s9], $0x4000  }
0x1af: {  	[sflag:s9] =	ssyncset.done $0x0  }
0x1b0: {  	s0 =	rddreg [dreg:$0xe];
	[sflag:s9] =	ssyncadd.s32 $0xFFFFC000  }
0x1b1: {  	[hbm4b:s0+s2] =	stream.linear.scatter [tilespmem:s5], [sflag:$0x4], $0x4000, $0x38;
	[tilespmem:$0xD000] =	vst v63  }
0x1b2: {  	_ =	swait.ge [sflag:s6], $0x4000  }
0x1b3: {  	s0 =	sld [smem:$0x7FA]  }
0x1b4: {  	[sflag:s6] =	ssyncset.done $0x0  }
0x1b5: {  	[sflag:s6] =	ssyncadd.s32 $0xFFFFC000  }
0x1b6: {  	[tilespmem:s5], [sflag:$0x1] =	stream.indirect.gather [hbm4b:s3+s8], $0x80, s0, s8, $0xb8;
	[tilespmem:$0xD000] =	vst v63  }
0x1b7: {  	_ =	swait.ge [sflag:s11], $0x4000  }
0x1b8: {  	[sflag:s11] =	ssyncset.done $0x0  }
0x1b9: {  	s0 =	rddreg [dreg:$0xf];
	[sflag:s11] =	ssyncadd.s32 $0xFFFFC000  }
0x1ba: {  	[hbm4b:s0+s2] =	stream.linear.scatter [tilespmem:s4], [sflag:$0x5], $0x4000, $0x38;
	[tilespmem:$0xD000] =	vst v63  }
0x1bb: {  	_ =	swait.ge [sflag:s7], $0x4000  }
0x1bc: {  	s0 =	sld [smem:$0x7FB]  }
0x1bd: {  	[sflag:s7] =	ssyncset.done $0x0  }
0x1be: {  	[sflag:s7] =	ssyncadd.s32 $0xFFFFC000  }
0x1bf: {  	[tilespmem:s4], [sflag:$0x2] =	stream.indirect.gather [hbm4b:s3+s8], $0x80, s0, s8, $0xb8;
	[tilespmem:$0xD000] =	vst v63  }
0x1c0: {  	_ =	swait.ge [sflag:s13], $0x4000  }
0x1c1: {  	[sflag:s13] =	ssyncset.done $0x0  }
0x1c2: {  	s0 =	rddreg [dreg:$0x10];
	[sflag:s13] =	ssyncadd.s32 $0xFFFFC000  }
0x1c3: {  	[hbm4b:s0+s2] =	stream.linear.scatter [tilespmem:s10], [sflag:$0x6], $0x4000, $0x38;
	[tilespmem:$0xD000] =	vst v63  }
0x1c4: {  	_ =	swait.ge [sflag:s12], $0x4000  }
0x1c5: {  	s0 =	sld [smem:$0x7FC]  }
0x1c6: {  	[sflag:s12] =	ssyncset.done $0x0  }
0x1c7: {  	[sflag:s12] =	ssyncadd.s32 $0xFFFFC000  }
0x1c8: {  	[tilespmem:s10], [sflag:$0x3] =	stream.indirect.gather [hbm4b:s3+s8], $0x80, s0, s8, $0xb8;
	[tilespmem:$0xD000] =	vst v63  }
0x1c9: {  	_ =	swait.ge [sflag:s9], $0x4000  }
0x1ca: {  	[sflag:s9] =	ssyncset.done $0x0  }
0x1cb: {  	s0 =	rddreg [dreg:$0x11];
	[sflag:s9] =	ssyncadd.s32 $0xFFFFC000  }
0x1cc: {  	[hbm4b:s0+s2] =	stream.linear.scatter [tilespmem:s5], [sflag:$0x4], $0x4000, $0x38;
	[tilespmem:$0xD000] =	vst v63  }
0x1cd: {  	_ =	swait.ge [sflag:s6], $0x4000  }
0x1ce: {  	s0 =	sld [smem:$0x7FD]  }
0x1cf: {  	[sflag:s6] =	ssyncset.done $0x0  }
0x1d0: {  	[sflag:s6] =	ssyncadd.s32 $0xFFFFC000  }
0x1d1: {  	[tilespmem:s5], [sflag:$0x1] =	stream.indirect.gather [hbm4b:s3+s8], $0x80, s0, s8, $0xb8;
	[tilespmem:$0xD000] =	vst v63  }
0x1d2: {  	_ =	swait.ge [sflag:s11], $0x4000  }
0x1d3: {  	[sflag:s11] =	ssyncset.done $0x0  }
0x1d4: {  	s0 =	rddreg [dreg:$0x12];
	[sflag:s11] =	ssyncadd.s32 $0xFFFFC000  }
0x1d5: {  	[hbm4b:s0+s2] =	stream.linear.scatter [tilespmem:s4], [sflag:$0x5], $0x4000, $0x38;
	[tilespmem:$0xD000] =	vst v63  }
0x1d6: {  	_ =	swait.ge [sflag:s7], $0x4000  }
0x1d7: {  	[sflag:s7] =	ssyncset.done $0x0  }
0x1d8: {  	[sflag:s7] =	ssyncadd.s32 $0xFFFFC000  }
0x1d9: {  	[tilespmem:s4], [sflag:$0x2] =	stream.indirect.gather [hbm4b:s3+s8], $0x80, s30, s8, $0xb8;
	[tilespmem:$0xD000] =	vst v63  }
0x1da: {  	_ =	swait.ge [sflag:s13], $0x4000  }
0x1db: {  	[sflag:s13] =	ssyncset.done $0x0  }
0x1dc: {  	s0 =	rddreg [dreg:$0x13];
	[sflag:s13] =	ssyncadd.s32 $0xFFFFC000  }
0x1dd: {  	[hbm4b:s0+s2] =	stream.linear.scatter [tilespmem:s10], [sflag:$0x6], $0x4000, $0x38;
	[tilespmem:$0xD000] =	vst v63  }
0x1de: {  	_ =	swait.ge [sflag:s12], $0x4000  }
0x1df: {  	[sflag:s12] =	ssyncset.done $0x0  }
0x1e0: {  	[sflag:s12] =	ssyncadd.s32 $0xFFFFC000  }
0x1e1: {  	[tilespmem:s10], [sflag:$0x3] =	stream.indirect.gather [hbm4b:s3+s8], $0x80, s29, s8, $0xb8;
	[tilespmem:$0xD000] =	vst v63  }
0x1e2: {  	_ =	swait.ge [sflag:s9], $0x4000  }
0x1e3: {  	[sflag:s9] =	ssyncset.done $0x0  }
0x1e4: {  	s0 =	rddreg [dreg:$0x14];
	[sflag:s9] =	ssyncadd.s32 $0xFFFFC000  }
0x1e5: {  	[hbm4b:s0+s2] =	stream.linear.scatter [tilespmem:s5], [sflag:$0x4], $0x4000, $0x38;
	[tilespmem:$0xD000] =	vst v63  }
0x1e6: {  	_ =	swait.ge [sflag:s6], $0x4000  }
0x1e7: {  	[sflag:s6] =	ssyncset.done $0x0  }
0x1e8: {  	[sflag:s6] =	ssyncadd.s32 $0xFFFFC000  }
0x1e9: {  	[tilespmem:s5], [sflag:$0x1] =	stream.indirect.gather [hbm4b:s3+s8], $0x80, s28, s8, $0xb8;
	[tilespmem:$0xD000] =	vst v63  }
0x1ea: {  	_ =	swait.ge [sflag:s11], $0x4000  }
0x1eb: {  	[sflag:s11] =	ssyncset.done $0x0  }
0x1ec: {  	s0 =	rddreg [dreg:$0x15];
	[sflag:s11] =	ssyncadd.s32 $0xFFFFC000  }
0x1ed: {  	[hbm4b:s0+s2] =	stream.linear.scatter [tilespmem:s4], [sflag:$0x5], $0x4000, $0x38;
	[tilespmem:$0xD000] =	vst v63  }
0x1ee: {  	_ =	swait.ge [sflag:s7], $0x4000  }
0x1ef: {  	[sflag:s7] =	ssyncset.done $0x0  }
0x1f0: {  	[sflag:s7] =	ssyncadd.s32 $0xFFFFC000  }
0x1f1: {  	[tilespmem:s4], [sflag:$0x2] =	stream.indirect.gather [hbm4b:s3+s8], $0x80, s26, s8, $0xb8;
	[tilespmem:$0xD000] =	vst v63  }
0x1f2: {  	_ =	swait.ge [sflag:s13], $0x4000  }
0x1f3: {  	[sflag:s13] =	ssyncset.done $0x0  }
0x1f4: {  	s0 =	rddreg [dreg:$0x16];
	[sflag:s13] =	ssyncadd.s32 $0xFFFFC000  }
0x1f5: {  	[hbm4b:s0+s2] =	stream.linear.scatter [tilespmem:s10], [sflag:$0x6], $0x4000, $0x38;
	[tilespmem:$0xD000] =	vst v63  }
0x1f6: {  	_ =	swait.ge [sflag:s12], $0x4000  }
0x1f7: {  	[sflag:s12] =	ssyncset.done $0x0  }
0x1f8: {  	[sflag:s12] =	ssyncadd.s32 $0xFFFFC000  }
0x1f9: {  	[tilespmem:s10], [sflag:$0x3] =	stream.indirect.gather [hbm4b:s3+s8], $0x80, s25, s8, $0xb8;
	[tilespmem:$0xD000] =	vst v63  }
0x1fa: {  	_ =	swait.ge [sflag:s9], $0x4000  }
0x1fb: {  	[sflag:s9] =	ssyncset.done $0x0  }
0x1fc: {  	s0 =	rddreg [dreg:$0x17];
	[sflag:s9] =	ssyncadd.s32 $0xFFFFC000  }
0x1fd: {  	[hbm4b:s0+s2] =	stream.linear.scatter [tilespmem:s5], [sflag:$0x4], $0x4000, $0x38;
	[tilespmem:$0xD000] =	vst v63  }
0x1fe: {  	_ =	swait.ge [sflag:s6], $0x4000  }
0x1ff: {  	[sflag:s6] =	ssyncset.done $0x0  }
0x200: {  	[sflag:s6] =	ssyncadd.s32 $0xFFFFC000  }
0x201: {  	[tilespmem:s5], [sflag:$0x1] =	stream.indirect.gather [hbm4b:s3+s8], $0x80, s24, s8, $0xb8;
	[tilespmem:$0xD000] =	vst v63  }
0x202: {  	_ =	swait.ge [sflag:s11], $0x4000  }
0x203: {  	[sflag:s11] =	ssyncset.done $0x0  }
0x204: {  	s0 =	rddreg [dreg:$0x18];
	[sflag:s11] =	ssyncadd.s32 $0xFFFFC000  }
0x205: {  	[hbm4b:s0+s2] =	stream.linear.scatter [tilespmem:s4], [sflag:$0x5], $0x4000, $0x38;
	[tilespmem:$0xD000] =	vst v63  }
0x206: {  	_ =	swait.ge [sflag:s7], $0x4000  }
0x207: {  	[sflag:s7] =	ssyncset.done $0x0  }
0x208: {  	[sflag:s7] =	ssyncadd.s32 $0xFFFFC000  }
0x209: {  	[tilespmem:s4], [sflag:$0x2] =	stream.indirect.gather [hbm4b:s3+s8], $0x80, s23, s8, $0xb8;
	[tilespmem:$0xD000] =	vst v63  }
0x20a: {  	_ =	swait.ge [sflag:s13], $0x4000  }
0x20b: {  	[sflag:s13] =	ssyncset.done $0x0  }
0x20c: {  	s0 =	rddreg [dreg:$0x19];
	[sflag:s13] =	ssyncadd.s32 $0xFFFFC000  }
0x20d: {  	[hbm4b:s0+s2] =	stream.linear.scatter [tilespmem:s10], [sflag:$0x6], $0x4000, $0x38;
	[tilespmem:$0xD000] =	vst v63  }
0x20e: {  	_ =	swait.ge [sflag:s12], $0x4000  }
0x20f: {  	[sflag:s12] =	ssyncset.done $0x0  }
0x210: {  	[sflag:s12] =	ssyncadd.s32 $0xFFFFC000  }
0x211: {  	[tilespmem:s10], [sflag:$0x3] =	stream.indirect.gather [hbm4b:s3+s8], $0x80, s22, s8, $0xb8;
	[tilespmem:$0xD000] =	vst v63  }
0x212: {  	_ =	swait.ge [sflag:s9], $0x4000  }
0x213: {  	[sflag:s9] =	ssyncset.done $0x0  }
0x214: {  	s0 =	rddreg [dreg:$0x1a];
	[sflag:s9] =	ssyncadd.s32 $0xFFFFC000  }
0x215: {  	[hbm4b:s0+s2] =	stream.linear.scatter [tilespmem:s5], [sflag:$0x4], $0x4000, $0x38;
	[tilespmem:$0xD000] =	vst v63  }
0x216: {  	_ =	swait.ge [sflag:s6], $0x4000  }
0x217: {  	[sflag:s6] =	ssyncset.done $0x0  }
0x218: {  	[sflag:s6] =	ssyncadd.s32 $0xFFFFC000  }
0x219: {  	[tilespmem:s5], [sflag:$0x1] =	stream.indirect.gather [hbm4b:s3+s8], $0x80, s21, s8, $0xb8;
	[tilespmem:$0xD000] =	vst v63  }
0x21a: {  	_ =	swait.ge [sflag:s11], $0x4000  }
0x21b: {  	[sflag:s11] =	ssyncset.done $0x0  }
0x21c: {  	s0 =	rddreg [dreg:$0x1b];
	[sflag:s11] =	ssyncadd.s32 $0xFFFFC000  }
0x21d: {  	[hbm4b:s0+s2] =	stream.linear.scatter [tilespmem:s4], [sflag:$0x5], $0x4000, $0x38;
	[tilespmem:$0xD000] =	vst v63  }
0x21e: {  	_ =	swait.ge [sflag:s7], $0x4000  }
0x21f: {  	[sflag:s7] =	ssyncset.done $0x0  }
0x220: {  	[sflag:s7] =	ssyncadd.s32 $0xFFFFC000  }
0x221: {  	[tilespmem:s4], [sflag:$0x2] =	stream.indirect.gather [hbm4b:s3+s8], $0x80, s20, s8, $0xb8;
	[tilespmem:$0xD000] =	vst v63  }
0x222: {  	_ =	swait.ge [sflag:s13], $0x4000  }
0x223: {  	[sflag:s13] =	ssyncset.done $0x0  }
0x224: {  	s0 =	rddreg [dreg:$0x1c];
	[sflag:s13] =	ssyncadd.s32 $0xFFFFC000  }
0x225: {  	[hbm4b:s0+s2] =	stream.linear.scatter [tilespmem:s10], [sflag:$0x6], $0x4000, $0x38;
	[tilespmem:$0xD000] =	vst v63  }
0x226: {  	_ =	swait.ge [sflag:s12], $0x4000  }
0x227: {  	[sflag:s12] =	ssyncset.done $0x0  }
0x228: {  	[sflag:s12] =	ssyncadd.s32 $0xFFFFC000  }
0x229: {  	[tilespmem:s10], [sflag:$0x3] =	stream.indirect.gather [hbm4b:s3+s8], $0x80, s19, s8, $0xb8;
	[tilespmem:$0xD000] =	vst v63  }
0x22a: {  	_ =	swait.ge [sflag:s9], $0x4000  }
0x22b: {  	[sflag:s9] =	ssyncset.done $0x0  }
0x22c: {  	s0 =	rddreg [dreg:$0x1d];
	[sflag:s9] =	ssyncadd.s32 $0xFFFFC000  }
0x22d: {  	[hbm4b:s0+s2] =	stream.linear.scatter [tilespmem:s5], [sflag:$0x4], $0x4000, $0x38;
	[tilespmem:$0xD000] =	vst v63  }
0x22e: {  	_ =	swait.ge [sflag:s6], $0x4000  }
0x22f: {  	[sflag:s6] =	ssyncset.done $0x0  }
0x230: {  	[sflag:s6] =	ssyncadd.s32 $0xFFFFC000  }
0x231: {  	[tilespmem:s5], [sflag:$0x1] =	stream.indirect.gather [hbm4b:s3+s8], $0x80, s18, s8, $0xb8;
	[tilespmem:$0xD000] =	vst v63  }
0x232: {  	_ =	swait.ge [sflag:s11], $0x4000  }
0x233: {  	[sflag:s11] =	ssyncset.done $0x0  }
0x234: {  	s0 =	rddreg [dreg:$0x1e];
	[sflag:s11] =	ssyncadd.s32 $0xFFFFC000  }
0x235: {  	[hbm4b:s0+s2] =	stream.linear.scatter [tilespmem:s4], [sflag:$0x5], $0x4000, $0x38;
	[tilespmem:$0xD000] =	vst v63  }
0x236: {  	_ =	swait.ge [sflag:s7], $0x4000  }
0x237: {  	[sflag:s7] =	ssyncset.done $0x0  }
0x238: {  	[sflag:s7] =	ssyncadd.s32 $0xFFFFC000  }
0x239: {  	[tilespmem:s4], [sflag:$0x2] =	stream.indirect.gather [hbm4b:s3+s8], $0x80, s17, s8, $0xb8;
	[tilespmem:$0xD000] =	vst v63  }
0x23a: {  	_ =	swait.ge [sflag:s13], $0x4000  }
0x23b: {  	[sflag:s13] =	ssyncset.done $0x0  }
0x23c: {  	s0 =	rddreg [dreg:$0x1f];
	[sflag:s13] =	ssyncadd.s32 $0xFFFFC000  }
0x23d: {  	[hbm4b:s0+s2] =	stream.linear.scatter [tilespmem:s10], [sflag:$0x6], $0x4000, $0x38;
	[tilespmem:$0xD000] =	vst v63  }
0x23e: {  	_ =	swait.ge [sflag:s12], $0x4000  }
0x23f: {  	[sflag:s12] =	ssyncset.done $0x0  }
0x240: {  	[sflag:s12] =	ssyncadd.s32 $0xFFFFC000  }
0x241: {  	[tilespmem:s10], [sflag:$0x3] =	stream.indirect.gather [hbm4b:s3+s8], $0x80, s16, s8, $0xb8;
	[tilespmem:$0xD000] =	vst v63  }
0x242: {  	_ =	swait.ge [sflag:s9], $0x4000  }
0x243: {  	s0 =	sld [smem:$0x7EB]  }
0x244: {  	[sflag:s9] =	ssyncset.done $0x0  }
0x245: {  	[sflag:s9] =	ssyncadd.s32 $0xFFFFC000  }
0x246: {  	[hbm4b:s0+s2] =	stream.linear.scatter [tilespmem:s5], [sflag:$0x4], $0x4000, $0x38;
	[tilespmem:$0xD000] =	vst v63  }
0x247: {  	_ =	swait.ge [sflag:s6], $0x4000  }
0x248: {  	[sflag:s6] =	ssyncset.done $0x0  }
0x249: {  	[sflag:s6] =	ssyncadd.s32 $0xFFFFC000  }
0x24a: {  	[tilespmem:s5], [sflag:$0x1] =	stream.indirect.gather [hbm4b:s3+s8], $0x80, s15, s8, $0xb8;
	[tilespmem:$0xD000] =	vst v63  }
0x24b: {  	_ =	swait.ge [sflag:s11], $0x4000  }
0x24c: {  	s0 =	sld [smem:$0x7EC]  }
0x24d: {  	[sflag:s11] =	ssyncset.done $0x0  }
0x24e: {  	[sflag:s11] =	ssyncadd.s32 $0xFFFFC000  }
0x24f: {  	[hbm4b:s0+s2] =	stream.linear.scatter [tilespmem:s4], [sflag:$0x5], $0x4000, $0x38;
	[tilespmem:$0xD000] =	vst v63  }
0x250: {  	_ =	swait.ge [sflag:s7], $0x4000  }
0x251: {  	[sflag:s7] =	ssyncset.done $0x0  }
0x252: {  	[sflag:s7] =	ssyncadd.s32 $0xFFFFC000  }
0x253: {  	[tilespmem:s4], [sflag:$0x2] =	stream.indirect.gather [hbm4b:s3+s8], $0x80, s14, s8, $0xb8;
	[tilespmem:$0xD000] =	vst v63  }
0x254: {  	_ =	swait.ge [sflag:s13], $0x4000  }
0x255: {  	s0 =	sld [smem:$0x7ED]  }
0x256: {  	[sflag:s13] =	ssyncset.done $0x0  }
0x257: {  	[sflag:s13] =	ssyncadd.s32 $0xFFFFC000  }
0x258: {  	[hbm4b:s0+s2] =	stream.linear.scatter [tilespmem:s10], [sflag:$0x6], $0x4000, $0x38;
	[tilespmem:$0xD000] =	vst v63  }
0x259: {  	_ =	swait.ge [sflag:s9], $0x4000  }
0x25a: {  	s0 =	sld [smem:$0x7EE]  }
0x25b: {  	[sflag:s9] =	ssyncset.done $0x0  }
0x25c: {  	[sflag:s9] =	ssyncadd.s32 $0xFFFFC000  }
0x25d: {  	[hbm4b:s0+s2] =	stream.linear.scatter [tilespmem:s5], [sflag:$0x4], $0x4000, $0x38;
	[tilespmem:$0xD000] =	vst v63  }
0x25e: {  	_ =	swait.ge [sflag:s11], $0x4000  }
0x25f: {  	s0 =	sld [smem:$0x7EF]  }
0x260: {  	[sflag:s11] =	ssyncset.done $0x0  }
0x261: {  	[sflag:s11] =	ssyncadd.s32 $0xFFFFC000  }
0x262: {  	[hbm4b:s0+s2] =	stream.linear.scatter [tilespmem:s4], [sflag:$0x5], $0x4000, $0x38;
	[tilespmem:$0xD000] =	vst v63  }
0x263: {  	_ =	swait.ge [sflag:s12], $0x4000  }
0x264: {  	[sflag:s12] =	ssyncset.done $0x0  }
0x265: {  	p1 =	sne.s32 s1, $0x1;
	[sflag:s12] =	ssyncadd.s32 $0xFFFFC000  }
.Ltmp2:
0x266: {  	_ =	swait.ge [sflag:s6], $0x4000;
	(pc) =	sbr.rel @p1 .LBB2_2-.Ltmp2, $4  }
0x267: {  	[sflag:s6] =	ssyncset.done $0x0  }
0x268: {  	[sflag:s6] =	ssyncadd.s32 $0xFFFFC000  }
0x269: {  	_ =	swait.ge [sflag:s7], $0x4000  }
0x26a: {  	s1 =	sadd.s32 $0xFFFFFFFF, s1;
	s0 =	rddreg [dreg:$0x4];
	[sflag:s7] =	ssyncset.done $0x0  }
.LBB2_3:
0x26b: {  	[sflag:s7] =	ssyncadd.s32 @p0 $0xFFFFC000  }
0x26c: {  	[tilespmem:s2], [sflag:$0x7] =	stream.linear.gather [hbm4b:s0+s2], $0x1000, $0x38;
	[tilespmem:$0xD000] =	vst v63  }
0x26d: {  	_ =	swait.ge [sflag:s31], $0x1000  }
0x26e: {  	[sflag:s31] =	ssyncset.done $0x0  }
0x26f: {  	[sflag:s31] =	ssyncadd.s32 $0xFFFFF000  }
0x270: {  	[tilespmem:s5], [sflag:$0x1] =	stream.indirect.gather [hbm4b:s3+s8], $0x80, s2, s8, $0xb8;
	[tilespmem:$0xD000] =	vst v63  }
0x271: {  	s31 =	sld [smem:$0x7F0]  }
0x272: {  	[tilespmem:s4], [sflag:$0x2] =	stream.indirect.gather [hbm4b:s3+s8], $0x80, s8, s8, $0xb8;
	[tilespmem:$0xD000] =	vst v63  }
0x273: {  	_ = 	snop  }
0x274: {  	[tilespmem:s10], [sflag:$0x3] =	stream.indirect.gather [hbm4b:s3+s8], $0x80, s31, s8, $0xb8;
	[tilespmem:$0xD000] =	vst v63  }
0x275: {  	_ =	swait.ge [sflag:s9], $0x4000  }
0x276: {  	[sflag:s9] =	ssyncset.done $0x0  }
0x277: {  	s1 =	rddreg [dreg:$0x5];
	[sflag:s9] =	ssyncadd.s32 $0xFFFFC000  }
0x278: {  	[hbm4b:s1+s2] =	stream.linear.scatter [tilespmem:s5], [sflag:$0x4], $0x4000, $0x38;
	[tilespmem:$0xD000] =	vst v63  }
0x279: {  	_ =	swait.ge [sflag:s6], $0x4000  }
0x27a: {  	s31 =	sld [smem:$0x7F1]  }
0x27b: {  	[sflag:s6] =	ssyncset.done $0x0  }
0x27c: {  	[sflag:s6] =	ssyncadd.s32 $0xFFFFC000  }
0x27d: {  	[tilespmem:s5], [sflag:$0x1] =	stream.indirect.gather [hbm4b:s3+s8], $0x80, s31, s8, $0xb8;
	[tilespmem:$0xD000] =	vst v63  }
0x27e: {  	_ =	swait.ge [sflag:s11], $0x4000  }
0x27f: {  	[sflag:s11] =	ssyncset.done $0x0  }
0x280: {  	s1 =	rddreg [dreg:$0x6];
	[sflag:s11] =	ssyncadd.s32 $0xFFFFC000  }
0x281: {  	[hbm4b:s1+s2] =	stream.linear.scatter [tilespmem:s4], [sflag:$0x5], $0x4000, $0x38;
	[tilespmem:$0xD000] =	vst v63  }
0x282: {  	_ =	swait.ge [sflag:s7], $0x4000  }
0x283: {  	s31 =	sld [smem:$0x7F2]  }
0x284: {  	[sflag:s7] =	ssyncset.done $0x0  }
0x285: {  	[sflag:s7] =	ssyncadd.s32 $0xFFFFC000  }
0x286: {  	[tilespmem:s4], [sflag:$0x2] =	stream.indirect.gather [hbm4b:s3+s8], $0x80, s31, s8, $0xb8;
	[tilespmem:$0xD000] =	vst v63  }
0x287: {  	_ =	swait.ge [sflag:s13], $0x4000  }
0x288: {  	[sflag:s13] =	ssyncset.done $0x0  }
0x289: {  	s1 =	rddreg [dreg:$0x7];
	[sflag:s13] =	ssyncadd.s32 $0xFFFFC000  }
0x28a: {  	[hbm4b:s1+s2] =	stream.linear.scatter [tilespmem:s10], [sflag:$0x6], $0x4000, $0x38;
	[tilespmem:$0xD000] =	vst v63  }
0x28b: {  	_ =	swait.ge [sflag:s12], $0x4000  }
0x28c: {  	s31 =	sld [smem:$0x7F3]  }
0x28d: {  	[sflag:s12] =	ssyncset.done $0x0  }
0x28e: {  	[sflag:s12] =	ssyncadd.s32 $0xFFFFC000  }
0x28f: {  	[tilespmem:s10], [sflag:$0x3] =	stream.indirect.gather [hbm4b:s3+s8], $0x80, s31, s8, $0xb8;
	[tilespmem:$0xD000] =	vst v63  }
0x290: {  	_ =	swait.ge [sflag:s9], $0x4000  }
0x291: {  	[sflag:s9] =	ssyncset.done $0x0  }
0x292: {  	s1 =	rddreg [dreg:$0x8];
	[sflag:s9] =	ssyncadd.s32 $0xFFFFC000  }
0x293: {  	[hbm4b:s1+s2] =	stream.linear.scatter [tilespmem:s5], [sflag:$0x4], $0x4000, $0x38;
	[tilespmem:$0xD000] =	vst v63  }
0x294: {  	_ =	swait.ge [sflag:s6], $0x4000  }
0x295: {  	s31 =	sld [smem:$0x7F4]  }
0x296: {  	[sflag:s6] =	ssyncset.done $0x0  }
0x297: {  	[sflag:s6] =	ssyncadd.s32 $0xFFFFC000  }
0x298: {  	[tilespmem:s5], [sflag:$0x1] =	stream.indirect.gather [hbm4b:s3+s8], $0x80, s31, s8, $0xb8;
	[tilespmem:$0xD000] =	vst v63  }
0x299: {  	_ =	swait.ge [sflag:s11], $0x4000  }
0x29a: {  	[sflag:s11] =	ssyncset.done $0x0  }
0x29b: {  	s1 =	rddreg [dreg:$0x9];
	[sflag:s11] =	ssyncadd.s32 $0xFFFFC000  }
0x29c: {  	[hbm4b:s1+s2] =	stream.linear.scatter [tilespmem:s4], [sflag:$0x5], $0x4000, $0x38;
	[tilespmem:$0xD000] =	vst v63  }
0x29d: {  	_ =	swait.ge [sflag:s7], $0x4000  }
0x29e: {  	s31 =	sld [smem:$0x7F5]  }
0x29f: {  	[sflag:s7] =	ssyncset.done $0x0  }
0x2a0: {  	[sflag:s7] =	ssyncadd.s32 $0xFFFFC000  }
0x2a1: {  	[tilespmem:s4], [sflag:$0x2] =	stream.indirect.gather [hbm4b:s3+s8], $0x80, s31, s8, $0xb8;
	[tilespmem:$0xD000] =	vst v63  }
0x2a2: {  	_ =	swait.ge [sflag:s13], $0x4000  }
0x2a3: {  	[sflag:s13] =	ssyncset.done $0x0  }
0x2a4: {  	s1 =	rddreg [dreg:$0xa];
	[sflag:s13] =	ssyncadd.s32 $0xFFFFC000  }
0x2a5: {  	[hbm4b:s1+s2] =	stream.linear.scatter [tilespmem:s10], [sflag:$0x6], $0x4000, $0x38;
	[tilespmem:$0xD000] =	vst v63  }
0x2a6: {  	_ =	swait.ge [sflag:s12], $0x4000  }
0x2a7: {  	s31 =	sld [smem:$0x7F6]  }
0x2a8: {  	[sflag:s12] =	ssyncset.done $0x0  }
0x2a9: {  	[sflag:s12] =	ssyncadd.s32 $0xFFFFC000  }
0x2aa: {  	[tilespmem:s10], [sflag:$0x3] =	stream.indirect.gather [hbm4b:s3+s8], $0x80, s31, s8, $0xb8;
	[tilespmem:$0xD000] =	vst v63  }
0x2ab: {  	_ =	swait.ge [sflag:s9], $0x4000  }
0x2ac: {  	[sflag:s9] =	ssyncset.done $0x0  }
0x2ad: {  	s1 =	rddreg [dreg:$0xb];
	[sflag:s9] =	ssyncadd.s32 $0xFFFFC000  }
0x2ae: {  	[hbm4b:s1+s2] =	stream.linear.scatter [tilespmem:s5], [sflag:$0x4], $0x4000, $0x38;
	[tilespmem:$0xD000] =	vst v63  }
0x2af: {  	_ =	swait.ge [sflag:s6], $0x4000  }
0x2b0: {  	s31 =	sld [smem:$0x7F7]  }
0x2b1: {  	[sflag:s6] =	ssyncset.done $0x0  }
0x2b2: {  	[sflag:s6] =	ssyncadd.s32 $0xFFFFC000  }
0x2b3: {  	[tilespmem:s5], [sflag:$0x1] =	stream.indirect.gather [hbm4b:s3+s8], $0x80, s31, s8, $0xb8;
	[tilespmem:$0xD000] =	vst v63  }
0x2b4: {  	_ =	swait.ge [sflag:s11], $0x4000  }
0x2b5: {  	[sflag:s11] =	ssyncset.done $0x0  }
0x2b6: {  	s1 =	rddreg [dreg:$0xc];
	[sflag:s11] =	ssyncadd.s32 $0xFFFFC000  }
0x2b7: {  	[hbm4b:s1+s2] =	stream.linear.scatter [tilespmem:s4], [sflag:$0x5], $0x4000, $0x38;
	[tilespmem:$0xD000] =	vst v63  }
0x2b8: {  	_ =	swait.ge [sflag:s7], $0x4000  }
0x2b9: {  	s31 =	sld [smem:$0x7F8]  }
0x2ba: {  	[sflag:s7] =	ssyncset.done $0x0  }
0x2bb: {  	[sflag:s7] =	ssyncadd.s32 $0xFFFFC000  }
0x2bc: {  	[tilespmem:s4], [sflag:$0x2] =	stream.indirect.gather [hbm4b:s3+s8], $0x80, s31, s8, $0xb8;
	[tilespmem:$0xD000] =	vst v63  }
0x2bd: {  	_ =	swait.ge [sflag:s13], $0x4000  }
0x2be: {  	[sflag:s13] =	ssyncset.done $0x0  }
0x2bf: {  	s1 =	rddreg [dreg:$0xd];
	[sflag:s13] =	ssyncadd.s32 $0xFFFFC000  }
0x2c0: {  	[hbm4b:s1+s2] =	stream.linear.scatter [tilespmem:s10], [sflag:$0x6], $0x4000, $0x38;
	[tilespmem:$0xD000] =	vst v63  }
0x2c1: {  	_ =	swait.ge [sflag:s12], $0x4000  }
0x2c2: {  	s31 =	sld [smem:$0x7F9]  }
0x2c3: {  	[sflag:s12] =	ssyncset.done $0x0  }
0x2c4: {  	[sflag:s12] =	ssyncadd.s32 $0xFFFFC000  }
0x2c5: {  	[tilespmem:s10], [sflag:$0x3] =	stream.indirect.gather [hbm4b:s3+s8], $0x80, s31, s8, $0xb8;
	[tilespmem:$0xD000] =	vst v63  }
0x2c6: {  	_ =	swait.ge [sflag:s9], $0x4000  }
0x2c7: {  	[sflag:s9] =	ssyncset.done $0x0  }
0x2c8: {  	s1 =	rddreg [dreg:$0xe];
	[sflag:s9] =	ssyncadd.s32 $0xFFFFC000  }
0x2c9: {  	[hbm4b:s1+s2] =	stream.linear.scatter [tilespmem:s5], [sflag:$0x4], $0x4000, $0x38;
	[tilespmem:$0xD000] =	vst v63  }
0x2ca: {  	_ =	swait.ge [sflag:s6], $0x4000  }
0x2cb: {  	s31 =	sld [smem:$0x7FA]  }
0x2cc: {  	[sflag:s6] =	ssyncset.done $0x0  }
0x2cd: {  	[sflag:s6] =	ssyncadd.s32 $0xFFFFC000  }
0x2ce: {  	[tilespmem:s5], [sflag:$0x1] =	stream.indirect.gather [hbm4b:s3+s8], $0x80, s31, s8, $0xb8;
	[tilespmem:$0xD000] =	vst v63  }
0x2cf: {  	_ =	swait.ge [sflag:s11], $0x4000  }
0x2d0: {  	[sflag:s11] =	ssyncset.done $0x0  }
0x2d1: {  	s1 =	rddreg [dreg:$0xf];
	[sflag:s11] =	ssyncadd.s32 $0xFFFFC000  }
0x2d2: {  	[hbm4b:s1+s2] =	stream.linear.scatter [tilespmem:s4], [sflag:$0x5], $0x4000, $0x38;
	[tilespmem:$0xD000] =	vst v63  }
0x2d3: {  	_ =	swait.ge [sflag:s7], $0x4000  }
0x2d4: {  	s31 =	sld [smem:$0x7FB]  }
0x2d5: {  	[sflag:s7] =	ssyncset.done $0x0  }
0x2d6: {  	[sflag:s7] =	ssyncadd.s32 $0xFFFFC000  }
0x2d7: {  	[tilespmem:s4], [sflag:$0x2] =	stream.indirect.gather [hbm4b:s3+s8], $0x80, s31, s8, $0xb8;
	[tilespmem:$0xD000] =	vst v63  }
0x2d8: {  	_ =	swait.ge [sflag:s13], $0x4000  }
0x2d9: {  	[sflag:s13] =	ssyncset.done $0x0  }
0x2da: {  	s1 =	rddreg [dreg:$0x10];
	[sflag:s13] =	ssyncadd.s32 $0xFFFFC000  }
0x2db: {  	[hbm4b:s1+s2] =	stream.linear.scatter [tilespmem:s10], [sflag:$0x6], $0x4000, $0x38;
	[tilespmem:$0xD000] =	vst v63  }
0x2dc: {  	_ =	swait.ge [sflag:s12], $0x4000  }
0x2dd: {  	s31 =	sld [smem:$0x7FC]  }
0x2de: {  	[sflag:s12] =	ssyncset.done $0x0  }
0x2df: {  	[sflag:s12] =	ssyncadd.s32 $0xFFFFC000  }
0x2e0: {  	[tilespmem:s10], [sflag:$0x3] =	stream.indirect.gather [hbm4b:s3+s8], $0x80, s31, s8, $0xb8;
	[tilespmem:$0xD000] =	vst v63  }
0x2e1: {  	_ =	swait.ge [sflag:s9], $0x4000  }
0x2e2: {  	[sflag:s9] =	ssyncset.done $0x0  }
0x2e3: {  	s1 =	rddreg [dreg:$0x11];
	[sflag:s9] =	ssyncadd.s32 $0xFFFFC000  }
0x2e4: {  	[hbm4b:s1+s2] =	stream.linear.scatter [tilespmem:s5], [sflag:$0x4], $0x4000, $0x38;
	[tilespmem:$0xD000] =	vst v63  }
0x2e5: {  	_ =	swait.ge [sflag:s6], $0x4000  }
0x2e6: {  	s31 =	sld [smem:$0x7FD]  }
0x2e7: {  	[sflag:s6] =	ssyncset.done $0x0  }
0x2e8: {  	[sflag:s6] =	ssyncadd.s32 $0xFFFFC000  }
0x2e9: {  	[tilespmem:s5], [sflag:$0x1] =	stream.indirect.gather [hbm4b:s3+s8], $0x80, s31, s8, $0xb8;
	[tilespmem:$0xD000] =	vst v63  }
0x2ea: {  	_ =	swait.ge [sflag:s11], $0x4000  }
0x2eb: {  	[sflag:s11] =	ssyncset.done $0x0  }
0x2ec: {  	s1 =	rddreg [dreg:$0x12];
	[sflag:s11] =	ssyncadd.s32 $0xFFFFC000  }
0x2ed: {  	[hbm4b:s1+s2] =	stream.linear.scatter [tilespmem:s4], [sflag:$0x5], $0x4000, $0x38;
	[tilespmem:$0xD000] =	vst v63  }
0x2ee: {  	_ =	swait.ge [sflag:s7], $0x4000  }
0x2ef: {  	[sflag:s7] =	ssyncset.done $0x0  }
0x2f0: {  	[sflag:s7] =	ssyncadd.s32 $0xFFFFC000  }
0x2f1: {  	[tilespmem:s4], [sflag:$0x2] =	stream.indirect.gather [hbm4b:s3+s8], $0x80, s30, s8, $0xb8;
	[tilespmem:$0xD000] =	vst v63  }
0x2f2: {  	_ =	swait.ge [sflag:s13], $0x4000  }
0x2f3: {  	[sflag:s13] =	ssyncset.done $0x0  }
0x2f4: {  	s30 =	rddreg [dreg:$0x13];
	[sflag:s13] =	ssyncadd.s32 $0xFFFFC000  }
0x2f5: {  	[hbm4b:s30+s2] =	stream.linear.scatter [tilespmem:s10], [sflag:$0x6], $0x4000, $0x38;
	[tilespmem:$0xD000] =	vst v63  }
0x2f6: {  	_ =	swait.ge [sflag:s12], $0x4000  }
0x2f7: {  	[sflag:s12] =	ssyncset.done $0x0  }
0x2f8: {  	[sflag:s12] =	ssyncadd.s32 $0xFFFFC000  }
0x2f9: {  	[tilespmem:s10], [sflag:$0x3] =	stream.indirect.gather [hbm4b:s3+s8], $0x80, s29, s8, $0xb8;
	[tilespmem:$0xD000] =	vst v63  }
0x2fa: {  	_ =	swait.ge [sflag:s9], $0x4000  }
0x2fb: {  	[sflag:s9] =	ssyncset.done $0x0  }
0x2fc: {  	s31 =	rddreg [dreg:$0x14];
	[sflag:s9] =	ssyncadd.s32 $0xFFFFC000  }
0x2fd: {  	[hbm4b:s31+s2] =	stream.linear.scatter [tilespmem:s5], [sflag:$0x4], $0x4000, $0x38;
	[tilespmem:$0xD000] =	vst v63  }
0x2fe: {  	_ =	swait.ge [sflag:s6], $0x4000  }
0x2ff: {  	[sflag:s6] =	ssyncset.done $0x0  }
0x300: {  	[sflag:s6] =	ssyncadd.s32 $0xFFFFC000  }
0x301: {  	[tilespmem:s5], [sflag:$0x1] =	stream.indirect.gather [hbm4b:s3+s8], $0x80, s28, s8, $0xb8;
	[tilespmem:$0xD000] =	vst v63  }
0x302: {  	_ =	swait.ge [sflag:s11], $0x4000  }
0x303: {  	[sflag:s11] =	ssyncset.done $0x0  }
0x304: {  	s1 =	rddreg [dreg:$0x15];
	[sflag:s11] =	ssyncadd.s32 $0xFFFFC000  }
0x305: {  	[hbm4b:s1+s2] =	stream.linear.scatter [tilespmem:s4], [sflag:$0x5], $0x4000, $0x38;
	[tilespmem:$0xD000] =	vst v63  }
0x306: {  	_ =	swait.ge [sflag:s7], $0x4000  }
0x307: {  	[sflag:s7] =	ssyncset.done $0x0  }
0x308: {  	[sflag:s7] =	ssyncadd.s32 $0xFFFFC000  }
0x309: {  	[tilespmem:s4], [sflag:$0x2] =	stream.indirect.gather [hbm4b:s3+s8], $0x80, s26, s8, $0xb8;
	[tilespmem:$0xD000] =	vst v63  }
0x30a: {  	_ =	swait.ge [sflag:s13], $0x4000  }
0x30b: {  	[sflag:s13] =	ssyncset.done $0x0  }
0x30c: {  	s26 =	rddreg [dreg:$0x16];
	[sflag:s13] =	ssyncadd.s32 $0xFFFFC000  }
0x30d: {  	[hbm4b:s26+s2] =	stream.linear.scatter [tilespmem:s10], [sflag:$0x6], $0x4000, $0x38;
	[tilespmem:$0xD000] =	vst v63  }
0x30e: {  	_ =	swait.ge [sflag:s12], $0x4000  }
0x30f: {  	[sflag:s12] =	ssyncset.done $0x0  }
0x310: {  	[sflag:s12] =	ssyncadd.s32 $0xFFFFC000  }
0x311: {  	[tilespmem:s10], [sflag:$0x3] =	stream.indirect.gather [hbm4b:s3+s8], $0x80, s25, s8, $0xb8;
	[tilespmem:$0xD000] =	vst v63  }
0x312: {  	_ =	swait.ge [sflag:s9], $0x4000  }
0x313: {  	[sflag:s9] =	ssyncset.done $0x0  }
0x314: {  	s28 =	rddreg [dreg:$0x17];
	[sflag:s9] =	ssyncadd.s32 $0xFFFFC000  }
0x315: {  	[hbm4b:s28+s2] =	stream.linear.scatter [tilespmem:s5], [sflag:$0x4], $0x4000, $0x38;
	[tilespmem:$0xD000] =	vst v63  }
0x316: {  	_ =	swait.ge [sflag:s6], $0x4000  }
0x317: {  	[sflag:s6] =	ssyncset.done $0x0  }
0x318: {  	[sflag:s6] =	ssyncadd.s32 $0xFFFFC000  }
0x319: {  	[tilespmem:s5], [sflag:$0x1] =	stream.indirect.gather [hbm4b:s3+s8], $0x80, s24, s8, $0xb8;
	[tilespmem:$0xD000] =	vst v63  }
0x31a: {  	_ =	swait.ge [sflag:s11], $0x4000  }
0x31b: {  	[sflag:s11] =	ssyncset.done $0x0  }
0x31c: {  	s29 =	rddreg [dreg:$0x18];
	[sflag:s11] =	ssyncadd.s32 $0xFFFFC000  }
0x31d: {  	[hbm4b:s29+s2] =	stream.linear.scatter [tilespmem:s4], [sflag:$0x5], $0x4000, $0x38;
	[tilespmem:$0xD000] =	vst v63  }
0x31e: {  	_ =	swait.ge [sflag:s7], $0x4000  }
0x31f: {  	[sflag:s7] =	ssyncset.done $0x0  }
0x320: {  	[sflag:s7] =	ssyncadd.s32 $0xFFFFC000  }
0x321: {  	[tilespmem:s4], [sflag:$0x2] =	stream.indirect.gather [hbm4b:s3+s8], $0x80, s23, s8, $0xb8;
	[tilespmem:$0xD000] =	vst v63  }
0x322: {  	_ =	swait.ge [sflag:s13], $0x4000  }
0x323: {  	[sflag:s13] =	ssyncset.done $0x0  }
0x324: {  	s30 =	rddreg [dreg:$0x19];
	[sflag:s13] =	ssyncadd.s32 $0xFFFFC000  }
0x325: {  	[hbm4b:s30+s2] =	stream.linear.scatter [tilespmem:s10], [sflag:$0x6], $0x4000, $0x38;
	[tilespmem:$0xD000] =	vst v63  }
0x326: {  	_ =	swait.ge [sflag:s12], $0x4000  }
0x327: {  	[sflag:s12] =	ssyncset.done $0x0  }
0x328: {  	[sflag:s12] =	ssyncadd.s32 $0xFFFFC000  }
0x329: {  	[tilespmem:s10], [sflag:$0x3] =	stream.indirect.gather [hbm4b:s3+s8], $0x80, s22, s8, $0xb8;
	[tilespmem:$0xD000] =	vst v63  }
0x32a: {  	_ =	swait.ge [sflag:s9], $0x4000  }
0x32b: {  	[sflag:s9] =	ssyncset.done $0x0  }
0x32c: {  	s31 =	rddreg [dreg:$0x1a];
	[sflag:s9] =	ssyncadd.s32 $0xFFFFC000  }
0x32d: {  	[hbm4b:s31+s2] =	stream.linear.scatter [tilespmem:s5], [sflag:$0x4], $0x4000, $0x38;
	[tilespmem:$0xD000] =	vst v63  }
0x32e: {  	_ =	swait.ge [sflag:s6], $0x4000  }
0x32f: {  	[sflag:s6] =	ssyncset.done $0x0  }
0x330: {  	[sflag:s6] =	ssyncadd.s32 $0xFFFFC000  }
0x331: {  	[tilespmem:s5], [sflag:$0x1] =	stream.indirect.gather [hbm4b:s3+s8], $0x80, s21, s8, $0xb8;
	[tilespmem:$0xD000] =	vst v63  }
0x332: {  	_ =	swait.ge [sflag:s11], $0x4000  }
0x333: {  	[sflag:s11] =	ssyncset.done $0x0  }
0x334: {  	s1 =	rddreg [dreg:$0x1b];
	[sflag:s11] =	ssyncadd.s32 $0xFFFFC000  }
0x335: {  	[hbm4b:s1+s2] =	stream.linear.scatter [tilespmem:s4], [sflag:$0x5], $0x4000, $0x38;
	[tilespmem:$0xD000] =	vst v63  }
0x336: {  	_ =	swait.ge [sflag:s7], $0x4000  }
0x337: {  	[sflag:s7] =	ssyncset.done $0x0  }
0x338: {  	[sflag:s7] =	ssyncadd.s32 $0xFFFFC000  }
0x339: {  	[tilespmem:s4], [sflag:$0x2] =	stream.indirect.gather [hbm4b:s3+s8], $0x80, s20, s8, $0xb8;
	[tilespmem:$0xD000] =	vst v63  }
0x33a: {  	_ =	swait.ge [sflag:s13], $0x4000  }
0x33b: {  	[sflag:s13] =	ssyncset.done $0x0  }
0x33c: {  	s21 =	rddreg [dreg:$0x1c];
	[sflag:s13] =	ssyncadd.s32 $0xFFFFC000  }
0x33d: {  	[hbm4b:s21+s2] =	stream.linear.scatter [tilespmem:s10], [sflag:$0x6], $0x4000, $0x38;
	[tilespmem:$0xD000] =	vst v63  }
0x33e: {  	_ =	swait.ge [sflag:s12], $0x4000  }
0x33f: {  	[sflag:s12] =	ssyncset.done $0x0  }
0x340: {  	[sflag:s12] =	ssyncadd.s32 $0xFFFFC000  }
0x341: {  	[tilespmem:s10], [sflag:$0x3] =	stream.indirect.gather [hbm4b:s3+s8], $0x80, s19, s8, $0xb8;
	[tilespmem:$0xD000] =	vst v63  }
0x342: {  	_ =	swait.ge [sflag:s9], $0x4000  }
0x343: {  	[sflag:s9] =	ssyncset.done $0x0  }
0x344: {  	s22 =	rddreg [dreg:$0x1d];
	[sflag:s9] =	ssyncadd.s32 $0xFFFFC000  }
0x345: {  	[hbm4b:s22+s2] =	stream.linear.scatter [tilespmem:s5], [sflag:$0x4], $0x4000, $0x38;
	[tilespmem:$0xD000] =	vst v63  }
0x346: {  	_ =	swait.ge [sflag:s6], $0x4000  }
0x347: {  	[sflag:s6] =	ssyncset.done $0x0  }
0x348: {  	[sflag:s6] =	ssyncadd.s32 $0xFFFFC000  }
0x349: {  	[tilespmem:s5], [sflag:$0x1] =	stream.indirect.gather [hbm4b:s3+s8], $0x80, s18, s8, $0xb8;
	[tilespmem:$0xD000] =	vst v63  }
0x34a: {  	_ =	swait.ge [sflag:s11], $0x4000  }
0x34b: {  	[sflag:s11] =	ssyncset.done $0x0  }
0x34c: {  	s23 =	rddreg [dreg:$0x1e];
	[sflag:s11] =	ssyncadd.s32 $0xFFFFC000  }
0x34d: {  	[hbm4b:s23+s2] =	stream.linear.scatter [tilespmem:s4], [sflag:$0x5], $0x4000, $0x38;
	[tilespmem:$0xD000] =	vst v63  }
0x34e: {  	_ =	swait.ge [sflag:s7], $0x4000  }
0x34f: {  	[sflag:s7] =	ssyncset.done $0x0  }
0x350: {  	[sflag:s7] =	ssyncadd.s32 $0xFFFFC000  }
0x351: {  	[tilespmem:s4], [sflag:$0x2] =	stream.indirect.gather [hbm4b:s3+s8], $0x80, s17, s8, $0xb8;
	[tilespmem:$0xD000] =	vst v63  }
0x352: {  	_ =	swait.ge [sflag:s13], $0x4000  }
0x353: {  	[sflag:s13] =	ssyncset.done $0x0  }
0x354: {  	s24 =	rddreg [dreg:$0x1f];
	[sflag:s13] =	ssyncadd.s32 $0xFFFFC000  }
0x355: {  	[hbm4b:s24+s2] =	stream.linear.scatter [tilespmem:s10], [sflag:$0x6], $0x4000, $0x38;
	[tilespmem:$0xD000] =	vst v63  }
0x356: {  	_ =	swait.ge [sflag:s12], $0x4000  }
0x357: {  	[sflag:s12] =	ssyncset.done $0x0  }
0x358: {  	[sflag:s12] =	ssyncadd.s32 $0xFFFFC000  }
0x359: {  	[tilespmem:s10], [sflag:$0x3] =	stream.indirect.gather [hbm4b:s3+s8], $0x80, s16, s8, $0xb8;
	[tilespmem:$0xD000] =	vst v63  }
0x35a: {  	_ =	swait.ge [sflag:s9], $0x4000  }
0x35b: {  	s25 =	sld [smem:$0x7EB]  }
0x35c: {  	[sflag:s9] =	ssyncset.done $0x0  }
0x35d: {  	[sflag:s9] =	ssyncadd.s32 $0xFFFFC000  }
0x35e: {  	[hbm4b:s25+s2] =	stream.linear.scatter [tilespmem:s5], [sflag:$0x4], $0x4000, $0x38;
	[tilespmem:$0xD000] =	vst v63  }
0x35f: {  	_ =	swait.ge [sflag:s6], $0x4000  }
0x360: {  	[sflag:s6] =	ssyncset.done $0x0  }
0x361: {  	[sflag:s6] =	ssyncadd.s32 $0xFFFFC000  }
0x362: {  	[tilespmem:s5], [sflag:$0x1] =	stream.indirect.gather [hbm4b:s3+s8], $0x80, s15, s8, $0xb8;
	[tilespmem:$0xD000] =	vst v63  }
0x363: {  	_ =	swait.ge [sflag:s11], $0x4000  }
0x364: {  	s26 =	sld [smem:$0x7EC]  }
0x365: {  	[sflag:s11] =	ssyncset.done $0x0  }
0x366: {  	[sflag:s11] =	ssyncadd.s32 $0xFFFFC000  }
0x367: {  	[hbm4b:s26+s2] =	stream.linear.scatter [tilespmem:s4], [sflag:$0x5], $0x4000, $0x38;
	[tilespmem:$0xD000] =	vst v63  }
0x368: {  	_ =	swait.ge [sflag:s7], $0x4000  }
0x369: {  	[sflag:s7] =	ssyncset.done $0x0  }
0x36a: {  	[sflag:s7] =	ssyncadd.s32 $0xFFFFC000  }
0x36b: {  	[tilespmem:s4], [sflag:$0x2] =	stream.indirect.gather [hbm4b:s3+s8], $0x80, s14, s8, $0xb8;
	[tilespmem:$0xD000] =	vst v63  }
0x36c: {  	_ =	swait.ge [sflag:s13], $0x4000  }
0x36d: {  	s28 =	sld [smem:$0x7ED]  }
0x36e: {  	[sflag:s13] =	ssyncset.done $0x0  }
0x36f: {  	[sflag:s13] =	ssyncadd.s32 $0xFFFFC000  }
0x370: {  	[hbm4b:s28+s2] =	stream.linear.scatter [tilespmem:s10], [sflag:$0x6], $0x4000, $0x38;
	[tilespmem:$0xD000] =	vst v63  }
0x371: {  	_ =	swait.ge [sflag:s9], $0x4000  }
0x372: {  	s29 =	sld [smem:$0x7EE]  }
0x373: {  	[sflag:s9] =	ssyncset.done $0x0  }
0x374: {  	[sflag:s9] =	ssyncadd.s32 $0xFFFFC000  }
0x375: {  	[hbm4b:s29+s2] =	stream.linear.scatter [tilespmem:s5], [sflag:$0x4], $0x4000, $0x38;
	[tilespmem:$0xD000] =	vst v63  }
0x376: {  	_ =	swait.ge [sflag:s11], $0x4000  }
0x377: {  	s30 =	sld [smem:$0x7EF]  }
0x378: {  	[sflag:s11] =	ssyncset.done $0x0  }
0x379: {  	[sflag:s11] =	ssyncadd.s32 $0xFFFFC000  }
0x37a: {  	[hbm4b:s30+s2] =	stream.linear.scatter [tilespmem:s4], [sflag:$0x5], $0x4000, $0x38;
	[tilespmem:$0xD000] =	vst v63  }
0x37b: {  	_ =	swait.ge [sflag:s12], $0x4000  }
0x37c: {  	[sflag:s12] =	ssyncset.done $0x0  }
0x37d: {  	[sflag:s12] =	ssyncadd.s32 $0xFFFFC000  }
0x37e: {  	_ =	swait.ge [sflag:s6], $0x4000  }
0x37f: {  	[sflag:s6] =	ssyncset.done $0x0  }
0x380: {  	[sflag:s6] =	ssyncadd.s32 $0xFFFFC000  }
0x381: {  	_ =	swait.ge [sflag:s7], $0x4000  }
0x382: {  	[sflag:s7] =	ssyncset.done $0x0  }
0x383: {  	[sflag:s7] =	ssyncadd.s32 $0xFFFFC000  }
0x384: {  	_ =	sfence.sel $0x180000  }
0x385: {  	[bflag:$0x0] =	sbarrier.arrive $0xFFFF  }
0x386: {  	_ =	strace $0x90000047  }
0x387: {  	s31 =	stileid.u32;
	[bflag:$0x2] =	sbarrier.arrive $0xFFFF  }
0x388: {  	p0 =	sne.s32 s31, $0x0;
	s0 =	rddreg [dreg:$0x3]  }
0x389: {  	s0 =	sadd.s32 @!p0 $0x100000, s0  }
0x38a: {  	[sflag:s0] =	ssyncadd.tile.s32 @!p0 $0x1;
	_ =	shalt  }
.Lfunc_end2:
_tile_overlayer_lowered:
.L_overlay_start_2:
0x38b: {  	(tag) =	ssettag $0x2  }
0x38c: {  	s0 =	rddreg [dreg:$0x0];
	s2 =	stileid.u32  }
0x38d: {  	s1 =	rddreg [dreg:$0x1];
	p0 =	sne.s32 s2, $0x0  }
0x38e: {  	s3 =	rddreg [dreg:$0x2];
	[bflag:$0x3] =	sbarrier.arrive $0xFFFF;
	s2 =	simm.s32 @!p0 $0x1C07  }
0x38f: {  	[timem:s3], [sflag:s2] =	dma.local @!p0 [hbm:s0], s1  }
0x390: {  	s0 =	simm.s32 @!p0 $0x7  }
0x391: {  	_ =	swait.ge @!p0 [sflag:s0], s1  }
0x392: {  	s1 =	ssub.s32 @!p0 $0x0, s1;
	[sflag:s0] =	ssyncset.done @!p0 $0x0  }
0x393: {  	[sflag:s0] =	ssyncadd.s32 @!p0 s1  }
0x394: {  	[bflag:$0x3] =	sbarrier.arrive $0xFFFF  }
0x395: {  	_ =	shalt  }

</sc_bundles>
